<compile_context>
chip_gen: v7x
topology: tpu7x:2x2x1
jax: 0.10.2.dev20260603
libtpu: 0.0.44.dev20260713+nightly
codegen_flags: <defaults>
</compile_context>

<pallas_src>
import functools

import jax
import jax.numpy as jnp
from jax import lax
from jax.experimental import pallas as pl
from jax.experimental.pallas import tpu as pltpu
from jax.experimental.pallas import tpu_sc as plsc

N_NODES = 10000
N_EDGES = 320000
D = 128
D_EDGE = 16

NC = 2
NS = 16
NW = NC * NS
CHUNK = 128
NSLICE = 2
SLICE_E = N_EDGES // NSLICE
SLICE_CH = SLICE_E // CHUNK

_PREC = lax.Precision.DEFAULT


def _dot(a, b, dims):
    return lax.dot_general(a, b, (dims, ((), ())), precision=_PREC,
                           preferred_element_type=jnp.float32)


def _k1_body(x_ref, w_ref, h_ref):
    h_ref[...] = _dot(x_ref[...], w_ref[...], ((1,), (1,)))


def _k1(x, w_init):
    return pl.pallas_call(
        _k1_body,
        out_shape=jax.ShapeDtypeStruct((N_NODES, D), jnp.float32),
    )(x, w_init)


CNT2 = SLICE_CH // NW
REM2 = SLICE_CH - CNT2 * NW
NBUF = 3
NGRP = CNT2 // NBUF


def _k2_body(e0, h_hbm, src_hbm, out_hbm, idx_v, row_v,
             sg0, sg1, sg2, ss0, ss1, ss2):
    wid = lax.axis_index("s") * NC + lax.axis_index("c")
    base = wid * (CNT2 * CHUNK)
    semg = [sg0, sg1, sg2]
    sems = [ss0, ss1, ss2]

    pltpu.sync_copy(src_hbm.at[pl.ds(e0 + base, CNT2 * CHUNK)], idx_v)

    def group(g, _):
        ds = []
        for b in range(NBUF):
            off = pl.multiple_of((g * NBUF + b) * CHUNK, CHUNK)
            ds.append(pltpu.async_copy(
                h_hbm.at[idx_v.at[pl.ds(off, CHUNK)]], row_v.at[b], semg[b]))
        ss = []
        for b in range(NBUF):
            off = pl.multiple_of((g * NBUF + b) * CHUNK, CHUNK)
            ds[b].wait()
            ss.append(pltpu.async_copy(
                row_v.at[b], out_hbm.at[pl.ds(base + off, CHUNK)], sems[b]))
        for b in range(NBUF):
            ss[b].wait()
        return 0

    lax.fori_loop(0, NGRP, group, 0)

    @pl.when(wid < REM2)
    def _():
        off = pl.multiple_of((CNT2 * NW + wid) * CHUNK, CHUNK)
        pltpu.sync_copy(src_hbm.at[pl.ds(e0 + off, CHUNK)],
                        idx_v.at[pl.ds(0, CHUNK)])
        pltpu.async_copy(h_hbm.at[idx_v.at[pl.ds(0, CHUNK)]], row_v.at[0],
                         sg0).wait()
        pltpu.sync_copy(row_v.at[0], out_hbm.at[pl.ds(off, CHUNK)])


def _k2(h, src, e0):
    mesh = plsc.VectorSubcoreMesh(core_axis_name="c", subcore_axis_name="s")
    f = functools.partial(
        pl.kernel,
        out_type=jax.ShapeDtypeStruct((SLICE_E, D), jnp.float32),
        mesh=mesh,
        scratch_types=[
            pltpu.VMEM((CNT2 * CHUNK,), jnp.int32),
            pltpu.VMEM((NBUF, CHUNK, D), jnp.float32),
            pltpu.SemaphoreType.DMA,
            pltpu.SemaphoreType.DMA,
            pltpu.SemaphoreType.DMA,
            pltpu.SemaphoreType.DMA,
            pltpu.SemaphoreType.DMA,
            pltpu.SemaphoreType.DMA,
        ],
    )(functools.partial(_k2_body, e0))
    return f(h, src)


EBLK = 3200
NBLK = SLICE_E // EBLK
ABLK = EBLK // 128


def _k3_body(ea_ref, xj_ref, w1_ref, b1_ref, w2_ref, b2_ref, av_ref,
             att_ref, em_ref):
    eat = ea_ref[...]
    nrm = jnp.sqrt(jnp.sum(eat * eat, axis=0, keepdims=True)) + 1e-8
    eant = eat / nrm
    hid = jnp.tanh(_dot(eant, w1_ref[...], ((0,), (1,))) + b1_ref[...])
    ew = _dot(hid, w2_ref[...], ((1,), (1,))) + b2_ref[...]
    m = xj_ref[...] * ew
    att_row = av_ref[...]
    attc = jnp.sum(m * att_row, axis=1, keepdims=True)
    em_ref[...] = m * jnp.exp(attc)
    m3 = m.reshape(ABLK, 128, 128)
    att_ref[...] = jnp.sum(m3 * att_row.reshape(1, 1, 128),
                           axis=2).reshape(1, ABLK, 128)


def _k3(edge_attr, xj, fn_W1, fn_b1, fn_W2, fn_b2, att_vec, sl):
    blk0 = sl * NBLK
    return pl.pallas_call(
        _k3_body,
        grid=(NBLK,),
        in_specs=[
            pl.BlockSpec((D_EDGE, EBLK), lambda i: (0, i + blk0)),
            pl.BlockSpec((EBLK, D), lambda i: (i, 0)),
            pl.BlockSpec((D, D_EDGE), lambda i: (0, 0)),
            pl.BlockSpec((1, D), lambda i: (0, 0)),
            pl.BlockSpec((D, D), lambda i: (0, 0)),
            pl.BlockSpec((1, D), lambda i: (0, 0)),
            pl.BlockSpec((1, D), lambda i: (0, 0)),
        ],
        out_specs=[
            pl.BlockSpec((1, ABLK, 128), lambda i: (i, 0, 0)),
            pl.BlockSpec((EBLK, D), lambda i: (i, 0)),
        ],
        out_shape=[
            jax.ShapeDtypeStruct((NBLK, ABLK, 128), jnp.float32),
            jax.ShapeDtypeStruct((SLICE_E, D), jnp.float32),
        ],
    )(edge_attr.T, xj, fn_W1, fn_b1.reshape(1, D), fn_W2, fn_b2.reshape(1, D),
      att_vec.reshape(1, D))


CNT4 = (SLICE_CH // NC) // NS
REM4 = SLICE_CH // NC - CNT4 * NS
NBUF4 = 2
NGRP4 = CNT4 // NBUF4


def _k4_body(e0, em_hbm, att_hbm, dst_hbm, zeros_hbm, numer_hbm, denom_hbm,
             idx2, em_v, att_v, den_v, acc, sl0, sl1, sc0, sc1):
    c = lax.axis_index("c")
    s = lax.axis_index("s")
    wid = s * NC + c

    def zb(i, _):
        den_v[pl.ds(i * 16, 16)] = jnp.zeros((16,), jnp.float32)
        return 0
    lax.fori_loop(0, N_NODES // 16, zb, 0)

    zoff = pl.multiple_of(s * 624, 8)

    @pl.when(s < NS - 1)
    def _():
        pltpu.sync_copy(zeros_hbm.at[pl.ds(zoff, 624)],
                        acc.at[pl.ds(zoff, 624)])

    @pl.when(s == NS - 1)
    def _():
        off15 = pl.multiple_of(624 * (NS - 1), 8)
        pltpu.sync_copy(zeros_hbm.at[pl.ds(off15, N_NODES - 624 * (NS - 1))],
                        acc.at[pl.ds(off15, N_NODES - 624 * (NS - 1))])
    plsc.subcore_barrier()

    half = SLICE_CH // NC
    start = c * half + s * CNT4
    base = start * CHUNK
    seml = [sl0, sl1]
    semc = [sc0, sc1]

    def denom_chunk(b):
        for t in range(CHUNK // 16):
            iv = idx2[b, pl.ds(t * 16, 16)]
            ev = jnp.exp(att_v[b, pl.ds(t * 16, 16)])
            plsc.addupdate_scatter(den_v, [iv], ev)

    def do_chunk_sync(off):
        pltpu.sync_copy(dst_hbm.at[pl.ds(e0 + off, CHUNK)], idx2.at[0])
        pltpu.sync_copy(em_hbm.at[pl.ds(off, CHUNK)], em_v.at[0])
        pltpu.sync_copy(att_hbm.at[pl.ds(off, CHUNK)], att_v.at[0])
        pltpu.sync_copy(em_v.at[0], acc.at[idx2.at[0]], add=True)
        denom_chunk(0)

    def group(g, _):
        ls = []
        for b in range(NBUF4):
            off = pl.multiple_of(base + (g * NBUF4 + b) * CHUNK, CHUNK)
            ls.append((
                pltpu.async_copy(dst_hbm.at[pl.ds(e0 + off, CHUNK)],
                                 idx2.at[b], seml[b]),
                pltpu.async_copy(em_hbm.at[pl.ds(off, CHUNK)], em_v.at[b],
                                 seml[b]),
                pltpu.async_copy(att_hbm.at[pl.ds(off, CHUNK)], att_v.at[b],
                                 seml[b]),
            ))
        cs = []
        for b in range(NBUF4):
            for d in ls[b]:
                d.wait()
            cs.append(pltpu.async_copy(em_v.at[b], acc.at[idx2.at[b]],
                                       semc[b], add=True))
            denom_chunk(b)
        for d in cs:
            d.wait()
        return 0

    lax.fori_loop(0, NGRP4, group, 0)
    do_chunk_sync(pl.multiple_of(base + NGRP4 * NBUF4 * CHUNK, CHUNK))
    @pl.when(s < REM4)
    def _():
        do_chunk_sync(pl.multiple_of((c * half + NS * CNT4 + s) * CHUNK,
                                     CHUNK))

    plsc.subcore_barrier()

    pltpu.sync_copy(den_v, denom_hbm.at[pl.ds(wid * N_NODES, N_NODES)])

    @pl.when(s < NS - 1)
    def _():
        pltpu.sync_copy(acc.at[pl.ds(zoff, 624)],
                        numer_hbm.at[c, pl.ds(zoff, 624)])

    @pl.when(s == NS - 1)
    def _():
        off15 = pl.multiple_of(624 * (NS - 1), 8)
        pltpu.sync_copy(acc.at[pl.ds(off15, N_NODES - 624 * (NS - 1))],
                        numer_hbm.at[c, pl.ds(off15, N_NODES - 624 * (NS - 1))])


def _k4(em, att_flat, dst, zeros, e0):
    mesh = plsc.VectorSubcoreMesh(core_axis_name="c", subcore_axis_name="s")
    f = functools.partial(
        pl.kernel,
        out_type=[
            jax.ShapeDtypeStruct((NC, N_NODES, D), jnp.float32),
            jax.ShapeDtypeStruct((NW * N_NODES,), jnp.float32),
        ],
        mesh=mesh,
        scratch_types=[
            pltpu.VMEM((NBUF4, CHUNK), jnp.int32),
            pltpu.VMEM((NBUF4, CHUNK, D), jnp.float32),
            pltpu.VMEM((NBUF4, CHUNK), jnp.float32),
            pltpu.VMEM((N_NODES,), jnp.float32),
            pltpu.VMEM_SHARED((N_NODES, D), jnp.float32),
            pltpu.SemaphoreType.DMA,
            pltpu.SemaphoreType.DMA,
            pltpu.SemaphoreType.DMA,
            pltpu.SemaphoreType.DMA,
        ],
        compiler_params=pltpu.CompilerParams(needs_layout_passes=False),
    )(functools.partial(_k4_body, e0))
    return f(em, att_flat, dst, zeros)


def _k5_body(n0_ref, n1_ref, d0_ref, d1_ref, w1_ref, b1_ref, g_ref, bb_ref,
             w2_ref, b2_ref, out_ref):
    nsum = (n0_ref[0] + n0_ref[1]) + (n1_ref[0] + n1_ref[1])
    ones = jnp.ones((NW, 1), jnp.float32)
    dcol = (_dot(d0_ref[...], ones, ((0,), (0,))) +
            _dot(d1_ref[...], ones, ((0,), (0,))))
    conv = nsum / (dcol + 1e-16)
    h1 = _dot(conv, w1_ref[...], ((1,), (1,))) + b1_ref[...]
    mean = jnp.mean(h1, axis=0, keepdims=True)
    var = jnp.mean((h1 - mean) ** 2, axis=0, keepdims=True)
    h1 = (h1 - mean) / jnp.sqrt(var + 1e-5) * g_ref[...] + bb_ref[...]
    h1 = jnp.tanh(h1)
    out_ref[...] = _dot(h1, w2_ref[...], ((1,), (1,))) + b2_ref[...]


def _k5(n0, n1, d0, d1, out_W1, out_b1, bn_gamma, bn_beta, out_W2, out_b2):
    return pl.pallas_call(
        _k5_body,
        out_shape=jax.ShapeDtypeStruct((N_NODES, D), jnp.float32),
    )(n0, n1, d0.reshape(NW, N_NODES), d1.reshape(NW, N_NODES), out_W1,
      out_b1.reshape(1, D), bn_gamma.reshape(1, D), bn_beta.reshape(1, D),
      out_W2, out_b2.reshape(1, D))


def kernel(x, edge_index, edge_attr, W_init, fn_W1, fn_b1, fn_W2, fn_b2,
           att_vec, out_W1, out_b1, bn_gamma, bn_beta, out_W2, out_b2):
    src = edge_index[0]
    dst = edge_index[1]
    zeros = jnp.zeros((N_NODES, D), jnp.float32)
    h = _k1(x, W_init)
    atts, numers, denoms = [], [], []
    xjs = [_k2(h, src, sl * SLICE_E) for sl in range(NSLICE)]
    for sl in range(NSLICE):
        att3, em = _k3(edge_attr, xjs[sl], fn_W1, fn_b1, fn_W2, fn_b2,
                       att_vec, sl)
        att_s = att3.reshape(SLICE_E)
        n_s, d_s = _k4(em, att_s, dst, zeros, sl * SLICE_E)
        atts.append(att_s)
        numers.append(n_s)
        denoms.append(d_s)
    out = _k5(numers[0], numers[1], denoms[0], denoms[1], out_W1, out_b1,
              bn_gamma, bn_beta, out_W2, out_b2)
    att = jnp.concatenate(atts)
    return out, att

# --- scband reference (transcript-rebuilt; emitter-appended) ---
"""Pipeline reference for scband-gcninteraction-61418032333202 (READ-ONLY COPY).

The authoritative reference and input builder live on the scoring server;
editing this copy changes nothing except your own understanding.
"""

import jax, jax.numpy as jnp
import numpy as np

N_NODES = 10000
N_EDGES = 320000
D_FEAT = 128
D_EDGE = 16
D_HID = 128


def setup_inputs(seed: int = 0) -> dict:
    key = jax.random.key(seed)
    ks = jax.random.split(key, 16)
    x = jax.random.normal(ks[0], (N_NODES, D_FEAT), dtype=jnp.float32)
    edge_index = jax.random.randint(ks[1], (2, N_EDGES), 0, N_NODES, dtype=jnp.int64 if jax.config.jax_enable_x64 else jnp.int32).astype(jnp.int32)
    edge_attr = jax.random.normal(ks[2], (N_EDGES, D_EDGE), dtype=jnp.float32)
    # initial_dense (Linear no bias)
    W_init = jax.random.normal(ks[3], (D_FEAT, D_FEAT), dtype=jnp.float32) * (1.0 / np.sqrt(D_FEAT))
    # filter_network MLP: edge_channels -> hidden -> out, tanh, no norm, plain_last
    fn_W1 = jax.random.normal(ks[4], (D_HID, D_EDGE), dtype=jnp.float32) * (1.0 / np.sqrt(D_EDGE))
    fn_b1 = jnp.zeros((D_HID,), dtype=jnp.float32)
    fn_W2 = jax.random.normal(ks[5], (D_FEAT, D_HID), dtype=jnp.float32) * (1.0 / np.sqrt(D_HID))
    fn_b2 = jnp.zeros((D_FEAT,), dtype=jnp.float32)
    # attention vector
    att_vec = jax.random.normal(ks[6], (D_FEAT, 1), dtype=jnp.float32) * 0.1
    # output MLP: in -> hidden (batch_norm + tanh) -> in
    out_W1 = jax.random.normal(ks[7], (D_HID, D_FEAT), dtype=jnp.float32) * (1.0 / np.sqrt(D_FEAT))
    out_b1 = jnp.zeros((D_HID,), dtype=jnp.float32)
    bn_gamma = jnp.ones((D_HID,), dtype=jnp.float32)
    bn_beta = jnp.zeros((D_HID,), dtype=jnp.float32)
    out_W2 = jax.random.normal(ks[8], (D_FEAT, D_HID), dtype=jnp.float32) * (1.0 / np.sqrt(D_HID))
    out_b2 = jnp.zeros((D_FEAT,), dtype=jnp.float32)
    return {
        'x': x, 'edge_index': edge_index, 'edge_attr': edge_attr,
        'W_init': W_init,
        'fn_W1': fn_W1, 'fn_b1': fn_b1, 'fn_W2': fn_W2, 'fn_b2': fn_b2,
        'att_vec': att_vec,
        'out_W1': out_W1, 'out_b1': out_b1, 'bn_gamma': bn_gamma, 'bn_beta': bn_beta,
        'out_W2': out_W2, 'out_b2': out_b2,
    }


def reference(x, edge_index, edge_attr, W_init, fn_W1, fn_b1, fn_W2, fn_b2,
              att_vec, out_W1, out_b1, bn_gamma, bn_beta, out_W2, out_b2):
    N = x.shape[0]
    # initial dense (no bias)
    h = x @ W_init.T
    # normalize edge attributes
    ea = edge_attr / (jnp.linalg.norm(edge_attr, axis=-1, keepdims=True) + 1e-08)
    # filter network: linear -> tanh -> linear (plain last)
    hid = jnp.tanh(ea @ fn_W1.T + fn_b1)
    edge_weights = hid @ fn_W2.T + fn_b2
    # message passing (in_channels == out_channels -> no node projection)
    src = edge_index[0]
    dst = edge_index[1]
    x_j = jnp.take(h, src, axis=0)
    messages = x_j * edge_weights
    # attention per edge
    att = (messages @ att_vec).squeeze(-1)
    # segment softmax over edges grouped by destination node
    seg_max = jax.ops.segment_max(att, dst, num_segments=N)
    seg_max = jnp.where(jnp.isfinite(seg_max), seg_max, 0.0)
    e = jnp.exp(att - jnp.take(seg_max, dst, axis=0))
    denom = jax.ops.segment_sum(e, dst, num_segments=N)
    norm_att = e / (jnp.take(denom, dst, axis=0) + 1e-16)
    messages = messages * norm_att[:, None]
    # aggregate (sum) by destination
    conv_out = jax.ops.segment_sum(messages, dst, num_segments=N)
    # output MLP: linear -> batchnorm (training stats) -> tanh -> linear
    h1 = conv_out @ out_W1.T + out_b1
    mean = jnp.mean(h1, axis=0)
    var = jnp.mean((h1 - mean) ** 2, axis=0)
    h1 = (h1 - mean) / jnp.sqrt(var + 1e-05) * bn_gamma + bn_beta
    h1 = jnp.tanh(h1)
    out = h1 @ out_W2.T + out_b2
    return (out, att)


if False:  # reference __main__ guard neutralized (emitter)
    inp = setup_inputs()
    y, att = reference(**inp)
    print(y.shape, att.shape)

if __name__ == "__main__":
    import jax
    _d = setup_inputs()
    print(jax.jit(kernel)(*tuple(_d.values())))

</pallas_src>

<mosaic_0001>
#map = affine_map<(d0, d1) -> (0, 0)>
#map1 = affine_map<(d0, d1) -> (0)>
module attributes {stable_mosaic.version = 14 : i64} {
  func.func @_k2_body(%arg0: i32, %arg1: i32, %arg2: memref<10000x128xf32, #tpu.memory_space<hbm>>, %arg3: memref<320000xi32, #tpu.memory_space<hbm>>, %arg4: memref<160000x128xf32, #tpu.memory_space<hbm>>, %arg5: memref<4992xi32, #tpu.memory_space<vmem>>, %arg6: memref<3x128x128xf32, #tpu.memory_space<vmem>>, %arg7: memref<!tpu.dma_semaphore, #tpu.memory_space<semaphore_mem>>, %arg8: memref<!tpu.dma_semaphore, #tpu.memory_space<semaphore_mem>>, %arg9: memref<!tpu.dma_semaphore, #tpu.memory_space<semaphore_mem>>, %arg10: memref<!tpu.dma_semaphore, #tpu.memory_space<semaphore_mem>>, %arg11: memref<!tpu.dma_semaphore, #tpu.memory_space<semaphore_mem>>, %arg12: memref<!tpu.dma_semaphore, #tpu.memory_space<semaphore_mem>>) attributes {dimension_semantics = [#tpu.dimension_semantics<core_parallel>, #tpu.dimension_semantics<subcore_parallel>], iteration_bounds = array<i64: 2, 16>, scalar_prefetch = 0 : i64, scratch_operands = 8 : i64, tpu.core_type = #tpu.core_type<sc_vector_subcore>, window_params = [{transform_indices = #map}, {transform_indices = #map1}, {transform_indices = #map}]} {
    %mul3A = arith.constant 2 : i32
    %mul3A_0 = arith.muli %arg1, %mul3A : i32
    %add3A = arith.addi %mul3A_0, %arg0 : i32
    %mul3A_1 = arith.constant 4992 : i32
    %mul3A_2 = arith.muli %add3A, %mul3A_1 : i32
    %add3A_3 = arith.constant 160000 : i32
    %add3A_4 = arith.addi %add3A_3, %mul3A_2 : i32
    "tpu.region"() ({
      %run_scoped3A = tpu.sem_alloc : memref<!tpu.dma_semaphore, #tpu.memory_space<semaphore_mem>>
      %dma_start3A = tpu.memref_slice %arg3[%add3A_4] : memref<320000xi32, #tpu.memory_space<hbm>> -> memref<4992xi32, #tpu.memory_space<hbm>>
      %dma_start3A_13 = tpu.memref_slice %arg3[%add3A_4] : memref<320000xi32, #tpu.memory_space<hbm>> -> memref<4992xi32, #tpu.memory_space<hbm>>
      tpu.enqueue_dma source(%dma_start3A_13 : memref<4992xi32, #tpu.memory_space<hbm>>) target(%arg5 : memref<4992xi32, #tpu.memory_space<vmem>>) target_semaphore(%run_scoped3A : memref<!tpu.dma_semaphore, #tpu.memory_space<semaphore_mem>>)
      %dma_wait3A = tpu.memref_slice %arg3[%add3A_4] : memref<320000xi32, #tpu.memory_space<hbm>> -> memref<4992xi32, #tpu.memory_space<hbm>>
      %dma_wait3A_14 = tpu.memref_slice %arg3[%add3A_4] : memref<320000xi32, #tpu.memory_space<hbm>> -> memref<4992xi32, #tpu.memory_space<hbm>>
      tpu.wait_dma2 semaphore(%run_scoped3A : memref<!tpu.dma_semaphore, #tpu.memory_space<semaphore_mem>>) src(%dma_wait3A_14 : memref<4992xi32, #tpu.memory_space<hbm>>) dst(%arg5 : memref<4992xi32, #tpu.memory_space<vmem>>)
      tpu.yield
    }) : () -> ()
    %scan3A = arith.constant 0 : i32
    %scan3A_5 = arith.constant 0 : i32
    %scan3A_6 = arith.constant 13 : i32
    %scan3A_7 = arith.addi %scan3A_5, %scan3A_6 : i32
    %scan3A_8 = arith.constant 1 : i32
    %scan3A_9 = scf.for %scan3A_13 = %scan3A_5 to %scan3A_7 step %scan3A_8 iter_args(%scan3A_14 = %scan3A) -> (i32)  : i32 {
      %mul3A_15 = arith.constant 3 : i32
      %mul3A_16 = arith.muli %scan3A_13, %mul3A_15 : i32
      %add3A_17 = arith.constant 0 : i32
      %add3A_18 = arith.addi %mul3A_16, %add3A_17 : i32
      %mul3A_19 = arith.constant 128 : i32
      %mul3A_20 = arith.muli %add3A_18, %mul3A_19 : i32
      %multiple_of3A = tpu.assume_multiple %mul3A_20, 128 : i32
      %dma_start3A = arith.constant 0 : i32
      %dma_start3A_21 = arith.constant 0 : i32
      %dma_start3A_22 = arith.constant 0 : i32
      %dma_start3A_23 = tpu.memref_slice %arg6[%dma_start3A, %dma_start3A_21, %dma_start3A_22] : memref<3x128x128xf32, #tpu.memory_space<vmem>> -> memref<1x128x128xf32, #tpu.memory_space<vmem>>
      %dma_start3A_24 = tpu.memref_squeeze %dma_start3A_23 : memref<1x128x128xf32, #tpu.memory_space<vmem>> -> memref<128x128xf32, #tpu.memory_space<vmem>>
      %dma_start3A_25 = tpu.memref_slice %arg5[%multiple_of3A] : memref<4992xi32, #tpu.memory_space<vmem>> -> memref<128xi32, #tpu.memory_space<vmem>>
      %dma_start3A_26 = arith.constant 0 : i32
      %dma_start3A_27 = arith.constant 0 : i32
      %dma_start3A_28 = tpu.memref_slice %arg2[%dma_start3A_26, %dma_start3A_27] : memref<10000x128xf32, #tpu.memory_space<hbm>> -> memref<10000x128xf32, #tpu.memory_space<hbm>>
      tpu.enqueue_indirect_dma source(%dma_start3A_28 : memref<10000x128xf32, #tpu.memory_space<hbm>>) target(%dma_start3A_24 : memref<128x128xf32, #tpu.memory_space<vmem>>) offsets(%dma_start3A_25 : memref<128xi32, #tpu.memory_space<vmem>>) semaphore(%arg7 : memref<!tpu.dma_semaphore, #tpu.memory_space<semaphore_mem>>)
      %mul3A_29 = arith.constant 3 : i32
      %mul3A_30 = arith.muli %scan3A_13, %mul3A_29 : i32
      %add3A_31 = arith.constant 1 : i32
      %add3A_32 = arith.addi %mul3A_30, %add3A_31 : i32
      %mul3A_33 = arith.constant 128 : i32
      %mul3A_34 = arith.muli %add3A_32, %mul3A_33 : i32
      %multiple_of3A_35 = tpu.assume_multiple %mul3A_34, 128 : i32
      %dma_start3A_36 = arith.constant 1 : i32
      %dma_start3A_37 = arith.constant 0 : i32
      %dma_start3A_38 = arith.constant 0 : i32
      %dma_start3A_39 = tpu.memref_slice %arg6[%dma_start3A_36, %dma_start3A_37, %dma_start3A_38] : memref<3x128x128xf32, #tpu.memory_space<vmem>> -> memref<1x128x128xf32, #tpu.memory_space<vmem>>
      %dma_start3A_40 = tpu.memref_squeeze %dma_start3A_39 : memref<1x128x128xf32, #tpu.memory_space<vmem>> -> memref<128x128xf32, #tpu.memory_space<vmem>>
      %dma_start3A_41 = tpu.memref_slice %arg5[%multiple_of3A_35] : memref<4992xi32, #tpu.memory_space<vmem>> -> memref<128xi32, #tpu.memory_space<vmem>>
      %dma_start3A_42 = arith.constant 0 : i32
      %dma_start3A_43 = arith.constant 0 : i32
      %dma_start3A_44 = tpu.memref_slice %arg2[%dma_start3A_42, %dma_start3A_43] : memref<10000x128xf32, #tpu.memory_space<hbm>> -> memref<10000x128xf32, #tpu.memory_space<hbm>>
      tpu.enqueue_indirect_dma source(%dma_start3A_44 : memref<10000x128xf32, #tpu.memory_space<hbm>>) target(%dma_start3A_40 : memref<128x128xf32, #tpu.memory_space<vmem>>) offsets(%dma_start3A_41 : memref<128xi32, #tpu.memory_space<vmem>>) semaphore(%arg8 : memref<!tpu.dma_semaphore, #tpu.memory_space<semaphore_mem>>)
      %mul3A_45 = arith.constant 3 : i32
      %mul3A_46 = arith.muli %scan3A_13, %mul3A_45 : i32
      %add3A_47 = arith.constant 2 : i32
      %add3A_48 = arith.addi %mul3A_46, %add3A_47 : i32
      %mul3A_49 = arith.constant 128 : i32
      %mul3A_50 = arith.muli %add3A_48, %mul3A_49 : i32
      %multiple_of3A_51 = tpu.assume_multiple %mul3A_50, 128 : i32
      %dma_start3A_52 = arith.constant 2 : i32
      %dma_start3A_53 = arith.constant 0 : i32
      %dma_start3A_54 = arith.constant 0 : i32
      %dma_start3A_55 = tpu.memref_slice %arg6[%dma_start3A_52, %dma_start3A_53, %dma_start3A_54] : memref<3x128x128xf32, #tpu.memory_space<vmem>> -> memref<1x128x128xf32, #tpu.memory_space<vmem>>
      %dma_start3A_56 = tpu.memref_squeeze %dma_start3A_55 : memref<1x128x128xf32, #tpu.memory_space<vmem>> -> memref<128x128xf32, #tpu.memory_space<vmem>>
      %dma_start3A_57 = tpu.memref_slice %arg5[%multiple_of3A_51] : memref<4992xi32, #tpu.memory_space<vmem>> -> memref<128xi32, #tpu.memory_space<vmem>>
      %dma_start3A_58 = arith.constant 0 : i32
      %dma_start3A_59 = arith.constant 0 : i32
      %dma_start3A_60 = tpu.memref_slice %arg2[%dma_start3A_58, %dma_start3A_59] : memref<10000x128xf32, #tpu.memory_space<hbm>> -> memref<10000x128xf32, #tpu.memory_space<hbm>>
      tpu.enqueue_indirect_dma source(%dma_start3A_60 : memref<10000x128xf32, #tpu.memory_space<hbm>>) target(%dma_start3A_56 : memref<128x128xf32, #tpu.memory_space<vmem>>) offsets(%dma_start3A_57 : memref<128xi32, #tpu.memory_space<vmem>>) semaphore(%arg9 : memref<!tpu.dma_semaphore, #tpu.memory_space<semaphore_mem>>)
      %mul3A_61 = arith.constant 3 : i32
      %mul3A_62 = arith.muli %scan3A_13, %mul3A_61 : i32
      %add3A_63 = arith.constant 0 : i32
      %add3A_64 = arith.addi %mul3A_62, %add3A_63 : i32
      %mul3A_65 = arith.constant 128 : i32
      %mul3A_66 = arith.muli %add3A_64, %mul3A_65 : i32
      %multiple_of3A_67 = tpu.assume_multiple %mul3A_66, 128 : i32
      %dma_wait3A = arith.constant 0 : i32
      %dma_wait3A_68 = arith.constant 0 : i32
      %dma_wait3A_69 = arith.constant 0 : i32
      %dma_wait3A_70 = tpu.memref_slice %arg6[%dma_wait3A, %dma_wait3A_68, %dma_wait3A_69] : memref<3x128x128xf32, #tpu.memory_space<vmem>> -> memref<1x128x128xf32, #tpu.memory_space<vmem>>
      %dma_wait3A_71 = tpu.memref_squeeze %dma_wait3A_70 : memref<1x128x128xf32, #tpu.memory_space<vmem>> -> memref<128x128xf32, #tpu.memory_space<vmem>>
      %dma_wait3A_72 = tpu.memref_slice %arg5[%multiple_of3A] : memref<4992xi32, #tpu.memory_space<vmem>> -> memref<128xi32, #tpu.memory_space<vmem>>
      %dma_wait3A_73 = arith.constant 0 : i32
      %dma_wait3A_74 = arith.constant 0 : i32
      %dma_wait3A_75 = tpu.memref_slice %arg2[%dma_wait3A_73, %dma_wait3A_74] : memref<10000x128xf32, #tpu.memory_space<hbm>> -> memref<10000x128xf32, #tpu.memory_space<hbm>>
      tpu.wait_indirect_dma semaphore(%arg7 : memref<!tpu.dma_semaphore, #tpu.memory_space<semaphore_mem>>) src(%dma_wait3A_75 : memref<10000x128xf32, #tpu.memory_space<hbm>>) dst(%dma_wait3A_71 : memref<128x128xf32, #tpu.memory_space<vmem>>)
      %add3A_76 = arith.addi %mul3A_2, %multiple_of3A_67 : i32
      %dma_start3A_77 = arith.constant 0 : i32
      %dma_start3A_78 = arith.constant 0 : i32
      %dma_start3A_79 = arith.constant 0 : i32
      %dma_start3A_80 = tpu.memref_slice %arg6[%dma_start3A_77, %dma_start3A_78, %dma_start3A_79] : memref<3x128x128xf32, #tpu.memory_space<vmem>> -> memref<1x128x128xf32, #tpu.memory_space<vmem>>
      %dma_start3A_81 = tpu.memref_squeeze %dma_start3A_80 : memref<1x128x128xf32, #tpu.memory_space<vmem>> -> memref<128x128xf32, #tpu.memory_space<vmem>>
      %dma_start3A_82 = arith.constant 0 : i32
      %dma_start3A_83 = tpu.memref_slice %arg4[%add3A_76, %dma_start3A_82] : memref<160000x128xf32, #tpu.memory_space<hbm>> -> memref<128x128xf32, #tpu.memory_space<hbm>>
      %dma_start3A_84 = arith.constant 0 : i32
      %dma_start3A_85 = tpu.memref_slice %arg4[%add3A_76, %dma_start3A_84] : memref<160000x128xf32, #tpu.memory_space<hbm>> -> memref<128x128xf32, #tpu.memory_space<hbm>>
      %dma_start3A_86 = arith.constant 0 : i32
      %dma_start3A_87 = arith.constant 0 : i32
      %dma_start3A_88 = tpu.memref_slice %arg6[%dma_start3A_77, %dma_start3A_86, %dma_start3A_87] : memref<3x128x128xf32, #tpu.memory_space<vmem>> -> memref<1x128x128xf32, #tpu.memory_space<vmem>>
      %dma_start3A_89 = tpu.memref_squeeze %dma_start3A_88 : memref<1x128x128xf32, #tpu.memory_space<vmem>> -> memref<128x128xf32, #tpu.memory_space<vmem>>
      tpu.enqueue_dma source(%dma_start3A_89 : memref<128x128xf32, #tpu.memory_space<vmem>>) target(%dma_start3A_85 : memref<128x128xf32, #tpu.memory_space<hbm>>) target_semaphore(%arg10 : memref<!tpu.dma_semaphore, #tpu.memory_space<semaphore_mem>>)
      %mul3A_90 = arith.constant 3 : i32
      %mul3A_91 = arith.muli %scan3A_13, %mul3A_90 : i32
      %add3A_92 = arith.constant 1 : i32
      %add3A_93 = arith.addi %mul3A_91, %add3A_92 : i32
      %mul3A_94 = arith.constant 128 : i32
      %mul3A_95 = arith.muli %add3A_93, %mul3A_94 : i32
      %multiple_of3A_96 = tpu.assume_multiple %mul3A_95, 128 : i32
      %dma_wait3A_97 = arith.constant 1 : i32
      %dma_wait3A_98 = arith.constant 0 : i32
      %dma_wait3A_99 = arith.constant 0 : i32
      %dma_wait3A_100 = tpu.memref_slice %arg6[%dma_wait3A_97, %dma_wait3A_98, %dma_wait3A_99] : memref<3x128x128xf32, #tpu.memory_space<vmem>> -> memref<1x128x128xf32, #tpu.memory_space<vmem>>
      %dma_wait3A_101 = tpu.memref_squeeze %dma_wait3A_100 : memref<1x128x128xf32, #tpu.memory_space<vmem>> -> memref<128x128xf32, #tpu.memory_space<vmem>>
      %dma_wait3A_102 = tpu.memref_slice %arg5[%multiple_of3A_35] : memref<4992xi32, #tpu.memory_space<vmem>> -> memref<128xi32, #tpu.memory_space<vmem>>
      %dma_wait3A_103 = arith.constant 0 : i32
      %dma_wait3A_104 = arith.constant 0 : i32
      %dma_wait3A_105 = tpu.memref_slice %arg2[%dma_wait3A_103, %dma_wait3A_104] : memref<10000x128xf32, #tpu.memory_space<hbm>> -> memref<10000x128xf32, #tpu.memory_space<hbm>>
      tpu.wait_indirect_dma semaphore(%arg8 : memref<!tpu.dma_semaphore, #tpu.memory_space<semaphore_mem>>) src(%dma_wait3A_105 : memref<10000x128xf32, #tpu.memory_space<hbm>>) dst(%dma_wait3A_101 : memref<128x128xf32, #tpu.memory_space<vmem>>)
      %add3A_106 = arith.addi %mul3A_2, %multiple_of3A_96 : i32
      %dma_start3A_107 = arith.constant 1 : i32
      %dma_start3A_108 = arith.constant 0 : i32
      %dma_start3A_109 = arith.constant 0 : i32
      %dma_start3A_110 = tpu.memref_slice %arg6[%dma_start3A_107, %dma_start3A_108, %dma_start3A_109] : memref<3x128x128xf32, #tpu.memory_space<vmem>> -> memref<1x128x128xf32, #tpu.memory_space<vmem>>
      %dma_start3A_111 = tpu.memref_squeeze %dma_start3A_110 : memref<1x128x128xf32, #tpu.memory_space<vmem>> -> memref<128x128xf32, #tpu.memory_space<vmem>>
      %dma_start3A_112 = arith.constant 0 : i32
      %dma_start3A_113 = tpu.memref_slice %arg4[%add3A_106, %dma_start3A_112] : memref<160000x128xf32, #tpu.memory_space<hbm>> -> memref<128x128xf32, #tpu.memory_space<hbm>>
      %dma_start3A_114 = arith.constant 0 : i32
      %dma_start3A_115 = tpu.memref_slice %arg4[%add3A_106, %dma_start3A_114] : memref<160000x128xf32, #tpu.memory_space<hbm>> -> memref<128x128xf32, #tpu.memory_space<hbm>>
      %dma_start3A_116 = arith.constant 0 : i32
      %dma_start3A_117 = arith.constant 0 : i32
      %dma_start3A_118 = tpu.memref_slice %arg6[%dma_start3A_107, %dma_start3A_116, %dma_start3A_117] : memref<3x128x128xf32, #tpu.memory_space<vmem>> -> memref<1x128x128xf32, #tpu.memory_space<vmem>>
      %dma_start3A_119 = tpu.memref_squeeze %dma_start3A_118 : memref<1x128x128xf32, #tpu.memory_space<vmem>> -> memref<128x128xf32, #tpu.memory_space<vmem>>
      tpu.enqueue_dma source(%dma_start3A_119 : memref<128x128xf32, #tpu.memory_space<vmem>>) target(%dma_start3A_115 : memref<128x128xf32, #tpu.memory_space<hbm>>) target_semaphore(%arg11 : memref<!tpu.dma_semaphore, #tpu.memory_space<semaphore_mem>>)
      %mul3A_120 = arith.constant 3 : i32
      %mul3A_121 = arith.muli %scan3A_13, %mul3A_120 : i32
      %add3A_122 = arith.constant 2 : i32
      %add3A_123 = arith.addi %mul3A_121, %add3A_122 : i32
      %mul3A_124 = arith.constant 128 : i32
      %mul3A_125 = arith.muli %add3A_123, %mul3A_124 : i32
      %multiple_of3A_126 = tpu.assume_multiple %mul3A_125, 128 : i32
      %dma_wait3A_127 = arith.constant 2 : i32
      %dma_wait3A_128 = arith.constant 0 : i32
      %dma_wait3A_129 = arith.constant 0 : i32
      %dma_wait3A_130 = tpu.memref_slice %arg6[%dma_wait3A_127, %dma_wait3A_128, %dma_wait3A_129] : memref<3x128x128xf32, #tpu.memory_space<vmem>> -> memref<1x128x128xf32, #tpu.memory_space<vmem>>
      %dma_wait3A_131 = tpu.memref_squeeze %dma_wait3A_130 : memref<1x128x128xf32, #tpu.memory_space<vmem>> -> memref<128x128xf32, #tpu.memory_space<vmem>>
      %dma_wait3A_132 = tpu.memref_slice %arg5[%multiple_of3A_51] : memref<4992xi32, #tpu.memory_space<vmem>> -> memref<128xi32, #tpu.memory_space<vmem>>
      %dma_wait3A_133 = arith.constant 0 : i32
      %dma_wait3A_134 = arith.constant 0 : i32
      %dma_wait3A_135 = tpu.memref_slice %arg2[%dma_wait3A_133, %dma_wait3A_134] : memref<10000x128xf32, #tpu.memory_space<hbm>> -> memref<10000x128xf32, #tpu.memory_space<hbm>>
      tpu.wait_indirect_dma semaphore(%arg9 : memref<!tpu.dma_semaphore, #tpu.memory_space<semaphore_mem>>) src(%dma_wait3A_135 : memref<10000x128xf32, #tpu.memory_space<hbm>>) dst(%dma_wait3A_131 : memref<128x128xf32, #tpu.memory_space<vmem>>)
      %add3A_136 = arith.addi %mul3A_2, %multiple_of3A_126 : i32
      %dma_start3A_137 = arith.constant 2 : i32
      %dma_start3A_138 = arith.constant 0 : i32
      %dma_start3A_139 = arith.constant 0 : i32
      %dma_start3A_140 = tpu.memref_slice %arg6[%dma_start3A_137, %dma_start3A_138, %dma_start3A_139] : memref<3x128x128xf32, #tpu.memory_space<vmem>> -> memref<1x128x128xf32, #tpu.memory_space<vmem>>
      %dma_start3A_141 = tpu.memref_squeeze %dma_start3A_140 : memref<1x128x128xf32, #tpu.memory_space<vmem>> -> memref<128x128xf32, #tpu.memory_space<vmem>>
      %dma_start3A_142 = arith.constant 0 : i32
      %dma_start3A_143 = tpu.memref_slice %arg4[%add3A_136, %dma_start3A_142] : memref<160000x128xf32, #tpu.memory_space<hbm>> -> memref<128x128xf32, #tpu.memory_space<hbm>>
      %dma_start3A_144 = arith.constant 0 : i32
      %dma_start3A_145 = tpu.memref_slice %arg4[%add3A_136, %dma_start3A_144] : memref<160000x128xf32, #tpu.memory_space<hbm>> -> memref<128x128xf32, #tpu.memory_space<hbm>>
      %dma_start3A_146 = arith.constant 0 : i32
      %dma_start3A_147 = arith.constant 0 : i32
      %dma_start3A_148 = tpu.memref_slice %arg6[%dma_start3A_137, %dma_start3A_146, %dma_start3A_147] : memref<3x128x128xf32, #tpu.memory_space<vmem>> -> memref<1x128x128xf32, #tpu.memory_space<vmem>>
      %dma_start3A_149 = tpu.memref_squeeze %dma_start3A_148 : memref<1x128x128xf32, #tpu.memory_space<vmem>> -> memref<128x128xf32, #tpu.memory_space<vmem>>
      tpu.enqueue_dma source(%dma_start3A_149 : memref<128x128xf32, #tpu.memory_space<vmem>>) target(%dma_start3A_145 : memref<128x128xf32, #tpu.memory_space<hbm>>) target_semaphore(%arg12 : memref<!tpu.dma_semaphore, #tpu.memory_space<semaphore_mem>>)
      %dma_wait3A_150 = arith.constant 0 : i32
      %dma_wait3A_151 = arith.constant 0 : i32
      %dma_wait3A_152 = arith.constant 0 : i32
      %dma_wait3A_153 = tpu.memref_slice %arg6[%dma_wait3A_150, %dma_wait3A_151, %dma_wait3A_152] : memref<3x128x128xf32, #tpu.memory_space<vmem>> -> memref<1x128x128xf32, #tpu.memory_space<vmem>>
      %dma_wait3A_154 = tpu.memref_squeeze %dma_wait3A_153 : memref<1x128x128xf32, #tpu.memory_space<vmem>> -> memref<128x128xf32, #tpu.memory_space<vmem>>
      %dma_wait3A_155 = arith.constant 0 : i32
      %dma_wait3A_156 = tpu.memref_slice %arg4[%add3A_76, %dma_wait3A_155] : memref<160000x128xf32, #tpu.memory_space<hbm>> -> memref<128x128xf32, #tpu.memory_space<hbm>>
      %dma_wait3A_157 = arith.constant 0 : i32
      %dma_wait3A_158 = tpu.memref_slice %arg4[%add3A_76, %dma_wait3A_157] : memref<160000x128xf32, #tpu.memory_space<hbm>> -> memref<128x128xf32, #tpu.memory_space<hbm>>
      %dma_wait3A_159 = arith.constant 0 : i32
      %dma_wait3A_160 = arith.constant 0 : i32
      %dma_wait3A_161 = tpu.memref_slice %arg6[%dma_wait3A_150, %dma_wait3A_159, %dma_wait3A_160] : memref<3x128x128xf32, #tpu.memory_space<vmem>> -> memref<1x128x128xf32, #tpu.memory_space<vmem>>
      %dma_wait3A_162 = tpu.memref_squeeze %dma_wait3A_161 : memref<1x128x128xf32, #tpu.memory_space<vmem>> -> memref<128x128xf32, #tpu.memory_space<vmem>>
      tpu.wait_dma2 semaphore(%arg10 : memref<!tpu.dma_semaphore, #tpu.memory_space<semaphore_mem>>) src(%dma_wait3A_162 : memref<128x128xf32, #tpu.memory_space<vmem>>) dst(%dma_wait3A_158 : memref<128x128xf32, #tpu.memory_space<hbm>>)
      %dma_wait3A_163 = arith.constant 1 : i32
      %dma_wait3A_164 = arith.constant 0 : i32
      %dma_wait3A_165 = arith.constant 0 : i32
      %dma_wait3A_166 = tpu.memref_slice %arg6[%dma_wait3A_163, %dma_wait3A_164, %dma_wait3A_165] : memref<3x128x128xf32, #tpu.memory_space<vmem>> -> memref<1x128x128xf32, #tpu.memory_space<vmem>>
      %dma_wait3A_167 = tpu.memref_squeeze %dma_wait3A_166 : memref<1x128x128xf32, #tpu.memory_space<vmem>> -> memref<128x128xf32, #tpu.memory_space<vmem>>
      %dma_wait3A_168 = arith.constant 0 : i32
      %dma_wait3A_169 = tpu.memref_slice %arg4[%add3A_106, %dma_wait3A_168] : memref<160000x128xf32, #tpu.memory_space<hbm>> -> memref<128x128xf32, #tpu.memory_space<hbm>>
      %dma_wait3A_170 = arith.constant 0 : i32
      %dma_wait3A_171 = tpu.memref_slice %arg4[%add3A_106, %dma_wait3A_170] : memref<160000x128xf32, #tpu.memory_space<hbm>> -> memref<128x128xf32, #tpu.memory_space<hbm>>
      %dma_wait3A_172 = arith.constant 0 : i32
      %dma_wait3A_173 = arith.constant 0 : i32
      %dma_wait3A_174 = tpu.memref_slice %arg6[%dma_wait3A_163, %dma_wait3A_172, %dma_wait3A_173] : memref<3x128x128xf32, #tpu.memory_space<vmem>> -> memref<1x128x128xf32, #tpu.memory_space<vmem>>
      %dma_wait3A_175 = tpu.memref_squeeze %dma_wait3A_174 : memref<1x128x128xf32, #tpu.memory_space<vmem>> -> memref<128x128xf32, #tpu.memory_space<vmem>>
      tpu.wait_dma2 semaphore(%arg11 : memref<!tpu.dma_semaphore, #tpu.memory_space<semaphore_mem>>) src(%dma_wait3A_175 : memref<128x128xf32, #tpu.memory_space<vmem>>) dst(%dma_wait3A_171 : memref<128x128xf32, #tpu.memory_space<hbm>>)
      %dma_wait3A_176 = arith.constant 2 : i32
      %dma_wait3A_177 = arith.constant 0 : i32
      %dma_wait3A_178 = arith.constant 0 : i32
      %dma_wait3A_179 = tpu.memref_slice %arg6[%dma_wait3A_176, %dma_wait3A_177, %dma_wait3A_178] : memref<3x128x128xf32, #tpu.memory_space<vmem>> -> memref<1x128x128xf32, #tpu.memory_space<vmem>>
      %dma_wait3A_180 = tpu.memref_squeeze %dma_wait3A_179 : memref<1x128x128xf32, #tpu.memory_space<vmem>> -> memref<128x128xf32, #tpu.memory_space<vmem>>
      %dma_wait3A_181 = arith.constant 0 : i32
      %dma_wait3A_182 = tpu.memref_slice %arg4[%add3A_136, %dma_wait3A_181] : memref<160000x128xf32, #tpu.memory_space<hbm>> -> memref<128x128xf32, #tpu.memory_space<hbm>>
      %dma_wait3A_183 = arith.constant 0 : i32
      %dma_wait3A_184 = tpu.memref_slice %arg4[%add3A_136, %dma_wait3A_183] : memref<160000x128xf32, #tpu.memory_space<hbm>> -> memref<128x128xf32, #tpu.memory_space<hbm>>
      %dma_wait3A_185 = arith.constant 0 : i32
      %dma_wait3A_186 = arith.constant 0 : i32
      %dma_wait3A_187 = tpu.memref_slice %arg6[%dma_wait3A_176, %dma_wait3A_185, %dma_wait3A_186] : memref<3x128x128xf32, #tpu.memory_space<vmem>> -> memref<1x128x128xf32, #tpu.memory_space<vmem>>
      %dma_wait3A_188 = tpu.memref_squeeze %dma_wait3A_187 : memref<1x128x128xf32, #tpu.memory_space<vmem>> -> memref<128x128xf32, #tpu.memory_space<vmem>>
      tpu.wait_dma2 semaphore(%arg12 : memref<!tpu.dma_semaphore, #tpu.memory_space<semaphore_mem>>) src(%dma_wait3A_188 : memref<128x128xf32, #tpu.memory_space<vmem>>) dst(%dma_wait3A_184 : memref<128x128xf32, #tpu.memory_space<hbm>>)
      %scan3A_189 = arith.constant 0 : i32
      scf.yield %scan3A_189 : i32
    }
    %scan3A_10 = arith.constant 13 : i32
    %lt3A = arith.constant 2 : i32
    %lt3A_11 = arith.cmpi slt, %add3A, %lt3A : i32
    %convert_element_type3A = arith.extui %lt3A_11 : i1 to i32
    %cond3A = arith.constant 0 : i32
    %cond3A_12 = arith.cmpi ne, %convert_element_type3A, %cond3A : i32
    scf.if %cond3A_12 {
      %add3A_13 = arith.constant 1248 : i32
      %add3A_14 = arith.addi %add3A_13, %add3A : i32
      %mul3A_15 = arith.constant 128 : i32
      %mul3A_16 = arith.muli %add3A_14, %mul3A_15 : i32
      %multiple_of3A = tpu.assume_multiple %mul3A_16, 128 : i32
      %add3A_17 = arith.constant 160000 : i32
      %add3A_18 = arith.addi %add3A_17, %multiple_of3A : i32
      "tpu.region"() ({
        %run_scoped3A_37 = tpu.sem_alloc : memref<!tpu.dma_semaphore, #tpu.memory_space<semaphore_mem>>
        %dma_start3A_38 = arith.constant 0 : i32
        %dma_start3A_39 = tpu.memref_slice %arg5[%dma_start3A_38] : memref<4992xi32, #tpu.memory_space<vmem>> -> memref<128xi32, #tpu.memory_space<vmem>>
        %dma_start3A_40 = tpu.memref_slice %arg3[%add3A_18] : memref<320000xi32, #tpu.memory_space<hbm>> -> memref<128xi32, #tpu.memory_space<hbm>>
        %dma_start3A_41 = arith.constant 0 : i32
        %dma_start3A_42 = tpu.memref_slice %arg5[%dma_start3A_41] : memref<4992xi32, #tpu.memory_space<vmem>> -> memref<128xi32, #tpu.memory_space<vmem>>
        %dma_start3A_43 = tpu.memref_slice %arg3[%add3A_18] : memref<320000xi32, #tpu.memory_space<hbm>> -> memref<128xi32, #tpu.memory_space<hbm>>
        tpu.enqueue_dma source(%dma_start3A_43 : memref<128xi32, #tpu.memory_space<hbm>>) target(%dma_start3A_42 : memref<128xi32, #tpu.memory_space<vmem>>) target_semaphore(%run_scoped3A_37 : memref<!tpu.dma_semaphore, #tpu.memory_space<semaphore_mem>>)
        %dma_wait3A_44 = arith.constant 0 : i32
        %dma_wait3A_45 = tpu.memref_slice %arg5[%dma_wait3A_44] : memref<4992xi32, #tpu.memory_space<vmem>> -> memref<128xi32, #tpu.memory_space<vmem>>
        %dma_wait3A_46 = tpu.memref_slice %arg3[%add3A_18] : memref<320000xi32, #tpu.memory_space<hbm>> -> memref<128xi32, #tpu.memory_space<hbm>>
        %dma_wait3A_47 = arith.constant 0 : i32
        %dma_wait3A_48 = tpu.memref_slice %arg5[%dma_wait3A_47] : memref<4992xi32, #tpu.memory_space<vmem>> -> memref<128xi32, #tpu.memory_space<vmem>>
        %dma_wait3A_49 = tpu.memref_slice %arg3[%add3A_18] : memref<320000xi32, #tpu.memory_space<hbm>> -> memref<128xi32, #tpu.memory_space<hbm>>
        tpu.wait_dma2 semaphore(%run_scoped3A_37 : memref<!tpu.dma_semaphore, #tpu.memory_space<semaphore_mem>>) src(%dma_wait3A_49 : memref<128xi32, #tpu.memory_space<hbm>>) dst(%dma_wait3A_48 : memref<128xi32, #tpu.memory_space<vmem>>)
        tpu.yield
      }) : () -> ()
      %dma_start3A = arith.constant 0 : i32
      %dma_start3A_19 = arith.constant 0 : i32
      %dma_start3A_20 = arith.constant 0 : i32
      %dma_start3A_21 = tpu.memref_slice %arg6[%dma_start3A, %dma_start3A_19, %dma_start3A_20] : memref<3x128x128xf32, #tpu.memory_space<vmem>> -> memref<1x128x128xf32, #tpu.memory_space<vmem>>
      %dma_start3A_22 = tpu.memref_squeeze %dma_start3A_21 : memref<1x128x128xf32, #tpu.memory_space<vmem>> -> memref<128x128xf32, #tpu.memory_space<vmem>>
      %dma_start3A_23 = arith.constant 0 : i32
      %dma_start3A_24 = tpu.memref_slice %arg5[%dma_start3A_23] : memref<4992xi32, #tpu.memory_space<vmem>> -> memref<128xi32, #tpu.memory_space<vmem>>
      %dma_start3A_25 = arith.constant 0 : i32
      %dma_start3A_26 = arith.constant 0 : i32
      %dma_start3A_27 = tpu.memref_slice %arg2[%dma_start3A_25, %dma_start3A_26] : memref<10000x128xf32, #tpu.memory_space<hbm>> -> memref<10000x128xf32, #tpu.memory_space<hbm>>
      tpu.enqueue_indirect_dma source(%dma_start3A_27 : memref<10000x128xf32, #tpu.memory_space<hbm>>) target(%dma_start3A_22 : memref<128x128xf32, #tpu.memory_space<vmem>>) offsets(%dma_start3A_24 : memref<128xi32, #tpu.memory_space<vmem>>) semaphore(%arg7 : memref<!tpu.dma_semaphore, #tpu.memory_space<semaphore_mem>>)
      %dma_wait3A = arith.constant 0 : i32
      %dma_wait3A_28 = arith.constant 0 : i32
      %dma_wait3A_29 = arith.constant 0 : i32
      %dma_wait3A_30 = tpu.memref_slice %arg6[%dma_wait3A, %dma_wait3A_28, %dma_wait3A_29] : memref<3x128x128xf32, #tpu.memory_space<vmem>> -> memref<1x128x128xf32, #tpu.memory_space<vmem>>
      %dma_wait3A_31 = tpu.memref_squeeze %dma_wait3A_30 : memref<1x128x128xf32, #tpu.memory_space<vmem>> -> memref<128x128xf32, #tpu.memory_space<vmem>>
      %dma_wait3A_32 = arith.constant 0 : i32
      %dma_wait3A_33 = tpu.memref_slice %arg5[%dma_wait3A_32] : memref<4992xi32, #tpu.memory_space<vmem>> -> memref<128xi32, #tpu.memory_space<vmem>>
      %dma_wait3A_34 = arith.constant 0 : i32
      %dma_wait3A_35 = arith.constant 0 : i32
      %dma_wait3A_36 = tpu.memref_slice %arg2[%dma_wait3A_34, %dma_wait3A_35] : memref<10000x128xf32, #tpu.memory_space<hbm>> -> memref<10000x128xf32, #tpu.memory_space<hbm>>
      tpu.wait_indirect_dma semaphore(%arg7 : memref<!tpu.dma_semaphore, #tpu.memory_space<semaphore_mem>>) src(%dma_wait3A_36 : memref<10000x128xf32, #tpu.memory_space<hbm>>) dst(%dma_wait3A_31 : memref<128x128xf32, #tpu.memory_space<vmem>>)
      %run_scoped3A = arith.constant 0 : i32
      "tpu.region"() ({
        %run_scoped3A_37 = tpu.sem_alloc : memref<!tpu.dma_semaphore, #tpu.memory_space<semaphore_mem>>
        %dma_start3A_38 = arith.constant 0 : i32
        %dma_start3A_39 = arith.constant 0 : i32
        %dma_start3A_40 = tpu.memref_slice %arg6[%run_scoped3A, %dma_start3A_38, %dma_start3A_39] : memref<3x128x128xf32, #tpu.memory_space<vmem>> -> memref<1x128x128xf32, #tpu.memory_space<vmem>>
        %dma_start3A_41 = tpu.memref_squeeze %dma_start3A_40 : memref<1x128x128xf32, #tpu.memory_space<vmem>> -> memref<128x128xf32, #tpu.memory_space<vmem>>
        %dma_start3A_42 = arith.constant 0 : i32
        %dma_start3A_43 = tpu.memref_slice %arg4[%multiple_of3A, %dma_start3A_42] : memref<160000x128xf32, #tpu.memory_space<hbm>> -> memref<128x128xf32, #tpu.memory_space<hbm>>
        %dma_start3A_44 = arith.constant 0 : i32
        %dma_start3A_45 = tpu.memref_slice %arg4[%multiple_of3A, %dma_start3A_44] : memref<160000x128xf32, #tpu.memory_space<hbm>> -> memref<128x128xf32, #tpu.memory_space<hbm>>
        %dma_start3A_46 = arith.constant 0 : i32
        %dma_start3A_47 = arith.constant 0 : i32
        %dma_start3A_48 = tpu.memref_slice %arg6[%run_scoped3A, %dma_start3A_46, %dma_start3A_47] : memref<3x128x128xf32, #tpu.memory_space<vmem>> -> memref<1x128x128xf32, #tpu.memory_space<vmem>>
        %dma_start3A_49 = tpu.memref_squeeze %dma_start3A_48 : memref<1x128x128xf32, #tpu.memory_space<vmem>> -> memref<128x128xf32, #tpu.memory_space<vmem>>
        tpu.enqueue_dma source(%dma_start3A_49 : memref<128x128xf32, #tpu.memory_space<vmem>>) target(%dma_start3A_45 : memref<128x128xf32, #tpu.memory_space<hbm>>) target_semaphore(%run_scoped3A_37 : memref<!tpu.dma_semaphore, #tpu.memory_space<semaphore_mem>>)
        %dma_wait3A_50 = arith.constant 0 : i32
        %dma_wait3A_51 = arith.constant 0 : i32
        %dma_wait3A_52 = tpu.memref_slice %arg6[%run_scoped3A, %dma_wait3A_50, %dma_wait3A_51] : memref<3x128x128xf32, #tpu.memory_space<vmem>> -> memref<1x128x128xf32, #tpu.memory_space<vmem>>
        %dma_wait3A_53 = tpu.memref_squeeze %dma_wait3A_52 : memref<1x128x128xf32, #tpu.memory_space<vmem>> -> memref<128x128xf32, #tpu.memory_space<vmem>>
        %dma_wait3A_54 = arith.constant 0 : i32
        %dma_wait3A_55 = tpu.memref_slice %arg4[%multiple_of3A, %dma_wait3A_54] : memref<160000x128xf32, #tpu.memory_space<hbm>> -> memref<128x128xf32, #tpu.memory_space<hbm>>
        %dma_wait3A_56 = arith.constant 0 : i32
        %dma_wait3A_57 = tpu.memref_slice %arg4[%multiple_of3A, %dma_wait3A_56] : memref<160000x128xf32, #tpu.memory_space<hbm>> -> memref<128x128xf32, #tpu.memory_space<hbm>>
        %dma_wait3A_58 = arith.constant 0 : i32
        %dma_wait3A_59 = arith.constant 0 : i32
        %dma_wait3A_60 = tpu.memref_slice %arg6[%run_scoped3A, %dma_wait3A_58, %dma_wait3A_59] : memref<3x128x128xf32, #tpu.memory_space<vmem>> -> memref<1x128x128xf32, #tpu.memory_space<vmem>>
        %dma_wait3A_61 = tpu.memref_squeeze %dma_wait3A_60 : memref<1x128x128xf32, #tpu.memory_space<vmem>> -> memref<128x128xf32, #tpu.memory_space<vmem>>
        tpu.wait_dma2 semaphore(%run_scoped3A_37 : memref<!tpu.dma_semaphore, #tpu.memory_space<semaphore_mem>>) src(%dma_wait3A_61 : memref<128x128xf32, #tpu.memory_space<vmem>>) dst(%dma_wait3A_57 : memref<128x128xf32, #tpu.memory_space<hbm>>)
        tpu.yield
      }) : () -> ()
    } else {
    }
    return
  }
}

#map = affine_map<(d0, d1) -> (0, 0)>
#map1 = affine_map<(d0, d1) -> (0)>
#map2 = affine_map<(d0, d1) -> (0, 0, 0)>
module attributes {stable_mosaic.version = 14 : i64} {
  func.func @_k4_body(%arg0: i32, %arg1: i32, %arg2: memref<160000x128xf32, #tpu.memory_space<hbm>>, %arg3: memref<160000xf32, #tpu.memory_space<hbm>>, %arg4: memref<320000xi32, #tpu.memory_space<hbm>>, %arg5: memref<10000x128xf32, #tpu.memory_space<hbm>>, %arg6: memref<2x10000x128xf32, #tpu.memory_space<hbm>>, %arg7: memref<320000xf32, #tpu.memory_space<hbm>>, %arg8: memref<2x128xi32, #tpu.memory_space<vmem>>, %arg9: memref<2x128x128xf32, #tpu.memory_space<vmem>>, %arg10: memref<2x128xf32, #tpu.memory_space<vmem>>, %arg11: memref<10000xf32, #tpu.memory_space<vmem>>, %arg12: memref<10000x128xf32, #tpu.memory_space<vmem_shared>>, %arg13: memref<!tpu.dma_semaphore, #tpu.memory_space<semaphore_mem>>, %arg14: memref<!tpu.dma_semaphore, #tpu.memory_space<semaphore_mem>>, %arg15: memref<!tpu.dma_semaphore, #tpu.memory_space<semaphore_mem>>, %arg16: memref<!tpu.dma_semaphore, #tpu.memory_space<semaphore_mem>>) attributes {dimension_semantics = [#tpu.dimension_semantics<core_parallel>, #tpu.dimension_semantics<subcore_parallel>], iteration_bounds = array<i64: 2, 16>, scalar_prefetch = 0 : i64, scratch_operands = 9 : i64, tpu.core_type = #tpu.core_type<sc_vector_subcore>, window_params = [{transform_indices = #map}, {transform_indices = #map1}, {transform_indices = #map1}, {transform_indices = #map}, {transform_indices = #map2}, {transform_indices = #map1}]} {
    %mul3A = arith.constant 2 : i32
    %mul3A_0 = arith.muli %arg1, %mul3A : i32
    %add3A = arith.addi %mul3A_0, %arg0 : i32
    %scan3A = arith.constant 0 : i32
    %scan3A_1 = arith.constant 0 : i32
    %scan3A_2 = arith.constant 625 : i32
    %scan3A_3 = arith.addi %scan3A_1, %scan3A_2 : i32
    %scan3A_4 = arith.constant 1 : i32
    %scan3A_5 = scf.for %scan3A_126 = %scan3A_1 to %scan3A_3 step %scan3A_4 iter_args(%scan3A_127 = %scan3A) -> (i32)  : i32 {
      %broadcast_in_dim3A = arith.constant 0.000000e+00 : f32
      %broadcast_in_dim3A_128 = vector.broadcast %broadcast_in_dim3A : f32 to vector<16xf32>
      %mul3A_129 = arith.constant 16 : i32
      %mul3A_130 = arith.muli %scan3A_126, %mul3A_129 : i32
      %swap3A = arith.index_cast %mul3A_130 : i32 to index
      %swap3A_131 = tpu.vector_load %arg11[%swap3A] {strides = array<i32>} : memref<10000xf32, #tpu.memory_space<vmem>>, vector<16xf32>,
      tpu.vector_store %arg11[%swap3A], %broadcast_in_dim3A_128 {strides = array<i32>} : memref<10000xf32, #tpu.memory_space<vmem>>, vector<16xf32>,
      %scan3A_132 = arith.constant 0 : i32
      scf.yield %scan3A_132 : i32
    }
    %scan3A_6 = arith.constant 625 : i32
    %mul3A_7 = arith.constant 624 : i32
    %mul3A_8 = arith.muli %arg1, %mul3A_7 : i32
    %multiple_of3A = tpu.assume_multiple %mul3A_8, 8 : i32
    %lt3A = arith.constant 15 : i32
    %lt3A_9 = arith.cmpi slt, %arg1, %lt3A : i32
    %convert_element_type3A = arith.extui %lt3A_9 : i1 to i32
    %cond3A = arith.constant 0 : i32
    %cond3A_10 = arith.cmpi ne, %convert_element_type3A, %cond3A : i32
    scf.if %cond3A_10 {
      "tpu.region"() ({
        %run_scoped3A_126 = tpu.sem_alloc : memref<!tpu.dma_semaphore, #tpu.memory_space<semaphore_mem>>
        %dma_start3A = arith.constant 0 : i32
        %dma_start3A_127 = tpu.memref_slice %arg12[%multiple_of3A, %dma_start3A] : memref<10000x128xf32, #tpu.memory_space<vmem_shared>> -> memref<624x128xf32, #tpu.memory_space<vmem_shared>>
        %dma_start3A_128 = arith.constant 0 : i32
        %dma_start3A_129 = tpu.memref_slice %arg5[%multiple_of3A, %dma_start3A_128] : memref<10000x128xf32, #tpu.memory_space<hbm>> -> memref<624x128xf32, #tpu.memory_space<hbm>>
        tpu.enqueue_dma source(%dma_start3A_129 : memref<624x128xf32, #tpu.memory_space<hbm>>) target(%dma_start3A_127 : memref<624x128xf32, #tpu.memory_space<vmem_shared>>) target_semaphore(%run_scoped3A_126 : memref<!tpu.dma_semaphore, #tpu.memory_space<semaphore_mem>>)
        %dma_wait3A = arith.constant 0 : i32
        %dma_wait3A_130 = tpu.memref_slice %arg12[%multiple_of3A, %dma_wait3A] : memref<10000x128xf32, #tpu.memory_space<vmem_shared>> -> memref<624x128xf32, #tpu.memory_space<vmem_shared>>
        %dma_wait3A_131 = arith.constant 0 : i32
        %dma_wait3A_132 = tpu.memref_slice %arg5[%multiple_of3A, %dma_wait3A_131] : memref<10000x128xf32, #tpu.memory_space<hbm>> -> memref<624x128xf32, #tpu.memory_space<hbm>>
        tpu.wait_dma2 semaphore(%run_scoped3A_126 : memref<!tpu.dma_semaphore, #tpu.memory_space<semaphore_mem>>) src(%dma_wait3A_132 : memref<624x128xf32, #tpu.memory_space<hbm>>) dst(%dma_wait3A_130 : memref<624x128xf32, #tpu.memory_space<vmem_shared>>)
        tpu.yield
      }) : () -> ()
    } else {
    }
    %eq3A = arith.constant 15 : i32
    %eq3A_11 = arith.cmpi eq, %arg1, %eq3A : i32
    %convert_element_type3A_12 = arith.extui %eq3A_11 : i1 to i32
    %cond3A_13 = arith.constant 0 : i32
    %cond3A_14 = arith.cmpi ne, %convert_element_type3A_12, %cond3A_13 : i32
    scf.if %cond3A_14 {
      %multiple_of3A_126 = arith.constant 9360 : i32
      %multiple_of3A_127 = tpu.assume_multiple %multiple_of3A_126, 8 : i32
      "tpu.region"() ({
        %run_scoped3A_128 = tpu.sem_alloc : memref<!tpu.dma_semaphore, #tpu.memory_space<semaphore_mem>>
        %dma_start3A = arith.constant 0 : i32
        %dma_start3A_129 = tpu.memref_slice %arg12[%multiple_of3A_127, %dma_start3A] : memref<10000x128xf32, #tpu.memory_space<vmem_shared>> -> memref<640x128xf32, #tpu.memory_space<vmem_shared>>
        %dma_start3A_130 = arith.constant 0 : i32
        %dma_start3A_131 = tpu.memref_slice %arg5[%multiple_of3A_127, %dma_start3A_130] : memref<10000x128xf32, #tpu.memory_space<hbm>> -> memref<640x128xf32, #tpu.memory_space<hbm>>
        tpu.enqueue_dma source(%dma_start3A_131 : memref<640x128xf32, #tpu.memory_space<hbm>>) target(%dma_start3A_129 : memref<640x128xf32, #tpu.memory_space<vmem_shared>>) target_semaphore(%run_scoped3A_128 : memref<!tpu.dma_semaphore, #tpu.memory_space<semaphore_mem>>)
        %dma_wait3A = arith.constant 0 : i32
        %dma_wait3A_132 = tpu.memref_slice %arg12[%multiple_of3A_127, %dma_wait3A] : memref<10000x128xf32, #tpu.memory_space<vmem_shared>> -> memref<640x128xf32, #tpu.memory_space<vmem_shared>>
        %dma_wait3A_133 = arith.constant 0 : i32
        %dma_wait3A_134 = tpu.memref_slice %arg5[%multiple_of3A_127, %dma_wait3A_133] : memref<10000x128xf32, #tpu.memory_space<hbm>> -> memref<640x128xf32, #tpu.memory_space<hbm>>
        tpu.wait_dma2 semaphore(%run_scoped3A_128 : memref<!tpu.dma_semaphore, #tpu.memory_space<semaphore_mem>>) src(%dma_wait3A_134 : memref<640x128xf32, #tpu.memory_space<hbm>>) dst(%dma_wait3A_132 : memref<640x128xf32, #tpu.memory_space<vmem_shared>>)
        tpu.yield
      }) : () -> ()
    } else {
    }
    %barrier3A = arith.constant 0 : index
    tpu.barrier barrier_id(%barrier3A)
    %mul3A_15 = arith.constant 625 : i32
    %mul3A_16 = arith.muli %arg0, %mul3A_15 : i32
    %mul3A_17 = arith.constant 39 : i32
    %mul3A_18 = arith.muli %arg1, %mul3A_17 : i32
    %add3A_19 = arith.addi %mul3A_16, %mul3A_18 : i32
    %mul3A_20 = arith.constant 128 : i32
    %mul3A_21 = arith.muli %add3A_19, %mul3A_20 : i32
    %scan3A_22 = arith.constant 0 : i32
    %scan3A_23 = arith.constant 0 : i32
    %scan3A_24 = arith.constant 19 : i32
    %scan3A_25 = arith.addi %scan3A_23, %scan3A_24 : i32
    %scan3A_26 = arith.constant 1 : i32
    %scan3A_27 = scf.for %scan3A_126 = %scan3A_23 to %scan3A_25 step %scan3A_26 iter_args(%scan3A_127 = %scan3A_22) -> (i32)  : i32 {
      %mul3A_128 = arith.constant 2 : i32
      %mul3A_129 = arith.muli %scan3A_126, %mul3A_128 : i32
      %add3A_130 = arith.constant 0 : i32
      %add3A_131 = arith.addi %mul3A_129, %add3A_130 : i32
      %mul3A_132 = arith.constant 128 : i32
      %mul3A_133 = arith.muli %add3A_131, %mul3A_132 : i32
      %add3A_134 = arith.addi %mul3A_21, %mul3A_133 : i32
      %multiple_of3A_135 = tpu.assume_multiple %add3A_134, 128 : i32
      %add3A_136 = arith.constant 0 : i32
      %add3A_137 = arith.addi %add3A_136, %multiple_of3A_135 : i32
      %dma_start3A = arith.constant 0 : i32
      %dma_start3A_138 = arith.constant 0 : i32
      %dma_start3A_139 = tpu.memref_slice %arg8[%dma_start3A, %dma_start3A_138] : memref<2x128xi32, #tpu.memory_space<vmem>> -> memref<1x128xi32, #tpu.memory_space<vmem>>
      %dma_start3A_140 = tpu.memref_squeeze %dma_start3A_139 : memref<1x128xi32, #tpu.memory_space<vmem>> -> memref<128xi32, #tpu.memory_space<vmem>>
      %dma_start3A_141 = tpu.memref_slice %arg4[%add3A_137] : memref<320000xi32, #tpu.memory_space<hbm>> -> memref<128xi32, #tpu.memory_space<hbm>>
      %dma_start3A_142 = arith.constant 0 : i32
      %dma_start3A_143 = tpu.memref_slice %arg8[%dma_start3A, %dma_start3A_142] : memref<2x128xi32, #tpu.memory_space<vmem>> -> memref<1x128xi32, #tpu.memory_space<vmem>>
      %dma_start3A_144 = tpu.memref_squeeze %dma_start3A_143 : memref<1x128xi32, #tpu.memory_space<vmem>> -> memref<128xi32, #tpu.memory_space<vmem>>
      %dma_start3A_145 = tpu.memref_slice %arg4[%add3A_137] : memref<320000xi32, #tpu.memory_space<hbm>> -> memref<128xi32, #tpu.memory_space<hbm>>
      tpu.enqueue_dma source(%dma_start3A_145 : memref<128xi32, #tpu.memory_space<hbm>>) target(%dma_start3A_144 : memref<128xi32, #tpu.memory_space<vmem>>) target_semaphore(%arg13 : memref<!tpu.dma_semaphore, #tpu.memory_space<semaphore_mem>>)
      %dma_start3A_146 = arith.constant 0 : i32
      %dma_start3A_147 = arith.constant 0 : i32
      %dma_start3A_148 = arith.constant 0 : i32
      %dma_start3A_149 = tpu.memref_slice %arg9[%dma_start3A_146, %dma_start3A_147, %dma_start3A_148] : memref<2x128x128xf32, #tpu.memory_space<vmem>> -> memref<1x128x128xf32, #tpu.memory_space<vmem>>
      %dma_start3A_150 = tpu.memref_squeeze %dma_start3A_149 : memref<1x128x128xf32, #tpu.memory_space<vmem>> -> memref<128x128xf32, #tpu.memory_space<vmem>>
      %dma_start3A_151 = arith.constant 0 : i32
      %dma_start3A_152 = tpu.memref_slice %arg2[%multiple_of3A_135, %dma_start3A_151] : memref<160000x128xf32, #tpu.memory_space<hbm>> -> memref<128x128xf32, #tpu.memory_space<hbm>>
      %dma_start3A_153 = arith.constant 0 : i32
      %dma_start3A_154 = arith.constant 0 : i32
      %dma_start3A_155 = tpu.memref_slice %arg9[%dma_start3A_146, %dma_start3A_153, %dma_start3A_154] : memref<2x128x128xf32, #tpu.memory_space<vmem>> -> memref<1x128x128xf32, #tpu.memory_space<vmem>>
      %dma_start3A_156 = tpu.memref_squeeze %dma_start3A_155 : memref<1x128x128xf32, #tpu.memory_space<vmem>> -> memref<128x128xf32, #tpu.memory_space<vmem>>
      %dma_start3A_157 = arith.constant 0 : i32
      %dma_start3A_158 = tpu.memref_slice %arg2[%multiple_of3A_135, %dma_start3A_157] : memref<160000x128xf32, #tpu.memory_space<hbm>> -> memref<128x128xf32, #tpu.memory_space<hbm>>
      tpu.enqueue_dma source(%dma_start3A_158 : memref<128x128xf32, #tpu.memory_space<hbm>>) target(%dma_start3A_156 : memref<128x128xf32, #tpu.memory_space<vmem>>) target_semaphore(%arg13 : memref<!tpu.dma_semaphore, #tpu.memory_space<semaphore_mem>>)
      %dma_start3A_159 = arith.constant 0 : i32
      %dma_start3A_160 = arith.constant 0 : i32
      %dma_start3A_161 = tpu.memref_slice %arg10[%dma_start3A_159, %dma_start3A_160] : memref<2x128xf32, #tpu.memory_space<vmem>> -> memref<1x128xf32, #tpu.memory_space<vmem>>
      %dma_start3A_162 = tpu.memref_squeeze %dma_start3A_161 : memref<1x128xf32, #tpu.memory_space<vmem>> -> memref<128xf32, #tpu.memory_space<vmem>>
      %dma_start3A_163 = tpu.memref_slice %arg3[%multiple_of3A_135] : memref<160000xf32, #tpu.memory_space<hbm>> -> memref<128xf32, #tpu.memory_space<hbm>>
      %dma_start3A_164 = arith.constant 0 : i32
      %dma_start3A_165 = tpu.memref_slice %arg10[%dma_start3A_159, %dma_start3A_164] : memref<2x128xf32, #tpu.memory_space<vmem>> -> memref<1x128xf32, #tpu.memory_space<vmem>>
      %dma_start3A_166 = tpu.memref_squeeze %dma_start3A_165 : memref<1x128xf32, #tpu.memory_space<vmem>> -> memref<128xf32, #tpu.memory_space<vmem>>
      %dma_start3A_167 = tpu.memref_slice %arg3[%multiple_of3A_135] : memref<160000xf32, #tpu.memory_space<hbm>> -> memref<128xf32, #tpu.memory_space<hbm>>
      tpu.enqueue_dma source(%dma_start3A_167 : memref<128xf32, #tpu.memory_space<hbm>>) target(%dma_start3A_166 : memref<128xf32, #tpu.memory_space<vmem>>) target_semaphore(%arg13 : memref<!tpu.dma_semaphore, #tpu.memory_space<semaphore_mem>>)
      %mul3A_168 = arith.constant 2 : i32
      %mul3A_169 = arith.muli %scan3A_126, %mul3A_168 : i32
      %add3A_170 = arith.constant 1 : i32
      %add3A_171 = arith.addi %mul3A_169, %add3A_170 : i32
      %mul3A_172 = arith.constant 128 : i32
      %mul3A_173 = arith.muli %add3A_171, %mul3A_172 : i32
      %add3A_174 = arith.addi %mul3A_21, %mul3A_173 : i32
      %multiple_of3A_175 = tpu.assume_multiple %add3A_174, 128 : i32
      %add3A_176 = arith.constant 0 : i32
      %add3A_177 = arith.addi %add3A_176, %multiple_of3A_175 : i32
      %dma_start3A_178 = arith.constant 1 : i32
      %dma_start3A_179 = arith.constant 0 : i32
      %dma_start3A_180 = tpu.memref_slice %arg8[%dma_start3A_178, %dma_start3A_179] : memref<2x128xi32, #tpu.memory_space<vmem>> -> memref<1x128xi32, #tpu.memory_space<vmem>>
      %dma_start3A_181 = tpu.memref_squeeze %dma_start3A_180 : memref<1x128xi32, #tpu.memory_space<vmem>> -> memref<128xi32, #tpu.memory_space<vmem>>
      %dma_start3A_182 = tpu.memref_slice %arg4[%add3A_177] : memref<320000xi32, #tpu.memory_space<hbm>> -> memref<128xi32, #tpu.memory_space<hbm>>
      %dma_start3A_183 = arith.constant 0 : i32
      %dma_start3A_184 = tpu.memref_slice %arg8[%dma_start3A_178, %dma_start3A_183] : memref<2x128xi32, #tpu.memory_space<vmem>> -> memref<1x128xi32, #tpu.memory_space<vmem>>
      %dma_start3A_185 = tpu.memref_squeeze %dma_start3A_184 : memref<1x128xi32, #tpu.memory_space<vmem>> -> memref<128xi32, #tpu.memory_space<vmem>>
      %dma_start3A_186 = tpu.memref_slice %arg4[%add3A_177] : memref<320000xi32, #tpu.memory_space<hbm>> -> memref<128xi32, #tpu.memory_space<hbm>>
      tpu.enqueue_dma source(%dma_start3A_186 : memref<128xi32, #tpu.memory_space<hbm>>) target(%dma_start3A_185 : memref<128xi32, #tpu.memory_space<vmem>>) target_semaphore(%arg14 : memref<!tpu.dma_semaphore, #tpu.memory_space<semaphore_mem>>)
      %dma_start3A_187 = arith.constant 1 : i32
      %dma_start3A_188 = arith.constant 0 : i32
      %dma_start3A_189 = arith.constant 0 : i32
      %dma_start3A_190 = tpu.memref_slice %arg9[%dma_start3A_187, %dma_start3A_188, %dma_start3A_189] : memref<2x128x128xf32, #tpu.memory_space<vmem>> -> memref<1x128x128xf32, #tpu.memory_space<vmem>>
      %dma_start3A_191 = tpu.memref_squeeze %dma_start3A_190 : memref<1x128x128xf32, #tpu.memory_space<vmem>> -> memref<128x128xf32, #tpu.memory_space<vmem>>
      %dma_start3A_192 = arith.constant 0 : i32
      %dma_start3A_193 = tpu.memref_slice %arg2[%multiple_of3A_175, %dma_start3A_192] : memref<160000x128xf32, #tpu.memory_space<hbm>> -> memref<128x128xf32, #tpu.memory_space<hbm>>
      %dma_start3A_194 = arith.constant 0 : i32
      %dma_start3A_195 = arith.constant 0 : i32
      %dma_start3A_196 = tpu.memref_slice %arg9[%dma_start3A_187, %dma_start3A_194, %dma_start3A_195] : memref<2x128x128xf32, #tpu.memory_space<vmem>> -> memref<1x128x128xf32, #tpu.memory_space<vmem>>
      %dma_start3A_197 = tpu.memref_squeeze %dma_start3A_196 : memref<1x128x128xf32, #tpu.memory_space<vmem>> -> memref<128x128xf32, #tpu.memory_space<vmem>>
      %dma_start3A_198 = arith.constant 0 : i32
      %dma_start3A_199 = tpu.memref_slice %arg2[%multiple_of3A_175, %dma_start3A_198] : memref<160000x128xf32, #tpu.memory_space<hbm>> -> memref<128x128xf32, #tpu.memory_space<hbm>>
      tpu.enqueue_dma source(%dma_start3A_199 : memref<128x128xf32, #tpu.memory_space<hbm>>) target(%dma_start3A_197 : memref<128x128xf32, #tpu.memory_space<vmem>>) target_semaphore(%arg14 : memref<!tpu.dma_semaphore, #tpu.memory_space<semaphore_mem>>)
      %dma_start3A_200 = arith.constant 1 : i32
      %dma_start3A_201 = arith.constant 0 : i32
      %dma_start3A_202 = tpu.memref_slice %arg10[%dma_start3A_200, %dma_start3A_201] : memref<2x128xf32, #tpu.memory_space<vmem>> -> memref<1x128xf32, #tpu.memory_space<vmem>>
      %dma_start3A_203 = tpu.memref_squeeze %dma_start3A_202 : memref<1x128xf32, #tpu.memory_space<vmem>> -> memref<128xf32, #tpu.memory_space<vmem>>
      %dma_start3A_204 = tpu.memref_slice %arg3[%multiple_of3A_175] : memref<160000xf32, #tpu.memory_space<hbm>> -> memref<128xf32, #tpu.memory_space<hbm>>
      %dma_start3A_205 = arith.constant 0 : i32
      %dma_start3A_206 = tpu.memref_slice %arg10[%dma_start3A_200, %dma_start3A_205] : memref<2x128xf32, #tpu.memory_space<vmem>> -> memref<1x128xf32, #tpu.memory_space<vmem>>
      %dma_start3A_207 = tpu.memref_squeeze %dma_start3A_206 : memref<1x128xf32, #tpu.memory_space<vmem>> -> memref<128xf32, #tpu.memory_space<vmem>>
      %dma_start3A_208 = tpu.memref_slice %arg3[%multiple_of3A_175] : memref<160000xf32, #tpu.memory_space<hbm>> -> memref<128xf32, #tpu.memory_space<hbm>>
      tpu.enqueue_dma source(%dma_start3A_208 : memref<128xf32, #tpu.memory_space<hbm>>) target(%dma_start3A_207 : memref<128xf32, #tpu.memory_space<vmem>>) target_semaphore(%arg14 : memref<!tpu.dma_semaphore, #tpu.memory_space<semaphore_mem>>)
      %dma_wait3A = arith.constant 0 : i32
      %dma_wait3A_209 = arith.constant 0 : i32
      %dma_wait3A_210 = tpu.memref_slice %arg8[%dma_wait3A, %dma_wait3A_209] : memref<2x128xi32, #tpu.memory_space<vmem>> -> memref<1x128xi32, #tpu.memory_space<vmem>>
      %dma_wait3A_211 = tpu.memref_squeeze %dma_wait3A_210 : memref<1x128xi32, #tpu.memory_space<vmem>> -> memref<128xi32, #tpu.memory_space<vmem>>
      %dma_wait3A_212 = tpu.memref_slice %arg4[%add3A_137] : memref<320000xi32, #tpu.memory_space<hbm>> -> memref<128xi32, #tpu.memory_space<hbm>>
      %dma_wait3A_213 = arith.constant 0 : i32
      %dma_wait3A_214 = tpu.memref_slice %arg8[%dma_wait3A, %dma_wait3A_213] : memref<2x128xi32, #tpu.memory_space<vmem>> -> memref<1x128xi32, #tpu.memory_space<vmem>>
      %dma_wait3A_215 = tpu.memref_squeeze %dma_wait3A_214 : memref<1x128xi32, #tpu.memory_space<vmem>> -> memref<128xi32, #tpu.memory_space<vmem>>
      %dma_wait3A_216 = tpu.memref_slice %arg4[%add3A_137] : memref<320000xi32, #tpu.memory_space<hbm>> -> memref<128xi32, #tpu.memory_space<hbm>>
      tpu.wait_dma2 semaphore(%arg13 : memref<!tpu.dma_semaphore, #tpu.memory_space<semaphore_mem>>) src(%dma_wait3A_216 : memref<128xi32, #tpu.memory_space<hbm>>) dst(%dma_wait3A_215 : memref<128xi32, #tpu.memory_space<vmem>>)
      %dma_wait3A_217 = arith.constant 0 : i32
      %dma_wait3A_218 = arith.constant 0 : i32
      %dma_wait3A_219 = arith.constant 0 : i32
      %dma_wait3A_220 = tpu.memref_slice %arg9[%dma_wait3A_217, %dma_wait3A_218, %dma_wait3A_219] : memref<2x128x128xf32, #tpu.memory_space<vmem>> -> memref<1x128x128xf32, #tpu.memory_space<vmem>>
      %dma_wait3A_221 = tpu.memref_squeeze %dma_wait3A_220 : memref<1x128x128xf32, #tpu.memory_space<vmem>> -> memref<128x128xf32, #tpu.memory_space<vmem>>
      %dma_wait3A_222 = arith.constant 0 : i32
      %dma_wait3A_223 = tpu.memref_slice %arg2[%multiple_of3A_135, %dma_wait3A_222] : memref<160000x128xf32, #tpu.memory_space<hbm>> -> memref<128x128xf32, #tpu.memory_space<hbm>>
      %dma_wait3A_224 = arith.constant 0 : i32
      %dma_wait3A_225 = arith.constant 0 : i32
      %dma_wait3A_226 = tpu.memref_slice %arg9[%dma_wait3A_217, %dma_wait3A_224, %dma_wait3A_225] : memref<2x128x128xf32, #tpu.memory_space<vmem>> -> memref<1x128x128xf32, #tpu.memory_space<vmem>>
      %dma_wait3A_227 = tpu.memref_squeeze %dma_wait3A_226 : memref<1x128x128xf32, #tpu.memory_space<vmem>> -> memref<128x128xf32, #tpu.memory_space<vmem>>
      %dma_wait3A_228 = arith.constant 0 : i32
      %dma_wait3A_229 = tpu.memref_slice %arg2[%multiple_of3A_135, %dma_wait3A_228] : memref<160000x128xf32, #tpu.memory_space<hbm>> -> memref<128x128xf32, #tpu.memory_space<hbm>>
      tpu.wait_dma2 semaphore(%arg13 : memref<!tpu.dma_semaphore, #tpu.memory_space<semaphore_mem>>) src(%dma_wait3A_229 : memref<128x128xf32, #tpu.memory_space<hbm>>) dst(%dma_wait3A_227 : memref<128x128xf32, #tpu.memory_space<vmem>>)
      %dma_wait3A_230 = arith.constant 0 : i32
      %dma_wait3A_231 = arith.constant 0 : i32
      %dma_wait3A_232 = tpu.memref_slice %arg10[%dma_wait3A_230, %dma_wait3A_231] : memref<2x128xf32, #tpu.memory_space<vmem>> -> memref<1x128xf32, #tpu.memory_space<vmem>>
      %dma_wait3A_233 = tpu.memref_squeeze %dma_wait3A_232 : memref<1x128xf32, #tpu.memory_space<vmem>> -> memref<128xf32, #tpu.memory_space<vmem>>
      %dma_wait3A_234 = tpu.memref_slice %arg3[%multiple_of3A_135] : memref<160000xf32, #tpu.memory_space<hbm>> -> memref<128xf32, #tpu.memory_space<hbm>>
      %dma_wait3A_235 = arith.constant 0 : i32
      %dma_wait3A_236 = tpu.memref_slice %arg10[%dma_wait3A_230, %dma_wait3A_235] : memref<2x128xf32, #tpu.memory_space<vmem>> -> memref<1x128xf32, #tpu.memory_space<vmem>>
      %dma_wait3A_237 = tpu.memref_squeeze %dma_wait3A_236 : memref<1x128xf32, #tpu.memory_space<vmem>> -> memref<128xf32, #tpu.memory_space<vmem>>
      %dma_wait3A_238 = tpu.memref_slice %arg3[%multiple_of3A_135] : memref<160000xf32, #tpu.memory_space<hbm>> -> memref<128xf32, #tpu.memory_space<hbm>>
      tpu.wait_dma2 semaphore(%arg13 : memref<!tpu.dma_semaphore, #tpu.memory_space<semaphore_mem>>) src(%dma_wait3A_238 : memref<128xf32, #tpu.memory_space<hbm>>) dst(%dma_wait3A_237 : memref<128xf32, #tpu.memory_space<vmem>>)
      %dma_start3A_239 = arith.constant 0 : i32
      %dma_start3A_240 = arith.constant 0 : i32
      %dma_start3A_241 = arith.constant 0 : i32
      %dma_start3A_242 = arith.constant 0 : i32
      %dma_start3A_243 = tpu.memref_slice %arg9[%dma_start3A_239, %dma_start3A_241, %dma_start3A_242] : memref<2x128x128xf32, #tpu.memory_space<vmem>> -> memref<1x128x128xf32, #tpu.memory_space<vmem>>
      %dma_start3A_244 = tpu.memref_squeeze %dma_start3A_243 : memref<1x128x128xf32, #tpu.memory_space<vmem>> -> memref<128x128xf32, #tpu.memory_space<vmem>>
      %dma_start3A_245 = arith.constant 0 : i32
      %dma_start3A_246 = tpu.memref_slice %arg8[%dma_start3A_240, %dma_start3A_245] : memref<2x128xi32, #tpu.memory_space<vmem>> -> memref<1x128xi32, #tpu.memory_space<vmem>>
      %dma_start3A_247 = tpu.memref_squeeze %dma_start3A_246 : memref<1x128xi32, #tpu.memory_space<vmem>> -> memref<128xi32, #tpu.memory_space<vmem>>
      %dma_start3A_248 = arith.constant 0 : i32
      %dma_start3A_249 = arith.constant 0 : i32
      %dma_start3A_250 = tpu.memref_slice %arg12[%dma_start3A_248, %dma_start3A_249] : memref<10000x128xf32, #tpu.memory_space<vmem_shared>> -> memref<10000x128xf32, #tpu.memory_space<vmem_shared>>
      tpu.enqueue_indirect_dma source(%dma_start3A_244 : memref<128x128xf32, #tpu.memory_space<vmem>>) target(%dma_start3A_250 : memref<10000x128xf32, #tpu.memory_space<vmem_shared>>) offsets(%dma_start3A_247 : memref<128xi32, #tpu.memory_space<vmem>>) semaphore(%arg15 : memref<!tpu.dma_semaphore, #tpu.memory_space<semaphore_mem>>) {add = true}
      %get3A_251 = arith.constant 0 : i32
      %get3A_252 = arith.index_cast %get3A_251 : i32 to index
      %get3A_253 = arith.constant 0 : index
      %get3A_254 = tpu.vector_load %arg8[%get3A_252, %get3A_253] {strides = array<i32>} : memref<2x128xi32, #tpu.memory_space<vmem>>, vector<16xi32>,
      %get3A_255 = arith.constant 0 : i32
      %get3A_256 = arith.index_cast %get3A_255 : i32 to index
      %get3A_257 = arith.constant 0 : index
      %get3A_258 = tpu.vector_load %arg10[%get3A_256, %get3A_257] {strides = array<i32>} : memref<2x128xf32, #tpu.memory_space<vmem>>, vector<16xf32>,
      %exp3A_259 = math.exp %get3A_258 : vector<16xf32>
      tpu.vector_store_idx %arg11[%get3A_254], %exp3A_259 {add = true} : memref<10000xf32, #tpu.memory_space<vmem>>[vector<16xi32>], vector<16xf32>,
      %get3A_260 = arith.constant 0 : i32
      %get3A_261 = arith.index_cast %get3A_260 : i32 to index
      %get3A_262 = arith.constant 16 : index
      %get3A_263 = tpu.vector_load %arg8[%get3A_261, %get3A_262] {strides = array<i32>} : memref<2x128xi32, #tpu.memory_space<vmem>>, vector<16xi32>,
      %get3A_264 = arith.constant 0 : i32
      %get3A_265 = arith.index_cast %get3A_264 : i32 to index
      %get3A_266 = arith.constant 16 : index
      %get3A_267 = tpu.vector_load %arg10[%get3A_265, %get3A_266] {strides = array<i32>} : memref<2x128xf32, #tpu.memory_space<vmem>>, vector<16xf32>,
      %exp3A_268 = math.exp %get3A_267 : vector<16xf32>
      tpu.vector_store_idx %arg11[%get3A_263], %exp3A_268 {add = true} : memref<10000xf32, #tpu.memory_space<vmem>>[vector<16xi32>], vector<16xf32>,
      %get3A_269 = arith.constant 0 : i32
      %get3A_270 = arith.index_cast %get3A_269 : i32 to index
      %get3A_271 = arith.constant 32 : index
      %get3A_272 = tpu.vector_load %arg8[%get3A_270, %get3A_271] {strides = array<i32>} : memref<2x128xi32, #tpu.memory_space<vmem>>, vector<16xi32>,
      %get3A_273 = arith.constant 0 : i32
      %get3A_274 = arith.index_cast %get3A_273 : i32 to index
      %get3A_275 = arith.constant 32 : index
      %get3A_276 = tpu.vector_load %arg10[%get3A_274, %get3A_275] {strides = array<i32>} : memref<2x128xf32, #tpu.memory_space<vmem>>, vector<16xf32>,
      %exp3A_277 = math.exp %get3A_276 : vector<16xf32>
      tpu.vector_store_idx %arg11[%get3A_272], %exp3A_277 {add = true} : memref<10000xf32, #tpu.memory_space<vmem>>[vector<16xi32>], vector<16xf32>,
      %get3A_278 = arith.constant 0 : i32
      %get3A_279 = arith.index_cast %get3A_278 : i32 to index
      %get3A_280 = arith.constant 48 : index
      %get3A_281 = tpu.vector_load %arg8[%get3A_279, %get3A_280] {strides = array<i32>} : memref<2x128xi32, #tpu.memory_space<vmem>>, vector<16xi32>,
      %get3A_282 = arith.constant 0 : i32
      %get3A_283 = arith.index_cast %get3A_282 : i32 to index
      %get3A_284 = arith.constant 48 : index
      %get3A_285 = tpu.vector_load %arg10[%get3A_283, %get3A_284] {strides = array<i32>} : memref<2x128xf32, #tpu.memory_space<vmem>>, vector<16xf32>,
      %exp3A_286 = math.exp %get3A_285 : vector<16xf32>
      tpu.vector_store_idx %arg11[%get3A_281], %exp3A_286 {add = true} : memref<10000xf32, #tpu.memory_space<vmem>>[vector<16xi32>], vector<16xf32>,
      %get3A_287 = arith.constant 0 : i32
      %get3A_288 = arith.index_cast %get3A_287 : i32 to index
      %get3A_289 = arith.constant 64 : index
      %get3A_290 = tpu.vector_load %arg8[%get3A_288, %get3A_289] {strides = array<i32>} : memref<2x128xi32, #tpu.memory_space<vmem>>, vector<16xi32>,
      %get3A_291 = arith.constant 0 : i32
      %get3A_292 = arith.index_cast %get3A_291 : i32 to index
      %get3A_293 = arith.constant 64 : index
      %get3A_294 = tpu.vector_load %arg10[%get3A_292, %get3A_293] {strides = array<i32>} : memref<2x128xf32, #tpu.memory_space<vmem>>, vector<16xf32>,
      %exp3A_295 = math.exp %get3A_294 : vector<16xf32>
      tpu.vector_store_idx %arg11[%get3A_290], %exp3A_295 {add = true} : memref<10000xf32, #tpu.memory_space<vmem>>[vector<16xi32>], vector<16xf32>,
      %get3A_296 = arith.constant 0 : i32
      %get3A_297 = arith.index_cast %get3A_296 : i32 to index
      %get3A_298 = arith.constant 80 : index
      %get3A_299 = tpu.vector_load %arg8[%get3A_297, %get3A_298] {strides = array<i32>} : memref<2x128xi32, #tpu.memory_space<vmem>>, vector<16xi32>,
      %get3A_300 = arith.constant 0 : i32
      %get3A_301 = arith.index_cast %get3A_300 : i32 to index
      %get3A_302 = arith.constant 80 : index
      %get3A_303 = tpu.vector_load %arg10[%get3A_301, %get3A_302] {strides = array<i32>} : memref<2x128xf32, #tpu.memory_space<vmem>>, vector<16xf32>,
      %exp3A_304 = math.exp %get3A_303 : vector<16xf32>
      tpu.vector_store_idx %arg11[%get3A_299], %exp3A_304 {add = true} : memref<10000xf32, #tpu.memory_space<vmem>>[vector<16xi32>], vector<16xf32>,
      %get3A_305 = arith.constant 0 : i32
      %get3A_306 = arith.index_cast %get3A_305 : i32 to index
      %get3A_307 = arith.constant 96 : index
      %get3A_308 = tpu.vector_load %arg8[%get3A_306, %get3A_307] {strides = array<i32>} : memref<2x128xi32, #tpu.memory_space<vmem>>, vector<16xi32>,
      %get3A_309 = arith.constant 0 : i32
      %get3A_310 = arith.index_cast %get3A_309 : i32 to index
      %get3A_311 = arith.constant 96 : index
      %get3A_312 = tpu.vector_load %arg10[%get3A_310, %get3A_311] {strides = array<i32>} : memref<2x128xf32, #tpu.memory_space<vmem>>, vector<16xf32>,
      %exp3A_313 = math.exp %get3A_312 : vector<16xf32>
      tpu.vector_store_idx %arg11[%get3A_308], %exp3A_313 {add = true} : memref<10000xf32, #tpu.memory_space<vmem>>[vector<16xi32>], vector<16xf32>,
      %get3A_314 = arith.constant 0 : i32
      %get3A_315 = arith.index_cast %get3A_314 : i32 to index
      %get3A_316 = arith.constant 112 : index
      %get3A_317 = tpu.vector_load %arg8[%get3A_315, %get3A_316] {strides = array<i32>} : memref<2x128xi32, #tpu.memory_space<vmem>>, vector<16xi32>,
      %get3A_318 = arith.constant 0 : i32
      %get3A_319 = arith.index_cast %get3A_318 : i32 to index
      %get3A_320 = arith.constant 112 : index
      %get3A_321 = tpu.vector_load %arg10[%get3A_319, %get3A_320] {strides = array<i32>} : memref<2x128xf32, #tpu.memory_space<vmem>>, vector<16xf32>,
      %exp3A_322 = math.exp %get3A_321 : vector<16xf32>
      tpu.vector_store_idx %arg11[%get3A_317], %exp3A_322 {add = true} : memref<10000xf32, #tpu.memory_space<vmem>>[vector<16xi32>], vector<16xf32>,
      %dma_wait3A_323 = arith.constant 1 : i32
      %dma_wait3A_324 = arith.constant 0 : i32
      %dma_wait3A_325 = tpu.memref_slice %arg8[%dma_wait3A_323, %dma_wait3A_324] : memref<2x128xi32, #tpu.memory_space<vmem>> -> memref<1x128xi32, #tpu.memory_space<vmem>>
      %dma_wait3A_326 = tpu.memref_squeeze %dma_wait3A_325 : memref<1x128xi32, #tpu.memory_space<vmem>> -> memref<128xi32, #tpu.memory_space<vmem>>
      %dma_wait3A_327 = tpu.memref_slice %arg4[%add3A_177] : memref<320000xi32, #tpu.memory_space<hbm>> -> memref<128xi32, #tpu.memory_space<hbm>>
      %dma_wait3A_328 = arith.constant 0 : i32
      %dma_wait3A_329 = tpu.memref_slice %arg8[%dma_wait3A_323, %dma_wait3A_328] : memref<2x128xi32, #tpu.memory_space<vmem>> -> memref<1x128xi32, #tpu.memory_space<vmem>>
      %dma_wait3A_330 = tpu.memref_squeeze %dma_wait3A_329 : memref<1x128xi32, #tpu.memory_space<vmem>> -> memref<128xi32, #tpu.memory_space<vmem>>
      %dma_wait3A_331 = tpu.memref_slice %arg4[%add3A_177] : memref<320000xi32, #tpu.memory_space<hbm>> -> memref<128xi32, #tpu.memory_space<hbm>>
      tpu.wait_dma2 semaphore(%arg14 : memref<!tpu.dma_semaphore, #tpu.memory_space<semaphore_mem>>) src(%dma_wait3A_331 : memref<128xi32, #tpu.memory_space<hbm>>) dst(%dma_wait3A_330 : memref<128xi32, #tpu.memory_space<vmem>>)
      %dma_wait3A_332 = arith.constant 1 : i32
      %dma_wait3A_333 = arith.constant 0 : i32
      %dma_wait3A_334 = arith.constant 0 : i32
      %dma_wait3A_335 = tpu.memref_slice %arg9[%dma_wait3A_332, %dma_wait3A_333, %dma_wait3A_334] : memref<2x128x128xf32, #tpu.memory_space<vmem>> -> memref<1x128x128xf32, #tpu.memory_space<vmem>>
      %dma_wait3A_336 = tpu.memref_squeeze %dma_wait3A_335 : memref<1x128x128xf32, #tpu.memory_space<vmem>> -> memref<128x128xf32, #tpu.memory_space<vmem>>
      %dma_wait3A_337 = arith.constant 0 : i32
      %dma_wait3A_338 = tpu.memref_slice %arg2[%multiple_of3A_175, %dma_wait3A_337] : memref<160000x128xf32, #tpu.memory_space<hbm>> -> memref<128x128xf32, #tpu.memory_space<hbm>>
      %dma_wait3A_339 = arith.constant 0 : i32
      %dma_wait3A_340 = arith.constant 0 : i32
      %dma_wait3A_341 = tpu.memref_slice %arg9[%dma_wait3A_332, %dma_wait3A_339, %dma_wait3A_340] : memref<2x128x128xf32, #tpu.memory_space<vmem>> -> memref<1x128x128xf32, #tpu.memory_space<vmem>>
      %dma_wait3A_342 = tpu.memref_squeeze %dma_wait3A_341 : memref<1x128x128xf32, #tpu.memory_space<vmem>> -> memref<128x128xf32, #tpu.memory_space<vmem>>
      %dma_wait3A_343 = arith.constant 0 : i32
      %dma_wait3A_344 = tpu.memref_slice %arg2[%multiple_of3A_175, %dma_wait3A_343] : memref<160000x128xf32, #tpu.memory_space<hbm>> -> memref<128x128xf32, #tpu.memory_space<hbm>>
      tpu.wait_dma2 semaphore(%arg14 : memref<!tpu.dma_semaphore, #tpu.memory_space<semaphore_mem>>) src(%dma_wait3A_344 : memref<128x128xf32, #tpu.memory_space<hbm>>) dst(%dma_wait3A_342 : memref<128x128xf32, #tpu.memory_space<vmem>>)
      %dma_wait3A_345 = arith.constant 1 : i32
      %dma_wait3A_346 = arith.constant 0 : i32
      %dma_wait3A_347 = tpu.memref_slice %arg10[%dma_wait3A_345, %dma_wait3A_346] : memref<2x128xf32, #tpu.memory_space<vmem>> -> memref<1x128xf32, #tpu.memory_space<vmem>>
      %dma_wait3A_348 = tpu.memref_squeeze %dma_wait3A_347 : memref<1x128xf32, #tpu.memory_space<vmem>> -> memref<128xf32, #tpu.memory_space<vmem>>
      %dma_wait3A_349 = tpu.memref_slice %arg3[%multiple_of3A_175] : memref<160000xf32, #tpu.memory_space<hbm>> -> memref<128xf32, #tpu.memory_space<hbm>>
      %dma_wait3A_350 = arith.constant 0 : i32
      %dma_wait3A_351 = tpu.memref_slice %arg10[%dma_wait3A_345, %dma_wait3A_350] : memref<2x128xf32, #tpu.memory_space<vmem>> -> memref<1x128xf32, #tpu.memory_space<vmem>>
      %dma_wait3A_352 = tpu.memref_squeeze %dma_wait3A_351 : memref<1x128xf32, #tpu.memory_space<vmem>> -> memref<128xf32, #tpu.memory_space<vmem>>
      %dma_wait3A_353 = tpu.memref_slice %arg3[%multiple_of3A_175] : memref<160000xf32, #tpu.memory_space<hbm>> -> memref<128xf32, #tpu.memory_space<hbm>>
      tpu.wait_dma2 semaphore(%arg14 : memref<!tpu.dma_semaphore, #tpu.memory_space<semaphore_mem>>) src(%dma_wait3A_353 : memref<128xf32, #tpu.memory_space<hbm>>) dst(%dma_wait3A_352 : memref<128xf32, #tpu.memory_space<vmem>>)
      %dma_start3A_354 = arith.constant 1 : i32
      %dma_start3A_355 = arith.constant 1 : i32
      %dma_start3A_356 = arith.constant 0 : i32
      %dma_start3A_357 = arith.constant 0 : i32
      %dma_start3A_358 = tpu.memref_slice %arg9[%dma_start3A_354, %dma_start3A_356, %dma_start3A_357] : memref<2x128x128xf32, #tpu.memory_space<vmem>> -> memref<1x128x128xf32, #tpu.memory_space<vmem>>
      %dma_start3A_359 = tpu.memref_squeeze %dma_start3A_358 : memref<1x128x128xf32, #tpu.memory_space<vmem>> -> memref<128x128xf32, #tpu.memory_space<vmem>>
      %dma_start3A_360 = arith.constant 0 : i32
      %dma_start3A_361 = tpu.memref_slice %arg8[%dma_start3A_355, %dma_start3A_360] : memref<2x128xi32, #tpu.memory_space<vmem>> -> memref<1x128xi32, #tpu.memory_space<vmem>>
      %dma_start3A_362 = tpu.memref_squeeze %dma_start3A_361 : memref<1x128xi32, #tpu.memory_space<vmem>> -> memref<128xi32, #tpu.memory_space<vmem>>
      %dma_start3A_363 = arith.constant 0 : i32
      %dma_start3A_364 = arith.constant 0 : i32
      %dma_start3A_365 = tpu.memref_slice %arg12[%dma_start3A_363, %dma_start3A_364] : memref<10000x128xf32, #tpu.memory_space<vmem_shared>> -> memref<10000x128xf32, #tpu.memory_space<vmem_shared>>
      tpu.enqueue_indirect_dma source(%dma_start3A_359 : memref<128x128xf32, #tpu.memory_space<vmem>>) target(%dma_start3A_365 : memref<10000x128xf32, #tpu.memory_space<vmem_shared>>) offsets(%dma_start3A_362 : memref<128xi32, #tpu.memory_space<vmem>>) semaphore(%arg16 : memref<!tpu.dma_semaphore, #tpu.memory_space<semaphore_mem>>) {add = true}
      %get3A_366 = arith.constant 1 : i32
      %get3A_367 = arith.index_cast %get3A_366 : i32 to index
      %get3A_368 = arith.constant 0 : index
      %get3A_369 = tpu.vector_load %arg8[%get3A_367, %get3A_368] {strides = array<i32>} : memref<2x128xi32, #tpu.memory_space<vmem>>, vector<16xi32>,
      %get3A_370 = arith.constant 1 : i32
      %get3A_371 = arith.index_cast %get3A_370 : i32 to index
      %get3A_372 = arith.constant 0 : index
      %get3A_373 = tpu.vector_load %arg10[%get3A_371, %get3A_372] {strides = array<i32>} : memref<2x128xf32, #tpu.memory_space<vmem>>, vector<16xf32>,
      %exp3A_374 = math.exp %get3A_373 : vector<16xf32>
      tpu.vector_store_idx %arg11[%get3A_369], %exp3A_374 {add = true} : memref<10000xf32, #tpu.memory_space<vmem>>[vector<16xi32>], vector<16xf32>,
      %get3A_375 = arith.constant 1 : i32
      %get3A_376 = arith.index_cast %get3A_375 : i32 to index
      %get3A_377 = arith.constant 16 : index
      %get3A_378 = tpu.vector_load %arg8[%get3A_376, %get3A_377] {strides = array<i32>} : memref<2x128xi32, #tpu.memory_space<vmem>>, vector<16xi32>,
      %get3A_379 = arith.constant 1 : i32
      %get3A_380 = arith.index_cast %get3A_379 : i32 to index
      %get3A_381 = arith.constant 16 : index
      %get3A_382 = tpu.vector_load %arg10[%get3A_380, %get3A_381] {strides = array<i32>} : memref<2x128xf32, #tpu.memory_space<vmem>>, vector<16xf32>,
      %exp3A_383 = math.exp %get3A_382 : vector<16xf32>
      tpu.vector_store_idx %arg11[%get3A_378], %exp3A_383 {add = true} : memref<10000xf32, #tpu.memory_space<vmem>>[vector<16xi32>], vector<16xf32>,
      %get3A_384 = arith.constant 1 : i32
      %get3A_385 = arith.index_cast %get3A_384 : i32 to index
      %get3A_386 = arith.constant 32 : index
      %get3A_387 = tpu.vector_load %arg8[%get3A_385, %get3A_386] {strides = array<i32>} : memref<2x128xi32, #tpu.memory_space<vmem>>, vector<16xi32>,
      %get3A_388 = arith.constant 1 : i32
      %get3A_389 = arith.index_cast %get3A_388 : i32 to index
      %get3A_390 = arith.constant 32 : index
      %get3A_391 = tpu.vector_load %arg10[%get3A_389, %get3A_390] {strides = array<i32>} : memref<2x128xf32, #tpu.memory_space<vmem>>, vector<16xf32>,
      %exp3A_392 = math.exp %get3A_391 : vector<16xf32>
      tpu.vector_store_idx %arg11[%get3A_387], %exp3A_392 {add = true} : memref<10000xf32, #tpu.memory_space<vmem>>[vector<16xi32>], vector<16xf32>,
      %get3A_393 = arith.constant 1 : i32
      %get3A_394 = arith.index_cast %get3A_393 : i32 to index
      %get3A_395 = arith.constant 48 : index
      %get3A_396 = tpu.vector_load %arg8[%get3A_394, %get3A_395] {strides = array<i32>} : memref<2x128xi32, #tpu.memory_space<vmem>>, vector<16xi32>,
      %get3A_397 = arith.constant 1 : i32
      %get3A_398 = arith.index_cast %get3A_397 : i32 to index
      %get3A_399 = arith.constant 48 : index
      %get3A_400 = tpu.vector_load %arg10[%get3A_398, %get3A_399] {strides = array<i32>} : memref<2x128xf32, #tpu.memory_space<vmem>>, vector<16xf32>,
      %exp3A_401 = math.exp %get3A_400 : vector<16xf32>
      tpu.vector_store_idx %arg11[%get3A_396], %exp3A_401 {add = true} : memref<10000xf32, #tpu.memory_space<vmem>>[vector<16xi32>], vector<16xf32>,
      %get3A_402 = arith.constant 1 : i32
      %get3A_403 = arith.index_cast %get3A_402 : i32 to index
      %get3A_404 = arith.constant 64 : index
      %get3A_405 = tpu.vector_load %arg8[%get3A_403, %get3A_404] {strides = array<i32>} : memref<2x128xi32, #tpu.memory_space<vmem>>, vector<16xi32>,
      %get3A_406 = arith.constant 1 : i32
      %get3A_407 = arith.index_cast %get3A_406 : i32 to index
      %get3A_408 = arith.constant 64 : index
      %get3A_409 = tpu.vector_load %arg10[%get3A_407, %get3A_408] {strides = array<i32>} : memref<2x128xf32, #tpu.memory_space<vmem>>, vector<16xf32>,
      %exp3A_410 = math.exp %get3A_409 : vector<16xf32>
      tpu.vector_store_idx %arg11[%get3A_405], %exp3A_410 {add = true} : memref<10000xf32, #tpu.memory_space<vmem>>[vector<16xi32>], vector<16xf32>,
      %get3A_411 = arith.constant 1 : i32
      %get3A_412 = arith.index_cast %get3A_411 : i32 to index
      %get3A_413 = arith.constant 80 : index
      %get3A_414 = tpu.vector_load %arg8[%get3A_412, %get3A_413] {strides = array<i32>} : memref<2x128xi32, #tpu.memory_space<vmem>>, vector<16xi32>,
      %get3A_415 = arith.constant 1 : i32
      %get3A_416 = arith.index_cast %get3A_415 : i32 to index
      %get3A_417 = arith.constant 80 : index
      %get3A_418 = tpu.vector_load %arg10[%get3A_416, %get3A_417] {strides = array<i32>} : memref<2x128xf32, #tpu.memory_space<vmem>>, vector<16xf32>,
      %exp3A_419 = math.exp %get3A_418 : vector<16xf32>
      tpu.vector_store_idx %arg11[%get3A_414], %exp3A_419 {add = true} : memref<10000xf32, #tpu.memory_space<vmem>>[vector<16xi32>], vector<16xf32>,
      %get3A_420 = arith.constant 1 : i32
      %get3A_421 = arith.index_cast %get3A_420 : i32 to index
      %get3A_422 = arith.constant 96 : index
      %get3A_423 = tpu.vector_load %arg8[%get3A_421, %get3A_422] {strides = array<i32>} : memref<2x128xi32, #tpu.memory_space<vmem>>, vector<16xi32>,
      %get3A_424 = arith.constant 1 : i32
      %get3A_425 = arith.index_cast %get3A_424 : i32 to index
      %get3A_426 = arith.constant 96 : index
      %get3A_427 = tpu.vector_load %arg10[%get3A_425, %get3A_426] {strides = array<i32>} : memref<2x128xf32, #tpu.memory_space<vmem>>, vector<16xf32>,
      %exp3A_428 = math.exp %get3A_427 : vector<16xf32>
      tpu.vector_store_idx %arg11[%get3A_423], %exp3A_428 {add = true} : memref<10000xf32, #tpu.memory_space<vmem>>[vector<16xi32>], vector<16xf32>,
      %get3A_429 = arith.constant 1 : i32
      %get3A_430 = arith.index_cast %get3A_429 : i32 to index
      %get3A_431 = arith.constant 112 : index
      %get3A_432 = tpu.vector_load %arg8[%get3A_430, %get3A_431] {strides = array<i32>} : memref<2x128xi32, #tpu.memory_space<vmem>>, vector<16xi32>,
      %get3A_433 = arith.constant 1 : i32
      %get3A_434 = arith.index_cast %get3A_433 : i32 to index
      %get3A_435 = arith.constant 112 : index
      %get3A_436 = tpu.vector_load %arg10[%get3A_434, %get3A_435] {strides = array<i32>} : memref<2x128xf32, #tpu.memory_space<vmem>>, vector<16xf32>,
      %exp3A_437 = math.exp %get3A_436 : vector<16xf32>
      tpu.vector_store_idx %arg11[%get3A_432], %exp3A_437 {add = true} : memref<10000xf32, #tpu.memory_space<vmem>>[vector<16xi32>], vector<16xf32>,
      %dma_wait3A_438 = arith.constant 0 : i32
      %dma_wait3A_439 = arith.constant 0 : i32
      %dma_wait3A_440 = arith.constant 0 : i32
      %dma_wait3A_441 = arith.constant 0 : i32
      %dma_wait3A_442 = tpu.memref_slice %arg9[%dma_wait3A_438, %dma_wait3A_440, %dma_wait3A_441] : memref<2x128x128xf32, #tpu.memory_space<vmem>> -> memref<1x128x128xf32, #tpu.memory_space<vmem>>
      %dma_wait3A_443 = tpu.memref_squeeze %dma_wait3A_442 : memref<1x128x128xf32, #tpu.memory_space<vmem>> -> memref<128x128xf32, #tpu.memory_space<vmem>>
      %dma_wait3A_444 = arith.constant 0 : i32
      %dma_wait3A_445 = tpu.memref_slice %arg8[%dma_wait3A_439, %dma_wait3A_444] : memref<2x128xi32, #tpu.memory_space<vmem>> -> memref<1x128xi32, #tpu.memory_space<vmem>>
      %dma_wait3A_446 = tpu.memref_squeeze %dma_wait3A_445 : memref<1x128xi32, #tpu.memory_space<vmem>> -> memref<128xi32, #tpu.memory_space<vmem>>
      %dma_wait3A_447 = arith.constant 0 : i32
      %dma_wait3A_448 = arith.constant 0 : i32
      %dma_wait3A_449 = tpu.memref_slice %arg12[%dma_wait3A_447, %dma_wait3A_448] : memref<10000x128xf32, #tpu.memory_space<vmem_shared>> -> memref<10000x128xf32, #tpu.memory_space<vmem_shared>>
      tpu.wait_indirect_dma semaphore(%arg15 : memref<!tpu.dma_semaphore, #tpu.memory_space<semaphore_mem>>) src(%dma_wait3A_443 : memref<128x128xf32, #tpu.memory_space<vmem>>) dst(%dma_wait3A_449 : memref<10000x128xf32, #tpu.memory_space<vmem_shared>>)
      %dma_wait3A_450 = arith.constant 1 : i32
      %dma_wait3A_451 = arith.constant 1 : i32
      %dma_wait3A_452 = arith.constant 0 : i32
      %dma_wait3A_453 = arith.constant 0 : i32
      %dma_wait3A_454 = tpu.memref_slice %arg9[%dma_wait3A_450, %dma_wait3A_452, %dma_wait3A_453] : memref<2x128x128xf32, #tpu.memory_space<vmem>> -> memref<1x128x128xf32, #tpu.memory_space<vmem>>
      %dma_wait3A_455 = tpu.memref_squeeze %dma_wait3A_454 : memref<1x128x128xf32, #tpu.memory_space<vmem>> -> memref<128x128xf32, #tpu.memory_space<vmem>>
      %dma_wait3A_456 = arith.constant 0 : i32
      %dma_wait3A_457 = tpu.memref_slice %arg8[%dma_wait3A_451, %dma_wait3A_456] : memref<2x128xi32, #tpu.memory_space<vmem>> -> memref<1x128xi32, #tpu.memory_space<vmem>>
      %dma_wait3A_458 = tpu.memref_squeeze %dma_wait3A_457 : memref<1x128xi32, #tpu.memory_space<vmem>> -> memref<128xi32, #tpu.memory_space<vmem>>
      %dma_wait3A_459 = arith.constant 0 : i32
      %dma_wait3A_460 = arith.constant 0 : i32
      %dma_wait3A_461 = tpu.memref_slice %arg12[%dma_wait3A_459, %dma_wait3A_460] : memref<10000x128xf32, #tpu.memory_space<vmem_shared>> -> memref<10000x128xf32, #tpu.memory_space<vmem_shared>>
      tpu.wait_indirect_dma semaphore(%arg16 : memref<!tpu.dma_semaphore, #tpu.memory_space<semaphore_mem>>) src(%dma_wait3A_455 : memref<128x128xf32, #tpu.memory_space<vmem>>) dst(%dma_wait3A_461 : memref<10000x128xf32, #tpu.memory_space<vmem_shared>>)
      %scan3A_462 = arith.constant 0 : i32
      scf.yield %scan3A_462 : i32
    }
    %scan3A_28 = arith.constant 19 : i32
    %add3A_29 = arith.constant 4864 : i32
    %add3A_30 = arith.addi %mul3A_21, %add3A_29 : i32
    %multiple_of3A_31 = tpu.assume_multiple %add3A_30, 128 : i32
    %add3A_32 = arith.constant 0 : i32
    %add3A_33 = arith.addi %add3A_32, %multiple_of3A_31 : i32
    %run_scoped3A = arith.constant 0 : i32
    "tpu.region"() ({
      %run_scoped3A_126 = tpu.sem_alloc : memref<!tpu.dma_semaphore, #tpu.memory_space<semaphore_mem>>
      %dma_start3A = arith.constant 0 : i32
      %dma_start3A_127 = tpu.memref_slice %arg8[%run_scoped3A, %dma_start3A] : memref<2x128xi32, #tpu.memory_space<vmem>> -> memref<1x128xi32, #tpu.memory_space<vmem>>
      %dma_start3A_128 = tpu.memref_squeeze %dma_start3A_127 : memref<1x128xi32, #tpu.memory_space<vmem>> -> memref<128xi32, #tpu.memory_space<vmem>>
      %dma_start3A_129 = tpu.memref_slice %arg4[%add3A_33] : memref<320000xi32, #tpu.memory_space<hbm>> -> memref<128xi32, #tpu.memory_space<hbm>>
      %dma_start3A_130 = arith.constant 0 : i32
      %dma_start3A_131 = tpu.memref_slice %arg8[%run_scoped3A, %dma_start3A_130] : memref<2x128xi32, #tpu.memory_space<vmem>> -> memref<1x128xi32, #tpu.memory_space<vmem>>
      %dma_start3A_132 = tpu.memref_squeeze %dma_start3A_131 : memref<1x128xi32, #tpu.memory_space<vmem>> -> memref<128xi32, #tpu.memory_space<vmem>>
      %dma_start3A_133 = tpu.memref_slice %arg4[%add3A_33] : memref<320000xi32, #tpu.memory_space<hbm>> -> memref<128xi32, #tpu.memory_space<hbm>>
      tpu.enqueue_dma source(%dma_start3A_133 : memref<128xi32, #tpu.memory_space<hbm>>) target(%dma_start3A_132 : memref<128xi32, #tpu.memory_space<vmem>>) target_semaphore(%run_scoped3A_126 : memref<!tpu.dma_semaphore, #tpu.memory_space<semaphore_mem>>)
      %dma_wait3A = arith.constant 0 : i32
      %dma_wait3A_134 = tpu.memref_slice %arg8[%run_scoped3A, %dma_wait3A] : memref<2x128xi32, #tpu.memory_space<vmem>> -> memref<1x128xi32, #tpu.memory_space<vmem>>
      %dma_wait3A_135 = tpu.memref_squeeze %dma_wait3A_134 : memref<1x128xi32, #tpu.memory_space<vmem>> -> memref<128xi32, #tpu.memory_space<vmem>>
      %dma_wait3A_136 = tpu.memref_slice %arg4[%add3A_33] : memref<320000xi32, #tpu.memory_space<hbm>> -> memref<128xi32, #tpu.memory_space<hbm>>
      %dma_wait3A_137 = arith.constant 0 : i32
      %dma_wait3A_138 = tpu.memref_slice %arg8[%run_scoped3A, %dma_wait3A_137] : memref<2x128xi32, #tpu.memory_space<vmem>> -> memref<1x128xi32, #tpu.memory_space<vmem>>
      %dma_wait3A_139 = tpu.memref_squeeze %dma_wait3A_138 : memref<1x128xi32, #tpu.memory_space<vmem>> -> memref<128xi32, #tpu.memory_space<vmem>>
      %dma_wait3A_140 = tpu.memref_slice %arg4[%add3A_33] : memref<320000xi32, #tpu.memory_space<hbm>> -> memref<128xi32, #tpu.memory_space<hbm>>
      tpu.wait_dma2 semaphore(%run_scoped3A_126 : memref<!tpu.dma_semaphore, #tpu.memory_space<semaphore_mem>>) src(%dma_wait3A_140 : memref<128xi32, #tpu.memory_space<hbm>>) dst(%dma_wait3A_139 : memref<128xi32, #tpu.memory_space<vmem>>)
      tpu.yield
    }) : () -> ()
    %run_scoped3A_34 = arith.constant 0 : i32
    "tpu.region"() ({
      %run_scoped3A_126 = tpu.sem_alloc : memref<!tpu.dma_semaphore, #tpu.memory_space<semaphore_mem>>
      %dma_start3A = arith.constant 0 : i32
      %dma_start3A_127 = arith.constant 0 : i32
      %dma_start3A_128 = tpu.memref_slice %arg9[%run_scoped3A_34, %dma_start3A, %dma_start3A_127] : memref<2x128x128xf32, #tpu.memory_space<vmem>> -> memref<1x128x128xf32, #tpu.memory_space<vmem>>
      %dma_start3A_129 = tpu.memref_squeeze %dma_start3A_128 : memref<1x128x128xf32, #tpu.memory_space<vmem>> -> memref<128x128xf32, #tpu.memory_space<vmem>>
      %dma_start3A_130 = arith.constant 0 : i32
      %dma_start3A_131 = tpu.memref_slice %arg2[%multiple_of3A_31, %dma_start3A_130] : memref<160000x128xf32, #tpu.memory_space<hbm>> -> memref<128x128xf32, #tpu.memory_space<hbm>>
      %dma_start3A_132 = arith.constant 0 : i32
      %dma_start3A_133 = arith.constant 0 : i32
      %dma_start3A_134 = tpu.memref_slice %arg9[%run_scoped3A_34, %dma_start3A_132, %dma_start3A_133] : memref<2x128x128xf32, #tpu.memory_space<vmem>> -> memref<1x128x128xf32, #tpu.memory_space<vmem>>
      %dma_start3A_135 = tpu.memref_squeeze %dma_start3A_134 : memref<1x128x128xf32, #tpu.memory_space<vmem>> -> memref<128x128xf32, #tpu.memory_space<vmem>>
      %dma_start3A_136 = arith.constant 0 : i32
      %dma_start3A_137 = tpu.memref_slice %arg2[%multiple_of3A_31, %dma_start3A_136] : memref<160000x128xf32, #tpu.memory_space<hbm>> -> memref<128x128xf32, #tpu.memory_space<hbm>>
      tpu.enqueue_dma source(%dma_start3A_137 : memref<128x128xf32, #tpu.memory_space<hbm>>) target(%dma_start3A_135 : memref<128x128xf32, #tpu.memory_space<vmem>>) target_semaphore(%run_scoped3A_126 : memref<!tpu.dma_semaphore, #tpu.memory_space<semaphore_mem>>)
      %dma_wait3A = arith.constant 0 : i32
      %dma_wait3A_138 = arith.constant 0 : i32
      %dma_wait3A_139 = tpu.memref_slice %arg9[%run_scoped3A_34, %dma_wait3A, %dma_wait3A_138] : memref<2x128x128xf32, #tpu.memory_space<vmem>> -> memref<1x128x128xf32, #tpu.memory_space<vmem>>
      %dma_wait3A_140 = tpu.memref_squeeze %dma_wait3A_139 : memref<1x128x128xf32, #tpu.memory_space<vmem>> -> memref<128x128xf32, #tpu.memory_space<vmem>>
      %dma_wait3A_141 = arith.constant 0 : i32
      %dma_wait3A_142 = tpu.memref_slice %arg2[%multiple_of3A_31, %dma_wait3A_141] : memref<160000x128xf32, #tpu.memory_space<hbm>> -> memref<128x128xf32, #tpu.memory_space<hbm>>
      %dma_wait3A_143 = arith.constant 0 : i32
      %dma_wait3A_144 = arith.constant 0 : i32
      %dma_wait3A_145 = tpu.memref_slice %arg9[%run_scoped3A_34, %dma_wait3A_143, %dma_wait3A_144] : memref<2x128x128xf32, #tpu.memory_space<vmem>> -> memref<1x128x128xf32, #tpu.memory_space<vmem>>
      %dma_wait3A_146 = tpu.memref_squeeze %dma_wait3A_145 : memref<1x128x128xf32, #tpu.memory_space<vmem>> -> memref<128x128xf32, #tpu.memory_space<vmem>>
      %dma_wait3A_147 = arith.constant 0 : i32
      %dma_wait3A_148 = tpu.memref_slice %arg2[%multiple_of3A_31, %dma_wait3A_147] : memref<160000x128xf32, #tpu.memory_space<hbm>> -> memref<128x128xf32, #tpu.memory_space<hbm>>
      tpu.wait_dma2 semaphore(%run_scoped3A_126 : memref<!tpu.dma_semaphore, #tpu.memory_space<semaphore_mem>>) src(%dma_wait3A_148 : memref<128x128xf32, #tpu.memory_space<hbm>>) dst(%dma_wait3A_146 : memref<128x128xf32, #tpu.memory_space<vmem>>)
      tpu.yield
    }) : () -> ()
    %run_scoped3A_35 = arith.constant 0 : i32
    "tpu.region"() ({
      %run_scoped3A_126 = tpu.sem_alloc : memref<!tpu.dma_semaphore, #tpu.memory_space<semaphore_mem>>
      %dma_start3A = arith.constant 0 : i32
      %dma_start3A_127 = tpu.memref_slice %arg10[%run_scoped3A_35, %dma_start3A] : memref<2x128xf32, #tpu.memory_space<vmem>> -> memref<1x128xf32, #tpu.memory_space<vmem>>
      %dma_start3A_128 = tpu.memref_squeeze %dma_start3A_127 : memref<1x128xf32, #tpu.memory_space<vmem>> -> memref<128xf32, #tpu.memory_space<vmem>>
      %dma_start3A_129 = tpu.memref_slice %arg3[%multiple_of3A_31] : memref<160000xf32, #tpu.memory_space<hbm>> -> memref<128xf32, #tpu.memory_space<hbm>>
      %dma_start3A_130 = arith.constant 0 : i32
      %dma_start3A_131 = tpu.memref_slice %arg10[%run_scoped3A_35, %dma_start3A_130] : memref<2x128xf32, #tpu.memory_space<vmem>> -> memref<1x128xf32, #tpu.memory_space<vmem>>
      %dma_start3A_132 = tpu.memref_squeeze %dma_start3A_131 : memref<1x128xf32, #tpu.memory_space<vmem>> -> memref<128xf32, #tpu.memory_space<vmem>>
      %dma_start3A_133 = tpu.memref_slice %arg3[%multiple_of3A_31] : memref<160000xf32, #tpu.memory_space<hbm>> -> memref<128xf32, #tpu.memory_space<hbm>>
      tpu.enqueue_dma source(%dma_start3A_133 : memref<128xf32, #tpu.memory_space<hbm>>) target(%dma_start3A_132 : memref<128xf32, #tpu.memory_space<vmem>>) target_semaphore(%run_scoped3A_126 : memref<!tpu.dma_semaphore, #tpu.memory_space<semaphore_mem>>)
      %dma_wait3A = arith.constant 0 : i32
      %dma_wait3A_134 = tpu.memref_slice %arg10[%run_scoped3A_35, %dma_wait3A] : memref<2x128xf32, #tpu.memory_space<vmem>> -> memref<1x128xf32, #tpu.memory_space<vmem>>
      %dma_wait3A_135 = tpu.memref_squeeze %dma_wait3A_134 : memref<1x128xf32, #tpu.memory_space<vmem>> -> memref<128xf32, #tpu.memory_space<vmem>>
      %dma_wait3A_136 = tpu.memref_slice %arg3[%multiple_of3A_31] : memref<160000xf32, #tpu.memory_space<hbm>> -> memref<128xf32, #tpu.memory_space<hbm>>
      %dma_wait3A_137 = arith.constant 0 : i32
      %dma_wait3A_138 = tpu.memref_slice %arg10[%run_scoped3A_35, %dma_wait3A_137] : memref<2x128xf32, #tpu.memory_space<vmem>> -> memref<1x128xf32, #tpu.memory_space<vmem>>
      %dma_wait3A_139 = tpu.memref_squeeze %dma_wait3A_138 : memref<1x128xf32, #tpu.memory_space<vmem>> -> memref<128xf32, #tpu.memory_space<vmem>>
      %dma_wait3A_140 = tpu.memref_slice %arg3[%multiple_of3A_31] : memref<160000xf32, #tpu.memory_space<hbm>> -> memref<128xf32, #tpu.memory_space<hbm>>
      tpu.wait_dma2 semaphore(%run_scoped3A_126 : memref<!tpu.dma_semaphore, #tpu.memory_space<semaphore_mem>>) src(%dma_wait3A_140 : memref<128xf32, #tpu.memory_space<hbm>>) dst(%dma_wait3A_139 : memref<128xf32, #tpu.memory_space<vmem>>)
      tpu.yield
    }) : () -> ()
    %run_scoped3A_36 = arith.constant 0 : i32
    %run_scoped3A_37 = arith.constant 0 : i32
    "tpu.region"() ({
      %run_scoped3A_126 = tpu.sem_alloc : memref<!tpu.dma_semaphore, #tpu.memory_space<semaphore_mem>>
      %dma_start3A = arith.constant 0 : i32
      %dma_start3A_127 = arith.constant 0 : i32
      %dma_start3A_128 = tpu.memref_slice %arg9[%run_scoped3A_36, %dma_start3A, %dma_start3A_127] : memref<2x128x128xf32, #tpu.memory_space<vmem>> -> memref<1x128x128xf32, #tpu.memory_space<vmem>>
      %dma_start3A_129 = tpu.memref_squeeze %dma_start3A_128 : memref<1x128x128xf32, #tpu.memory_space<vmem>> -> memref<128x128xf32, #tpu.memory_space<vmem>>
      %dma_start3A_130 = arith.constant 0 : i32
      %dma_start3A_131 = tpu.memref_slice %arg8[%run_scoped3A_37, %dma_start3A_130] : memref<2x128xi32, #tpu.memory_space<vmem>> -> memref<1x128xi32, #tpu.memory_space<vmem>>
      %dma_start3A_132 = tpu.memref_squeeze %dma_start3A_131 : memref<1x128xi32, #tpu.memory_space<vmem>> -> memref<128xi32, #tpu.memory_space<vmem>>
      %dma_start3A_133 = arith.constant 0 : i32
      %dma_start3A_134 = arith.constant 0 : i32
      %dma_start3A_135 = tpu.memref_slice %arg12[%dma_start3A_133, %dma_start3A_134] : memref<10000x128xf32, #tpu.memory_space<vmem_shared>> -> memref<10000x128xf32, #tpu.memory_space<vmem_shared>>
      tpu.enqueue_indirect_dma source(%dma_start3A_129 : memref<128x128xf32, #tpu.memory_space<vmem>>) target(%dma_start3A_135 : memref<10000x128xf32, #tpu.memory_space<vmem_shared>>) offsets(%dma_start3A_132 : memref<128xi32, #tpu.memory_space<vmem>>) semaphore(%run_scoped3A_126 : memref<!tpu.dma_semaphore, #tpu.memory_space<semaphore_mem>>) {add = true}
      %dma_wait3A = arith.constant 0 : i32
      %dma_wait3A_136 = arith.constant 0 : i32
      %dma_wait3A_137 = tpu.memref_slice %arg9[%run_scoped3A_36, %dma_wait3A, %dma_wait3A_136] : memref<2x128x128xf32, #tpu.memory_space<vmem>> -> memref<1x128x128xf32, #tpu.memory_space<vmem>>
      %dma_wait3A_138 = tpu.memref_squeeze %dma_wait3A_137 : memref<1x128x128xf32, #tpu.memory_space<vmem>> -> memref<128x128xf32, #tpu.memory_space<vmem>>
      %dma_wait3A_139 = arith.constant 0 : i32
      %dma_wait3A_140 = tpu.memref_slice %arg8[%run_scoped3A_37, %dma_wait3A_139] : memref<2x128xi32, #tpu.memory_space<vmem>> -> memref<1x128xi32, #tpu.memory_space<vmem>>
      %dma_wait3A_141 = tpu.memref_squeeze %dma_wait3A_140 : memref<1x128xi32, #tpu.memory_space<vmem>> -> memref<128xi32, #tpu.memory_space<vmem>>
      %dma_wait3A_142 = arith.constant 0 : i32
      %dma_wait3A_143 = arith.constant 0 : i32
      %dma_wait3A_144 = tpu.memref_slice %arg12[%dma_wait3A_142, %dma_wait3A_143] : memref<10000x128xf32, #tpu.memory_space<vmem_shared>> -> memref<10000x128xf32, #tpu.memory_space<vmem_shared>>
      tpu.wait_indirect_dma semaphore(%run_scoped3A_126 : memref<!tpu.dma_semaphore, #tpu.memory_space<semaphore_mem>>) src(%dma_wait3A_138 : memref<128x128xf32, #tpu.memory_space<vmem>>) dst(%dma_wait3A_144 : memref<10000x128xf32, #tpu.memory_space<vmem_shared>>)
      tpu.yield
    }) : () -> ()
    %get3A = arith.constant 0 : i32
    %get3A_38 = arith.index_cast %get3A : i32 to index
    %get3A_39 = arith.constant 0 : index
    %get3A_40 = tpu.vector_load %arg8[%get3A_38, %get3A_39] {strides = array<i32>} : memref<2x128xi32, #tpu.memory_space<vmem>>, vector<16xi32>,
    %get3A_41 = arith.constant 0 : i32
    %get3A_42 = arith.index_cast %get3A_41 : i32 to index
    %get3A_43 = arith.constant 0 : index
    %get3A_44 = tpu.vector_load %arg10[%get3A_42, %get3A_43] {strides = array<i32>} : memref<2x128xf32, #tpu.memory_space<vmem>>, vector<16xf32>,
    %exp3A = math.exp %get3A_44 : vector<16xf32>
    tpu.vector_store_idx %arg11[%get3A_40], %exp3A {add = true} : memref<10000xf32, #tpu.memory_space<vmem>>[vector<16xi32>], vector<16xf32>,
    %get3A_45 = arith.constant 0 : i32
    %get3A_46 = arith.index_cast %get3A_45 : i32 to index
    %get3A_47 = arith.constant 16 : index
    %get3A_48 = tpu.vector_load %arg8[%get3A_46, %get3A_47] {strides = array<i32>} : memref<2x128xi32, #tpu.memory_space<vmem>>, vector<16xi32>,
    %get3A_49 = arith.constant 0 : i32
    %get3A_50 = arith.index_cast %get3A_49 : i32 to index
    %get3A_51 = arith.constant 16 : index
    %get3A_52 = tpu.vector_load %arg10[%get3A_50, %get3A_51] {strides = array<i32>} : memref<2x128xf32, #tpu.memory_space<vmem>>, vector<16xf32>,
    %exp3A_53 = math.exp %get3A_52 : vector<16xf32>
    tpu.vector_store_idx %arg11[%get3A_48], %exp3A_53 {add = true} : memref<10000xf32, #tpu.memory_space<vmem>>[vector<16xi32>], vector<16xf32>,
    %get3A_54 = arith.constant 0 : i32
    %get3A_55 = arith.index_cast %get3A_54 : i32 to index
    %get3A_56 = arith.constant 32 : index
    %get3A_57 = tpu.vector_load %arg8[%get3A_55, %get3A_56] {strides = array<i32>} : memref<2x128xi32, #tpu.memory_space<vmem>>, vector<16xi32>,
    %get3A_58 = arith.constant 0 : i32
    %get3A_59 = arith.index_cast %get3A_58 : i32 to index
    %get3A_60 = arith.constant 32 : index
    %get3A_61 = tpu.vector_load %arg10[%get3A_59, %get3A_60] {strides = array<i32>} : memref<2x128xf32, #tpu.memory_space<vmem>>, vector<16xf32>,
    %exp3A_62 = math.exp %get3A_61 : vector<16xf32>
    tpu.vector_store_idx %arg11[%get3A_57], %exp3A_62 {add = true} : memref<10000xf32, #tpu.memory_space<vmem>>[vector<16xi32>], vector<16xf32>,
    %get3A_63 = arith.constant 0 : i32
    %get3A_64 = arith.index_cast %get3A_63 : i32 to index
    %get3A_65 = arith.constant 48 : index
    %get3A_66 = tpu.vector_load %arg8[%get3A_64, %get3A_65] {strides = array<i32>} : memref<2x128xi32, #tpu.memory_space<vmem>>, vector<16xi32>,
    %get3A_67 = arith.constant 0 : i32
    %get3A_68 = arith.index_cast %get3A_67 : i32 to index
    %get3A_69 = arith.constant 48 : index
    %get3A_70 = tpu.vector_load %arg10[%get3A_68, %get3A_69] {strides = array<i32>} : memref<2x128xf32, #tpu.memory_space<vmem>>, vector<16xf32>,
    %exp3A_71 = math.exp %get3A_70 : vector<16xf32>
    tpu.vector_store_idx %arg11[%get3A_66], %exp3A_71 {add = true} : memref<10000xf32, #tpu.memory_space<vmem>>[vector<16xi32>], vector<16xf32>,
    %get3A_72 = arith.constant 0 : i32
    %get3A_73 = arith.index_cast %get3A_72 : i32 to index
    %get3A_74 = arith.constant 64 : index
    %get3A_75 = tpu.vector_load %arg8[%get3A_73, %get3A_74] {strides = array<i32>} : memref<2x128xi32, #tpu.memory_space<vmem>>, vector<16xi32>,
    %get3A_76 = arith.constant 0 : i32
    %get3A_77 = arith.index_cast %get3A_76 : i32 to index
    %get3A_78 = arith.constant 64 : index
    %get3A_79 = tpu.vector_load %arg10[%get3A_77, %get3A_78] {strides = array<i32>} : memref<2x128xf32, #tpu.memory_space<vmem>>, vector<16xf32>,
    %exp3A_80 = math.exp %get3A_79 : vector<16xf32>
    tpu.vector_store_idx %arg11[%get3A_75], %exp3A_80 {add = true} : memref<10000xf32, #tpu.memory_space<vmem>>[vector<16xi32>], vector<16xf32>,
    %get3A_81 = arith.constant 0 : i32
    %get3A_82 = arith.index_cast %get3A_81 : i32 to index
    %get3A_83 = arith.constant 80 : index
    %get3A_84 = tpu.vector_load %arg8[%get3A_82, %get3A_83] {strides = array<i32>} : memref<2x128xi32, #tpu.memory_space<vmem>>, vector<16xi32>,
    %get3A_85 = arith.constant 0 : i32
    %get3A_86 = arith.index_cast %get3A_85 : i32 to index
    %get3A_87 = arith.constant 80 : index
    %get3A_88 = tpu.vector_load %arg10[%get3A_86, %get3A_87] {strides = array<i32>} : memref<2x128xf32, #tpu.memory_space<vmem>>, vector<16xf32>,
    %exp3A_89 = math.exp %get3A_88 : vector<16xf32>
    tpu.vector_store_idx %arg11[%get3A_84], %exp3A_89 {add = true} : memref<10000xf32, #tpu.memory_space<vmem>>[vector<16xi32>], vector<16xf32>,
    %get3A_90 = arith.constant 0 : i32
    %get3A_91 = arith.index_cast %get3A_90 : i32 to index
    %get3A_92 = arith.constant 96 : index
    %get3A_93 = tpu.vector_load %arg8[%get3A_91, %get3A_92] {strides = array<i32>} : memref<2x128xi32, #tpu.memory_space<vmem>>, vector<16xi32>,
    %get3A_94 = arith.constant 0 : i32
    %get3A_95 = arith.index_cast %get3A_94 : i32 to index
    %get3A_96 = arith.constant 96 : index
    %get3A_97 = tpu.vector_load %arg10[%get3A_95, %get3A_96] {strides = array<i32>} : memref<2x128xf32, #tpu.memory_space<vmem>>, vector<16xf32>,
    %exp3A_98 = math.exp %get3A_97 : vector<16xf32>
    tpu.vector_store_idx %arg11[%get3A_93], %exp3A_98 {add = true} : memref<10000xf32, #tpu.memory_space<vmem>>[vector<16xi32>], vector<16xf32>,
    %get3A_99 = arith.constant 0 : i32
    %get3A_100 = arith.index_cast %get3A_99 : i32 to index
    %get3A_101 = arith.constant 112 : index
    %get3A_102 = tpu.vector_load %arg8[%get3A_100, %get3A_101] {strides = array<i32>} : memref<2x128xi32, #tpu.memory_space<vmem>>, vector<16xi32>,
    %get3A_103 = arith.constant 0 : i32
    %get3A_104 = arith.index_cast %get3A_103 : i32 to index
    %get3A_105 = arith.constant 112 : index
    %get3A_106 = tpu.vector_load %arg10[%get3A_104, %get3A_105] {strides = array<i32>} : memref<2x128xf32, #tpu.memory_space<vmem>>, vector<16xf32>,
    %exp3A_107 = math.exp %get3A_106 : vector<16xf32>
    tpu.vector_store_idx %arg11[%get3A_102], %exp3A_107 {add = true} : memref<10000xf32, #tpu.memory_space<vmem>>[vector<16xi32>], vector<16xf32>,
    %lt3A_108 = arith.constant 1 : i32
    %lt3A_109 = arith.cmpi slt, %arg1, %lt3A_108 : i32
    %convert_element_type3A_110 = arith.extui %lt3A_109 : i1 to i32
    %cond3A_111 = arith.constant 0 : i32
    %cond3A_112 = arith.cmpi ne, %convert_element_type3A_110, %cond3A_111 : i32
    scf.if %cond3A_112 {
      %mul3A_126 = arith.constant 625 : i32
      %mul3A_127 = arith.muli %arg0, %mul3A_126 : i32
      %add3A_128 = arith.constant 624 : i32
      %add3A_129 = arith.addi %mul3A_127, %add3A_128 : i32
      %add3A_130 = arith.addi %add3A_129, %arg1 : i32
      %mul3A_131 = arith.constant 128 : i32
      %mul3A_132 = arith.muli %add3A_130, %mul3A_131 : i32
      %multiple_of3A_133 = tpu.assume_multiple %mul3A_132, 128 : i32
      %add3A_134 = arith.constant 0 : i32
      %add3A_135 = arith.addi %add3A_134, %multiple_of3A_133 : i32
      %run_scoped3A_136 = arith.constant 0 : i32
      "tpu.region"() ({
        %run_scoped3A_213 = tpu.sem_alloc : memref<!tpu.dma_semaphore, #tpu.memory_space<semaphore_mem>>
        %dma_start3A = arith.constant 0 : i32
        %dma_start3A_214 = tpu.memref_slice %arg8[%run_scoped3A_136, %dma_start3A] : memref<2x128xi32, #tpu.memory_space<vmem>> -> memref<1x128xi32, #tpu.memory_space<vmem>>
        %dma_start3A_215 = tpu.memref_squeeze %dma_start3A_214 : memref<1x128xi32, #tpu.memory_space<vmem>> -> memref<128xi32, #tpu.memory_space<vmem>>
        %dma_start3A_216 = tpu.memref_slice %arg4[%add3A_135] : memref<320000xi32, #tpu.memory_space<hbm>> -> memref<128xi32, #tpu.memory_space<hbm>>
        %dma_start3A_217 = arith.constant 0 : i32
        %dma_start3A_218 = tpu.memref_slice %arg8[%run_scoped3A_136, %dma_start3A_217] : memref<2x128xi32, #tpu.memory_space<vmem>> -> memref<1x128xi32, #tpu.memory_space<vmem>>
        %dma_start3A_219 = tpu.memref_squeeze %dma_start3A_218 : memref<1x128xi32, #tpu.memory_space<vmem>> -> memref<128xi32, #tpu.memory_space<vmem>>
        %dma_start3A_220 = tpu.memref_slice %arg4[%add3A_135] : memref<320000xi32, #tpu.memory_space<hbm>> -> memref<128xi32, #tpu.memory_space<hbm>>
        tpu.enqueue_dma source(%dma_start3A_220 : memref<128xi32, #tpu.memory_space<hbm>>) target(%dma_start3A_219 : memref<128xi32, #tpu.memory_space<vmem>>) target_semaphore(%run_scoped3A_213 : memref<!tpu.dma_semaphore, #tpu.memory_space<semaphore_mem>>)
        %dma_wait3A = arith.constant 0 : i32
        %dma_wait3A_221 = tpu.memref_slice %arg8[%run_scoped3A_136, %dma_wait3A] : memref<2x128xi32, #tpu.memory_space<vmem>> -> memref<1x128xi32, #tpu.memory_space<vmem>>
        %dma_wait3A_222 = tpu.memref_squeeze %dma_wait3A_221 : memref<1x128xi32, #tpu.memory_space<vmem>> -> memref<128xi32, #tpu.memory_space<vmem>>
        %dma_wait3A_223 = tpu.memref_slice %arg4[%add3A_135] : memref<320000xi32, #tpu.memory_space<hbm>> -> memref<128xi32, #tpu.memory_space<hbm>>
        %dma_wait3A_224 = arith.constant 0 : i32
        %dma_wait3A_225 = tpu.memref_slice %arg8[%run_scoped3A_136, %dma_wait3A_224] : memref<2x128xi32, #tpu.memory_space<vmem>> -> memref<1x128xi32, #tpu.memory_space<vmem>>
        %dma_wait3A_226 = tpu.memref_squeeze %dma_wait3A_225 : memref<1x128xi32, #tpu.memory_space<vmem>> -> memref<128xi32, #tpu.memory_space<vmem>>
        %dma_wait3A_227 = tpu.memref_slice %arg4[%add3A_135] : memref<320000xi32, #tpu.memory_space<hbm>> -> memref<128xi32, #tpu.memory_space<hbm>>
        tpu.wait_dma2 semaphore(%run_scoped3A_213 : memref<!tpu.dma_semaphore, #tpu.memory_space<semaphore_mem>>) src(%dma_wait3A_227 : memref<128xi32, #tpu.memory_space<hbm>>) dst(%dma_wait3A_226 : memref<128xi32, #tpu.memory_space<vmem>>)
        tpu.yield
      }) : () -> ()
      %run_scoped3A_137 = arith.constant 0 : i32
      "tpu.region"() ({
        %run_scoped3A_213 = tpu.sem_alloc : memref<!tpu.dma_semaphore, #tpu.memory_space<semaphore_mem>>
        %dma_start3A = arith.constant 0 : i32
        %dma_start3A_214 = arith.constant 0 : i32
        %dma_start3A_215 = tpu.memref_slice %arg9[%run_scoped3A_137, %dma_start3A, %dma_start3A_214] : memref<2x128x128xf32, #tpu.memory_space<vmem>> -> memref<1x128x128xf32, #tpu.memory_space<vmem>>
        %dma_start3A_216 = tpu.memref_squeeze %dma_start3A_215 : memref<1x128x128xf32, #tpu.memory_space<vmem>> -> memref<128x128xf32, #tpu.memory_space<vmem>>
        %dma_start3A_217 = arith.constant 0 : i32
        %dma_start3A_218 = tpu.memref_slice %arg2[%multiple_of3A_133, %dma_start3A_217] : memref<160000x128xf32, #tpu.memory_space<hbm>> -> memref<128x128xf32, #tpu.memory_space<hbm>>
        %dma_start3A_219 = arith.constant 0 : i32
        %dma_start3A_220 = arith.constant 0 : i32
        %dma_start3A_221 = tpu.memref_slice %arg9[%run_scoped3A_137, %dma_start3A_219, %dma_start3A_220] : memref<2x128x128xf32, #tpu.memory_space<vmem>> -> memref<1x128x128xf32, #tpu.memory_space<vmem>>
        %dma_start3A_222 = tpu.memref_squeeze %dma_start3A_221 : memref<1x128x128xf32, #tpu.memory_space<vmem>> -> memref<128x128xf32, #tpu.memory_space<vmem>>
        %dma_start3A_223 = arith.constant 0 : i32
        %dma_start3A_224 = tpu.memref_slice %arg2[%multiple_of3A_133, %dma_start3A_223] : memref<160000x128xf32, #tpu.memory_space<hbm>> -> memref<128x128xf32, #tpu.memory_space<hbm>>
        tpu.enqueue_dma source(%dma_start3A_224 : memref<128x128xf32, #tpu.memory_space<hbm>>) target(%dma_start3A_222 : memref<128x128xf32, #tpu.memory_space<vmem>>) target_semaphore(%run_scoped3A_213 : memref<!tpu.dma_semaphore, #tpu.memory_space<semaphore_mem>>)
        %dma_wait3A = arith.constant 0 : i32
        %dma_wait3A_225 = arith.constant 0 : i32
        %dma_wait3A_226 = tpu.memref_slice %arg9[%run_scoped3A_137, %dma_wait3A, %dma_wait3A_225] : memref<2x128x128xf32, #tpu.memory_space<vmem>> -> memref<1x128x128xf32, #tpu.memory_space<vmem>>
        %dma_wait3A_227 = tpu.memref_squeeze %dma_wait3A_226 : memref<1x128x128xf32, #tpu.memory_space<vmem>> -> memref<128x128xf32, #tpu.memory_space<vmem>>
        %dma_wait3A_228 = arith.constant 0 : i32
        %dma_wait3A_229 = tpu.memref_slice %arg2[%multiple_of3A_133, %dma_wait3A_228] : memref<160000x128xf32, #tpu.memory_space<hbm>> -> memref<128x128xf32, #tpu.memory_space<hbm>>
        %dma_wait3A_230 = arith.constant 0 : i32
        %dma_wait3A_231 = arith.constant 0 : i32
        %dma_wait3A_232 = tpu.memref_slice %arg9[%run_scoped3A_137, %dma_wait3A_230, %dma_wait3A_231] : memref<2x128x128xf32, #tpu.memory_space<vmem>> -> memref<1x128x128xf32, #tpu.memory_space<vmem>>
        %dma_wait3A_233 = tpu.memref_squeeze %dma_wait3A_232 : memref<1x128x128xf32, #tpu.memory_space<vmem>> -> memref<128x128xf32, #tpu.memory_space<vmem>>
        %dma_wait3A_234 = arith.constant 0 : i32
        %dma_wait3A_235 = tpu.memref_slice %arg2[%multiple_of3A_133, %dma_wait3A_234] : memref<160000x128xf32, #tpu.memory_space<hbm>> -> memref<128x128xf32, #tpu.memory_space<hbm>>
        tpu.wait_dma2 semaphore(%run_scoped3A_213 : memref<!tpu.dma_semaphore, #tpu.memory_space<semaphore_mem>>) src(%dma_wait3A_235 : memref<128x128xf32, #tpu.memory_space<hbm>>) dst(%dma_wait3A_233 : memref<128x128xf32, #tpu.memory_space<vmem>>)
        tpu.yield
      }) : () -> ()
      %run_scoped3A_138 = arith.constant 0 : i32
      "tpu.region"() ({
        %run_scoped3A_213 = tpu.sem_alloc : memref<!tpu.dma_semaphore, #tpu.memory_space<semaphore_mem>>
        %dma_start3A = arith.constant 0 : i32
        %dma_start3A_214 = tpu.memref_slice %arg10[%run_scoped3A_138, %dma_start3A] : memref<2x128xf32, #tpu.memory_space<vmem>> -> memref<1x128xf32, #tpu.memory_space<vmem>>
        %dma_start3A_215 = tpu.memref_squeeze %dma_start3A_214 : memref<1x128xf32, #tpu.memory_space<vmem>> -> memref<128xf32, #tpu.memory_space<vmem>>
        %dma_start3A_216 = tpu.memref_slice %arg3[%multiple_of3A_133] : memref<160000xf32, #tpu.memory_space<hbm>> -> memref<128xf32, #tpu.memory_space<hbm>>
        %dma_start3A_217 = arith.constant 0 : i32
        %dma_start3A_218 = tpu.memref_slice %arg10[%run_scoped3A_138, %dma_start3A_217] : memref<2x128xf32, #tpu.memory_space<vmem>> -> memref<1x128xf32, #tpu.memory_space<vmem>>
        %dma_start3A_219 = tpu.memref_squeeze %dma_start3A_218 : memref<1x128xf32, #tpu.memory_space<vmem>> -> memref<128xf32, #tpu.memory_space<vmem>>
        %dma_start3A_220 = tpu.memref_slice %arg3[%multiple_of3A_133] : memref<160000xf32, #tpu.memory_space<hbm>> -> memref<128xf32, #tpu.memory_space<hbm>>
        tpu.enqueue_dma source(%dma_start3A_220 : memref<128xf32, #tpu.memory_space<hbm>>) target(%dma_start3A_219 : memref<128xf32, #tpu.memory_space<vmem>>) target_semaphore(%run_scoped3A_213 : memref<!tpu.dma_semaphore, #tpu.memory_space<semaphore_mem>>)
        %dma_wait3A = arith.constant 0 : i32
        %dma_wait3A_221 = tpu.memref_slice %arg10[%run_scoped3A_138, %dma_wait3A] : memref<2x128xf32, #tpu.memory_space<vmem>> -> memref<1x128xf32, #tpu.memory_space<vmem>>
        %dma_wait3A_222 = tpu.memref_squeeze %dma_wait3A_221 : memref<1x128xf32, #tpu.memory_space<vmem>> -> memref<128xf32, #tpu.memory_space<vmem>>
        %dma_wait3A_223 = tpu.memref_slice %arg3[%multiple_of3A_133] : memref<160000xf32, #tpu.memory_space<hbm>> -> memref<128xf32, #tpu.memory_space<hbm>>
        %dma_wait3A_224 = arith.constant 0 : i32
        %dma_wait3A_225 = tpu.memref_slice %arg10[%run_scoped3A_138, %dma_wait3A_224] : memref<2x128xf32, #tpu.memory_space<vmem>> -> memref<1x128xf32, #tpu.memory_space<vmem>>
        %dma_wait3A_226 = tpu.memref_squeeze %dma_wait3A_225 : memref<1x128xf32, #tpu.memory_space<vmem>> -> memref<128xf32, #tpu.memory_space<vmem>>
        %dma_wait3A_227 = tpu.memref_slice %arg3[%multiple_of3A_133] : memref<160000xf32, #tpu.memory_space<hbm>> -> memref<128xf32, #tpu.memory_space<hbm>>
        tpu.wait_dma2 semaphore(%run_scoped3A_213 : memref<!tpu.dma_semaphore, #tpu.memory_space<semaphore_mem>>) src(%dma_wait3A_227 : memref<128xf32, #tpu.memory_space<hbm>>) dst(%dma_wait3A_226 : memref<128xf32, #tpu.memory_space<vmem>>)
        tpu.yield
      }) : () -> ()
      %run_scoped3A_139 = arith.constant 0 : i32
      %run_scoped3A_140 = arith.constant 0 : i32
      "tpu.region"() ({
        %run_scoped3A_213 = tpu.sem_alloc : memref<!tpu.dma_semaphore, #tpu.memory_space<semaphore_mem>>
        %dma_start3A = arith.constant 0 : i32
        %dma_start3A_214 = arith.constant 0 : i32
        %dma_start3A_215 = tpu.memref_slice %arg9[%run_scoped3A_139, %dma_start3A, %dma_start3A_214] : memref<2x128x128xf32, #tpu.memory_space<vmem>> -> memref<1x128x128xf32, #tpu.memory_space<vmem>>
        %dma_start3A_216 = tpu.memref_squeeze %dma_start3A_215 : memref<1x128x128xf32, #tpu.memory_space<vmem>> -> memref<128x128xf32, #tpu.memory_space<vmem>>
        %dma_start3A_217 = arith.constant 0 : i32
        %dma_start3A_218 = tpu.memref_slice %arg8[%run_scoped3A_140, %dma_start3A_217] : memref<2x128xi32, #tpu.memory_space<vmem>> -> memref<1x128xi32, #tpu.memory_space<vmem>>
        %dma_start3A_219 = tpu.memref_squeeze %dma_start3A_218 : memref<1x128xi32, #tpu.memory_space<vmem>> -> memref<128xi32, #tpu.memory_space<vmem>>
        %dma_start3A_220 = arith.constant 0 : i32
        %dma_start3A_221 = arith.constant 0 : i32
        %dma_start3A_222 = tpu.memref_slice %arg12[%dma_start3A_220, %dma_start3A_221] : memref<10000x128xf32, #tpu.memory_space<vmem_shared>> -> memref<10000x128xf32, #tpu.memory_space<vmem_shared>>
        tpu.enqueue_indirect_dma source(%dma_start3A_216 : memref<128x128xf32, #tpu.memory_space<vmem>>) target(%dma_start3A_222 : memref<10000x128xf32, #tpu.memory_space<vmem_shared>>) offsets(%dma_start3A_219 : memref<128xi32, #tpu.memory_space<vmem>>) semaphore(%run_scoped3A_213 : memref<!tpu.dma_semaphore, #tpu.memory_space<semaphore_mem>>) {add = true}
        %dma_wait3A = arith.constant 0 : i32
        %dma_wait3A_223 = arith.constant 0 : i32
        %dma_wait3A_224 = tpu.memref_slice %arg9[%run_scoped3A_139, %dma_wait3A, %dma_wait3A_223] : memref<2x128x128xf32, #tpu.memory_space<vmem>> -> memref<1x128x128xf32, #tpu.memory_space<vmem>>
        %dma_wait3A_225 = tpu.memref_squeeze %dma_wait3A_224 : memref<1x128x128xf32, #tpu.memory_space<vmem>> -> memref<128x128xf32, #tpu.memory_space<vmem>>
        %dma_wait3A_226 = arith.constant 0 : i32
        %dma_wait3A_227 = tpu.memref_slice %arg8[%run_scoped3A_140, %dma_wait3A_226] : memref<2x128xi32, #tpu.memory_space<vmem>> -> memref<1x128xi32, #tpu.memory_space<vmem>>
        %dma_wait3A_228 = tpu.memref_squeeze %dma_wait3A_227 : memref<1x128xi32, #tpu.memory_space<vmem>> -> memref<128xi32, #tpu.memory_space<vmem>>
        %dma_wait3A_229 = arith.constant 0 : i32
        %dma_wait3A_230 = arith.constant 0 : i32
        %dma_wait3A_231 = tpu.memref_slice %arg12[%dma_wait3A_229, %dma_wait3A_230] : memref<10000x128xf32, #tpu.memory_space<vmem_shared>> -> memref<10000x128xf32, #tpu.memory_space<vmem_shared>>
        tpu.wait_indirect_dma semaphore(%run_scoped3A_213 : memref<!tpu.dma_semaphore, #tpu.memory_space<semaphore_mem>>) src(%dma_wait3A_225 : memref<128x128xf32, #tpu.memory_space<vmem>>) dst(%dma_wait3A_231 : memref<10000x128xf32, #tpu.memory_space<vmem_shared>>)
        tpu.yield
      }) : () -> ()
      %get3A_141 = arith.constant 0 : i32
      %get3A_142 = arith.index_cast %get3A_141 : i32 to index
      %get3A_143 = arith.constant 0 : index
      %get3A_144 = tpu.vector_load %arg8[%get3A_142, %get3A_143] {strides = array<i32>} : memref<2x128xi32, #tpu.memory_space<vmem>>, vector<16xi32>,
      %get3A_145 = arith.constant 0 : i32
      %get3A_146 = arith.index_cast %get3A_145 : i32 to index
      %get3A_147 = arith.constant 0 : index
      %get3A_148 = tpu.vector_load %arg10[%get3A_146, %get3A_147] {strides = array<i32>} : memref<2x128xf32, #tpu.memory_space<vmem>>, vector<16xf32>,
      %exp3A_149 = math.exp %get3A_148 : vector<16xf32>
      tpu.vector_store_idx %arg11[%get3A_144], %exp3A_149 {add = true} : memref<10000xf32, #tpu.memory_space<vmem>>[vector<16xi32>], vector<16xf32>,
      %get3A_150 = arith.constant 0 : i32
      %get3A_151 = arith.index_cast %get3A_150 : i32 to index
      %get3A_152 = arith.constant 16 : index
      %get3A_153 = tpu.vector_load %arg8[%get3A_151, %get3A_152] {strides = array<i32>} : memref<2x128xi32, #tpu.memory_space<vmem>>, vector<16xi32>,
      %get3A_154 = arith.constant 0 : i32
      %get3A_155 = arith.index_cast %get3A_154 : i32 to index
      %get3A_156 = arith.constant 16 : index
      %get3A_157 = tpu.vector_load %arg10[%get3A_155, %get3A_156] {strides = array<i32>} : memref<2x128xf32, #tpu.memory_space<vmem>>, vector<16xf32>,
      %exp3A_158 = math.exp %get3A_157 : vector<16xf32>
      tpu.vector_store_idx %arg11[%get3A_153], %exp3A_158 {add = true} : memref<10000xf32, #tpu.memory_space<vmem>>[vector<16xi32>], vector<16xf32>,
      %get3A_159 = arith.constant 0 : i32
      %get3A_160 = arith.index_cast %get3A_159 : i32 to index
      %get3A_161 = arith.constant 32 : index
      %get3A_162 = tpu.vector_load %arg8[%get3A_160, %get3A_161] {strides = array<i32>} : memref<2x128xi32, #tpu.memory_space<vmem>>, vector<16xi32>,
      %get3A_163 = arith.constant 0 : i32
      %get3A_164 = arith.index_cast %get3A_163 : i32 to index
      %get3A_165 = arith.constant 32 : index
      %get3A_166 = tpu.vector_load %arg10[%get3A_164, %get3A_165] {strides = array<i32>} : memref<2x128xf32, #tpu.memory_space<vmem>>, vector<16xf32>,
      %exp3A_167 = math.exp %get3A_166 : vector<16xf32>
      tpu.vector_store_idx %arg11[%get3A_162], %exp3A_167 {add = true} : memref<10000xf32, #tpu.memory_space<vmem>>[vector<16xi32>], vector<16xf32>,
      %get3A_168 = arith.constant 0 : i32
      %get3A_169 = arith.index_cast %get3A_168 : i32 to index
      %get3A_170 = arith.constant 48 : index
      %get3A_171 = tpu.vector_load %arg8[%get3A_169, %get3A_170] {strides = array<i32>} : memref<2x128xi32, #tpu.memory_space<vmem>>, vector<16xi32>,
      %get3A_172 = arith.constant 0 : i32
      %get3A_173 = arith.index_cast %get3A_172 : i32 to index
      %get3A_174 = arith.constant 48 : index
      %get3A_175 = tpu.vector_load %arg10[%get3A_173, %get3A_174] {strides = array<i32>} : memref<2x128xf32, #tpu.memory_space<vmem>>, vector<16xf32>,
      %exp3A_176 = math.exp %get3A_175 : vector<16xf32>
      tpu.vector_store_idx %arg11[%get3A_171], %exp3A_176 {add = true} : memref<10000xf32, #tpu.memory_space<vmem>>[vector<16xi32>], vector<16xf32>,
      %get3A_177 = arith.constant 0 : i32
      %get3A_178 = arith.index_cast %get3A_177 : i32 to index
      %get3A_179 = arith.constant 64 : index
      %get3A_180 = tpu.vector_load %arg8[%get3A_178, %get3A_179] {strides = array<i32>} : memref<2x128xi32, #tpu.memory_space<vmem>>, vector<16xi32>,
      %get3A_181 = arith.constant 0 : i32
      %get3A_182 = arith.index_cast %get3A_181 : i32 to index
      %get3A_183 = arith.constant 64 : index
      %get3A_184 = tpu.vector_load %arg10[%get3A_182, %get3A_183] {strides = array<i32>} : memref<2x128xf32, #tpu.memory_space<vmem>>, vector<16xf32>,
      %exp3A_185 = math.exp %get3A_184 : vector<16xf32>
      tpu.vector_store_idx %arg11[%get3A_180], %exp3A_185 {add = true} : memref<10000xf32, #tpu.memory_space<vmem>>[vector<16xi32>], vector<16xf32>,
      %get3A_186 = arith.constant 0 : i32
      %get3A_187 = arith.index_cast %get3A_186 : i32 to index
      %get3A_188 = arith.constant 80 : index
      %get3A_189 = tpu.vector_load %arg8[%get3A_187, %get3A_188] {strides = array<i32>} : memref<2x128xi32, #tpu.memory_space<vmem>>, vector<16xi32>,
      %get3A_190 = arith.constant 0 : i32
      %get3A_191 = arith.index_cast %get3A_190 : i32 to index
      %get3A_192 = arith.constant 80 : index
      %get3A_193 = tpu.vector_load %arg10[%get3A_191, %get3A_192] {strides = array<i32>} : memref<2x128xf32, #tpu.memory_space<vmem>>, vector<16xf32>,
      %exp3A_194 = math.exp %get3A_193 : vector<16xf32>
      tpu.vector_store_idx %arg11[%get3A_189], %exp3A_194 {add = true} : memref<10000xf32, #tpu.memory_space<vmem>>[vector<16xi32>], vector<16xf32>,
      %get3A_195 = arith.constant 0 : i32
      %get3A_196 = arith.index_cast %get3A_195 : i32 to index
      %get3A_197 = arith.constant 96 : index
      %get3A_198 = tpu.vector_load %arg8[%get3A_196, %get3A_197] {strides = array<i32>} : memref<2x128xi32, #tpu.memory_space<vmem>>, vector<16xi32>,
      %get3A_199 = arith.constant 0 : i32
      %get3A_200 = arith.index_cast %get3A_199 : i32 to index
      %get3A_201 = arith.constant 96 : index
      %get3A_202 = tpu.vector_load %arg10[%get3A_200, %get3A_201] {strides = array<i32>} : memref<2x128xf32, #tpu.memory_space<vmem>>, vector<16xf32>,
      %exp3A_203 = math.exp %get3A_202 : vector<16xf32>
      tpu.vector_store_idx %arg11[%get3A_198], %exp3A_203 {add = true} : memref<10000xf32, #tpu.memory_space<vmem>>[vector<16xi32>], vector<16xf32>,
      %get3A_204 = arith.constant 0 : i32
      %get3A_205 = arith.index_cast %get3A_204 : i32 to index
      %get3A_206 = arith.constant 112 : index
      %get3A_207 = tpu.vector_load %arg8[%get3A_205, %get3A_206] {strides = array<i32>} : memref<2x128xi32, #tpu.memory_space<vmem>>, vector<16xi32>,
      %get3A_208 = arith.constant 0 : i32
      %get3A_209 = arith.index_cast %get3A_208 : i32 to index
      %get3A_210 = arith.constant 112 : index
      %get3A_211 = tpu.vector_load %arg10[%get3A_209, %get3A_210] {strides = array<i32>} : memref<2x128xf32, #tpu.memory_space<vmem>>, vector<16xf32>,
      %exp3A_212 = math.exp %get3A_211 : vector<16xf32>
      tpu.vector_store_idx %arg11[%get3A_207], %exp3A_212 {add = true} : memref<10000xf32, #tpu.memory_space<vmem>>[vector<16xi32>], vector<16xf32>,
    } else {
    }
    %barrier3A_113 = arith.constant 0 : index
    tpu.barrier barrier_id(%barrier3A_113)
    %mul3A_114 = arith.constant 10000 : i32
    %mul3A_115 = arith.muli %add3A, %mul3A_114 : i32
    "tpu.region"() ({
      %run_scoped3A_126 = tpu.sem_alloc : memref<!tpu.dma_semaphore, #tpu.memory_space<semaphore_mem>>
      %dma_start3A = tpu.memref_slice %arg7[%mul3A_115] : memref<320000xf32, #tpu.memory_space<hbm>> -> memref<10000xf32, #tpu.memory_space<hbm>>
      %dma_start3A_127 = tpu.memref_slice %arg7[%mul3A_115] : memref<320000xf32, #tpu.memory_space<hbm>> -> memref<10000xf32, #tpu.memory_space<hbm>>
      tpu.enqueue_dma source(%arg11 : memref<10000xf32, #tpu.memory_space<vmem>>) target(%dma_start3A_127 : memref<10000xf32, #tpu.memory_space<hbm>>) target_semaphore(%run_scoped3A_126 : memref<!tpu.dma_semaphore, #tpu.memory_space<semaphore_mem>>)
      %dma_wait3A = tpu.memref_slice %arg7[%mul3A_115] : memref<320000xf32, #tpu.memory_space<hbm>> -> memref<10000xf32, #tpu.memory_space<hbm>>
      %dma_wait3A_128 = tpu.memref_slice %arg7[%mul3A_115] : memref<320000xf32, #tpu.memory_space<hbm>> -> memref<10000xf32, #tpu.memory_space<hbm>>
      tpu.wait_dma2 semaphore(%run_scoped3A_126 : memref<!tpu.dma_semaphore, #tpu.memory_space<semaphore_mem>>) src(%arg11 : memref<10000xf32, #tpu.memory_space<vmem>>) dst(%dma_wait3A_128 : memref<10000xf32, #tpu.memory_space<hbm>>)
      tpu.yield
    }) : () -> ()
    %lt3A_116 = arith.constant 15 : i32
    %lt3A_117 = arith.cmpi slt, %arg1, %lt3A_116 : i32
    %convert_element_type3A_118 = arith.extui %lt3A_117 : i1 to i32
    %cond3A_119 = arith.constant 0 : i32
    %cond3A_120 = arith.cmpi ne, %convert_element_type3A_118, %cond3A_119 : i32
    scf.if %cond3A_120 {
      "tpu.region"() ({
        %run_scoped3A_126 = tpu.sem_alloc : memref<!tpu.dma_semaphore, #tpu.memory_space<semaphore_mem>>
        %dma_start3A = arith.constant 0 : i32
        %dma_start3A_127 = tpu.memref_slice %arg6[%arg0, %multiple_of3A, %dma_start3A] : memref<2x10000x128xf32, #tpu.memory_space<hbm>> -> memref<1x624x128xf32, #tpu.memory_space<hbm>>
        %dma_start3A_128 = tpu.memref_squeeze %dma_start3A_127 : memref<1x624x128xf32, #tpu.memory_space<hbm>> -> memref<624x128xf32, #tpu.memory_space<hbm>>
        %dma_start3A_129 = arith.constant 0 : i32
        %dma_start3A_130 = tpu.memref_slice %arg12[%multiple_of3A, %dma_start3A_129] : memref<10000x128xf32, #tpu.memory_space<vmem_shared>> -> memref<624x128xf32, #tpu.memory_space<vmem_shared>>
        tpu.enqueue_dma source(%dma_start3A_130 : memref<624x128xf32, #tpu.memory_space<vmem_shared>>) target(%dma_start3A_128 : memref<624x128xf32, #tpu.memory_space<hbm>>) target_semaphore(%run_scoped3A_126 : memref<!tpu.dma_semaphore, #tpu.memory_space<semaphore_mem>>)
        %dma_wait3A = arith.constant 0 : i32
        %dma_wait3A_131 = tpu.memref_slice %arg6[%arg0, %multiple_of3A, %dma_wait3A] : memref<2x10000x128xf32, #tpu.memory_space<hbm>> -> memref<1x624x128xf32, #tpu.memory_space<hbm>>
        %dma_wait3A_132 = tpu.memref_squeeze %dma_wait3A_131 : memref<1x624x128xf32, #tpu.memory_space<hbm>> -> memref<624x128xf32, #tpu.memory_space<hbm>>
        %dma_wait3A_133 = arith.constant 0 : i32
        %dma_wait3A_134 = tpu.memref_slice %arg12[%multiple_of3A, %dma_wait3A_133] : memref<10000x128xf32, #tpu.memory_space<vmem_shared>> -> memref<624x128xf32, #tpu.memory_space<vmem_shared>>
        tpu.wait_dma2 semaphore(%run_scoped3A_126 : memref<!tpu.dma_semaphore, #tpu.memory_space<semaphore_mem>>) src(%dma_wait3A_134 : memref<624x128xf32, #tpu.memory_space<vmem_shared>>) dst(%dma_wait3A_132 : memref<624x128xf32, #tpu.memory_space<hbm>>)
        tpu.yield
      }) : () -> ()
    } else {
    }
    %eq3A_121 = arith.constant 15 : i32
    %eq3A_122 = arith.cmpi eq, %arg1, %eq3A_121 : i32
    %convert_element_type3A_123 = arith.extui %eq3A_122 : i1 to i32
    %cond3A_124 = arith.constant 0 : i32
    %cond3A_125 = arith.cmpi ne, %convert_element_type3A_123, %cond3A_124 : i32
    scf.if %cond3A_125 {
      %multiple_of3A_126 = arith.constant 9360 : i32
      %multiple_of3A_127 = tpu.assume_multiple %multiple_of3A_126, 8 : i32
      "tpu.region"() ({
        %run_scoped3A_128 = tpu.sem_alloc : memref<!tpu.dma_semaphore, #tpu.memory_space<semaphore_mem>>
        %dma_start3A = arith.constant 0 : i32
        %dma_start3A_129 = tpu.memref_slice %arg6[%arg0, %multiple_of3A_127, %dma_start3A] : memref<2x10000x128xf32, #tpu.memory_space<hbm>> -> memref<1x640x128xf32, #tpu.memory_space<hbm>>
        %dma_start3A_130 = tpu.memref_squeeze %dma_start3A_129 : memref<1x640x128xf32, #tpu.memory_space<hbm>> -> memref<640x128xf32, #tpu.memory_space<hbm>>
        %dma_start3A_131 = arith.constant 0 : i32
        %dma_start3A_132 = tpu.memref_slice %arg12[%multiple_of3A_127, %dma_start3A_131] : memref<10000x128xf32, #tpu.memory_space<vmem_shared>> -> memref<640x128xf32, #tpu.memory_space<vmem_shared>>
        tpu.enqueue_dma source(%dma_start3A_132 : memref<640x128xf32, #tpu.memory_space<vmem_shared>>) target(%dma_start3A_130 : memref<640x128xf32, #tpu.memory_space<hbm>>) target_semaphore(%run_scoped3A_128 : memref<!tpu.dma_semaphore, #tpu.memory_space<semaphore_mem>>)
        %dma_wait3A = arith.constant 0 : i32
        %dma_wait3A_133 = tpu.memref_slice %arg6[%arg0, %multiple_of3A_127, %dma_wait3A] : memref<2x10000x128xf32, #tpu.memory_space<hbm>> -> memref<1x640x128xf32, #tpu.memory_space<hbm>>
        %dma_wait3A_134 = tpu.memref_squeeze %dma_wait3A_133 : memref<1x640x128xf32, #tpu.memory_space<hbm>> -> memref<640x128xf32, #tpu.memory_space<hbm>>
        %dma_wait3A_135 = arith.constant 0 : i32
        %dma_wait3A_136 = tpu.memref_slice %arg12[%multiple_of3A_127, %dma_wait3A_135] : memref<10000x128xf32, #tpu.memory_space<vmem_shared>> -> memref<640x128xf32, #tpu.memory_space<vmem_shared>>
        tpu.wait_dma2 semaphore(%run_scoped3A_128 : memref<!tpu.dma_semaphore, #tpu.memory_space<semaphore_mem>>) src(%dma_wait3A_136 : memref<640x128xf32, #tpu.memory_space<vmem_shared>>) dst(%dma_wait3A_134 : memref<640x128xf32, #tpu.memory_space<hbm>>)
        tpu.yield
      }) : () -> ()
    } else {
    }
    return
  }
}

#map = affine_map<(d0, d1) -> (0, 0)>
#map1 = affine_map<(d0, d1) -> (0)>
module attributes {stable_mosaic.version = 14 : i64} {
  func.func @_k2_body(%arg0: i32, %arg1: i32, %arg2: memref<10000x128xf32, #tpu.memory_space<hbm>>, %arg3: memref<320000xi32, #tpu.memory_space<hbm>>, %arg4: memref<160000x128xf32, #tpu.memory_space<hbm>>, %arg5: memref<4992xi32, #tpu.memory_space<vmem>>, %arg6: memref<3x128x128xf32, #tpu.memory_space<vmem>>, %arg7: memref<!tpu.dma_semaphore, #tpu.memory_space<semaphore_mem>>, %arg8: memref<!tpu.dma_semaphore, #tpu.memory_space<semaphore_mem>>, %arg9: memref<!tpu.dma_semaphore, #tpu.memory_space<semaphore_mem>>, %arg10: memref<!tpu.dma_semaphore, #tpu.memory_space<semaphore_mem>>, %arg11: memref<!tpu.dma_semaphore, #tpu.memory_space<semaphore_mem>>, %arg12: memref<!tpu.dma_semaphore, #tpu.memory_space<semaphore_mem>>) attributes {dimension_semantics = [#tpu.dimension_semantics<core_parallel>, #tpu.dimension_semantics<subcore_parallel>], iteration_bounds = array<i64: 2, 16>, scalar_prefetch = 0 : i64, scratch_operands = 8 : i64, tpu.core_type = #tpu.core_type<sc_vector_subcore>, window_params = [{transform_indices = #map}, {transform_indices = #map1}, {transform_indices = #map}]} {
    %mul3A = arith.constant 2 : i32
    %mul3A_0 = arith.muli %arg1, %mul3A : i32
    %add3A = arith.addi %mul3A_0, %arg0 : i32
    %mul3A_1 = arith.constant 4992 : i32
    %mul3A_2 = arith.muli %add3A, %mul3A_1 : i32
    %add3A_3 = arith.constant 0 : i32
    %add3A_4 = arith.addi %add3A_3, %mul3A_2 : i32
    "tpu.region"() ({
      %run_scoped3A = tpu.sem_alloc : memref<!tpu.dma_semaphore, #tpu.memory_space<semaphore_mem>>
      %dma_start3A = tpu.memref_slice %arg3[%add3A_4] : memref<320000xi32, #tpu.memory_space<hbm>> -> memref<4992xi32, #tpu.memory_space<hbm>>
      %dma_start3A_13 = tpu.memref_slice %arg3[%add3A_4] : memref<320000xi32, #tpu.memory_space<hbm>> -> memref<4992xi32, #tpu.memory_space<hbm>>
      tpu.enqueue_dma source(%dma_start3A_13 : memref<4992xi32, #tpu.memory_space<hbm>>) target(%arg5 : memref<4992xi32, #tpu.memory_space<vmem>>) target_semaphore(%run_scoped3A : memref<!tpu.dma_semaphore, #tpu.memory_space<semaphore_mem>>)
      %dma_wait3A = tpu.memref_slice %arg3[%add3A_4] : memref<320000xi32, #tpu.memory_space<hbm>> -> memref<4992xi32, #tpu.memory_space<hbm>>
      %dma_wait3A_14 = tpu.memref_slice %arg3[%add3A_4] : memref<320000xi32, #tpu.memory_space<hbm>> -> memref<4992xi32, #tpu.memory_space<hbm>>
      tpu.wait_dma2 semaphore(%run_scoped3A : memref<!tpu.dma_semaphore, #tpu.memory_space<semaphore_mem>>) src(%dma_wait3A_14 : memref<4992xi32, #tpu.memory_space<hbm>>) dst(%arg5 : memref<4992xi32, #tpu.memory_space<vmem>>)
      tpu.yield
    }) : () -> ()
    %scan3A = arith.constant 0 : i32
    %scan3A_5 = arith.constant 0 : i32
    %scan3A_6 = arith.constant 13 : i32
    %scan3A_7 = arith.addi %scan3A_5, %scan3A_6 : i32
    %scan3A_8 = arith.constant 1 : i32
    %scan3A_9 = scf.for %scan3A_13 = %scan3A_5 to %scan3A_7 step %scan3A_8 iter_args(%scan3A_14 = %scan3A) -> (i32)  : i32 {
      %mul3A_15 = arith.constant 3 : i32
      %mul3A_16 = arith.muli %scan3A_13, %mul3A_15 : i32
      %add3A_17 = arith.constant 0 : i32
      %add3A_18 = arith.addi %mul3A_16, %add3A_17 : i32
      %mul3A_19 = arith.constant 128 : i32
      %mul3A_20 = arith.muli %add3A_18, %mul3A_19 : i32
      %multiple_of3A = tpu.assume_multiple %mul3A_20, 128 : i32
      %dma_start3A = arith.constant 0 : i32
      %dma_start3A_21 = arith.constant 0 : i32
      %dma_start3A_22 = arith.constant 0 : i32
      %dma_start3A_23 = tpu.memref_slice %arg6[%dma_start3A, %dma_start3A_21, %dma_start3A_22] : memref<3x128x128xf32, #tpu.memory_space<vmem>> -> memref<1x128x128xf32, #tpu.memory_space<vmem>>
      %dma_start3A_24 = tpu.memref_squeeze %dma_start3A_23 : memref<1x128x128xf32, #tpu.memory_space<vmem>> -> memref<128x128xf32, #tpu.memory_space<vmem>>
      %dma_start3A_25 = tpu.memref_slice %arg5[%multiple_of3A] : memref<4992xi32, #tpu.memory_space<vmem>> -> memref<128xi32, #tpu.memory_space<vmem>>
      %dma_start3A_26 = arith.constant 0 : i32
      %dma_start3A_27 = arith.constant 0 : i32
      %dma_start3A_28 = tpu.memref_slice %arg2[%dma_start3A_26, %dma_start3A_27] : memref<10000x128xf32, #tpu.memory_space<hbm>> -> memref<10000x128xf32, #tpu.memory_space<hbm>>
      tpu.enqueue_indirect_dma source(%dma_start3A_28 : memref<10000x128xf32, #tpu.memory_space<hbm>>) target(%dma_start3A_24 : memref<128x128xf32, #tpu.memory_space<vmem>>) offsets(%dma_start3A_25 : memref<128xi32, #tpu.memory_space<vmem>>) semaphore(%arg7 : memref<!tpu.dma_semaphore, #tpu.memory_space<semaphore_mem>>)
      %mul3A_29 = arith.constant 3 : i32
      %mul3A_30 = arith.muli %scan3A_13, %mul3A_29 : i32
      %add3A_31 = arith.constant 1 : i32
      %add3A_32 = arith.addi %mul3A_30, %add3A_31 : i32
      %mul3A_33 = arith.constant 128 : i32
      %mul3A_34 = arith.muli %add3A_32, %mul3A_33 : i32
      %multiple_of3A_35 = tpu.assume_multiple %mul3A_34, 128 : i32
      %dma_start3A_36 = arith.constant 1 : i32
      %dma_start3A_37 = arith.constant 0 : i32
      %dma_start3A_38 = arith.constant 0 : i32
      %dma_start3A_39 = tpu.memref_slice %arg6[%dma_start3A_36, %dma_start3A_37, %dma_start3A_38] : memref<3x128x128xf32, #tpu.memory_space<vmem>> -> memref<1x128x128xf32, #tpu.memory_space<vmem>>
      %dma_start3A_40 = tpu.memref_squeeze %dma_start3A_39 : memref<1x128x128xf32, #tpu.memory_space<vmem>> -> memref<128x128xf32, #tpu.memory_space<vmem>>
      %dma_start3A_41 = tpu.memref_slice %arg5[%multiple_of3A_35] : memref<4992xi32, #tpu.memory_space<vmem>> -> memref<128xi32, #tpu.memory_space<vmem>>
      %dma_start3A_42 = arith.constant 0 : i32
      %dma_start3A_43 = arith.constant 0 : i32
      %dma_start3A_44 = tpu.memref_slice %arg2[%dma_start3A_42, %dma_start3A_43] : memref<10000x128xf32, #tpu.memory_space<hbm>> -> memref<10000x128xf32, #tpu.memory_space<hbm>>
      tpu.enqueue_indirect_dma source(%dma_start3A_44 : memref<10000x128xf32, #tpu.memory_space<hbm>>) target(%dma_start3A_40 : memref<128x128xf32, #tpu.memory_space<vmem>>) offsets(%dma_start3A_41 : memref<128xi32, #tpu.memory_space<vmem>>) semaphore(%arg8 : memref<!tpu.dma_semaphore, #tpu.memory_space<semaphore_mem>>)
      %mul3A_45 = arith.constant 3 : i32
      %mul3A_46 = arith.muli %scan3A_13, %mul3A_45 : i32
      %add3A_47 = arith.constant 2 : i32
      %add3A_48 = arith.addi %mul3A_46, %add3A_47 : i32
      %mul3A_49 = arith.constant 128 : i32
      %mul3A_50 = arith.muli %add3A_48, %mul3A_49 : i32
      %multiple_of3A_51 = tpu.assume_multiple %mul3A_50, 128 : i32
      %dma_start3A_52 = arith.constant 2 : i32
      %dma_start3A_53 = arith.constant 0 : i32
      %dma_start3A_54 = arith.constant 0 : i32
      %dma_start3A_55 = tpu.memref_slice %arg6[%dma_start3A_52, %dma_start3A_53, %dma_start3A_54] : memref<3x128x128xf32, #tpu.memory_space<vmem>> -> memref<1x128x128xf32, #tpu.memory_space<vmem>>
      %dma_start3A_56 = tpu.memref_squeeze %dma_start3A_55 : memref<1x128x128xf32, #tpu.memory_space<vmem>> -> memref<128x128xf32, #tpu.memory_space<vmem>>
      %dma_start3A_57 = tpu.memref_slice %arg5[%multiple_of3A_51] : memref<4992xi32, #tpu.memory_space<vmem>> -> memref<128xi32, #tpu.memory_space<vmem>>
      %dma_start3A_58 = arith.constant 0 : i32
      %dma_start3A_59 = arith.constant 0 : i32
      %dma_start3A_60 = tpu.memref_slice %arg2[%dma_start3A_58, %dma_start3A_59] : memref<10000x128xf32, #tpu.memory_space<hbm>> -> memref<10000x128xf32, #tpu.memory_space<hbm>>
      tpu.enqueue_indirect_dma source(%dma_start3A_60 : memref<10000x128xf32, #tpu.memory_space<hbm>>) target(%dma_start3A_56 : memref<128x128xf32, #tpu.memory_space<vmem>>) offsets(%dma_start3A_57 : memref<128xi32, #tpu.memory_space<vmem>>) semaphore(%arg9 : memref<!tpu.dma_semaphore, #tpu.memory_space<semaphore_mem>>)
      %mul3A_61 = arith.constant 3 : i32
      %mul3A_62 = arith.muli %scan3A_13, %mul3A_61 : i32
      %add3A_63 = arith.constant 0 : i32
      %add3A_64 = arith.addi %mul3A_62, %add3A_63 : i32
      %mul3A_65 = arith.constant 128 : i32
      %mul3A_66 = arith.muli %add3A_64, %mul3A_65 : i32
      %multiple_of3A_67 = tpu.assume_multiple %mul3A_66, 128 : i32
      %dma_wait3A = arith.constant 0 : i32
      %dma_wait3A_68 = arith.constant 0 : i32
      %dma_wait3A_69 = arith.constant 0 : i32
      %dma_wait3A_70 = tpu.memref_slice %arg6[%dma_wait3A, %dma_wait3A_68, %dma_wait3A_69] : memref<3x128x128xf32, #tpu.memory_space<vmem>> -> memref<1x128x128xf32, #tpu.memory_space<vmem>>
      %dma_wait3A_71 = tpu.memref_squeeze %dma_wait3A_70 : memref<1x128x128xf32, #tpu.memory_space<vmem>> -> memref<128x128xf32, #tpu.memory_space<vmem>>
      %dma_wait3A_72 = tpu.memref_slice %arg5[%multiple_of3A] : memref<4992xi32, #tpu.memory_space<vmem>> -> memref<128xi32, #tpu.memory_space<vmem>>
      %dma_wait3A_73 = arith.constant 0 : i32
      %dma_wait3A_74 = arith.constant 0 : i32
      %dma_wait3A_75 = tpu.memref_slice %arg2[%dma_wait3A_73, %dma_wait3A_74] : memref<10000x128xf32, #tpu.memory_space<hbm>> -> memref<10000x128xf32, #tpu.memory_space<hbm>>
      tpu.wait_indirect_dma semaphore(%arg7 : memref<!tpu.dma_semaphore, #tpu.memory_space<semaphore_mem>>) src(%dma_wait3A_75 : memref<10000x128xf32, #tpu.memory_space<hbm>>) dst(%dma_wait3A_71 : memref<128x128xf32, #tpu.memory_space<vmem>>)
      %add3A_76 = arith.addi %mul3A_2, %multiple_of3A_67 : i32
      %dma_start3A_77 = arith.constant 0 : i32
      %dma_start3A_78 = arith.constant 0 : i32
      %dma_start3A_79 = arith.constant 0 : i32
      %dma_start3A_80 = tpu.memref_slice %arg6[%dma_start3A_77, %dma_start3A_78, %dma_start3A_79] : memref<3x128x128xf32, #tpu.memory_space<vmem>> -> memref<1x128x128xf32, #tpu.memory_space<vmem>>
      %dma_start3A_81 = tpu.memref_squeeze %dma_start3A_80 : memref<1x128x128xf32, #tpu.memory_space<vmem>> -> memref<128x128xf32, #tpu.memory_space<vmem>>
      %dma_start3A_82 = arith.constant 0 : i32
      %dma_start3A_83 = tpu.memref_slice %arg4[%add3A_76, %dma_start3A_82] : memref<160000x128xf32, #tpu.memory_space<hbm>> -> memref<128x128xf32, #tpu.memory_space<hbm>>
      %dma_start3A_84 = arith.constant 0 : i32
      %dma_start3A_85 = tpu.memref_slice %arg4[%add3A_76, %dma_start3A_84] : memref<160000x128xf32, #tpu.memory_space<hbm>> -> memref<128x128xf32, #tpu.memory_space<hbm>>
      %dma_start3A_86 = arith.constant 0 : i32
      %dma_start3A_87 = arith.constant 0 : i32
      %dma_start3A_88 = tpu.memref_slice %arg6[%dma_start3A_77, %dma_start3A_86, %dma_start3A_87] : memref<3x128x128xf32, #tpu.memory_space<vmem>> -> memref<1x128x128xf32, #tpu.memory_space<vmem>>
      %dma_start3A_89 = tpu.memref_squeeze %dma_start3A_88 : memref<1x128x128xf32, #tpu.memory_space<vmem>> -> memref<128x128xf32, #tpu.memory_space<vmem>>
      tpu.enqueue_dma source(%dma_start3A_89 : memref<128x128xf32, #tpu.memory_space<vmem>>) target(%dma_start3A_85 : memref<128x128xf32, #tpu.memory_space<hbm>>) target_semaphore(%arg10 : memref<!tpu.dma_semaphore, #tpu.memory_space<semaphore_mem>>)
      %mul3A_90 = arith.constant 3 : i32
      %mul3A_91 = arith.muli %scan3A_13, %mul3A_90 : i32
      %add3A_92 = arith.constant 1 : i32
      %add3A_93 = arith.addi %mul3A_91, %add3A_92 : i32
      %mul3A_94 = arith.constant 128 : i32
      %mul3A_95 = arith.muli %add3A_93, %mul3A_94 : i32
      %multiple_of3A_96 = tpu.assume_multiple %mul3A_95, 128 : i32
      %dma_wait3A_97 = arith.constant 1 : i32
      %dma_wait3A_98 = arith.constant 0 : i32
      %dma_wait3A_99 = arith.constant 0 : i32
      %dma_wait3A_100 = tpu.memref_slice %arg6[%dma_wait3A_97, %dma_wait3A_98, %dma_wait3A_99] : memref<3x128x128xf32, #tpu.memory_space<vmem>> -> memref<1x128x128xf32, #tpu.memory_space<vmem>>
      %dma_wait3A_101 = tpu.memref_squeeze %dma_wait3A_100 : memref<1x128x128xf32, #tpu.memory_space<vmem>> -> memref<128x128xf32, #tpu.memory_space<vmem>>
      %dma_wait3A_102 = tpu.memref_slice %arg5[%multiple_of3A_35] : memref<4992xi32, #tpu.memory_space<vmem>> -> memref<128xi32, #tpu.memory_space<vmem>>
      %dma_wait3A_103 = arith.constant 0 : i32
      %dma_wait3A_104 = arith.constant 0 : i32
      %dma_wait3A_105 = tpu.memref_slice %arg2[%dma_wait3A_103, %dma_wait3A_104] : memref<10000x128xf32, #tpu.memory_space<hbm>> -> memref<10000x128xf32, #tpu.memory_space<hbm>>
      tpu.wait_indirect_dma semaphore(%arg8 : memref<!tpu.dma_semaphore, #tpu.memory_space<semaphore_mem>>) src(%dma_wait3A_105 : memref<10000x128xf32, #tpu.memory_space<hbm>>) dst(%dma_wait3A_101 : memref<128x128xf32, #tpu.memory_space<vmem>>)
      %add3A_106 = arith.addi %mul3A_2, %multiple_of3A_96 : i32
      %dma_start3A_107 = arith.constant 1 : i32
      %dma_start3A_108 = arith.constant 0 : i32
      %dma_start3A_109 = arith.constant 0 : i32
      %dma_start3A_110 = tpu.memref_slice %arg6[%dma_start3A_107, %dma_start3A_108, %dma_start3A_109] : memref<3x128x128xf32, #tpu.memory_space<vmem>> -> memref<1x128x128xf32, #tpu.memory_space<vmem>>
      %dma_start3A_111 = tpu.memref_squeeze %dma_start3A_110 : memref<1x128x128xf32, #tpu.memory_space<vmem>> -> memref<128x128xf32, #tpu.memory_space<vmem>>
      %dma_start3A_112 = arith.constant 0 : i32
      %dma_start3A_113 = tpu.memref_slice %arg4[%add3A_106, %dma_start3A_112] : memref<160000x128xf32, #tpu.memory_space<hbm>> -> memref<128x128xf32, #tpu.memory_space<hbm>>
      %dma_start3A_114 = arith.constant 0 : i32
      %dma_start3A_115 = tpu.memref_slice %arg4[%add3A_106, %dma_start3A_114] : memref<160000x128xf32, #tpu.memory_space<hbm>> -> memref<128x128xf32, #tpu.memory_space<hbm>>
      %dma_start3A_116 = arith.constant 0 : i32
      %dma_start3A_117 = arith.constant 0 : i32
      %dma_start3A_118 = tpu.memref_slice %arg6[%dma_start3A_107, %dma_start3A_116, %dma_start3A_117] : memref<3x128x128xf32, #tpu.memory_space<vmem>> -> memref<1x128x128xf32, #tpu.memory_space<vmem>>
      %dma_start3A_119 = tpu.memref_squeeze %dma_start3A_118 : memref<1x128x128xf32, #tpu.memory_space<vmem>> -> memref<128x128xf32, #tpu.memory_space<vmem>>
      tpu.enqueue_dma source(%dma_start3A_119 : memref<128x128xf32, #tpu.memory_space<vmem>>) target(%dma_start3A_115 : memref<128x128xf32, #tpu.memory_space<hbm>>) target_semaphore(%arg11 : memref<!tpu.dma_semaphore, #tpu.memory_space<semaphore_mem>>)
      %mul3A_120 = arith.constant 3 : i32
      %mul3A_121 = arith.muli %scan3A_13, %mul3A_120 : i32
      %add3A_122 = arith.constant 2 : i32
      %add3A_123 = arith.addi %mul3A_121, %add3A_122 : i32
      %mul3A_124 = arith.constant 128 : i32
      %mul3A_125 = arith.muli %add3A_123, %mul3A_124 : i32
      %multiple_of3A_126 = tpu.assume_multiple %mul3A_125, 128 : i32
      %dma_wait3A_127 = arith.constant 2 : i32
      %dma_wait3A_128 = arith.constant 0 : i32
      %dma_wait3A_129 = arith.constant 0 : i32
      %dma_wait3A_130 = tpu.memref_slice %arg6[%dma_wait3A_127, %dma_wait3A_128, %dma_wait3A_129] : memref<3x128x128xf32, #tpu.memory_space<vmem>> -> memref<1x128x128xf32, #tpu.memory_space<vmem>>
      %dma_wait3A_131 = tpu.memref_squeeze %dma_wait3A_130 : memref<1x128x128xf32, #tpu.memory_space<vmem>> -> memref<128x128xf32, #tpu.memory_space<vmem>>
      %dma_wait3A_132 = tpu.memref_slice %arg5[%multiple_of3A_51] : memref<4992xi32, #tpu.memory_space<vmem>> -> memref<128xi32, #tpu.memory_space<vmem>>
      %dma_wait3A_133 = arith.constant 0 : i32
      %dma_wait3A_134 = arith.constant 0 : i32
      %dma_wait3A_135 = tpu.memref_slice %arg2[%dma_wait3A_133, %dma_wait3A_134] : memref<10000x128xf32, #tpu.memory_space<hbm>> -> memref<10000x128xf32, #tpu.memory_space<hbm>>
      tpu.wait_indirect_dma semaphore(%arg9 : memref<!tpu.dma_semaphore, #tpu.memory_space<semaphore_mem>>) src(%dma_wait3A_135 : memref<10000x128xf32, #tpu.memory_space<hbm>>) dst(%dma_wait3A_131 : memref<128x128xf32, #tpu.memory_space<vmem>>)
      %add3A_136 = arith.addi %mul3A_2, %multiple_of3A_126 : i32
      %dma_start3A_137 = arith.constant 2 : i32
      %dma_start3A_138 = arith.constant 0 : i32
      %dma_start3A_139 = arith.constant 0 : i32
      %dma_start3A_140 = tpu.memref_slice %arg6[%dma_start3A_137, %dma_start3A_138, %dma_start3A_139] : memref<3x128x128xf32, #tpu.memory_space<vmem>> -> memref<1x128x128xf32, #tpu.memory_space<vmem>>
      %dma_start3A_141 = tpu.memref_squeeze %dma_start3A_140 : memref<1x128x128xf32, #tpu.memory_space<vmem>> -> memref<128x128xf32, #tpu.memory_space<vmem>>
      %dma_start3A_142 = arith.constant 0 : i32
      %dma_start3A_143 = tpu.memref_slice %arg4[%add3A_136, %dma_start3A_142] : memref<160000x128xf32, #tpu.memory_space<hbm>> -> memref<128x128xf32, #tpu.memory_space<hbm>>
      %dma_start3A_144 = arith.constant 0 : i32
      %dma_start3A_145 = tpu.memref_slice %arg4[%add3A_136, %dma_start3A_144] : memref<160000x128xf32, #tpu.memory_space<hbm>> -> memref<128x128xf32, #tpu.memory_space<hbm>>
      %dma_start3A_146 = arith.constant 0 : i32
      %dma_start3A_147 = arith.constant 0 : i32
      %dma_start3A_148 = tpu.memref_slice %arg6[%dma_start3A_137, %dma_start3A_146, %dma_start3A_147] : memref<3x128x128xf32, #tpu.memory_space<vmem>> -> memref<1x128x128xf32, #tpu.memory_space<vmem>>
      %dma_start3A_149 = tpu.memref_squeeze %dma_start3A_148 : memref<1x128x128xf32, #tpu.memory_space<vmem>> -> memref<128x128xf32, #tpu.memory_space<vmem>>
      tpu.enqueue_dma source(%dma_start3A_149 : memref<128x128xf32, #tpu.memory_space<vmem>>) target(%dma_start3A_145 : memref<128x128xf32, #tpu.memory_space<hbm>>) target_semaphore(%arg12 : memref<!tpu.dma_semaphore, #tpu.memory_space<semaphore_mem>>)
      %dma_wait3A_150 = arith.constant 0 : i32
      %dma_wait3A_151 = arith.constant 0 : i32
      %dma_wait3A_152 = arith.constant 0 : i32
      %dma_wait3A_153 = tpu.memref_slice %arg6[%dma_wait3A_150, %dma_wait3A_151, %dma_wait3A_152] : memref<3x128x128xf32, #tpu.memory_space<vmem>> -> memref<1x128x128xf32, #tpu.memory_space<vmem>>
      %dma_wait3A_154 = tpu.memref_squeeze %dma_wait3A_153 : memref<1x128x128xf32, #tpu.memory_space<vmem>> -> memref<128x128xf32, #tpu.memory_space<vmem>>
      %dma_wait3A_155 = arith.constant 0 : i32
      %dma_wait3A_156 = tpu.memref_slice %arg4[%add3A_76, %dma_wait3A_155] : memref<160000x128xf32, #tpu.memory_space<hbm>> -> memref<128x128xf32, #tpu.memory_space<hbm>>
      %dma_wait3A_157 = arith.constant 0 : i32
      %dma_wait3A_158 = tpu.memref_slice %arg4[%add3A_76, %dma_wait3A_157] : memref<160000x128xf32, #tpu.memory_space<hbm>> -> memref<128x128xf32, #tpu.memory_space<hbm>>
      %dma_wait3A_159 = arith.constant 0 : i32
      %dma_wait3A_160 = arith.constant 0 : i32
      %dma_wait3A_161 = tpu.memref_slice %arg6[%dma_wait3A_150, %dma_wait3A_159, %dma_wait3A_160] : memref<3x128x128xf32, #tpu.memory_space<vmem>> -> memref<1x128x128xf32, #tpu.memory_space<vmem>>
      %dma_wait3A_162 = tpu.memref_squeeze %dma_wait3A_161 : memref<1x128x128xf32, #tpu.memory_space<vmem>> -> memref<128x128xf32, #tpu.memory_space<vmem>>
      tpu.wait_dma2 semaphore(%arg10 : memref<!tpu.dma_semaphore, #tpu.memory_space<semaphore_mem>>) src(%dma_wait3A_162 : memref<128x128xf32, #tpu.memory_space<vmem>>) dst(%dma_wait3A_158 : memref<128x128xf32, #tpu.memory_space<hbm>>)
      %dma_wait3A_163 = arith.constant 1 : i32
      %dma_wait3A_164 = arith.constant 0 : i32
      %dma_wait3A_165 = arith.constant 0 : i32
      %dma_wait3A_166 = tpu.memref_slice %arg6[%dma_wait3A_163, %dma_wait3A_164, %dma_wait3A_165] : memref<3x128x128xf32, #tpu.memory_space<vmem>> -> memref<1x128x128xf32, #tpu.memory_space<vmem>>
      %dma_wait3A_167 = tpu.memref_squeeze %dma_wait3A_166 : memref<1x128x128xf32, #tpu.memory_space<vmem>> -> memref<128x128xf32, #tpu.memory_space<vmem>>
      %dma_wait3A_168 = arith.constant 0 : i32
      %dma_wait3A_169 = tpu.memref_slice %arg4[%add3A_106, %dma_wait3A_168] : memref<160000x128xf32, #tpu.memory_space<hbm>> -> memref<128x128xf32, #tpu.memory_space<hbm>>
      %dma_wait3A_170 = arith.constant 0 : i32
      %dma_wait3A_171 = tpu.memref_slice %arg4[%add3A_106, %dma_wait3A_170] : memref<160000x128xf32, #tpu.memory_space<hbm>> -> memref<128x128xf32, #tpu.memory_space<hbm>>
      %dma_wait3A_172 = arith.constant 0 : i32
      %dma_wait3A_173 = arith.constant 0 : i32
      %dma_wait3A_174 = tpu.memref_slice %arg6[%dma_wait3A_163, %dma_wait3A_172, %dma_wait3A_173] : memref<3x128x128xf32, #tpu.memory_space<vmem>> -> memref<1x128x128xf32, #tpu.memory_space<vmem>>
      %dma_wait3A_175 = tpu.memref_squeeze %dma_wait3A_174 : memref<1x128x128xf32, #tpu.memory_space<vmem>> -> memref<128x128xf32, #tpu.memory_space<vmem>>
      tpu.wait_dma2 semaphore(%arg11 : memref<!tpu.dma_semaphore, #tpu.memory_space<semaphore_mem>>) src(%dma_wait3A_175 : memref<128x128xf32, #tpu.memory_space<vmem>>) dst(%dma_wait3A_171 : memref<128x128xf32, #tpu.memory_space<hbm>>)
      %dma_wait3A_176 = arith.constant 2 : i32
      %dma_wait3A_177 = arith.constant 0 : i32
      %dma_wait3A_178 = arith.constant 0 : i32
      %dma_wait3A_179 = tpu.memref_slice %arg6[%dma_wait3A_176, %dma_wait3A_177, %dma_wait3A_178] : memref<3x128x128xf32, #tpu.memory_space<vmem>> -> memref<1x128x128xf32, #tpu.memory_space<vmem>>
      %dma_wait3A_180 = tpu.memref_squeeze %dma_wait3A_179 : memref<1x128x128xf32, #tpu.memory_space<vmem>> -> memref<128x128xf32, #tpu.memory_space<vmem>>
      %dma_wait3A_181 = arith.constant 0 : i32
      %dma_wait3A_182 = tpu.memref_slice %arg4[%add3A_136, %dma_wait3A_181] : memref<160000x128xf32, #tpu.memory_space<hbm>> -> memref<128x128xf32, #tpu.memory_space<hbm>>
      %dma_wait3A_183 = arith.constant 0 : i32
      %dma_wait3A_184 = tpu.memref_slice %arg4[%add3A_136, %dma_wait3A_183] : memref<160000x128xf32, #tpu.memory_space<hbm>> -> memref<128x128xf32, #tpu.memory_space<hbm>>
      %dma_wait3A_185 = arith.constant 0 : i32
      %dma_wait3A_186 = arith.constant 0 : i32
      %dma_wait3A_187 = tpu.memref_slice %arg6[%dma_wait3A_176, %dma_wait3A_185, %dma_wait3A_186] : memref<3x128x128xf32, #tpu.memory_space<vmem>> -> memref<1x128x128xf32, #tpu.memory_space<vmem>>
      %dma_wait3A_188 = tpu.memref_squeeze %dma_wait3A_187 : memref<1x128x128xf32, #tpu.memory_space<vmem>> -> memref<128x128xf32, #tpu.memory_space<vmem>>
      tpu.wait_dma2 semaphore(%arg12 : memref<!tpu.dma_semaphore, #tpu.memory_space<semaphore_mem>>) src(%dma_wait3A_188 : memref<128x128xf32, #tpu.memory_space<vmem>>) dst(%dma_wait3A_184 : memref<128x128xf32, #tpu.memory_space<hbm>>)
      %scan3A_189 = arith.constant 0 : i32
      scf.yield %scan3A_189 : i32
    }
    %scan3A_10 = arith.constant 13 : i32
    %lt3A = arith.constant 2 : i32
    %lt3A_11 = arith.cmpi slt, %add3A, %lt3A : i32
    %convert_element_type3A = arith.extui %lt3A_11 : i1 to i32
    %cond3A = arith.constant 0 : i32
    %cond3A_12 = arith.cmpi ne, %convert_element_type3A, %cond3A : i32
    scf.if %cond3A_12 {
      %add3A_13 = arith.constant 1248 : i32
      %add3A_14 = arith.addi %add3A_13, %add3A : i32
      %mul3A_15 = arith.constant 128 : i32
      %mul3A_16 = arith.muli %add3A_14, %mul3A_15 : i32
      %multiple_of3A = tpu.assume_multiple %mul3A_16, 128 : i32
      %add3A_17 = arith.constant 0 : i32
      %add3A_18 = arith.addi %add3A_17, %multiple_of3A : i32
      "tpu.region"() ({
        %run_scoped3A_37 = tpu.sem_alloc : memref<!tpu.dma_semaphore, #tpu.memory_space<semaphore_mem>>
        %dma_start3A_38 = arith.constant 0 : i32
        %dma_start3A_39 = tpu.memref_slice %arg5[%dma_start3A_38] : memref<4992xi32, #tpu.memory_space<vmem>> -> memref<128xi32, #tpu.memory_space<vmem>>
        %dma_start3A_40 = tpu.memref_slice %arg3[%add3A_18] : memref<320000xi32, #tpu.memory_space<hbm>> -> memref<128xi32, #tpu.memory_space<hbm>>
        %dma_start3A_41 = arith.constant 0 : i32
        %dma_start3A_42 = tpu.memref_slice %arg5[%dma_start3A_41] : memref<4992xi32, #tpu.memory_space<vmem>> -> memref<128xi32, #tpu.memory_space<vmem>>
        %dma_start3A_43 = tpu.memref_slice %arg3[%add3A_18] : memref<320000xi32, #tpu.memory_space<hbm>> -> memref<128xi32, #tpu.memory_space<hbm>>
        tpu.enqueue_dma source(%dma_start3A_43 : memref<128xi32, #tpu.memory_space<hbm>>) target(%dma_start3A_42 : memref<128xi32, #tpu.memory_space<vmem>>) target_semaphore(%run_scoped3A_37 : memref<!tpu.dma_semaphore, #tpu.memory_space<semaphore_mem>>)
        %dma_wait3A_44 = arith.constant 0 : i32
        %dma_wait3A_45 = tpu.memref_slice %arg5[%dma_wait3A_44] : memref<4992xi32, #tpu.memory_space<vmem>> -> memref<128xi32, #tpu.memory_space<vmem>>
        %dma_wait3A_46 = tpu.memref_slice %arg3[%add3A_18] : memref<320000xi32, #tpu.memory_space<hbm>> -> memref<128xi32, #tpu.memory_space<hbm>>
        %dma_wait3A_47 = arith.constant 0 : i32
        %dma_wait3A_48 = tpu.memref_slice %arg5[%dma_wait3A_47] : memref<4992xi32, #tpu.memory_space<vmem>> -> memref<128xi32, #tpu.memory_space<vmem>>
        %dma_wait3A_49 = tpu.memref_slice %arg3[%add3A_18] : memref<320000xi32, #tpu.memory_space<hbm>> -> memref<128xi32, #tpu.memory_space<hbm>>
        tpu.wait_dma2 semaphore(%run_scoped3A_37 : memref<!tpu.dma_semaphore, #tpu.memory_space<semaphore_mem>>) src(%dma_wait3A_49 : memref<128xi32, #tpu.memory_space<hbm>>) dst(%dma_wait3A_48 : memref<128xi32, #tpu.memory_space<vmem>>)
        tpu.yield
      }) : () -> ()
      %dma_start3A = arith.constant 0 : i32
      %dma_start3A_19 = arith.constant 0 : i32
      %dma_start3A_20 = arith.constant 0 : i32
      %dma_start3A_21 = tpu.memref_slice %arg6[%dma_start3A, %dma_start3A_19, %dma_start3A_20] : memref<3x128x128xf32, #tpu.memory_space<vmem>> -> memref<1x128x128xf32, #tpu.memory_space<vmem>>
      %dma_start3A_22 = tpu.memref_squeeze %dma_start3A_21 : memref<1x128x128xf32, #tpu.memory_space<vmem>> -> memref<128x128xf32, #tpu.memory_space<vmem>>
      %dma_start3A_23 = arith.constant 0 : i32
      %dma_start3A_24 = tpu.memref_slice %arg5[%dma_start3A_23] : memref<4992xi32, #tpu.memory_space<vmem>> -> memref<128xi32, #tpu.memory_space<vmem>>
      %dma_start3A_25 = arith.constant 0 : i32
      %dma_start3A_26 = arith.constant 0 : i32
      %dma_start3A_27 = tpu.memref_slice %arg2[%dma_start3A_25, %dma_start3A_26] : memref<10000x128xf32, #tpu.memory_space<hbm>> -> memref<10000x128xf32, #tpu.memory_space<hbm>>
      tpu.enqueue_indirect_dma source(%dma_start3A_27 : memref<10000x128xf32, #tpu.memory_space<hbm>>) target(%dma_start3A_22 : memref<128x128xf32, #tpu.memory_space<vmem>>) offsets(%dma_start3A_24 : memref<128xi32, #tpu.memory_space<vmem>>) semaphore(%arg7 : memref<!tpu.dma_semaphore, #tpu.memory_space<semaphore_mem>>)
      %dma_wait3A = arith.constant 0 : i32
      %dma_wait3A_28 = arith.constant 0 : i32
      %dma_wait3A_29 = arith.constant 0 : i32
      %dma_wait3A_30 = tpu.memref_slice %arg6[%dma_wait3A, %dma_wait3A_28, %dma_wait3A_29] : memref<3x128x128xf32, #tpu.memory_space<vmem>> -> memref<1x128x128xf32, #tpu.memory_space<vmem>>
      %dma_wait3A_31 = tpu.memref_squeeze %dma_wait3A_30 : memref<1x128x128xf32, #tpu.memory_space<vmem>> -> memref<128x128xf32, #tpu.memory_space<vmem>>
      %dma_wait3A_32 = arith.constant 0 : i32
      %dma_wait3A_33 = tpu.memref_slice %arg5[%dma_wait3A_32] : memref<4992xi32, #tpu.memory_space<vmem>> -> memref<128xi32, #tpu.memory_space<vmem>>
      %dma_wait3A_34 = arith.constant 0 : i32
      %dma_wait3A_35 = arith.constant 0 : i32
      %dma_wait3A_36 = tpu.memref_slice %arg2[%dma_wait3A_34, %dma_wait3A_35] : memref<10000x128xf32, #tpu.memory_space<hbm>> -> memref<10000x128xf32, #tpu.memory_space<hbm>>
      tpu.wait_indirect_dma semaphore(%arg7 : memref<!tpu.dma_semaphore, #tpu.memory_space<semaphore_mem>>) src(%dma_wait3A_36 : memref<10000x128xf32, #tpu.memory_space<hbm>>) dst(%dma_wait3A_31 : memref<128x128xf32, #tpu.memory_space<vmem>>)
      %run_scoped3A = arith.constant 0 : i32
      "tpu.region"() ({
        %run_scoped3A_37 = tpu.sem_alloc : memref<!tpu.dma_semaphore, #tpu.memory_space<semaphore_mem>>
        %dma_start3A_38 = arith.constant 0 : i32
        %dma_start3A_39 = arith.constant 0 : i32
        %dma_start3A_40 = tpu.memref_slice %arg6[%run_scoped3A, %dma_start3A_38, %dma_start3A_39] : memref<3x128x128xf32, #tpu.memory_space<vmem>> -> memref<1x128x128xf32, #tpu.memory_space<vmem>>
        %dma_start3A_41 = tpu.memref_squeeze %dma_start3A_40 : memref<1x128x128xf32, #tpu.memory_space<vmem>> -> memref<128x128xf32, #tpu.memory_space<vmem>>
        %dma_start3A_42 = arith.constant 0 : i32
        %dma_start3A_43 = tpu.memref_slice %arg4[%multiple_of3A, %dma_start3A_42] : memref<160000x128xf32, #tpu.memory_space<hbm>> -> memref<128x128xf32, #tpu.memory_space<hbm>>
        %dma_start3A_44 = arith.constant 0 : i32
        %dma_start3A_45 = tpu.memref_slice %arg4[%multiple_of3A, %dma_start3A_44] : memref<160000x128xf32, #tpu.memory_space<hbm>> -> memref<128x128xf32, #tpu.memory_space<hbm>>
        %dma_start3A_46 = arith.constant 0 : i32
        %dma_start3A_47 = arith.constant 0 : i32
        %dma_start3A_48 = tpu.memref_slice %arg6[%run_scoped3A, %dma_start3A_46, %dma_start3A_47] : memref<3x128x128xf32, #tpu.memory_space<vmem>> -> memref<1x128x128xf32, #tpu.memory_space<vmem>>
        %dma_start3A_49 = tpu.memref_squeeze %dma_start3A_48 : memref<1x128x128xf32, #tpu.memory_space<vmem>> -> memref<128x128xf32, #tpu.memory_space<vmem>>
        tpu.enqueue_dma source(%dma_start3A_49 : memref<128x128xf32, #tpu.memory_space<vmem>>) target(%dma_start3A_45 : memref<128x128xf32, #tpu.memory_space<hbm>>) target_semaphore(%run_scoped3A_37 : memref<!tpu.dma_semaphore, #tpu.memory_space<semaphore_mem>>)
        %dma_wait3A_50 = arith.constant 0 : i32
        %dma_wait3A_51 = arith.constant 0 : i32
        %dma_wait3A_52 = tpu.memref_slice %arg6[%run_scoped3A, %dma_wait3A_50, %dma_wait3A_51] : memref<3x128x128xf32, #tpu.memory_space<vmem>> -> memref<1x128x128xf32, #tpu.memory_space<vmem>>
        %dma_wait3A_53 = tpu.memref_squeeze %dma_wait3A_52 : memref<1x128x128xf32, #tpu.memory_space<vmem>> -> memref<128x128xf32, #tpu.memory_space<vmem>>
        %dma_wait3A_54 = arith.constant 0 : i32
        %dma_wait3A_55 = tpu.memref_slice %arg4[%multiple_of3A, %dma_wait3A_54] : memref<160000x128xf32, #tpu.memory_space<hbm>> -> memref<128x128xf32, #tpu.memory_space<hbm>>
        %dma_wait3A_56 = arith.constant 0 : i32
        %dma_wait3A_57 = tpu.memref_slice %arg4[%multiple_of3A, %dma_wait3A_56] : memref<160000x128xf32, #tpu.memory_space<hbm>> -> memref<128x128xf32, #tpu.memory_space<hbm>>
        %dma_wait3A_58 = arith.constant 0 : i32
        %dma_wait3A_59 = arith.constant 0 : i32
        %dma_wait3A_60 = tpu.memref_slice %arg6[%run_scoped3A, %dma_wait3A_58, %dma_wait3A_59] : memref<3x128x128xf32, #tpu.memory_space<vmem>> -> memref<1x128x128xf32, #tpu.memory_space<vmem>>
        %dma_wait3A_61 = tpu.memref_squeeze %dma_wait3A_60 : memref<1x128x128xf32, #tpu.memory_space<vmem>> -> memref<128x128xf32, #tpu.memory_space<vmem>>
        tpu.wait_dma2 semaphore(%run_scoped3A_37 : memref<!tpu.dma_semaphore, #tpu.memory_space<semaphore_mem>>) src(%dma_wait3A_61 : memref<128x128xf32, #tpu.memory_space<vmem>>) dst(%dma_wait3A_57 : memref<128x128xf32, #tpu.memory_space<hbm>>)
        tpu.yield
      }) : () -> ()
    } else {
    }
    return
  }
}

#map = affine_map<(d0, d1) -> (0, 0)>
#map1 = affine_map<(d0, d1) -> (0)>
#map2 = affine_map<(d0, d1) -> (0, 0, 0)>
module attributes {stable_mosaic.version = 14 : i64} {
  func.func @_k4_body(%arg0: i32, %arg1: i32, %arg2: memref<160000x128xf32, #tpu.memory_space<hbm>>, %arg3: memref<160000xf32, #tpu.memory_space<hbm>>, %arg4: memref<320000xi32, #tpu.memory_space<hbm>>, %arg5: memref<10000x128xf32, #tpu.memory_space<hbm>>, %arg6: memref<2x10000x128xf32, #tpu.memory_space<hbm>>, %arg7: memref<320000xf32, #tpu.memory_space<hbm>>, %arg8: memref<2x128xi32, #tpu.memory_space<vmem>>, %arg9: memref<2x128x128xf32, #tpu.memory_space<vmem>>, %arg10: memref<2x128xf32, #tpu.memory_space<vmem>>, %arg11: memref<10000xf32, #tpu.memory_space<vmem>>, %arg12: memref<10000x128xf32, #tpu.memory_space<vmem_shared>>, %arg13: memref<!tpu.dma_semaphore, #tpu.memory_space<semaphore_mem>>, %arg14: memref<!tpu.dma_semaphore, #tpu.memory_space<semaphore_mem>>, %arg15: memref<!tpu.dma_semaphore, #tpu.memory_space<semaphore_mem>>, %arg16: memref<!tpu.dma_semaphore, #tpu.memory_space<semaphore_mem>>) attributes {dimension_semantics = [#tpu.dimension_semantics<core_parallel>, #tpu.dimension_semantics<subcore_parallel>], iteration_bounds = array<i64: 2, 16>, scalar_prefetch = 0 : i64, scratch_operands = 9 : i64, tpu.core_type = #tpu.core_type<sc_vector_subcore>, window_params = [{transform_indices = #map}, {transform_indices = #map1}, {transform_indices = #map1}, {transform_indices = #map}, {transform_indices = #map2}, {transform_indices = #map1}]} {
    %mul3A = arith.constant 2 : i32
    %mul3A_0 = arith.muli %arg1, %mul3A : i32
    %add3A = arith.addi %mul3A_0, %arg0 : i32
    %scan3A = arith.constant 0 : i32
    %scan3A_1 = arith.constant 0 : i32
    %scan3A_2 = arith.constant 625 : i32
    %scan3A_3 = arith.addi %scan3A_1, %scan3A_2 : i32
    %scan3A_4 = arith.constant 1 : i32
    %scan3A_5 = scf.for %scan3A_126 = %scan3A_1 to %scan3A_3 step %scan3A_4 iter_args(%scan3A_127 = %scan3A) -> (i32)  : i32 {
      %broadcast_in_dim3A = arith.constant 0.000000e+00 : f32
      %broadcast_in_dim3A_128 = vector.broadcast %broadcast_in_dim3A : f32 to vector<16xf32>
      %mul3A_129 = arith.constant 16 : i32
      %mul3A_130 = arith.muli %scan3A_126, %mul3A_129 : i32
      %swap3A = arith.index_cast %mul3A_130 : i32 to index
      %swap3A_131 = tpu.vector_load %arg11[%swap3A] {strides = array<i32>} : memref<10000xf32, #tpu.memory_space<vmem>>, vector<16xf32>,
      tpu.vector_store %arg11[%swap3A], %broadcast_in_dim3A_128 {strides = array<i32>} : memref<10000xf32, #tpu.memory_space<vmem>>, vector<16xf32>,
      %scan3A_132 = arith.constant 0 : i32
      scf.yield %scan3A_132 : i32
    }
    %scan3A_6 = arith.constant 625 : i32
    %mul3A_7 = arith.constant 624 : i32
    %mul3A_8 = arith.muli %arg1, %mul3A_7 : i32
    %multiple_of3A = tpu.assume_multiple %mul3A_8, 8 : i32
    %lt3A = arith.constant 15 : i32
    %lt3A_9 = arith.cmpi slt, %arg1, %lt3A : i32
    %convert_element_type3A = arith.extui %lt3A_9 : i1 to i32
    %cond3A = arith.constant 0 : i32
    %cond3A_10 = arith.cmpi ne, %convert_element_type3A, %cond3A : i32
    scf.if %cond3A_10 {
      "tpu.region"() ({
        %run_scoped3A_126 = tpu.sem_alloc : memref<!tpu.dma_semaphore, #tpu.memory_space<semaphore_mem>>
        %dma_start3A = arith.constant 0 : i32
        %dma_start3A_127 = tpu.memref_slice %arg12[%multiple_of3A, %dma_start3A] : memref<10000x128xf32, #tpu.memory_space<vmem_shared>> -> memref<624x128xf32, #tpu.memory_space<vmem_shared>>
        %dma_start3A_128 = arith.constant 0 : i32
        %dma_start3A_129 = tpu.memref_slice %arg5[%multiple_of3A, %dma_start3A_128] : memref<10000x128xf32, #tpu.memory_space<hbm>> -> memref<624x128xf32, #tpu.memory_space<hbm>>
        tpu.enqueue_dma source(%dma_start3A_129 : memref<624x128xf32, #tpu.memory_space<hbm>>) target(%dma_start3A_127 : memref<624x128xf32, #tpu.memory_space<vmem_shared>>) target_semaphore(%run_scoped3A_126 : memref<!tpu.dma_semaphore, #tpu.memory_space<semaphore_mem>>)
        %dma_wait3A = arith.constant 0 : i32
        %dma_wait3A_130 = tpu.memref_slice %arg12[%multiple_of3A, %dma_wait3A] : memref<10000x128xf32, #tpu.memory_space<vmem_shared>> -> memref<624x128xf32, #tpu.memory_space<vmem_shared>>
        %dma_wait3A_131 = arith.constant 0 : i32
        %dma_wait3A_132 = tpu.memref_slice %arg5[%multiple_of3A, %dma_wait3A_131] : memref<10000x128xf32, #tpu.memory_space<hbm>> -> memref<624x128xf32, #tpu.memory_space<hbm>>
        tpu.wait_dma2 semaphore(%run_scoped3A_126 : memref<!tpu.dma_semaphore, #tpu.memory_space<semaphore_mem>>) src(%dma_wait3A_132 : memref<624x128xf32, #tpu.memory_space<hbm>>) dst(%dma_wait3A_130 : memref<624x128xf32, #tpu.memory_space<vmem_shared>>)
        tpu.yield
      }) : () -> ()
    } else {
    }
    %eq3A = arith.constant 15 : i32
    %eq3A_11 = arith.cmpi eq, %arg1, %eq3A : i32
    %convert_element_type3A_12 = arith.extui %eq3A_11 : i1 to i32
    %cond3A_13 = arith.constant 0 : i32
    %cond3A_14 = arith.cmpi ne, %convert_element_type3A_12, %cond3A_13 : i32
    scf.if %cond3A_14 {
      %multiple_of3A_126 = arith.constant 9360 : i32
      %multiple_of3A_127 = tpu.assume_multiple %multiple_of3A_126, 8 : i32
      "tpu.region"() ({
        %run_scoped3A_128 = tpu.sem_alloc : memref<!tpu.dma_semaphore, #tpu.memory_space<semaphore_mem>>
        %dma_start3A = arith.constant 0 : i32
        %dma_start3A_129 = tpu.memref_slice %arg12[%multiple_of3A_127, %dma_start3A] : memref<10000x128xf32, #tpu.memory_space<vmem_shared>> -> memref<640x128xf32, #tpu.memory_space<vmem_shared>>
        %dma_start3A_130 = arith.constant 0 : i32
        %dma_start3A_131 = tpu.memref_slice %arg5[%multiple_of3A_127, %dma_start3A_130] : memref<10000x128xf32, #tpu.memory_space<hbm>> -> memref<640x128xf32, #tpu.memory_space<hbm>>
        tpu.enqueue_dma source(%dma_start3A_131 : memref<640x128xf32, #tpu.memory_space<hbm>>) target(%dma_start3A_129 : memref<640x128xf32, #tpu.memory_space<vmem_shared>>) target_semaphore(%run_scoped3A_128 : memref<!tpu.dma_semaphore, #tpu.memory_space<semaphore_mem>>)
        %dma_wait3A = arith.constant 0 : i32
        %dma_wait3A_132 = tpu.memref_slice %arg12[%multiple_of3A_127, %dma_wait3A] : memref<10000x128xf32, #tpu.memory_space<vmem_shared>> -> memref<640x128xf32, #tpu.memory_space<vmem_shared>>
        %dma_wait3A_133 = arith.constant 0 : i32
        %dma_wait3A_134 = tpu.memref_slice %arg5[%multiple_of3A_127, %dma_wait3A_133] : memref<10000x128xf32, #tpu.memory_space<hbm>> -> memref<640x128xf32, #tpu.memory_space<hbm>>
        tpu.wait_dma2 semaphore(%run_scoped3A_128 : memref<!tpu.dma_semaphore, #tpu.memory_space<semaphore_mem>>) src(%dma_wait3A_134 : memref<640x128xf32, #tpu.memory_space<hbm>>) dst(%dma_wait3A_132 : memref<640x128xf32, #tpu.memory_space<vmem_shared>>)
        tpu.yield
      }) : () -> ()
    } else {
    }
    %barrier3A = arith.constant 0 : index
    tpu.barrier barrier_id(%barrier3A)
    %mul3A_15 = arith.constant 625 : i32
    %mul3A_16 = arith.muli %arg0, %mul3A_15 : i32
    %mul3A_17 = arith.constant 39 : i32
    %mul3A_18 = arith.muli %arg1, %mul3A_17 : i32
    %add3A_19 = arith.addi %mul3A_16, %mul3A_18 : i32
    %mul3A_20 = arith.constant 128 : i32
    %mul3A_21 = arith.muli %add3A_19, %mul3A_20 : i32
    %scan3A_22 = arith.constant 0 : i32
    %scan3A_23 = arith.constant 0 : i32
    %scan3A_24 = arith.constant 19 : i32
    %scan3A_25 = arith.addi %scan3A_23, %scan3A_24 : i32
    %scan3A_26 = arith.constant 1 : i32
    %scan3A_27 = scf.for %scan3A_126 = %scan3A_23 to %scan3A_25 step %scan3A_26 iter_args(%scan3A_127 = %scan3A_22) -> (i32)  : i32 {
      %mul3A_128 = arith.constant 2 : i32
      %mul3A_129 = arith.muli %scan3A_126, %mul3A_128 : i32
      %add3A_130 = arith.constant 0 : i32
      %add3A_131 = arith.addi %mul3A_129, %add3A_130 : i32
      %mul3A_132 = arith.constant 128 : i32
      %mul3A_133 = arith.muli %add3A_131, %mul3A_132 : i32
      %add3A_134 = arith.addi %mul3A_21, %mul3A_133 : i32
      %multiple_of3A_135 = tpu.assume_multiple %add3A_134, 128 : i32
      %add3A_136 = arith.constant 160000 : i32
      %add3A_137 = arith.addi %add3A_136, %multiple_of3A_135 : i32
      %dma_start3A = arith.constant 0 : i32
      %dma_start3A_138 = arith.constant 0 : i32
      %dma_start3A_139 = tpu.memref_slice %arg8[%dma_start3A, %dma_start3A_138] : memref<2x128xi32, #tpu.memory_space<vmem>> -> memref<1x128xi32, #tpu.memory_space<vmem>>
      %dma_start3A_140 = tpu.memref_squeeze %dma_start3A_139 : memref<1x128xi32, #tpu.memory_space<vmem>> -> memref<128xi32, #tpu.memory_space<vmem>>
      %dma_start3A_141 = tpu.memref_slice %arg4[%add3A_137] : memref<320000xi32, #tpu.memory_space<hbm>> -> memref<128xi32, #tpu.memory_space<hbm>>
      %dma_start3A_142 = arith.constant 0 : i32
      %dma_start3A_143 = tpu.memref_slice %arg8[%dma_start3A, %dma_start3A_142] : memref<2x128xi32, #tpu.memory_space<vmem>> -> memref<1x128xi32, #tpu.memory_space<vmem>>
      %dma_start3A_144 = tpu.memref_squeeze %dma_start3A_143 : memref<1x128xi32, #tpu.memory_space<vmem>> -> memref<128xi32, #tpu.memory_space<vmem>>
      %dma_start3A_145 = tpu.memref_slice %arg4[%add3A_137] : memref<320000xi32, #tpu.memory_space<hbm>> -> memref<128xi32, #tpu.memory_space<hbm>>
      tpu.enqueue_dma source(%dma_start3A_145 : memref<128xi32, #tpu.memory_space<hbm>>) target(%dma_start3A_144 : memref<128xi32, #tpu.memory_space<vmem>>) target_semaphore(%arg13 : memref<!tpu.dma_semaphore, #tpu.memory_space<semaphore_mem>>)
      %dma_start3A_146 = arith.constant 0 : i32
      %dma_start3A_147 = arith.constant 0 : i32
      %dma_start3A_148 = arith.constant 0 : i32
      %dma_start3A_149 = tpu.memref_slice %arg9[%dma_start3A_146, %dma_start3A_147, %dma_start3A_148] : memref<2x128x128xf32, #tpu.memory_space<vmem>> -> memref<1x128x128xf32, #tpu.memory_space<vmem>>
      %dma_start3A_150 = tpu.memref_squeeze %dma_start3A_149 : memref<1x128x128xf32, #tpu.memory_space<vmem>> -> memref<128x128xf32, #tpu.memory_space<vmem>>
      %dma_start3A_151 = arith.constant 0 : i32
      %dma_start3A_152 = tpu.memref_slice %arg2[%multiple_of3A_135, %dma_start3A_151] : memref<160000x128xf32, #tpu.memory_space<hbm>> -> memref<128x128xf32, #tpu.memory_space<hbm>>
      %dma_start3A_153 = arith.constant 0 : i32
      %dma_start3A_154 = arith.constant 0 : i32
      %dma_start3A_155 = tpu.memref_slice %arg9[%dma_start3A_146, %dma_start3A_153, %dma_start3A_154] : memref<2x128x128xf32, #tpu.memory_space<vmem>> -> memref<1x128x128xf32, #tpu.memory_space<vmem>>
      %dma_start3A_156 = tpu.memref_squeeze %dma_start3A_155 : memref<1x128x128xf32, #tpu.memory_space<vmem>> -> memref<128x128xf32, #tpu.memory_space<vmem>>
      %dma_start3A_157 = arith.constant 0 : i32
      %dma_start3A_158 = tpu.memref_slice %arg2[%multiple_of3A_135, %dma_start3A_157] : memref<160000x128xf32, #tpu.memory_space<hbm>> -> memref<128x128xf32, #tpu.memory_space<hbm>>
      tpu.enqueue_dma source(%dma_start3A_158 : memref<128x128xf32, #tpu.memory_space<hbm>>) target(%dma_start3A_156 : memref<128x128xf32, #tpu.memory_space<vmem>>) target_semaphore(%arg13 : memref<!tpu.dma_semaphore, #tpu.memory_space<semaphore_mem>>)
      %dma_start3A_159 = arith.constant 0 : i32
      %dma_start3A_160 = arith.constant 0 : i32
      %dma_start3A_161 = tpu.memref_slice %arg10[%dma_start3A_159, %dma_start3A_160] : memref<2x128xf32, #tpu.memory_space<vmem>> -> memref<1x128xf32, #tpu.memory_space<vmem>>
      %dma_start3A_162 = tpu.memref_squeeze %dma_start3A_161 : memref<1x128xf32, #tpu.memory_space<vmem>> -> memref<128xf32, #tpu.memory_space<vmem>>
      %dma_start3A_163 = tpu.memref_slice %arg3[%multiple_of3A_135] : memref<160000xf32, #tpu.memory_space<hbm>> -> memref<128xf32, #tpu.memory_space<hbm>>
      %dma_start3A_164 = arith.constant 0 : i32
      %dma_start3A_165 = tpu.memref_slice %arg10[%dma_start3A_159, %dma_start3A_164] : memref<2x128xf32, #tpu.memory_space<vmem>> -> memref<1x128xf32, #tpu.memory_space<vmem>>
      %dma_start3A_166 = tpu.memref_squeeze %dma_start3A_165 : memref<1x128xf32, #tpu.memory_space<vmem>> -> memref<128xf32, #tpu.memory_space<vmem>>
      %dma_start3A_167 = tpu.memref_slice %arg3[%multiple_of3A_135] : memref<160000xf32, #tpu.memory_space<hbm>> -> memref<128xf32, #tpu.memory_space<hbm>>
      tpu.enqueue_dma source(%dma_start3A_167 : memref<128xf32, #tpu.memory_space<hbm>>) target(%dma_start3A_166 : memref<128xf32, #tpu.memory_space<vmem>>) target_semaphore(%arg13 : memref<!tpu.dma_semaphore, #tpu.memory_space<semaphore_mem>>)
      %mul3A_168 = arith.constant 2 : i32
      %mul3A_169 = arith.muli %scan3A_126, %mul3A_168 : i32
      %add3A_170 = arith.constant 1 : i32
      %add3A_171 = arith.addi %mul3A_169, %add3A_170 : i32
      %mul3A_172 = arith.constant 128 : i32
      %mul3A_173 = arith.muli %add3A_171, %mul3A_172 : i32
      %add3A_174 = arith.addi %mul3A_21, %mul3A_173 : i32
      %multiple_of3A_175 = tpu.assume_multiple %add3A_174, 128 : i32
      %add3A_176 = arith.constant 160000 : i32
      %add3A_177 = arith.addi %add3A_176, %multiple_of3A_175 : i32
      %dma_start3A_178 = arith.constant 1 : i32
      %dma_start3A_179 = arith.constant 0 : i32
      %dma_start3A_180 = tpu.memref_slice %arg8[%dma_start3A_178, %dma_start3A_179] : memref<2x128xi32, #tpu.memory_space<vmem>> -> memref<1x128xi32, #tpu.memory_space<vmem>>
      %dma_start3A_181 = tpu.memref_squeeze %dma_start3A_180 : memref<1x128xi32, #tpu.memory_space<vmem>> -> memref<128xi32, #tpu.memory_space<vmem>>
      %dma_start3A_182 = tpu.memref_slice %arg4[%add3A_177] : memref<320000xi32, #tpu.memory_space<hbm>> -> memref<128xi32, #tpu.memory_space<hbm>>
      %dma_start3A_183 = arith.constant 0 : i32
      %dma_start3A_184 = tpu.memref_slice %arg8[%dma_start3A_178, %dma_start3A_183] : memref<2x128xi32, #tpu.memory_space<vmem>> -> memref<1x128xi32, #tpu.memory_space<vmem>>
      %dma_start3A_185 = tpu.memref_squeeze %dma_start3A_184 : memref<1x128xi32, #tpu.memory_space<vmem>> -> memref<128xi32, #tpu.memory_space<vmem>>
      %dma_start3A_186 = tpu.memref_slice %arg4[%add3A_177] : memref<320000xi32, #tpu.memory_space<hbm>> -> memref<128xi32, #tpu.memory_space<hbm>>
      tpu.enqueue_dma source(%dma_start3A_186 : memref<128xi32, #tpu.memory_space<hbm>>) target(%dma_start3A_185 : memref<128xi32, #tpu.memory_space<vmem>>) target_semaphore(%arg14 : memref<!tpu.dma_semaphore, #tpu.memory_space<semaphore_mem>>)
      %dma_start3A_187 = arith.constant 1 : i32
      %dma_start3A_188 = arith.constant 0 : i32
      %dma_start3A_189 = arith.constant 0 : i32
      %dma_start3A_190 = tpu.memref_slice %arg9[%dma_start3A_187, %dma_start3A_188, %dma_start3A_189] : memref<2x128x128xf32, #tpu.memory_space<vmem>> -> memref<1x128x128xf32, #tpu.memory_space<vmem>>
      %dma_start3A_191 = tpu.memref_squeeze %dma_start3A_190 : memref<1x128x128xf32, #tpu.memory_space<vmem>> -> memref<128x128xf32, #tpu.memory_space<vmem>>
      %dma_start3A_192 = arith.constant 0 : i32
      %dma_start3A_193 = tpu.memref_slice %arg2[%multiple_of3A_175, %dma_start3A_192] : memref<160000x128xf32, #tpu.memory_space<hbm>> -> memref<128x128xf32, #tpu.memory_space<hbm>>
      %dma_start3A_194 = arith.constant 0 : i32
      %dma_start3A_195 = arith.constant 0 : i32
      %dma_start3A_196 = tpu.memref_slice %arg9[%dma_start3A_187, %dma_start3A_194, %dma_start3A_195] : memref<2x128x128xf32, #tpu.memory_space<vmem>> -> memref<1x128x128xf32, #tpu.memory_space<vmem>>
      %dma_start3A_197 = tpu.memref_squeeze %dma_start3A_196 : memref<1x128x128xf32, #tpu.memory_space<vmem>> -> memref<128x128xf32, #tpu.memory_space<vmem>>
      %dma_start3A_198 = arith.constant 0 : i32
      %dma_start3A_199 = tpu.memref_slice %arg2[%multiple_of3A_175, %dma_start3A_198] : memref<160000x128xf32, #tpu.memory_space<hbm>> -> memref<128x128xf32, #tpu.memory_space<hbm>>
      tpu.enqueue_dma source(%dma_start3A_199 : memref<128x128xf32, #tpu.memory_space<hbm>>) target(%dma_start3A_197 : memref<128x128xf32, #tpu.memory_space<vmem>>) target_semaphore(%arg14 : memref<!tpu.dma_semaphore, #tpu.memory_space<semaphore_mem>>)
      %dma_start3A_200 = arith.constant 1 : i32
      %dma_start3A_201 = arith.constant 0 : i32
      %dma_start3A_202 = tpu.memref_slice %arg10[%dma_start3A_200, %dma_start3A_201] : memref<2x128xf32, #tpu.memory_space<vmem>> -> memref<1x128xf32, #tpu.memory_space<vmem>>
      %dma_start3A_203 = tpu.memref_squeeze %dma_start3A_202 : memref<1x128xf32, #tpu.memory_space<vmem>> -> memref<128xf32, #tpu.memory_space<vmem>>
      %dma_start3A_204 = tpu.memref_slice %arg3[%multiple_of3A_175] : memref<160000xf32, #tpu.memory_space<hbm>> -> memref<128xf32, #tpu.memory_space<hbm>>
      %dma_start3A_205 = arith.constant 0 : i32
      %dma_start3A_206 = tpu.memref_slice %arg10[%dma_start3A_200, %dma_start3A_205] : memref<2x128xf32, #tpu.memory_space<vmem>> -> memref<1x128xf32, #tpu.memory_space<vmem>>
      %dma_start3A_207 = tpu.memref_squeeze %dma_start3A_206 : memref<1x128xf32, #tpu.memory_space<vmem>> -> memref<128xf32, #tpu.memory_space<vmem>>
      %dma_start3A_208 = tpu.memref_slice %arg3[%multiple_of3A_175] : memref<160000xf32, #tpu.memory_space<hbm>> -> memref<128xf32, #tpu.memory_space<hbm>>
      tpu.enqueue_dma source(%dma_start3A_208 : memref<128xf32, #tpu.memory_space<hbm>>) target(%dma_start3A_207 : memref<128xf32, #tpu.memory_space<vmem>>) target_semaphore(%arg14 : memref<!tpu.dma_semaphore, #tpu.memory_space<semaphore_mem>>)
      %dma_wait3A = arith.constant 0 : i32
      %dma_wait3A_209 = arith.constant 0 : i32
      %dma_wait3A_210 = tpu.memref_slice %arg8[%dma_wait3A, %dma_wait3A_209] : memref<2x128xi32, #tpu.memory_space<vmem>> -> memref<1x128xi32, #tpu.memory_space<vmem>>
      %dma_wait3A_211 = tpu.memref_squeeze %dma_wait3A_210 : memref<1x128xi32, #tpu.memory_space<vmem>> -> memref<128xi32, #tpu.memory_space<vmem>>
      %dma_wait3A_212 = tpu.memref_slice %arg4[%add3A_137] : memref<320000xi32, #tpu.memory_space<hbm>> -> memref<128xi32, #tpu.memory_space<hbm>>
      %dma_wait3A_213 = arith.constant 0 : i32
      %dma_wait3A_214 = tpu.memref_slice %arg8[%dma_wait3A, %dma_wait3A_213] : memref<2x128xi32, #tpu.memory_space<vmem>> -> memref<1x128xi32, #tpu.memory_space<vmem>>
      %dma_wait3A_215 = tpu.memref_squeeze %dma_wait3A_214 : memref<1x128xi32, #tpu.memory_space<vmem>> -> memref<128xi32, #tpu.memory_space<vmem>>
      %dma_wait3A_216 = tpu.memref_slice %arg4[%add3A_137] : memref<320000xi32, #tpu.memory_space<hbm>> -> memref<128xi32, #tpu.memory_space<hbm>>
      tpu.wait_dma2 semaphore(%arg13 : memref<!tpu.dma_semaphore, #tpu.memory_space<semaphore_mem>>) src(%dma_wait3A_216 : memref<128xi32, #tpu.memory_space<hbm>>) dst(%dma_wait3A_215 : memref<128xi32, #tpu.memory_space<vmem>>)
      %dma_wait3A_217 = arith.constant 0 : i32
      %dma_wait3A_218 = arith.constant 0 : i32
      %dma_wait3A_219 = arith.constant 0 : i32
      %dma_wait3A_220 = tpu.memref_slice %arg9[%dma_wait3A_217, %dma_wait3A_218, %dma_wait3A_219] : memref<2x128x128xf32, #tpu.memory_space<vmem>> -> memref<1x128x128xf32, #tpu.memory_space<vmem>>
      %dma_wait3A_221 = tpu.memref_squeeze %dma_wait3A_220 : memref<1x128x128xf32, #tpu.memory_space<vmem>> -> memref<128x128xf32, #tpu.memory_space<vmem>>
      %dma_wait3A_222 = arith.constant 0 : i32
      %dma_wait3A_223 = tpu.memref_slice %arg2[%multiple_of3A_135, %dma_wait3A_222] : memref<160000x128xf32, #tpu.memory_space<hbm>> -> memref<128x128xf32, #tpu.memory_space<hbm>>
      %dma_wait3A_224 = arith.constant 0 : i32
      %dma_wait3A_225 = arith.constant 0 : i32
      %dma_wait3A_226 = tpu.memref_slice %arg9[%dma_wait3A_217, %dma_wait3A_224, %dma_wait3A_225] : memref<2x128x128xf32, #tpu.memory_space<vmem>> -> memref<1x128x128xf32, #tpu.memory_space<vmem>>
      %dma_wait3A_227 = tpu.memref_squeeze %dma_wait3A_226 : memref<1x128x128xf32, #tpu.memory_space<vmem>> -> memref<128x128xf32, #tpu.memory_space<vmem>>
      %dma_wait3A_228 = arith.constant 0 : i32
      %dma_wait3A_229 = tpu.memref_slice %arg2[%multiple_of3A_135, %dma_wait3A_228] : memref<160000x128xf32, #tpu.memory_space<hbm>> -> memref<128x128xf32, #tpu.memory_space<hbm>>
      tpu.wait_dma2 semaphore(%arg13 : memref<!tpu.dma_semaphore, #tpu.memory_space<semaphore_mem>>) src(%dma_wait3A_229 : memref<128x128xf32, #tpu.memory_space<hbm>>) dst(%dma_wait3A_227 : memref<128x128xf32, #tpu.memory_space<vmem>>)
      %dma_wait3A_230 = arith.constant 0 : i32
      %dma_wait3A_231 = arith.constant 0 : i32
      %dma_wait3A_232 = tpu.memref_slice %arg10[%dma_wait3A_230, %dma_wait3A_231] : memref<2x128xf32, #tpu.memory_space<vmem>> -> memref<1x128xf32, #tpu.memory_space<vmem>>
      %dma_wait3A_233 = tpu.memref_squeeze %dma_wait3A_232 : memref<1x128xf32, #tpu.memory_space<vmem>> -> memref<128xf32, #tpu.memory_space<vmem>>
      %dma_wait3A_234 = tpu.memref_slice %arg3[%multiple_of3A_135] : memref<160000xf32, #tpu.memory_space<hbm>> -> memref<128xf32, #tpu.memory_space<hbm>>
      %dma_wait3A_235 = arith.constant 0 : i32
      %dma_wait3A_236 = tpu.memref_slice %arg10[%dma_wait3A_230, %dma_wait3A_235] : memref<2x128xf32, #tpu.memory_space<vmem>> -> memref<1x128xf32, #tpu.memory_space<vmem>>
      %dma_wait3A_237 = tpu.memref_squeeze %dma_wait3A_236 : memref<1x128xf32, #tpu.memory_space<vmem>> -> memref<128xf32, #tpu.memory_space<vmem>>
      %dma_wait3A_238 = tpu.memref_slice %arg3[%multiple_of3A_135] : memref<160000xf32, #tpu.memory_space<hbm>> -> memref<128xf32, #tpu.memory_space<hbm>>
      tpu.wait_dma2 semaphore(%arg13 : memref<!tpu.dma_semaphore, #tpu.memory_space<semaphore_mem>>) src(%dma_wait3A_238 : memref<128xf32, #tpu.memory_space<hbm>>) dst(%dma_wait3A_237 : memref<128xf32, #tpu.memory_space<vmem>>)
      %dma_start3A_239 = arith.constant 0 : i32
      %dma_start3A_240 = arith.constant 0 : i32
      %dma_start3A_241 = arith.constant 0 : i32
      %dma_start3A_242 = arith.constant 0 : i32
      %dma_start3A_243 = tpu.memref_slice %arg9[%dma_start3A_239, %dma_start3A_241, %dma_start3A_242] : memref<2x128x128xf32, #tpu.memory_space<vmem>> -> memref<1x128x128xf32, #tpu.memory_space<vmem>>
      %dma_start3A_244 = tpu.memref_squeeze %dma_start3A_243 : memref<1x128x128xf32, #tpu.memory_space<vmem>> -> memref<128x128xf32, #tpu.memory_space<vmem>>
      %dma_start3A_245 = arith.constant 0 : i32
      %dma_start3A_246 = tpu.memref_slice %arg8[%dma_start3A_240, %dma_start3A_245] : memref<2x128xi32, #tpu.memory_space<vmem>> -> memref<1x128xi32, #tpu.memory_space<vmem>>
      %dma_start3A_247 = tpu.memref_squeeze %dma_start3A_246 : memref<1x128xi32, #tpu.memory_space<vmem>> -> memref<128xi32, #tpu.memory_space<vmem>>
      %dma_start3A_248 = arith.constant 0 : i32
      %dma_start3A_249 = arith.constant 0 : i32
      %dma_start3A_250 = tpu.memref_slice %arg12[%dma_start3A_248, %dma_start3A_249] : memref<10000x128xf32, #tpu.memory_space<vmem_shared>> -> memref<10000x128xf32, #tpu.memory_space<vmem_shared>>
      tpu.enqueue_indirect_dma source(%dma_start3A_244 : memref<128x128xf32, #tpu.memory_space<vmem>>) target(%dma_start3A_250 : memref<10000x128xf32, #tpu.memory_space<vmem_shared>>) offsets(%dma_start3A_247 : memref<128xi32, #tpu.memory_space<vmem>>) semaphore(%arg15 : memref<!tpu.dma_semaphore, #tpu.memory_space<semaphore_mem>>) {add = true}
      %get3A_251 = arith.constant 0 : i32
      %get3A_252 = arith.index_cast %get3A_251 : i32 to index
      %get3A_253 = arith.constant 0 : index
      %get3A_254 = tpu.vector_load %arg8[%get3A_252, %get3A_253] {strides = array<i32>} : memref<2x128xi32, #tpu.memory_space<vmem>>, vector<16xi32>,
      %get3A_255 = arith.constant 0 : i32
      %get3A_256 = arith.index_cast %get3A_255 : i32 to index
      %get3A_257 = arith.constant 0 : index
      %get3A_258 = tpu.vector_load %arg10[%get3A_256, %get3A_257] {strides = array<i32>} : memref<2x128xf32, #tpu.memory_space<vmem>>, vector<16xf32>,
      %exp3A_259 = math.exp %get3A_258 : vector<16xf32>
      tpu.vector_store_idx %arg11[%get3A_254], %exp3A_259 {add = true} : memref<10000xf32, #tpu.memory_space<vmem>>[vector<16xi32>], vector<16xf32>,
      %get3A_260 = arith.constant 0 : i32
      %get3A_261 = arith.index_cast %get3A_260 : i32 to index
      %get3A_262 = arith.constant 16 : index
      %get3A_263 = tpu.vector_load %arg8[%get3A_261, %get3A_262] {strides = array<i32>} : memref<2x128xi32, #tpu.memory_space<vmem>>, vector<16xi32>,
      %get3A_264 = arith.constant 0 : i32
      %get3A_265 = arith.index_cast %get3A_264 : i32 to index
      %get3A_266 = arith.constant 16 : index
      %get3A_267 = tpu.vector_load %arg10[%get3A_265, %get3A_266] {strides = array<i32>} : memref<2x128xf32, #tpu.memory_space<vmem>>, vector<16xf32>,
      %exp3A_268 = math.exp %get3A_267 : vector<16xf32>
      tpu.vector_store_idx %arg11[%get3A_263], %exp3A_268 {add = true} : memref<10000xf32, #tpu.memory_space<vmem>>[vector<16xi32>], vector<16xf32>,
      %get3A_269 = arith.constant 0 : i32
      %get3A_270 = arith.index_cast %get3A_269 : i32 to index
      %get3A_271 = arith.constant 32 : index
      %get3A_272 = tpu.vector_load %arg8[%get3A_270, %get3A_271] {strides = array<i32>} : memref<2x128xi32, #tpu.memory_space<vmem>>, vector<16xi32>,
      %get3A_273 = arith.constant 0 : i32
      %get3A_274 = arith.index_cast %get3A_273 : i32 to index
      %get3A_275 = arith.constant 32 : index
      %get3A_276 = tpu.vector_load %arg10[%get3A_274, %get3A_275] {strides = array<i32>} : memref<2x128xf32, #tpu.memory_space<vmem>>, vector<16xf32>,
      %exp3A_277 = math.exp %get3A_276 : vector<16xf32>
      tpu.vector_store_idx %arg11[%get3A_272], %exp3A_277 {add = true} : memref<10000xf32, #tpu.memory_space<vmem>>[vector<16xi32>], vector<16xf32>,
      %get3A_278 = arith.constant 0 : i32
      %get3A_279 = arith.index_cast %get3A_278 : i32 to index
      %get3A_280 = arith.constant 48 : index
      %get3A_281 = tpu.vector_load %arg8[%get3A_279, %get3A_280] {strides = array<i32>} : memref<2x128xi32, #tpu.memory_space<vmem>>, vector<16xi32>,
      %get3A_282 = arith.constant 0 : i32
      %get3A_283 = arith.index_cast %get3A_282 : i32 to index
      %get3A_284 = arith.constant 48 : index
      %get3A_285 = tpu.vector_load %arg10[%get3A_283, %get3A_284] {strides = array<i32>} : memref<2x128xf32, #tpu.memory_space<vmem>>, vector<16xf32>,
      %exp3A_286 = math.exp %get3A_285 : vector<16xf32>
      tpu.vector_store_idx %arg11[%get3A_281], %exp3A_286 {add = true} : memref<10000xf32, #tpu.memory_space<vmem>>[vector<16xi32>], vector<16xf32>,
      %get3A_287 = arith.constant 0 : i32
      %get3A_288 = arith.index_cast %get3A_287 : i32 to index
      %get3A_289 = arith.constant 64 : index
      %get3A_290 = tpu.vector_load %arg8[%get3A_288, %get3A_289] {strides = array<i32>} : memref<2x128xi32, #tpu.memory_space<vmem>>, vector<16xi32>,
      %get3A_291 = arith.constant 0 : i32
      %get3A_292 = arith.index_cast %get3A_291 : i32 to index
      %get3A_293 = arith.constant 64 : index
      %get3A_294 = tpu.vector_load %arg10[%get3A_292, %get3A_293] {strides = array<i32>} : memref<2x128xf32, #tpu.memory_space<vmem>>, vector<16xf32>,
      %exp3A_295 = math.exp %get3A_294 : vector<16xf32>
      tpu.vector_store_idx %arg11[%get3A_290], %exp3A_295 {add = true} : memref<10000xf32, #tpu.memory_space<vmem>>[vector<16xi32>], vector<16xf32>,
      %get3A_296 = arith.constant 0 : i32
      %get3A_297 = arith.index_cast %get3A_296 : i32 to index
      %get3A_298 = arith.constant 80 : index
      %get3A_299 = tpu.vector_load %arg8[%get3A_297, %get3A_298] {strides = array<i32>} : memref<2x128xi32, #tpu.memory_space<vmem>>, vector<16xi32>,
      %get3A_300 = arith.constant 0 : i32
      %get3A_301 = arith.index_cast %get3A_300 : i32 to index
      %get3A_302 = arith.constant 80 : index
      %get3A_303 = tpu.vector_load %arg10[%get3A_301, %get3A_302] {strides = array<i32>} : memref<2x128xf32, #tpu.memory_space<vmem>>, vector<16xf32>,
      %exp3A_304 = math.exp %get3A_303 : vector<16xf32>
      tpu.vector_store_idx %arg11[%get3A_299], %exp3A_304 {add = true} : memref<10000xf32, #tpu.memory_space<vmem>>[vector<16xi32>], vector<16xf32>,
      %get3A_305 = arith.constant 0 : i32
      %get3A_306 = arith.index_cast %get3A_305 : i32 to index
      %get3A_307 = arith.constant 96 : index
      %get3A_308 = tpu.vector_load %arg8[%get3A_306, %get3A_307] {strides = array<i32>} : memref<2x128xi32, #tpu.memory_space<vmem>>, vector<16xi32>,
      %get3A_309 = arith.constant 0 : i32
      %get3A_310 = arith.index_cast %get3A_309 : i32 to index
      %get3A_311 = arith.constant 96 : index
      %get3A_312 = tpu.vector_load %arg10[%get3A_310, %get3A_311] {strides = array<i32>} : memref<2x128xf32, #tpu.memory_space<vmem>>, vector<16xf32>,
      %exp3A_313 = math.exp %get3A_312 : vector<16xf32>
      tpu.vector_store_idx %arg11[%get3A_308], %exp3A_313 {add = true} : memref<10000xf32, #tpu.memory_space<vmem>>[vector<16xi32>], vector<16xf32>,
      %get3A_314 = arith.constant 0 : i32
      %get3A_315 = arith.index_cast %get3A_314 : i32 to index
      %get3A_316 = arith.constant 112 : index
      %get3A_317 = tpu.vector_load %arg8[%get3A_315, %get3A_316] {strides = array<i32>} : memref<2x128xi32, #tpu.memory_space<vmem>>, vector<16xi32>,
      %get3A_318 = arith.constant 0 : i32
      %get3A_319 = arith.index_cast %get3A_318 : i32 to index
      %get3A_320 = arith.constant 112 : index
      %get3A_321 = tpu.vector_load %arg10[%get3A_319, %get3A_320] {strides = array<i32>} : memref<2x128xf32, #tpu.memory_space<vmem>>, vector<16xf32>,
      %exp3A_322 = math.exp %get3A_321 : vector<16xf32>
      tpu.vector_store_idx %arg11[%get3A_317], %exp3A_322 {add = true} : memref<10000xf32, #tpu.memory_space<vmem>>[vector<16xi32>], vector<16xf32>,
      %dma_wait3A_323 = arith.constant 1 : i32
      %dma_wait3A_324 = arith.constant 0 : i32
      %dma_wait3A_325 = tpu.memref_slice %arg8[%dma_wait3A_323, %dma_wait3A_324] : memref<2x128xi32, #tpu.memory_space<vmem>> -> memref<1x128xi32, #tpu.memory_space<vmem>>
      %dma_wait3A_326 = tpu.memref_squeeze %dma_wait3A_325 : memref<1x128xi32, #tpu.memory_space<vmem>> -> memref<128xi32, #tpu.memory_space<vmem>>
      %dma_wait3A_327 = tpu.memref_slice %arg4[%add3A_177] : memref<320000xi32, #tpu.memory_space<hbm>> -> memref<128xi32, #tpu.memory_space<hbm>>
      %dma_wait3A_328 = arith.constant 0 : i32
      %dma_wait3A_329 = tpu.memref_slice %arg8[%dma_wait3A_323, %dma_wait3A_328] : memref<2x128xi32, #tpu.memory_space<vmem>> -> memref<1x128xi32, #tpu.memory_space<vmem>>
      %dma_wait3A_330 = tpu.memref_squeeze %dma_wait3A_329 : memref<1x128xi32, #tpu.memory_space<vmem>> -> memref<128xi32, #tpu.memory_space<vmem>>
      %dma_wait3A_331 = tpu.memref_slice %arg4[%add3A_177] : memref<320000xi32, #tpu.memory_space<hbm>> -> memref<128xi32, #tpu.memory_space<hbm>>
      tpu.wait_dma2 semaphore(%arg14 : memref<!tpu.dma_semaphore, #tpu.memory_space<semaphore_mem>>) src(%dma_wait3A_331 : memref<128xi32, #tpu.memory_space<hbm>>) dst(%dma_wait3A_330 : memref<128xi32, #tpu.memory_space<vmem>>)
      %dma_wait3A_332 = arith.constant 1 : i32
      %dma_wait3A_333 = arith.constant 0 : i32
      %dma_wait3A_334 = arith.constant 0 : i32
      %dma_wait3A_335 = tpu.memref_slice %arg9[%dma_wait3A_332, %dma_wait3A_333, %dma_wait3A_334] : memref<2x128x128xf32, #tpu.memory_space<vmem>> -> memref<1x128x128xf32, #tpu.memory_space<vmem>>
      %dma_wait3A_336 = tpu.memref_squeeze %dma_wait3A_335 : memref<1x128x128xf32, #tpu.memory_space<vmem>> -> memref<128x128xf32, #tpu.memory_space<vmem>>
      %dma_wait3A_337 = arith.constant 0 : i32
      %dma_wait3A_338 = tpu.memref_slice %arg2[%multiple_of3A_175, %dma_wait3A_337] : memref<160000x128xf32, #tpu.memory_space<hbm>> -> memref<128x128xf32, #tpu.memory_space<hbm>>
      %dma_wait3A_339 = arith.constant 0 : i32
      %dma_wait3A_340 = arith.constant 0 : i32
      %dma_wait3A_341 = tpu.memref_slice %arg9[%dma_wait3A_332, %dma_wait3A_339, %dma_wait3A_340] : memref<2x128x128xf32, #tpu.memory_space<vmem>> -> memref<1x128x128xf32, #tpu.memory_space<vmem>>
      %dma_wait3A_342 = tpu.memref_squeeze %dma_wait3A_341 : memref<1x128x128xf32, #tpu.memory_space<vmem>> -> memref<128x128xf32, #tpu.memory_space<vmem>>
      %dma_wait3A_343 = arith.constant 0 : i32
      %dma_wait3A_344 = tpu.memref_slice %arg2[%multiple_of3A_175, %dma_wait3A_343] : memref<160000x128xf32, #tpu.memory_space<hbm>> -> memref<128x128xf32, #tpu.memory_space<hbm>>
      tpu.wait_dma2 semaphore(%arg14 : memref<!tpu.dma_semaphore, #tpu.memory_space<semaphore_mem>>) src(%dma_wait3A_344 : memref<128x128xf32, #tpu.memory_space<hbm>>) dst(%dma_wait3A_342 : memref<128x128xf32, #tpu.memory_space<vmem>>)
      %dma_wait3A_345 = arith.constant 1 : i32
      %dma_wait3A_346 = arith.constant 0 : i32
      %dma_wait3A_347 = tpu.memref_slice %arg10[%dma_wait3A_345, %dma_wait3A_346] : memref<2x128xf32, #tpu.memory_space<vmem>> -> memref<1x128xf32, #tpu.memory_space<vmem>>
      %dma_wait3A_348 = tpu.memref_squeeze %dma_wait3A_347 : memref<1x128xf32, #tpu.memory_space<vmem>> -> memref<128xf32, #tpu.memory_space<vmem>>
      %dma_wait3A_349 = tpu.memref_slice %arg3[%multiple_of3A_175] : memref<160000xf32, #tpu.memory_space<hbm>> -> memref<128xf32, #tpu.memory_space<hbm>>
      %dma_wait3A_350 = arith.constant 0 : i32
      %dma_wait3A_351 = tpu.memref_slice %arg10[%dma_wait3A_345, %dma_wait3A_350] : memref<2x128xf32, #tpu.memory_space<vmem>> -> memref<1x128xf32, #tpu.memory_space<vmem>>
      %dma_wait3A_352 = tpu.memref_squeeze %dma_wait3A_351 : memref<1x128xf32, #tpu.memory_space<vmem>> -> memref<128xf32, #tpu.memory_space<vmem>>
      %dma_wait3A_353 = tpu.memref_slice %arg3[%multiple_of3A_175] : memref<160000xf32, #tpu.memory_space<hbm>> -> memref<128xf32, #tpu.memory_space<hbm>>
      tpu.wait_dma2 semaphore(%arg14 : memref<!tpu.dma_semaphore, #tpu.memory_space<semaphore_mem>>) src(%dma_wait3A_353 : memref<128xf32, #tpu.memory_space<hbm>>) dst(%dma_wait3A_352 : memref<128xf32, #tpu.memory_space<vmem>>)
      %dma_start3A_354 = arith.constant 1 : i32
      %dma_start3A_355 = arith.constant 1 : i32
      %dma_start3A_356 = arith.constant 0 : i32
      %dma_start3A_357 = arith.constant 0 : i32
      %dma_start3A_358 = tpu.memref_slice %arg9[%dma_start3A_354, %dma_start3A_356, %dma_start3A_357] : memref<2x128x128xf32, #tpu.memory_space<vmem>> -> memref<1x128x128xf32, #tpu.memory_space<vmem>>
      %dma_start3A_359 = tpu.memref_squeeze %dma_start3A_358 : memref<1x128x128xf32, #tpu.memory_space<vmem>> -> memref<128x128xf32, #tpu.memory_space<vmem>>
      %dma_start3A_360 = arith.constant 0 : i32
      %dma_start3A_361 = tpu.memref_slice %arg8[%dma_start3A_355, %dma_start3A_360] : memref<2x128xi32, #tpu.memory_space<vmem>> -> memref<1x128xi32, #tpu.memory_space<vmem>>
      %dma_start3A_362 = tpu.memref_squeeze %dma_start3A_361 : memref<1x128xi32, #tpu.memory_space<vmem>> -> memref<128xi32, #tpu.memory_space<vmem>>
      %dma_start3A_363 = arith.constant 0 : i32
      %dma_start3A_364 = arith.constant 0 : i32
      %dma_start3A_365 = tpu.memref_slice %arg12[%dma_start3A_363, %dma_start3A_364] : memref<10000x128xf32, #tpu.memory_space<vmem_shared>> -> memref<10000x128xf32, #tpu.memory_space<vmem_shared>>
      tpu.enqueue_indirect_dma source(%dma_start3A_359 : memref<128x128xf32, #tpu.memory_space<vmem>>) target(%dma_start3A_365 : memref<10000x128xf32, #tpu.memory_space<vmem_shared>>) offsets(%dma_start3A_362 : memref<128xi32, #tpu.memory_space<vmem>>) semaphore(%arg16 : memref<!tpu.dma_semaphore, #tpu.memory_space<semaphore_mem>>) {add = true}
      %get3A_366 = arith.constant 1 : i32
      %get3A_367 = arith.index_cast %get3A_366 : i32 to index
      %get3A_368 = arith.constant 0 : index
      %get3A_369 = tpu.vector_load %arg8[%get3A_367, %get3A_368] {strides = array<i32>} : memref<2x128xi32, #tpu.memory_space<vmem>>, vector<16xi32>,
      %get3A_370 = arith.constant 1 : i32
      %get3A_371 = arith.index_cast %get3A_370 : i32 to index
      %get3A_372 = arith.constant 0 : index
      %get3A_373 = tpu.vector_load %arg10[%get3A_371, %get3A_372] {strides = array<i32>} : memref<2x128xf32, #tpu.memory_space<vmem>>, vector<16xf32>,
      %exp3A_374 = math.exp %get3A_373 : vector<16xf32>
      tpu.vector_store_idx %arg11[%get3A_369], %exp3A_374 {add = true} : memref<10000xf32, #tpu.memory_space<vmem>>[vector<16xi32>], vector<16xf32>,
      %get3A_375 = arith.constant 1 : i32
      %get3A_376 = arith.index_cast %get3A_375 : i32 to index
      %get3A_377 = arith.constant 16 : index
      %get3A_378 = tpu.vector_load %arg8[%get3A_376, %get3A_377] {strides = array<i32>} : memref<2x128xi32, #tpu.memory_space<vmem>>, vector<16xi32>,
      %get3A_379 = arith.constant 1 : i32
      %get3A_380 = arith.index_cast %get3A_379 : i32 to index
      %get3A_381 = arith.constant 16 : index
      %get3A_382 = tpu.vector_load %arg10[%get3A_380, %get3A_381] {strides = array<i32>} : memref<2x128xf32, #tpu.memory_space<vmem>>, vector<16xf32>,
      %exp3A_383 = math.exp %get3A_382 : vector<16xf32>
      tpu.vector_store_idx %arg11[%get3A_378], %exp3A_383 {add = true} : memref<10000xf32, #tpu.memory_space<vmem>>[vector<16xi32>], vector<16xf32>,
      %get3A_384 = arith.constant 1 : i32
      %get3A_385 = arith.index_cast %get3A_384 : i32 to index
      %get3A_386 = arith.constant 32 : index
      %get3A_387 = tpu.vector_load %arg8[%get3A_385, %get3A_386] {strides = array<i32>} : memref<2x128xi32, #tpu.memory_space<vmem>>, vector<16xi32>,
      %get3A_388 = arith.constant 1 : i32
      %get3A_389 = arith.index_cast %get3A_388 : i32 to index
      %get3A_390 = arith.constant 32 : index
      %get3A_391 = tpu.vector_load %arg10[%get3A_389, %get3A_390] {strides = array<i32>} : memref<2x128xf32, #tpu.memory_space<vmem>>, vector<16xf32>,
      %exp3A_392 = math.exp %get3A_391 : vector<16xf32>
      tpu.vector_store_idx %arg11[%get3A_387], %exp3A_392 {add = true} : memref<10000xf32, #tpu.memory_space<vmem>>[vector<16xi32>], vector<16xf32>,
      %get3A_393 = arith.constant 1 : i32
      %get3A_394 = arith.index_cast %get3A_393 : i32 to index
      %get3A_395 = arith.constant 48 : index
      %get3A_396 = tpu.vector_load %arg8[%get3A_394, %get3A_395] {strides = array<i32>} : memref<2x128xi32, #tpu.memory_space<vmem>>, vector<16xi32>,
      %get3A_397 = arith.constant 1 : i32
      %get3A_398 = arith.index_cast %get3A_397 : i32 to index
      %get3A_399 = arith.constant 48 : index
      %get3A_400 = tpu.vector_load %arg10[%get3A_398, %get3A_399] {strides = array<i32>} : memref<2x128xf32, #tpu.memory_space<vmem>>, vector<16xf32>,
      %exp3A_401 = math.exp %get3A_400 : vector<16xf32>
      tpu.vector_store_idx %arg11[%get3A_396], %exp3A_401 {add = true} : memref<10000xf32, #tpu.memory_space<vmem>>[vector<16xi32>], vector<16xf32>,
      %get3A_402 = arith.constant 1 : i32
      %get3A_403 = arith.index_cast %get3A_402 : i32 to index
      %get3A_404 = arith.constant 64 : index
      %get3A_405 = tpu.vector_load %arg8[%get3A_403, %get3A_404] {strides = array<i32>} : memref<2x128xi32, #tpu.memory_space<vmem>>, vector<16xi32>,
      %get3A_406 = arith.constant 1 : i32
      %get3A_407 = arith.index_cast %get3A_406 : i32 to index
      %get3A_408 = arith.constant 64 : index
      %get3A_409 = tpu.vector_load %arg10[%get3A_407, %get3A_408] {strides = array<i32>} : memref<2x128xf32, #tpu.memory_space<vmem>>, vector<16xf32>,
      %exp3A_410 = math.exp %get3A_409 : vector<16xf32>
      tpu.vector_store_idx %arg11[%get3A_405], %exp3A_410 {add = true} : memref<10000xf32, #tpu.memory_space<vmem>>[vector<16xi32>], vector<16xf32>,
      %get3A_411 = arith.constant 1 : i32
      %get3A_412 = arith.index_cast %get3A_411 : i32 to index
      %get3A_413 = arith.constant 80 : index
      %get3A_414 = tpu.vector_load %arg8[%get3A_412, %get3A_413] {strides = array<i32>} : memref<2x128xi32, #tpu.memory_space<vmem>>, vector<16xi32>,
      %get3A_415 = arith.constant 1 : i32
      %get3A_416 = arith.index_cast %get3A_415 : i32 to index
      %get3A_417 = arith.constant 80 : index
      %get3A_418 = tpu.vector_load %arg10[%get3A_416, %get3A_417] {strides = array<i32>} : memref<2x128xf32, #tpu.memory_space<vmem>>, vector<16xf32>,
      %exp3A_419 = math.exp %get3A_418 : vector<16xf32>
      tpu.vector_store_idx %arg11[%get3A_414], %exp3A_419 {add = true} : memref<10000xf32, #tpu.memory_space<vmem>>[vector<16xi32>], vector<16xf32>,
      %get3A_420 = arith.constant 1 : i32
      %get3A_421 = arith.index_cast %get3A_420 : i32 to index
      %get3A_422 = arith.constant 96 : index
      %get3A_423 = tpu.vector_load %arg8[%get3A_421, %get3A_422] {strides = array<i32>} : memref<2x128xi32, #tpu.memory_space<vmem>>, vector<16xi32>,
      %get3A_424 = arith.constant 1 : i32
      %get3A_425 = arith.index_cast %get3A_424 : i32 to index
      %get3A_426 = arith.constant 96 : index
      %get3A_427 = tpu.vector_load %arg10[%get3A_425, %get3A_426] {strides = array<i32>} : memref<2x128xf32, #tpu.memory_space<vmem>>, vector<16xf32>,
      %exp3A_428 = math.exp %get3A_427 : vector<16xf32>
      tpu.vector_store_idx %arg11[%get3A_423], %exp3A_428 {add = true} : memref<10000xf32, #tpu.memory_space<vmem>>[vector<16xi32>], vector<16xf32>,
      %get3A_429 = arith.constant 1 : i32
      %get3A_430 = arith.index_cast %get3A_429 : i32 to index
      %get3A_431 = arith.constant 112 : index
      %get3A_432 = tpu.vector_load %arg8[%get3A_430, %get3A_431] {strides = array<i32>} : memref<2x128xi32, #tpu.memory_space<vmem>>, vector<16xi32>,
      %get3A_433 = arith.constant 1 : i32
      %get3A_434 = arith.index_cast %get3A_433 : i32 to index
      %get3A_435 = arith.constant 112 : index
      %get3A_436 = tpu.vector_load %arg10[%get3A_434, %get3A_435] {strides = array<i32>} : memref<2x128xf32, #tpu.memory_space<vmem>>, vector<16xf32>,
      %exp3A_437 = math.exp %get3A_436 : vector<16xf32>
      tpu.vector_store_idx %arg11[%get3A_432], %exp3A_437 {add = true} : memref<10000xf32, #tpu.memory_space<vmem>>[vector<16xi32>], vector<16xf32>,
      %dma_wait3A_438 = arith.constant 0 : i32
      %dma_wait3A_439 = arith.constant 0 : i32
      %dma_wait3A_440 = arith.constant 0 : i32
      %dma_wait3A_441 = arith.constant 0 : i32
      %dma_wait3A_442 = tpu.memref_slice %arg9[%dma_wait3A_438, %dma_wait3A_440, %dma_wait3A_441] : memref<2x128x128xf32, #tpu.memory_space<vmem>> -> memref<1x128x128xf32, #tpu.memory_space<vmem>>
      %dma_wait3A_443 = tpu.memref_squeeze %dma_wait3A_442 : memref<1x128x128xf32, #tpu.memory_space<vmem>> -> memref<128x128xf32, #tpu.memory_space<vmem>>
      %dma_wait3A_444 = arith.constant 0 : i32
      %dma_wait3A_445 = tpu.memref_slice %arg8[%dma_wait3A_439, %dma_wait3A_444] : memref<2x128xi32, #tpu.memory_space<vmem>> -> memref<1x128xi32, #tpu.memory_space<vmem>>
      %dma_wait3A_446 = tpu.memref_squeeze %dma_wait3A_445 : memref<1x128xi32, #tpu.memory_space<vmem>> -> memref<128xi32, #tpu.memory_space<vmem>>
      %dma_wait3A_447 = arith.constant 0 : i32
      %dma_wait3A_448 = arith.constant 0 : i32
      %dma_wait3A_449 = tpu.memref_slice %arg12[%dma_wait3A_447, %dma_wait3A_448] : memref<10000x128xf32, #tpu.memory_space<vmem_shared>> -> memref<10000x128xf32, #tpu.memory_space<vmem_shared>>
      tpu.wait_indirect_dma semaphore(%arg15 : memref<!tpu.dma_semaphore, #tpu.memory_space<semaphore_mem>>) src(%dma_wait3A_443 : memref<128x128xf32, #tpu.memory_space<vmem>>) dst(%dma_wait3A_449 : memref<10000x128xf32, #tpu.memory_space<vmem_shared>>)
      %dma_wait3A_450 = arith.constant 1 : i32
      %dma_wait3A_451 = arith.constant 1 : i32
      %dma_wait3A_452 = arith.constant 0 : i32
      %dma_wait3A_453 = arith.constant 0 : i32
      %dma_wait3A_454 = tpu.memref_slice %arg9[%dma_wait3A_450, %dma_wait3A_452, %dma_wait3A_453] : memref<2x128x128xf32, #tpu.memory_space<vmem>> -> memref<1x128x128xf32, #tpu.memory_space<vmem>>
      %dma_wait3A_455 = tpu.memref_squeeze %dma_wait3A_454 : memref<1x128x128xf32, #tpu.memory_space<vmem>> -> memref<128x128xf32, #tpu.memory_space<vmem>>
      %dma_wait3A_456 = arith.constant 0 : i32
      %dma_wait3A_457 = tpu.memref_slice %arg8[%dma_wait3A_451, %dma_wait3A_456] : memref<2x128xi32, #tpu.memory_space<vmem>> -> memref<1x128xi32, #tpu.memory_space<vmem>>
      %dma_wait3A_458 = tpu.memref_squeeze %dma_wait3A_457 : memref<1x128xi32, #tpu.memory_space<vmem>> -> memref<128xi32, #tpu.memory_space<vmem>>
      %dma_wait3A_459 = arith.constant 0 : i32
      %dma_wait3A_460 = arith.constant 0 : i32
      %dma_wait3A_461 = tpu.memref_slice %arg12[%dma_wait3A_459, %dma_wait3A_460] : memref<10000x128xf32, #tpu.memory_space<vmem_shared>> -> memref<10000x128xf32, #tpu.memory_space<vmem_shared>>
      tpu.wait_indirect_dma semaphore(%arg16 : memref<!tpu.dma_semaphore, #tpu.memory_space<semaphore_mem>>) src(%dma_wait3A_455 : memref<128x128xf32, #tpu.memory_space<vmem>>) dst(%dma_wait3A_461 : memref<10000x128xf32, #tpu.memory_space<vmem_shared>>)
      %scan3A_462 = arith.constant 0 : i32
      scf.yield %scan3A_462 : i32
    }
    %scan3A_28 = arith.constant 19 : i32
    %add3A_29 = arith.constant 4864 : i32
    %add3A_30 = arith.addi %mul3A_21, %add3A_29 : i32
    %multiple_of3A_31 = tpu.assume_multiple %add3A_30, 128 : i32
    %add3A_32 = arith.constant 160000 : i32
    %add3A_33 = arith.addi %add3A_32, %multiple_of3A_31 : i32
    %run_scoped3A = arith.constant 0 : i32
    "tpu.region"() ({
      %run_scoped3A_126 = tpu.sem_alloc : memref<!tpu.dma_semaphore, #tpu.memory_space<semaphore_mem>>
      %dma_start3A = arith.constant 0 : i32
      %dma_start3A_127 = tpu.memref_slice %arg8[%run_scoped3A, %dma_start3A] : memref<2x128xi32, #tpu.memory_space<vmem>> -> memref<1x128xi32, #tpu.memory_space<vmem>>
      %dma_start3A_128 = tpu.memref_squeeze %dma_start3A_127 : memref<1x128xi32, #tpu.memory_space<vmem>> -> memref<128xi32, #tpu.memory_space<vmem>>
      %dma_start3A_129 = tpu.memref_slice %arg4[%add3A_33] : memref<320000xi32, #tpu.memory_space<hbm>> -> memref<128xi32, #tpu.memory_space<hbm>>
      %dma_start3A_130 = arith.constant 0 : i32
      %dma_start3A_131 = tpu.memref_slice %arg8[%run_scoped3A, %dma_start3A_130] : memref<2x128xi32, #tpu.memory_space<vmem>> -> memref<1x128xi32, #tpu.memory_space<vmem>>
      %dma_start3A_132 = tpu.memref_squeeze %dma_start3A_131 : memref<1x128xi32, #tpu.memory_space<vmem>> -> memref<128xi32, #tpu.memory_space<vmem>>
      %dma_start3A_133 = tpu.memref_slice %arg4[%add3A_33] : memref<320000xi32, #tpu.memory_space<hbm>> -> memref<128xi32, #tpu.memory_space<hbm>>
      tpu.enqueue_dma source(%dma_start3A_133 : memref<128xi32, #tpu.memory_space<hbm>>) target(%dma_start3A_132 : memref<128xi32, #tpu.memory_space<vmem>>) target_semaphore(%run_scoped3A_126 : memref<!tpu.dma_semaphore, #tpu.memory_space<semaphore_mem>>)
      %dma_wait3A = arith.constant 0 : i32
      %dma_wait3A_134 = tpu.memref_slice %arg8[%run_scoped3A, %dma_wait3A] : memref<2x128xi32, #tpu.memory_space<vmem>> -> memref<1x128xi32, #tpu.memory_space<vmem>>
      %dma_wait3A_135 = tpu.memref_squeeze %dma_wait3A_134 : memref<1x128xi32, #tpu.memory_space<vmem>> -> memref<128xi32, #tpu.memory_space<vmem>>
      %dma_wait3A_136 = tpu.memref_slice %arg4[%add3A_33] : memref<320000xi32, #tpu.memory_space<hbm>> -> memref<128xi32, #tpu.memory_space<hbm>>
      %dma_wait3A_137 = arith.constant 0 : i32
      %dma_wait3A_138 = tpu.memref_slice %arg8[%run_scoped3A, %dma_wait3A_137] : memref<2x128xi32, #tpu.memory_space<vmem>> -> memref<1x128xi32, #tpu.memory_space<vmem>>
      %dma_wait3A_139 = tpu.memref_squeeze %dma_wait3A_138 : memref<1x128xi32, #tpu.memory_space<vmem>> -> memref<128xi32, #tpu.memory_space<vmem>>
      %dma_wait3A_140 = tpu.memref_slice %arg4[%add3A_33] : memref<320000xi32, #tpu.memory_space<hbm>> -> memref<128xi32, #tpu.memory_space<hbm>>
      tpu.wait_dma2 semaphore(%run_scoped3A_126 : memref<!tpu.dma_semaphore, #tpu.memory_space<semaphore_mem>>) src(%dma_wait3A_140 : memref<128xi32, #tpu.memory_space<hbm>>) dst(%dma_wait3A_139 : memref<128xi32, #tpu.memory_space<vmem>>)
      tpu.yield
    }) : () -> ()
    %run_scoped3A_34 = arith.constant 0 : i32
    "tpu.region"() ({
      %run_scoped3A_126 = tpu.sem_alloc : memref<!tpu.dma_semaphore, #tpu.memory_space<semaphore_mem>>
      %dma_start3A = arith.constant 0 : i32
      %dma_start3A_127 = arith.constant 0 : i32
      %dma_start3A_128 = tpu.memref_slice %arg9[%run_scoped3A_34, %dma_start3A, %dma_start3A_127] : memref<2x128x128xf32, #tpu.memory_space<vmem>> -> memref<1x128x128xf32, #tpu.memory_space<vmem>>
      %dma_start3A_129 = tpu.memref_squeeze %dma_start3A_128 : memref<1x128x128xf32, #tpu.memory_space<vmem>> -> memref<128x128xf32, #tpu.memory_space<vmem>>
      %dma_start3A_130 = arith.constant 0 : i32
      %dma_start3A_131 = tpu.memref_slice %arg2[%multiple_of3A_31, %dma_start3A_130] : memref<160000x128xf32, #tpu.memory_space<hbm>> -> memref<128x128xf32, #tpu.memory_space<hbm>>
      %dma_start3A_132 = arith.constant 0 : i32
      %dma_start3A_133 = arith.constant 0 : i32
      %dma_start3A_134 = tpu.memref_slice %arg9[%run_scoped3A_34, %dma_start3A_132, %dma_start3A_133] : memref<2x128x128xf32, #tpu.memory_space<vmem>> -> memref<1x128x128xf32, #tpu.memory_space<vmem>>
      %dma_start3A_135 = tpu.memref_squeeze %dma_start3A_134 : memref<1x128x128xf32, #tpu.memory_space<vmem>> -> memref<128x128xf32, #tpu.memory_space<vmem>>
      %dma_start3A_136 = arith.constant 0 : i32
      %dma_start3A_137 = tpu.memref_slice %arg2[%multiple_of3A_31, %dma_start3A_136] : memref<160000x128xf32, #tpu.memory_space<hbm>> -> memref<128x128xf32, #tpu.memory_space<hbm>>
      tpu.enqueue_dma source(%dma_start3A_137 : memref<128x128xf32, #tpu.memory_space<hbm>>) target(%dma_start3A_135 : memref<128x128xf32, #tpu.memory_space<vmem>>) target_semaphore(%run_scoped3A_126 : memref<!tpu.dma_semaphore, #tpu.memory_space<semaphore_mem>>)
      %dma_wait3A = arith.constant 0 : i32
      %dma_wait3A_138 = arith.constant 0 : i32
      %dma_wait3A_139 = tpu.memref_slice %arg9[%run_scoped3A_34, %dma_wait3A, %dma_wait3A_138] : memref<2x128x128xf32, #tpu.memory_space<vmem>> -> memref<1x128x128xf32, #tpu.memory_space<vmem>>
      %dma_wait3A_140 = tpu.memref_squeeze %dma_wait3A_139 : memref<1x128x128xf32, #tpu.memory_space<vmem>> -> memref<128x128xf32, #tpu.memory_space<vmem>>
      %dma_wait3A_141 = arith.constant 0 : i32
      %dma_wait3A_142 = tpu.memref_slice %arg2[%multiple_of3A_31, %dma_wait3A_141] : memref<160000x128xf32, #tpu.memory_space<hbm>> -> memref<128x128xf32, #tpu.memory_space<hbm>>
      %dma_wait3A_143 = arith.constant 0 : i32
      %dma_wait3A_144 = arith.constant 0 : i32
      %dma_wait3A_145 = tpu.memref_slice %arg9[%run_scoped3A_34, %dma_wait3A_143, %dma_wait3A_144] : memref<2x128x128xf32, #tpu.memory_space<vmem>> -> memref<1x128x128xf32, #tpu.memory_space<vmem>>
      %dma_wait3A_146 = tpu.memref_squeeze %dma_wait3A_145 : memref<1x128x128xf32, #tpu.memory_space<vmem>> -> memref<128x128xf32, #tpu.memory_space<vmem>>
      %dma_wait3A_147 = arith.constant 0 : i32
      %dma_wait3A_148 = tpu.memref_slice %arg2[%multiple_of3A_31, %dma_wait3A_147] : memref<160000x128xf32, #tpu.memory_space<hbm>> -> memref<128x128xf32, #tpu.memory_space<hbm>>
      tpu.wait_dma2 semaphore(%run_scoped3A_126 : memref<!tpu.dma_semaphore, #tpu.memory_space<semaphore_mem>>) src(%dma_wait3A_148 : memref<128x128xf32, #tpu.memory_space<hbm>>) dst(%dma_wait3A_146 : memref<128x128xf32, #tpu.memory_space<vmem>>)
      tpu.yield
    }) : () -> ()
    %run_scoped3A_35 = arith.constant 0 : i32
    "tpu.region"() ({
      %run_scoped3A_126 = tpu.sem_alloc : memref<!tpu.dma_semaphore, #tpu.memory_space<semaphore_mem>>
      %dma_start3A = arith.constant 0 : i32
      %dma_start3A_127 = tpu.memref_slice %arg10[%run_scoped3A_35, %dma_start3A] : memref<2x128xf32, #tpu.memory_space<vmem>> -> memref<1x128xf32, #tpu.memory_space<vmem>>
      %dma_start3A_128 = tpu.memref_squeeze %dma_start3A_127 : memref<1x128xf32, #tpu.memory_space<vmem>> -> memref<128xf32, #tpu.memory_space<vmem>>
      %dma_start3A_129 = tpu.memref_slice %arg3[%multiple_of3A_31] : memref<160000xf32, #tpu.memory_space<hbm>> -> memref<128xf32, #tpu.memory_space<hbm>>
      %dma_start3A_130 = arith.constant 0 : i32
      %dma_start3A_131 = tpu.memref_slice %arg10[%run_scoped3A_35, %dma_start3A_130] : memref<2x128xf32, #tpu.memory_space<vmem>> -> memref<1x128xf32, #tpu.memory_space<vmem>>
      %dma_start3A_132 = tpu.memref_squeeze %dma_start3A_131 : memref<1x128xf32, #tpu.memory_space<vmem>> -> memref<128xf32, #tpu.memory_space<vmem>>
      %dma_start3A_133 = tpu.memref_slice %arg3[%multiple_of3A_31] : memref<160000xf32, #tpu.memory_space<hbm>> -> memref<128xf32, #tpu.memory_space<hbm>>
      tpu.enqueue_dma source(%dma_start3A_133 : memref<128xf32, #tpu.memory_space<hbm>>) target(%dma_start3A_132 : memref<128xf32, #tpu.memory_space<vmem>>) target_semaphore(%run_scoped3A_126 : memref<!tpu.dma_semaphore, #tpu.memory_space<semaphore_mem>>)
      %dma_wait3A = arith.constant 0 : i32
      %dma_wait3A_134 = tpu.memref_slice %arg10[%run_scoped3A_35, %dma_wait3A] : memref<2x128xf32, #tpu.memory_space<vmem>> -> memref<1x128xf32, #tpu.memory_space<vmem>>
      %dma_wait3A_135 = tpu.memref_squeeze %dma_wait3A_134 : memref<1x128xf32, #tpu.memory_space<vmem>> -> memref<128xf32, #tpu.memory_space<vmem>>
      %dma_wait3A_136 = tpu.memref_slice %arg3[%multiple_of3A_31] : memref<160000xf32, #tpu.memory_space<hbm>> -> memref<128xf32, #tpu.memory_space<hbm>>
      %dma_wait3A_137 = arith.constant 0 : i32
      %dma_wait3A_138 = tpu.memref_slice %arg10[%run_scoped3A_35, %dma_wait3A_137] : memref<2x128xf32, #tpu.memory_space<vmem>> -> memref<1x128xf32, #tpu.memory_space<vmem>>
      %dma_wait3A_139 = tpu.memref_squeeze %dma_wait3A_138 : memref<1x128xf32, #tpu.memory_space<vmem>> -> memref<128xf32, #tpu.memory_space<vmem>>
      %dma_wait3A_140 = tpu.memref_slice %arg3[%multiple_of3A_31] : memref<160000xf32, #tpu.memory_space<hbm>> -> memref<128xf32, #tpu.memory_space<hbm>>
      tpu.wait_dma2 semaphore(%run_scoped3A_126 : memref<!tpu.dma_semaphore, #tpu.memory_space<semaphore_mem>>) src(%dma_wait3A_140 : memref<128xf32, #tpu.memory_space<hbm>>) dst(%dma_wait3A_139 : memref<128xf32, #tpu.memory_space<vmem>>)
      tpu.yield
    }) : () -> ()
    %run_scoped3A_36 = arith.constant 0 : i32
    %run_scoped3A_37 = arith.constant 0 : i32
    "tpu.region"() ({
      %run_scoped3A_126 = tpu.sem_alloc : memref<!tpu.dma_semaphore, #tpu.memory_space<semaphore_mem>>
      %dma_start3A = arith.constant 0 : i32
      %dma_start3A_127 = arith.constant 0 : i32
      %dma_start3A_128 = tpu.memref_slice %arg9[%run_scoped3A_36, %dma_start3A, %dma_start3A_127] : memref<2x128x128xf32, #tpu.memory_space<vmem>> -> memref<1x128x128xf32, #tpu.memory_space<vmem>>
      %dma_start3A_129 = tpu.memref_squeeze %dma_start3A_128 : memref<1x128x128xf32, #tpu.memory_space<vmem>> -> memref<128x128xf32, #tpu.memory_space<vmem>>
      %dma_start3A_130 = arith.constant 0 : i32
      %dma_start3A_131 = tpu.memref_slice %arg8[%run_scoped3A_37, %dma_start3A_130] : memref<2x128xi32, #tpu.memory_space<vmem>> -> memref<1x128xi32, #tpu.memory_space<vmem>>
      %dma_start3A_132 = tpu.memref_squeeze %dma_start3A_131 : memref<1x128xi32, #tpu.memory_space<vmem>> -> memref<128xi32, #tpu.memory_space<vmem>>
      %dma_start3A_133 = arith.constant 0 : i32
      %dma_start3A_134 = arith.constant 0 : i32
      %dma_start3A_135 = tpu.memref_slice %arg12[%dma_start3A_133, %dma_start3A_134] : memref<10000x128xf32, #tpu.memory_space<vmem_shared>> -> memref<10000x128xf32, #tpu.memory_space<vmem_shared>>
      tpu.enqueue_indirect_dma source(%dma_start3A_129 : memref<128x128xf32, #tpu.memory_space<vmem>>) target(%dma_start3A_135 : memref<10000x128xf32, #tpu.memory_space<vmem_shared>>) offsets(%dma_start3A_132 : memref<128xi32, #tpu.memory_space<vmem>>) semaphore(%run_scoped3A_126 : memref<!tpu.dma_semaphore, #tpu.memory_space<semaphore_mem>>) {add = true}
      %dma_wait3A = arith.constant 0 : i32
      %dma_wait3A_136 = arith.constant 0 : i32
      %dma_wait3A_137 = tpu.memref_slice %arg9[%run_scoped3A_36, %dma_wait3A, %dma_wait3A_136] : memref<2x128x128xf32, #tpu.memory_space<vmem>> -> memref<1x128x128xf32, #tpu.memory_space<vmem>>
      %dma_wait3A_138 = tpu.memref_squeeze %dma_wait3A_137 : memref<1x128x128xf32, #tpu.memory_space<vmem>> -> memref<128x128xf32, #tpu.memory_space<vmem>>
      %dma_wait3A_139 = arith.constant 0 : i32
      %dma_wait3A_140 = tpu.memref_slice %arg8[%run_scoped3A_37, %dma_wait3A_139] : memref<2x128xi32, #tpu.memory_space<vmem>> -> memref<1x128xi32, #tpu.memory_space<vmem>>
      %dma_wait3A_141 = tpu.memref_squeeze %dma_wait3A_140 : memref<1x128xi32, #tpu.memory_space<vmem>> -> memref<128xi32, #tpu.memory_space<vmem>>
      %dma_wait3A_142 = arith.constant 0 : i32
      %dma_wait3A_143 = arith.constant 0 : i32
      %dma_wait3A_144 = tpu.memref_slice %arg12[%dma_wait3A_142, %dma_wait3A_143] : memref<10000x128xf32, #tpu.memory_space<vmem_shared>> -> memref<10000x128xf32, #tpu.memory_space<vmem_shared>>
      tpu.wait_indirect_dma semaphore(%run_scoped3A_126 : memref<!tpu.dma_semaphore, #tpu.memory_space<semaphore_mem>>) src(%dma_wait3A_138 : memref<128x128xf32, #tpu.memory_space<vmem>>) dst(%dma_wait3A_144 : memref<10000x128xf32, #tpu.memory_space<vmem_shared>>)
      tpu.yield
    }) : () -> ()
    %get3A = arith.constant 0 : i32
    %get3A_38 = arith.index_cast %get3A : i32 to index
    %get3A_39 = arith.constant 0 : index
    %get3A_40 = tpu.vector_load %arg8[%get3A_38, %get3A_39] {strides = array<i32>} : memref<2x128xi32, #tpu.memory_space<vmem>>, vector<16xi32>,
    %get3A_41 = arith.constant 0 : i32
    %get3A_42 = arith.index_cast %get3A_41 : i32 to index
    %get3A_43 = arith.constant 0 : index
    %get3A_44 = tpu.vector_load %arg10[%get3A_42, %get3A_43] {strides = array<i32>} : memref<2x128xf32, #tpu.memory_space<vmem>>, vector<16xf32>,
    %exp3A = math.exp %get3A_44 : vector<16xf32>
    tpu.vector_store_idx %arg11[%get3A_40], %exp3A {add = true} : memref<10000xf32, #tpu.memory_space<vmem>>[vector<16xi32>], vector<16xf32>,
    %get3A_45 = arith.constant 0 : i32
    %get3A_46 = arith.index_cast %get3A_45 : i32 to index
    %get3A_47 = arith.constant 16 : index
    %get3A_48 = tpu.vector_load %arg8[%get3A_46, %get3A_47] {strides = array<i32>} : memref<2x128xi32, #tpu.memory_space<vmem>>, vector<16xi32>,
    %get3A_49 = arith.constant 0 : i32
    %get3A_50 = arith.index_cast %get3A_49 : i32 to index
    %get3A_51 = arith.constant 16 : index
    %get3A_52 = tpu.vector_load %arg10[%get3A_50, %get3A_51] {strides = array<i32>} : memref<2x128xf32, #tpu.memory_space<vmem>>, vector<16xf32>,
    %exp3A_53 = math.exp %get3A_52 : vector<16xf32>
    tpu.vector_store_idx %arg11[%get3A_48], %exp3A_53 {add = true} : memref<10000xf32, #tpu.memory_space<vmem>>[vector<16xi32>], vector<16xf32>,
    %get3A_54 = arith.constant 0 : i32
    %get3A_55 = arith.index_cast %get3A_54 : i32 to index
    %get3A_56 = arith.constant 32 : index
    %get3A_57 = tpu.vector_load %arg8[%get3A_55, %get3A_56] {strides = array<i32>} : memref<2x128xi32, #tpu.memory_space<vmem>>, vector<16xi32>,
    %get3A_58 = arith.constant 0 : i32
    %get3A_59 = arith.index_cast %get3A_58 : i32 to index
    %get3A_60 = arith.constant 32 : index
    %get3A_61 = tpu.vector_load %arg10[%get3A_59, %get3A_60] {strides = array<i32>} : memref<2x128xf32, #tpu.memory_space<vmem>>, vector<16xf32>,
    %exp3A_62 = math.exp %get3A_61 : vector<16xf32>
    tpu.vector_store_idx %arg11[%get3A_57], %exp3A_62 {add = true} : memref<10000xf32, #tpu.memory_space<vmem>>[vector<16xi32>], vector<16xf32>,
    %get3A_63 = arith.constant 0 : i32
    %get3A_64 = arith.index_cast %get3A_63 : i32 to index
    %get3A_65 = arith.constant 48 : index
    %get3A_66 = tpu.vector_load %arg8[%get3A_64, %get3A_65] {strides = array<i32>} : memref<2x128xi32, #tpu.memory_space<vmem>>, vector<16xi32>,
    %get3A_67 = arith.constant 0 : i32
    %get3A_68 = arith.index_cast %get3A_67 : i32 to index
    %get3A_69 = arith.constant 48 : index
    %get3A_70 = tpu.vector_load %arg10[%get3A_68, %get3A_69] {strides = array<i32>} : memref<2x128xf32, #tpu.memory_space<vmem>>, vector<16xf32>,
    %exp3A_71 = math.exp %get3A_70 : vector<16xf32>
    tpu.vector_store_idx %arg11[%get3A_66], %exp3A_71 {add = true} : memref<10000xf32, #tpu.memory_space<vmem>>[vector<16xi32>], vector<16xf32>,
    %get3A_72 = arith.constant 0 : i32
    %get3A_73 = arith.index_cast %get3A_72 : i32 to index
    %get3A_74 = arith.constant 64 : index
    %get3A_75 = tpu.vector_load %arg8[%get3A_73, %get3A_74] {strides = array<i32>} : memref<2x128xi32, #tpu.memory_space<vmem>>, vector<16xi32>,
    %get3A_76 = arith.constant 0 : i32
    %get3A_77 = arith.index_cast %get3A_76 : i32 to index
    %get3A_78 = arith.constant 64 : index
    %get3A_79 = tpu.vector_load %arg10[%get3A_77, %get3A_78] {strides = array<i32>} : memref<2x128xf32, #tpu.memory_space<vmem>>, vector<16xf32>,
    %exp3A_80 = math.exp %get3A_79 : vector<16xf32>
    tpu.vector_store_idx %arg11[%get3A_75], %exp3A_80 {add = true} : memref<10000xf32, #tpu.memory_space<vmem>>[vector<16xi32>], vector<16xf32>,
    %get3A_81 = arith.constant 0 : i32
    %get3A_82 = arith.index_cast %get3A_81 : i32 to index
    %get3A_83 = arith.constant 80 : index
    %get3A_84 = tpu.vector_load %arg8[%get3A_82, %get3A_83] {strides = array<i32>} : memref<2x128xi32, #tpu.memory_space<vmem>>, vector<16xi32>,
    %get3A_85 = arith.constant 0 : i32
    %get3A_86 = arith.index_cast %get3A_85 : i32 to index
    %get3A_87 = arith.constant 80 : index
    %get3A_88 = tpu.vector_load %arg10[%get3A_86, %get3A_87] {strides = array<i32>} : memref<2x128xf32, #tpu.memory_space<vmem>>, vector<16xf32>,
    %exp3A_89 = math.exp %get3A_88 : vector<16xf32>
    tpu.vector_store_idx %arg11[%get3A_84], %exp3A_89 {add = true} : memref<10000xf32, #tpu.memory_space<vmem>>[vector<16xi32>], vector<16xf32>,
    %get3A_90 = arith.constant 0 : i32
    %get3A_91 = arith.index_cast %get3A_90 : i32 to index
    %get3A_92 = arith.constant 96 : index
    %get3A_93 = tpu.vector_load %arg8[%get3A_91, %get3A_92] {strides = array<i32>} : memref<2x128xi32, #tpu.memory_space<vmem>>, vector<16xi32>,
    %get3A_94 = arith.constant 0 : i32
    %get3A_95 = arith.index_cast %get3A_94 : i32 to index
    %get3A_96 = arith.constant 96 : index
    %get3A_97 = tpu.vector_load %arg10[%get3A_95, %get3A_96] {strides = array<i32>} : memref<2x128xf32, #tpu.memory_space<vmem>>, vector<16xf32>,
    %exp3A_98 = math.exp %get3A_97 : vector<16xf32>
    tpu.vector_store_idx %arg11[%get3A_93], %exp3A_98 {add = true} : memref<10000xf32, #tpu.memory_space<vmem>>[vector<16xi32>], vector<16xf32>,
    %get3A_99 = arith.constant 0 : i32
    %get3A_100 = arith.index_cast %get3A_99 : i32 to index
    %get3A_101 = arith.constant 112 : index
    %get3A_102 = tpu.vector_load %arg8[%get3A_100, %get3A_101] {strides = array<i32>} : memref<2x128xi32, #tpu.memory_space<vmem>>, vector<16xi32>,
    %get3A_103 = arith.constant 0 : i32
    %get3A_104 = arith.index_cast %get3A_103 : i32 to index
    %get3A_105 = arith.constant 112 : index
    %get3A_106 = tpu.vector_load %arg10[%get3A_104, %get3A_105] {strides = array<i32>} : memref<2x128xf32, #tpu.memory_space<vmem>>, vector<16xf32>,
    %exp3A_107 = math.exp %get3A_106 : vector<16xf32>
    tpu.vector_store_idx %arg11[%get3A_102], %exp3A_107 {add = true} : memref<10000xf32, #tpu.memory_space<vmem>>[vector<16xi32>], vector<16xf32>,
    %lt3A_108 = arith.constant 1 : i32
    %lt3A_109 = arith.cmpi slt, %arg1, %lt3A_108 : i32
    %convert_element_type3A_110 = arith.extui %lt3A_109 : i1 to i32
    %cond3A_111 = arith.constant 0 : i32
    %cond3A_112 = arith.cmpi ne, %convert_element_type3A_110, %cond3A_111 : i32
    scf.if %cond3A_112 {
      %mul3A_126 = arith.constant 625 : i32
      %mul3A_127 = arith.muli %arg0, %mul3A_126 : i32
      %add3A_128 = arith.constant 624 : i32
      %add3A_129 = arith.addi %mul3A_127, %add3A_128 : i32
      %add3A_130 = arith.addi %add3A_129, %arg1 : i32
      %mul3A_131 = arith.constant 128 : i32
      %mul3A_132 = arith.muli %add3A_130, %mul3A_131 : i32
      %multiple_of3A_133 = tpu.assume_multiple %mul3A_132, 128 : i32
      %add3A_134 = arith.constant 160000 : i32
      %add3A_135 = arith.addi %add3A_134, %multiple_of3A_133 : i32
      %run_scoped3A_136 = arith.constant 0 : i32
      "tpu.region"() ({
        %run_scoped3A_213 = tpu.sem_alloc : memref<!tpu.dma_semaphore, #tpu.memory_space<semaphore_mem>>
        %dma_start3A = arith.constant 0 : i32
        %dma_start3A_214 = tpu.memref_slice %arg8[%run_scoped3A_136, %dma_start3A] : memref<2x128xi32, #tpu.memory_space<vmem>> -> memref<1x128xi32, #tpu.memory_space<vmem>>
        %dma_start3A_215 = tpu.memref_squeeze %dma_start3A_214 : memref<1x128xi32, #tpu.memory_space<vmem>> -> memref<128xi32, #tpu.memory_space<vmem>>
        %dma_start3A_216 = tpu.memref_slice %arg4[%add3A_135] : memref<320000xi32, #tpu.memory_space<hbm>> -> memref<128xi32, #tpu.memory_space<hbm>>
        %dma_start3A_217 = arith.constant 0 : i32
        %dma_start3A_218 = tpu.memref_slice %arg8[%run_scoped3A_136, %dma_start3A_217] : memref<2x128xi32, #tpu.memory_space<vmem>> -> memref<1x128xi32, #tpu.memory_space<vmem>>
        %dma_start3A_219 = tpu.memref_squeeze %dma_start3A_218 : memref<1x128xi32, #tpu.memory_space<vmem>> -> memref<128xi32, #tpu.memory_space<vmem>>
        %dma_start3A_220 = tpu.memref_slice %arg4[%add3A_135] : memref<320000xi32, #tpu.memory_space<hbm>> -> memref<128xi32, #tpu.memory_space<hbm>>
        tpu.enqueue_dma source(%dma_start3A_220 : memref<128xi32, #tpu.memory_space<hbm>>) target(%dma_start3A_219 : memref<128xi32, #tpu.memory_space<vmem>>) target_semaphore(%run_scoped3A_213 : memref<!tpu.dma_semaphore, #tpu.memory_space<semaphore_mem>>)
        %dma_wait3A = arith.constant 0 : i32
        %dma_wait3A_221 = tpu.memref_slice %arg8[%run_scoped3A_136, %dma_wait3A] : memref<2x128xi32, #tpu.memory_space<vmem>> -> memref<1x128xi32, #tpu.memory_space<vmem>>
        %dma_wait3A_222 = tpu.memref_squeeze %dma_wait3A_221 : memref<1x128xi32, #tpu.memory_space<vmem>> -> memref<128xi32, #tpu.memory_space<vmem>>
        %dma_wait3A_223 = tpu.memref_slice %arg4[%add3A_135] : memref<320000xi32, #tpu.memory_space<hbm>> -> memref<128xi32, #tpu.memory_space<hbm>>
        %dma_wait3A_224 = arith.constant 0 : i32
        %dma_wait3A_225 = tpu.memref_slice %arg8[%run_scoped3A_136, %dma_wait3A_224] : memref<2x128xi32, #tpu.memory_space<vmem>> -> memref<1x128xi32, #tpu.memory_space<vmem>>
        %dma_wait3A_226 = tpu.memref_squeeze %dma_wait3A_225 : memref<1x128xi32, #tpu.memory_space<vmem>> -> memref<128xi32, #tpu.memory_space<vmem>>
        %dma_wait3A_227 = tpu.memref_slice %arg4[%add3A_135] : memref<320000xi32, #tpu.memory_space<hbm>> -> memref<128xi32, #tpu.memory_space<hbm>>
        tpu.wait_dma2 semaphore(%run_scoped3A_213 : memref<!tpu.dma_semaphore, #tpu.memory_space<semaphore_mem>>) src(%dma_wait3A_227 : memref<128xi32, #tpu.memory_space<hbm>>) dst(%dma_wait3A_226 : memref<128xi32, #tpu.memory_space<vmem>>)
        tpu.yield
      }) : () -> ()
      %run_scoped3A_137 = arith.constant 0 : i32
      "tpu.region"() ({
        %run_scoped3A_213 = tpu.sem_alloc : memref<!tpu.dma_semaphore, #tpu.memory_space<semaphore_mem>>
        %dma_start3A = arith.constant 0 : i32
        %dma_start3A_214 = arith.constant 0 : i32
        %dma_start3A_215 = tpu.memref_slice %arg9[%run_scoped3A_137, %dma_start3A, %dma_start3A_214] : memref<2x128x128xf32, #tpu.memory_space<vmem>> -> memref<1x128x128xf32, #tpu.memory_space<vmem>>
        %dma_start3A_216 = tpu.memref_squeeze %dma_start3A_215 : memref<1x128x128xf32, #tpu.memory_space<vmem>> -> memref<128x128xf32, #tpu.memory_space<vmem>>
        %dma_start3A_217 = arith.constant 0 : i32
        %dma_start3A_218 = tpu.memref_slice %arg2[%multiple_of3A_133, %dma_start3A_217] : memref<160000x128xf32, #tpu.memory_space<hbm>> -> memref<128x128xf32, #tpu.memory_space<hbm>>
        %dma_start3A_219 = arith.constant 0 : i32
        %dma_start3A_220 = arith.constant 0 : i32
        %dma_start3A_221 = tpu.memref_slice %arg9[%run_scoped3A_137, %dma_start3A_219, %dma_start3A_220] : memref<2x128x128xf32, #tpu.memory_space<vmem>> -> memref<1x128x128xf32, #tpu.memory_space<vmem>>
        %dma_start3A_222 = tpu.memref_squeeze %dma_start3A_221 : memref<1x128x128xf32, #tpu.memory_space<vmem>> -> memref<128x128xf32, #tpu.memory_space<vmem>>
        %dma_start3A_223 = arith.constant 0 : i32
        %dma_start3A_224 = tpu.memref_slice %arg2[%multiple_of3A_133, %dma_start3A_223] : memref<160000x128xf32, #tpu.memory_space<hbm>> -> memref<128x128xf32, #tpu.memory_space<hbm>>
        tpu.enqueue_dma source(%dma_start3A_224 : memref<128x128xf32, #tpu.memory_space<hbm>>) target(%dma_start3A_222 : memref<128x128xf32, #tpu.memory_space<vmem>>) target_semaphore(%run_scoped3A_213 : memref<!tpu.dma_semaphore, #tpu.memory_space<semaphore_mem>>)
        %dma_wait3A = arith.constant 0 : i32
        %dma_wait3A_225 = arith.constant 0 : i32
        %dma_wait3A_226 = tpu.memref_slice %arg9[%run_scoped3A_137, %dma_wait3A, %dma_wait3A_225] : memref<2x128x128xf32, #tpu.memory_space<vmem>> -> memref<1x128x128xf32, #tpu.memory_space<vmem>>
        %dma_wait3A_227 = tpu.memref_squeeze %dma_wait3A_226 : memref<1x128x128xf32, #tpu.memory_space<vmem>> -> memref<128x128xf32, #tpu.memory_space<vmem>>
        %dma_wait3A_228 = arith.constant 0 : i32
        %dma_wait3A_229 = tpu.memref_slice %arg2[%multiple_of3A_133, %dma_wait3A_228] : memref<160000x128xf32, #tpu.memory_space<hbm>> -> memref<128x128xf32, #tpu.memory_space<hbm>>
        %dma_wait3A_230 = arith.constant 0 : i32
        %dma_wait3A_231 = arith.constant 0 : i32
        %dma_wait3A_232 = tpu.memref_slice %arg9[%run_scoped3A_137, %dma_wait3A_230, %dma_wait3A_231] : memref<2x128x128xf32, #tpu.memory_space<vmem>> -> memref<1x128x128xf32, #tpu.memory_space<vmem>>
        %dma_wait3A_233 = tpu.memref_squeeze %dma_wait3A_232 : memref<1x128x128xf32, #tpu.memory_space<vmem>> -> memref<128x128xf32, #tpu.memory_space<vmem>>
        %dma_wait3A_234 = arith.constant 0 : i32
        %dma_wait3A_235 = tpu.memref_slice %arg2[%multiple_of3A_133, %dma_wait3A_234] : memref<160000x128xf32, #tpu.memory_space<hbm>> -> memref<128x128xf32, #tpu.memory_space<hbm>>
        tpu.wait_dma2 semaphore(%run_scoped3A_213 : memref<!tpu.dma_semaphore, #tpu.memory_space<semaphore_mem>>) src(%dma_wait3A_235 : memref<128x128xf32, #tpu.memory_space<hbm>>) dst(%dma_wait3A_233 : memref<128x128xf32, #tpu.memory_space<vmem>>)
        tpu.yield
      }) : () -> ()
      %run_scoped3A_138 = arith.constant 0 : i32
      "tpu.region"() ({
        %run_scoped3A_213 = tpu.sem_alloc : memref<!tpu.dma_semaphore, #tpu.memory_space<semaphore_mem>>
        %dma_start3A = arith.constant 0 : i32
        %dma_start3A_214 = tpu.memref_slice %arg10[%run_scoped3A_138, %dma_start3A] : memref<2x128xf32, #tpu.memory_space<vmem>> -> memref<1x128xf32, #tpu.memory_space<vmem>>
        %dma_start3A_215 = tpu.memref_squeeze %dma_start3A_214 : memref<1x128xf32, #tpu.memory_space<vmem>> -> memref<128xf32, #tpu.memory_space<vmem>>
        %dma_start3A_216 = tpu.memref_slice %arg3[%multiple_of3A_133] : memref<160000xf32, #tpu.memory_space<hbm>> -> memref<128xf32, #tpu.memory_space<hbm>>
        %dma_start3A_217 = arith.constant 0 : i32
        %dma_start3A_218 = tpu.memref_slice %arg10[%run_scoped3A_138, %dma_start3A_217] : memref<2x128xf32, #tpu.memory_space<vmem>> -> memref<1x128xf32, #tpu.memory_space<vmem>>
        %dma_start3A_219 = tpu.memref_squeeze %dma_start3A_218 : memref<1x128xf32, #tpu.memory_space<vmem>> -> memref<128xf32, #tpu.memory_space<vmem>>
        %dma_start3A_220 = tpu.memref_slice %arg3[%multiple_of3A_133] : memref<160000xf32, #tpu.memory_space<hbm>> -> memref<128xf32, #tpu.memory_space<hbm>>
        tpu.enqueue_dma source(%dma_start3A_220 : memref<128xf32, #tpu.memory_space<hbm>>) target(%dma_start3A_219 : memref<128xf32, #tpu.memory_space<vmem>>) target_semaphore(%run_scoped3A_213 : memref<!tpu.dma_semaphore, #tpu.memory_space<semaphore_mem>>)
        %dma_wait3A = arith.constant 0 : i32
        %dma_wait3A_221 = tpu.memref_slice %arg10[%run_scoped3A_138, %dma_wait3A] : memref<2x128xf32, #tpu.memory_space<vmem>> -> memref<1x128xf32, #tpu.memory_space<vmem>>
        %dma_wait3A_222 = tpu.memref_squeeze %dma_wait3A_221 : memref<1x128xf32, #tpu.memory_space<vmem>> -> memref<128xf32, #tpu.memory_space<vmem>>
        %dma_wait3A_223 = tpu.memref_slice %arg3[%multiple_of3A_133] : memref<160000xf32, #tpu.memory_space<hbm>> -> memref<128xf32, #tpu.memory_space<hbm>>
        %dma_wait3A_224 = arith.constant 0 : i32
        %dma_wait3A_225 = tpu.memref_slice %arg10[%run_scoped3A_138, %dma_wait3A_224] : memref<2x128xf32, #tpu.memory_space<vmem>> -> memref<1x128xf32, #tpu.memory_space<vmem>>
        %dma_wait3A_226 = tpu.memref_squeeze %dma_wait3A_225 : memref<1x128xf32, #tpu.memory_space<vmem>> -> memref<128xf32, #tpu.memory_space<vmem>>
        %dma_wait3A_227 = tpu.memref_slice %arg3[%multiple_of3A_133] : memref<160000xf32, #tpu.memory_space<hbm>> -> memref<128xf32, #tpu.memory_space<hbm>>
        tpu.wait_dma2 semaphore(%run_scoped3A_213 : memref<!tpu.dma_semaphore, #tpu.memory_space<semaphore_mem>>) src(%dma_wait3A_227 : memref<128xf32, #tpu.memory_space<hbm>>) dst(%dma_wait3A_226 : memref<128xf32, #tpu.memory_space<vmem>>)
        tpu.yield
      }) : () -> ()
      %run_scoped3A_139 = arith.constant 0 : i32
      %run_scoped3A_140 = arith.constant 0 : i32
      "tpu.region"() ({
        %run_scoped3A_213 = tpu.sem_alloc : memref<!tpu.dma_semaphore, #tpu.memory_space<semaphore_mem>>
        %dma_start3A = arith.constant 0 : i32
        %dma_start3A_214 = arith.constant 0 : i32
        %dma_start3A_215 = tpu.memref_slice %arg9[%run_scoped3A_139, %dma_start3A, %dma_start3A_214] : memref<2x128x128xf32, #tpu.memory_space<vmem>> -> memref<1x128x128xf32, #tpu.memory_space<vmem>>
        %dma_start3A_216 = tpu.memref_squeeze %dma_start3A_215 : memref<1x128x128xf32, #tpu.memory_space<vmem>> -> memref<128x128xf32, #tpu.memory_space<vmem>>
        %dma_start3A_217 = arith.constant 0 : i32
        %dma_start3A_218 = tpu.memref_slice %arg8[%run_scoped3A_140, %dma_start3A_217] : memref<2x128xi32, #tpu.memory_space<vmem>> -> memref<1x128xi32, #tpu.memory_space<vmem>>
        %dma_start3A_219 = tpu.memref_squeeze %dma_start3A_218 : memref<1x128xi32, #tpu.memory_space<vmem>> -> memref<128xi32, #tpu.memory_space<vmem>>
        %dma_start3A_220 = arith.constant 0 : i32
        %dma_start3A_221 = arith.constant 0 : i32
        %dma_start3A_222 = tpu.memref_slice %arg12[%dma_start3A_220, %dma_start3A_221] : memref<10000x128xf32, #tpu.memory_space<vmem_shared>> -> memref<10000x128xf32, #tpu.memory_space<vmem_shared>>
        tpu.enqueue_indirect_dma source(%dma_start3A_216 : memref<128x128xf32, #tpu.memory_space<vmem>>) target(%dma_start3A_222 : memref<10000x128xf32, #tpu.memory_space<vmem_shared>>) offsets(%dma_start3A_219 : memref<128xi32, #tpu.memory_space<vmem>>) semaphore(%run_scoped3A_213 : memref<!tpu.dma_semaphore, #tpu.memory_space<semaphore_mem>>) {add = true}
        %dma_wait3A = arith.constant 0 : i32
        %dma_wait3A_223 = arith.constant 0 : i32
        %dma_wait3A_224 = tpu.memref_slice %arg9[%run_scoped3A_139, %dma_wait3A, %dma_wait3A_223] : memref<2x128x128xf32, #tpu.memory_space<vmem>> -> memref<1x128x128xf32, #tpu.memory_space<vmem>>
        %dma_wait3A_225 = tpu.memref_squeeze %dma_wait3A_224 : memref<1x128x128xf32, #tpu.memory_space<vmem>> -> memref<128x128xf32, #tpu.memory_space<vmem>>
        %dma_wait3A_226 = arith.constant 0 : i32
        %dma_wait3A_227 = tpu.memref_slice %arg8[%run_scoped3A_140, %dma_wait3A_226] : memref<2x128xi32, #tpu.memory_space<vmem>> -> memref<1x128xi32, #tpu.memory_space<vmem>>
        %dma_wait3A_228 = tpu.memref_squeeze %dma_wait3A_227 : memref<1x128xi32, #tpu.memory_space<vmem>> -> memref<128xi32, #tpu.memory_space<vmem>>
        %dma_wait3A_229 = arith.constant 0 : i32
        %dma_wait3A_230 = arith.constant 0 : i32
        %dma_wait3A_231 = tpu.memref_slice %arg12[%dma_wait3A_229, %dma_wait3A_230] : memref<10000x128xf32, #tpu.memory_space<vmem_shared>> -> memref<10000x128xf32, #tpu.memory_space<vmem_shared>>
        tpu.wait_indirect_dma semaphore(%run_scoped3A_213 : memref<!tpu.dma_semaphore, #tpu.memory_space<semaphore_mem>>) src(%dma_wait3A_225 : memref<128x128xf32, #tpu.memory_space<vmem>>) dst(%dma_wait3A_231 : memref<10000x128xf32, #tpu.memory_space<vmem_shared>>)
        tpu.yield
      }) : () -> ()
      %get3A_141 = arith.constant 0 : i32
      %get3A_142 = arith.index_cast %get3A_141 : i32 to index
      %get3A_143 = arith.constant 0 : index
      %get3A_144 = tpu.vector_load %arg8[%get3A_142, %get3A_143] {strides = array<i32>} : memref<2x128xi32, #tpu.memory_space<vmem>>, vector<16xi32>,
      %get3A_145 = arith.constant 0 : i32
      %get3A_146 = arith.index_cast %get3A_145 : i32 to index
      %get3A_147 = arith.constant 0 : index
      %get3A_148 = tpu.vector_load %arg10[%get3A_146, %get3A_147] {strides = array<i32>} : memref<2x128xf32, #tpu.memory_space<vmem>>, vector<16xf32>,
      %exp3A_149 = math.exp %get3A_148 : vector<16xf32>
      tpu.vector_store_idx %arg11[%get3A_144], %exp3A_149 {add = true} : memref<10000xf32, #tpu.memory_space<vmem>>[vector<16xi32>], vector<16xf32>,
      %get3A_150 = arith.constant 0 : i32
      %get3A_151 = arith.index_cast %get3A_150 : i32 to index
      %get3A_152 = arith.constant 16 : index
      %get3A_153 = tpu.vector_load %arg8[%get3A_151, %get3A_152] {strides = array<i32>} : memref<2x128xi32, #tpu.memory_space<vmem>>, vector<16xi32>,
      %get3A_154 = arith.constant 0 : i32
      %get3A_155 = arith.index_cast %get3A_154 : i32 to index
      %get3A_156 = arith.constant 16 : index
      %get3A_157 = tpu.vector_load %arg10[%get3A_155, %get3A_156] {strides = array<i32>} : memref<2x128xf32, #tpu.memory_space<vmem>>, vector<16xf32>,
      %exp3A_158 = math.exp %get3A_157 : vector<16xf32>
      tpu.vector_store_idx %arg11[%get3A_153], %exp3A_158 {add = true} : memref<10000xf32, #tpu.memory_space<vmem>>[vector<16xi32>], vector<16xf32>,
      %get3A_159 = arith.constant 0 : i32
      %get3A_160 = arith.index_cast %get3A_159 : i32 to index
      %get3A_161 = arith.constant 32 : index
      %get3A_162 = tpu.vector_load %arg8[%get3A_160, %get3A_161] {strides = array<i32>} : memref<2x128xi32, #tpu.memory_space<vmem>>, vector<16xi32>,
      %get3A_163 = arith.constant 0 : i32
      %get3A_164 = arith.index_cast %get3A_163 : i32 to index
      %get3A_165 = arith.constant 32 : index
      %get3A_166 = tpu.vector_load %arg10[%get3A_164, %get3A_165] {strides = array<i32>} : memref<2x128xf32, #tpu.memory_space<vmem>>, vector<16xf32>,
      %exp3A_167 = math.exp %get3A_166 : vector<16xf32>
      tpu.vector_store_idx %arg11[%get3A_162], %exp3A_167 {add = true} : memref<10000xf32, #tpu.memory_space<vmem>>[vector<16xi32>], vector<16xf32>,
      %get3A_168 = arith.constant 0 : i32
      %get3A_169 = arith.index_cast %get3A_168 : i32 to index
      %get3A_170 = arith.constant 48 : index
      %get3A_171 = tpu.vector_load %arg8[%get3A_169, %get3A_170] {strides = array<i32>} : memref<2x128xi32, #tpu.memory_space<vmem>>, vector<16xi32>,
      %get3A_172 = arith.constant 0 : i32
      %get3A_173 = arith.index_cast %get3A_172 : i32 to index
      %get3A_174 = arith.constant 48 : index
      %get3A_175 = tpu.vector_load %arg10[%get3A_173, %get3A_174] {strides = array<i32>} : memref<2x128xf32, #tpu.memory_space<vmem>>, vector<16xf32>,
      %exp3A_176 = math.exp %get3A_175 : vector<16xf32>
      tpu.vector_store_idx %arg11[%get3A_171], %exp3A_176 {add = true} : memref<10000xf32, #tpu.memory_space<vmem>>[vector<16xi32>], vector<16xf32>,
      %get3A_177 = arith.constant 0 : i32
      %get3A_178 = arith.index_cast %get3A_177 : i32 to index
      %get3A_179 = arith.constant 64 : index
      %get3A_180 = tpu.vector_load %arg8[%get3A_178, %get3A_179] {strides = array<i32>} : memref<2x128xi32, #tpu.memory_space<vmem>>, vector<16xi32>,
      %get3A_181 = arith.constant 0 : i32
      %get3A_182 = arith.index_cast %get3A_181 : i32 to index
      %get3A_183 = arith.constant 64 : index
      %get3A_184 = tpu.vector_load %arg10[%get3A_182, %get3A_183] {strides = array<i32>} : memref<2x128xf32, #tpu.memory_space<vmem>>, vector<16xf32>,
      %exp3A_185 = math.exp %get3A_184 : vector<16xf32>
      tpu.vector_store_idx %arg11[%get3A_180], %exp3A_185 {add = true} : memref<10000xf32, #tpu.memory_space<vmem>>[vector<16xi32>], vector<16xf32>,
      %get3A_186 = arith.constant 0 : i32
      %get3A_187 = arith.index_cast %get3A_186 : i32 to index
      %get3A_188 = arith.constant 80 : index
      %get3A_189 = tpu.vector_load %arg8[%get3A_187, %get3A_188] {strides = array<i32>} : memref<2x128xi32, #tpu.memory_space<vmem>>, vector<16xi32>,
      %get3A_190 = arith.constant 0 : i32
      %get3A_191 = arith.index_cast %get3A_190 : i32 to index
      %get3A_192 = arith.constant 80 : index
      %get3A_193 = tpu.vector_load %arg10[%get3A_191, %get3A_192] {strides = array<i32>} : memref<2x128xf32, #tpu.memory_space<vmem>>, vector<16xf32>,
      %exp3A_194 = math.exp %get3A_193 : vector<16xf32>
      tpu.vector_store_idx %arg11[%get3A_189], %exp3A_194 {add = true} : memref<10000xf32, #tpu.memory_space<vmem>>[vector<16xi32>], vector<16xf32>,
      %get3A_195 = arith.constant 0 : i32
      %get3A_196 = arith.index_cast %get3A_195 : i32 to index
      %get3A_197 = arith.constant 96 : index
      %get3A_198 = tpu.vector_load %arg8[%get3A_196, %get3A_197] {strides = array<i32>} : memref<2x128xi32, #tpu.memory_space<vmem>>, vector<16xi32>,
      %get3A_199 = arith.constant 0 : i32
      %get3A_200 = arith.index_cast %get3A_199 : i32 to index
      %get3A_201 = arith.constant 96 : index
      %get3A_202 = tpu.vector_load %arg10[%get3A_200, %get3A_201] {strides = array<i32>} : memref<2x128xf32, #tpu.memory_space<vmem>>, vector<16xf32>,
      %exp3A_203 = math.exp %get3A_202 : vector<16xf32>
      tpu.vector_store_idx %arg11[%get3A_198], %exp3A_203 {add = true} : memref<10000xf32, #tpu.memory_space<vmem>>[vector<16xi32>], vector<16xf32>,
      %get3A_204 = arith.constant 0 : i32
      %get3A_205 = arith.index_cast %get3A_204 : i32 to index
      %get3A_206 = arith.constant 112 : index
      %get3A_207 = tpu.vector_load %arg8[%get3A_205, %get3A_206] {strides = array<i32>} : memref<2x128xi32, #tpu.memory_space<vmem>>, vector<16xi32>,
      %get3A_208 = arith.constant 0 : i32
      %get3A_209 = arith.index_cast %get3A_208 : i32 to index
      %get3A_210 = arith.constant 112 : index
      %get3A_211 = tpu.vector_load %arg10[%get3A_209, %get3A_210] {strides = array<i32>} : memref<2x128xf32, #tpu.memory_space<vmem>>, vector<16xf32>,
      %exp3A_212 = math.exp %get3A_211 : vector<16xf32>
      tpu.vector_store_idx %arg11[%get3A_207], %exp3A_212 {add = true} : memref<10000xf32, #tpu.memory_space<vmem>>[vector<16xi32>], vector<16xf32>,
    } else {
    }
    %barrier3A_113 = arith.constant 0 : index
    tpu.barrier barrier_id(%barrier3A_113)
    %mul3A_114 = arith.constant 10000 : i32
    %mul3A_115 = arith.muli %add3A, %mul3A_114 : i32
    "tpu.region"() ({
      %run_scoped3A_126 = tpu.sem_alloc : memref<!tpu.dma_semaphore, #tpu.memory_space<semaphore_mem>>
      %dma_start3A = tpu.memref_slice %arg7[%mul3A_115] : memref<320000xf32, #tpu.memory_space<hbm>> -> memref<10000xf32, #tpu.memory_space<hbm>>
      %dma_start3A_127 = tpu.memref_slice %arg7[%mul3A_115] : memref<320000xf32, #tpu.memory_space<hbm>> -> memref<10000xf32, #tpu.memory_space<hbm>>
      tpu.enqueue_dma source(%arg11 : memref<10000xf32, #tpu.memory_space<vmem>>) target(%dma_start3A_127 : memref<10000xf32, #tpu.memory_space<hbm>>) target_semaphore(%run_scoped3A_126 : memref<!tpu.dma_semaphore, #tpu.memory_space<semaphore_mem>>)
      %dma_wait3A = tpu.memref_slice %arg7[%mul3A_115] : memref<320000xf32, #tpu.memory_space<hbm>> -> memref<10000xf32, #tpu.memory_space<hbm>>
      %dma_wait3A_128 = tpu.memref_slice %arg7[%mul3A_115] : memref<320000xf32, #tpu.memory_space<hbm>> -> memref<10000xf32, #tpu.memory_space<hbm>>
      tpu.wait_dma2 semaphore(%run_scoped3A_126 : memref<!tpu.dma_semaphore, #tpu.memory_space<semaphore_mem>>) src(%arg11 : memref<10000xf32, #tpu.memory_space<vmem>>) dst(%dma_wait3A_128 : memref<10000xf32, #tpu.memory_space<hbm>>)
      tpu.yield
    }) : () -> ()
    %lt3A_116 = arith.constant 15 : i32
    %lt3A_117 = arith.cmpi slt, %arg1, %lt3A_116 : i32
    %convert_element_type3A_118 = arith.extui %lt3A_117 : i1 to i32
    %cond3A_119 = arith.constant 0 : i32
    %cond3A_120 = arith.cmpi ne, %convert_element_type3A_118, %cond3A_119 : i32
    scf.if %cond3A_120 {
      "tpu.region"() ({
        %run_scoped3A_126 = tpu.sem_alloc : memref<!tpu.dma_semaphore, #tpu.memory_space<semaphore_mem>>
        %dma_start3A = arith.constant 0 : i32
        %dma_start3A_127 = tpu.memref_slice %arg6[%arg0, %multiple_of3A, %dma_start3A] : memref<2x10000x128xf32, #tpu.memory_space<hbm>> -> memref<1x624x128xf32, #tpu.memory_space<hbm>>
        %dma_start3A_128 = tpu.memref_squeeze %dma_start3A_127 : memref<1x624x128xf32, #tpu.memory_space<hbm>> -> memref<624x128xf32, #tpu.memory_space<hbm>>
        %dma_start3A_129 = arith.constant 0 : i32
        %dma_start3A_130 = tpu.memref_slice %arg12[%multiple_of3A, %dma_start3A_129] : memref<10000x128xf32, #tpu.memory_space<vmem_shared>> -> memref<624x128xf32, #tpu.memory_space<vmem_shared>>
        tpu.enqueue_dma source(%dma_start3A_130 : memref<624x128xf32, #tpu.memory_space<vmem_shared>>) target(%dma_start3A_128 : memref<624x128xf32, #tpu.memory_space<hbm>>) target_semaphore(%run_scoped3A_126 : memref<!tpu.dma_semaphore, #tpu.memory_space<semaphore_mem>>)
        %dma_wait3A = arith.constant 0 : i32
        %dma_wait3A_131 = tpu.memref_slice %arg6[%arg0, %multiple_of3A, %dma_wait3A] : memref<2x10000x128xf32, #tpu.memory_space<hbm>> -> memref<1x624x128xf32, #tpu.memory_space<hbm>>
        %dma_wait3A_132 = tpu.memref_squeeze %dma_wait3A_131 : memref<1x624x128xf32, #tpu.memory_space<hbm>> -> memref<624x128xf32, #tpu.memory_space<hbm>>
        %dma_wait3A_133 = arith.constant 0 : i32
        %dma_wait3A_134 = tpu.memref_slice %arg12[%multiple_of3A, %dma_wait3A_133] : memref<10000x128xf32, #tpu.memory_space<vmem_shared>> -> memref<624x128xf32, #tpu.memory_space<vmem_shared>>
        tpu.wait_dma2 semaphore(%run_scoped3A_126 : memref<!tpu.dma_semaphore, #tpu.memory_space<semaphore_mem>>) src(%dma_wait3A_134 : memref<624x128xf32, #tpu.memory_space<vmem_shared>>) dst(%dma_wait3A_132 : memref<624x128xf32, #tpu.memory_space<hbm>>)
        tpu.yield
      }) : () -> ()
    } else {
    }
    %eq3A_121 = arith.constant 15 : i32
    %eq3A_122 = arith.cmpi eq, %arg1, %eq3A_121 : i32
    %convert_element_type3A_123 = arith.extui %eq3A_122 : i1 to i32
    %cond3A_124 = arith.constant 0 : i32
    %cond3A_125 = arith.cmpi ne, %convert_element_type3A_123, %cond3A_124 : i32
    scf.if %cond3A_125 {
      %multiple_of3A_126 = arith.constant 9360 : i32
      %multiple_of3A_127 = tpu.assume_multiple %multiple_of3A_126, 8 : i32
      "tpu.region"() ({
        %run_scoped3A_128 = tpu.sem_alloc : memref<!tpu.dma_semaphore, #tpu.memory_space<semaphore_mem>>
        %dma_start3A = arith.constant 0 : i32
        %dma_start3A_129 = tpu.memref_slice %arg6[%arg0, %multiple_of3A_127, %dma_start3A] : memref<2x10000x128xf32, #tpu.memory_space<hbm>> -> memref<1x640x128xf32, #tpu.memory_space<hbm>>
        %dma_start3A_130 = tpu.memref_squeeze %dma_start3A_129 : memref<1x640x128xf32, #tpu.memory_space<hbm>> -> memref<640x128xf32, #tpu.memory_space<hbm>>
        %dma_start3A_131 = arith.constant 0 : i32
        %dma_start3A_132 = tpu.memref_slice %arg12[%multiple_of3A_127, %dma_start3A_131] : memref<10000x128xf32, #tpu.memory_space<vmem_shared>> -> memref<640x128xf32, #tpu.memory_space<vmem_shared>>
        tpu.enqueue_dma source(%dma_start3A_132 : memref<640x128xf32, #tpu.memory_space<vmem_shared>>) target(%dma_start3A_130 : memref<640x128xf32, #tpu.memory_space<hbm>>) target_semaphore(%run_scoped3A_128 : memref<!tpu.dma_semaphore, #tpu.memory_space<semaphore_mem>>)
        %dma_wait3A = arith.constant 0 : i32
        %dma_wait3A_133 = tpu.memref_slice %arg6[%arg0, %multiple_of3A_127, %dma_wait3A] : memref<2x10000x128xf32, #tpu.memory_space<hbm>> -> memref<1x640x128xf32, #tpu.memory_space<hbm>>
        %dma_wait3A_134 = tpu.memref_squeeze %dma_wait3A_133 : memref<1x640x128xf32, #tpu.memory_space<hbm>> -> memref<640x128xf32, #tpu.memory_space<hbm>>
        %dma_wait3A_135 = arith.constant 0 : i32
        %dma_wait3A_136 = tpu.memref_slice %arg12[%multiple_of3A_127, %dma_wait3A_135] : memref<10000x128xf32, #tpu.memory_space<vmem_shared>> -> memref<640x128xf32, #tpu.memory_space<vmem_shared>>
        tpu.wait_dma2 semaphore(%run_scoped3A_128 : memref<!tpu.dma_semaphore, #tpu.memory_space<semaphore_mem>>) src(%dma_wait3A_136 : memref<640x128xf32, #tpu.memory_space<vmem_shared>>) dst(%dma_wait3A_134 : memref<640x128xf32, #tpu.memory_space<hbm>>)
        tpu.yield
      }) : () -> ()
    } else {
    }
    return
  }
}

module attributes {stable_mosaic.version = 14 : i64} {
  func.func @_k3_body(%arg0: i32, %arg1: memref<16x3200xf32, #tpu.memory_space<vmem>>, %arg2: memref<3200x128xf32, #tpu.memory_space<vmem>>, %arg3: memref<128x16xf32, #tpu.memory_space<vmem>>, %arg4: memref<1x128xf32, #tpu.memory_space<vmem>>, %arg5: memref<128x128xf32, #tpu.memory_space<vmem>>, %arg6: memref<1x128xf32, #tpu.memory_space<vmem>>, %arg7: memref<1x128xf32, #tpu.memory_space<vmem>>, %arg8: memref<1x25x128xf32, #tpu.memory_space<vmem>>, %arg9: memref<3200x128xf32, #tpu.memory_space<vmem>>) attributes {dimension_semantics = [#tpu.dimension_semantics<arbitrary>], iteration_bounds = array<i64: 50>, scalar_prefetch = 0 : i64, scratch_operands = 0 : i64, tpu.core_type = #tpu.core_type<tc>, window_params = [{transform_indices = @transform_0, window_bounds = array<i64: 16, 3200>}, {transform_indices = @transform_1, window_bounds = array<i64: 3200, 128>}, {pipeline_mode = #tpu.pipeline_mode<synchronous>, transform_indices = @transform_2, window_bounds = array<i64: 128, 16>}, {pipeline_mode = #tpu.pipeline_mode<synchronous>, transform_indices = @transform_3, window_bounds = array<i64: 1, 128>}, {pipeline_mode = #tpu.pipeline_mode<synchronous>, transform_indices = @transform_4, window_bounds = array<i64: 128, 128>}, {pipeline_mode = #tpu.pipeline_mode<synchronous>, transform_indices = @transform_5, window_bounds = array<i64: 1, 128>}, {pipeline_mode = #tpu.pipeline_mode<synchronous>, transform_indices = @transform_6, window_bounds = array<i64: 1, 128>}, {transform_indices = @transform_7, window_bounds = array<i64: 1, 25, 128>}, {transform_indices = @transform_8, window_bounds = array<i64: 3200, 128>}]} {
    %get3A = arith.constant 0 : index
    %get3A_0 = arith.constant 0 : index
    %get3A_1 = vector.load %arg1[%get3A, %get3A_0] : memref<16x3200xf32, #tpu.memory_space<vmem>>, vector<16x3200xf32>
    %mul3A = arith.mulf %get3A_1, %get3A_1 : vector<16x3200xf32>
    %reduce_sum3A = arith.constant dense<0.000000e+00> : vector<3200xf32>
    %reduce_sum3A_2 = vector.multi_reduction <add>, %mul3A, %reduce_sum3A [0] : vector<16x3200xf32> to vector<3200xf32>
    %broadcast_in_dim3A = vector.shape_cast %reduce_sum3A_2 : vector<3200xf32> to vector<1x3200xf32>
    %sqrt3A = math.sqrt %broadcast_in_dim3A : vector<1x3200xf32>
    %add3A = arith.constant 9.99999993E-9 : f32
    %add3A_3 = vector.broadcast %add3A : f32 to vector<1x3200xf32>
    %add3A_4 = arith.addf %sqrt3A, %add3A_3 : vector<1x3200xf32>
    %div3A = vector.broadcast %add3A_4 : vector<1x3200xf32> to vector<16x3200xf32>
    %div3A_5 = arith.divf %get3A_1, %div3A : vector<16x3200xf32>
    %get3A_6 = arith.constant 0 : index
    %get3A_7 = arith.constant 0 : index
    %get3A_8 = vector.load %arg3[%get3A_6, %get3A_7] : memref<128x16xf32, #tpu.memory_space<vmem>>, vector<128x16xf32>
    %dot_general3A = arith.constant dense<0.000000e+00> : vector<3200x128xf32>
    %dot_general3A_9 = tpu.matmul %div3A_5, %get3A_8, %dot_general3A {dimension_numbers = #tpu.dot_dimension_numbers<[0], [1], [1], [0], [0, 1, 1, 0], [], []>, transpose_lhs_hint = false} : vector<16x3200xf32>, vector<128x16xf32>, vector<3200x128xf32> -> vector<3200x128xf32>
    %get3A_10 = arith.constant 0 : index
    %get3A_11 = arith.constant 0 : index
    %get3A_12 = vector.load %arg4[%get3A_10, %get3A_11] : memref<1x128xf32, #tpu.memory_space<vmem>>, vector<1x128xf32>
    %add3A_13 = vector.broadcast %get3A_12 : vector<1x128xf32> to vector<3200x128xf32>
    %add3A_14 = arith.addf %dot_general3A_9, %add3A_13 : vector<3200x128xf32>
    %tanh3A = math.tanh %add3A_14 : vector<3200x128xf32>
    %get3A_15 = arith.constant 0 : index
    %get3A_16 = arith.constant 0 : index
    %get3A_17 = vector.load %arg5[%get3A_15, %get3A_16] : memref<128x128xf32, #tpu.memory_space<vmem>>, vector<128x128xf32>
    %dot_general3A_18 = arith.constant dense<0.000000e+00> : vector<3200x128xf32>
    %dot_general3A_19 = tpu.matmul %tanh3A, %get3A_17, %dot_general3A_18 {dimension_numbers = #tpu.dot_dimension_numbers<[1], [1], [0], [0], [0, 0, 1, 0], [], []>, transpose_lhs_hint = false} : vector<3200x128xf32>, vector<128x128xf32>, vector<3200x128xf32> -> vector<3200x128xf32>
    %get3A_20 = arith.constant 0 : index
    %get3A_21 = arith.constant 0 : index
    %get3A_22 = vector.load %arg6[%get3A_20, %get3A_21] : memref<1x128xf32, #tpu.memory_space<vmem>>, vector<1x128xf32>
    %add3A_23 = vector.broadcast %get3A_22 : vector<1x128xf32> to vector<3200x128xf32>
    %add3A_24 = arith.addf %dot_general3A_19, %add3A_23 : vector<3200x128xf32>
    %get3A_25 = arith.constant 0 : index
    %get3A_26 = arith.constant 0 : index
    %get3A_27 = vector.load %arg2[%get3A_25, %get3A_26] : memref<3200x128xf32, #tpu.memory_space<vmem>>, vector<3200x128xf32>
    %mul3A_28 = arith.mulf %get3A_27, %add3A_24 : vector<3200x128xf32>
    %get3A_29 = arith.constant 0 : index
    %get3A_30 = arith.constant 0 : index
    %get3A_31 = vector.load %arg7[%get3A_29, %get3A_30] : memref<1x128xf32, #tpu.memory_space<vmem>>, vector<1x128xf32>
    %mul3A_32 = vector.broadcast %get3A_31 : vector<1x128xf32> to vector<3200x128xf32>
    %mul3A_33 = arith.mulf %mul3A_28, %mul3A_32 : vector<3200x128xf32>
    %reduce_sum3A_34 = arith.constant dense<0.000000e+00> : vector<3200xf32>
    %reduce_sum3A_35 = vector.multi_reduction <add>, %mul3A_33, %reduce_sum3A_34 [1] : vector<3200x128xf32> to vector<3200xf32>
    %broadcast_in_dim3A_36 = vector.shape_cast %reduce_sum3A_35 : vector<3200xf32> to vector<3200x1xf32>
    %exp3A = math.exp %broadcast_in_dim3A_36 : vector<3200x1xf32>
    %mul3A_37 = vector.broadcast %exp3A : vector<3200x1xf32> to vector<3200x128xf32>
    %mul3A_38 = arith.mulf %mul3A_28, %mul3A_37 : vector<3200x128xf32>
    %swap3A = arith.constant 0 : index
    %swap3A_39 = arith.constant 0 : index
    %swap3A_40 = vector.load %arg9[%swap3A, %swap3A_39] : memref<3200x128xf32, #tpu.memory_space<vmem>>, vector<3200x128xf32>
    tpu.vector_store %arg9[%swap3A, %swap3A_39], %mul3A_38 {strides = array<i32>} : memref<3200x128xf32, #tpu.memory_space<vmem>>, vector<3200x128xf32>,
    %reshape3A = vector.shape_cast %mul3A_28 : vector<3200x128xf32> to vector<25x128x128xf32>
    %reshape3A_41 = vector.shape_cast %get3A_31 : vector<1x128xf32> to vector<1x1x128xf32>
    %mul3A_42 = vector.broadcast %reshape3A_41 : vector<1x1x128xf32> to vector<25x128x128xf32>
    %mul3A_43 = arith.mulf %reshape3A, %mul3A_42 : vector<25x128x128xf32>
    %reduce_sum3A_44 = arith.constant dense<0.000000e+00> : vector<25x128xf32>
    %reduce_sum3A_45 = vector.multi_reduction <add>, %mul3A_43, %reduce_sum3A_44 [2] : vector<25x128x128xf32> to vector<25x128xf32>
    %reshape3A_46 = vector.shape_cast %reduce_sum3A_45 : vector<25x128xf32> to vector<1x25x128xf32>
    %swap3A_47 = arith.constant 0 : index
    %swap3A_48 = arith.constant 0 : index
    %swap3A_49 = arith.constant 0 : index
    %swap3A_50 = vector.load %arg8[%swap3A_47, %swap3A_48, %swap3A_49] : memref<1x25x128xf32, #tpu.memory_space<vmem>>, vector<1x25x128xf32>
    tpu.vector_store %arg8[%swap3A_47, %swap3A_48, %swap3A_49], %reshape3A_46 {strides = array<i32>} : memref<1x25x128xf32, #tpu.memory_space<vmem>>, vector<1x25x128xf32>,
    return
  }
  func.func @transform_0(%arg0: i32) -> (i32, i32) {
    %add3A = arith.constant 0 : i32
    %add3A_0 = arith.addi %arg0, %add3A : i32
    %c0_i32 = arith.constant 0 : i32
    %c0_i32_1 = arith.constant 0 : i32
    return %c0_i32, %add3A_0 : i32, i32
  }
  func.func @transform_1(%arg0: i32) -> (i32, i32) {
    %c0_i32 = arith.constant 0 : i32
    %c0_i32_0 = arith.constant 0 : i32
    return %arg0, %c0_i32 : i32, i32
  }
  func.func @transform_2(%arg0: i32) -> (i32, i32) {
    %c0_i32 = arith.constant 0 : i32
    %c0_i32_0 = arith.constant 0 : i32
    %c0_i32_1 = arith.constant 0 : i32
    return %c0_i32, %c0_i32_0 : i32, i32
  }
  func.func @transform_3(%arg0: i32) -> (i32, i32) {
    %c0_i32 = arith.constant 0 : i32
    %c0_i32_0 = arith.constant 0 : i32
    %c0_i32_1 = arith.constant 0 : i32
    return %c0_i32, %c0_i32_0 : i32, i32
  }
  func.func @transform_4(%arg0: i32) -> (i32, i32) {
    %c0_i32 = arith.constant 0 : i32
    %c0_i32_0 = arith.constant 0 : i32
    %c0_i32_1 = arith.constant 0 : i32
    return %c0_i32, %c0_i32_0 : i32, i32
  }
  func.func @transform_5(%arg0: i32) -> (i32, i32) {
    %c0_i32 = arith.constant 0 : i32
    %c0_i32_0 = arith.constant 0 : i32
    %c0_i32_1 = arith.constant 0 : i32
    return %c0_i32, %c0_i32_0 : i32, i32
  }
  func.func @transform_6(%arg0: i32) -> (i32, i32) {
    %c0_i32 = arith.constant 0 : i32
    %c0_i32_0 = arith.constant 0 : i32
    %c0_i32_1 = arith.constant 0 : i32
    return %c0_i32, %c0_i32_0 : i32, i32
  }
  func.func @transform_7(%arg0: i32) -> (i32, i32, i32) {
    %c0_i32 = arith.constant 0 : i32
    %c0_i32_0 = arith.constant 0 : i32
    %c0_i32_1 = arith.constant 0 : i32
    return %arg0, %c0_i32, %c0_i32_0 : i32, i32, i32
  }
  func.func @transform_8(%arg0: i32) -> (i32, i32) {
    %c0_i32 = arith.constant 0 : i32
    %c0_i32_0 = arith.constant 0 : i32
    return %arg0, %c0_i32 : i32, i32
  }
}

module attributes {stable_mosaic.version = 14 : i64} {
  func.func @_k1_body(%arg0: memref<10000x128xf32, #tpu.memory_space<vmem>>, %arg1: memref<128x128xf32, #tpu.memory_space<vmem>>, %arg2: memref<10000x128xf32, #tpu.memory_space<vmem>>) attributes {dimension_semantics = [], scalar_prefetch = 0 : i64, scratch_operands = 0 : i64, tpu.core_type = #tpu.core_type<tc>} {
    %get3A = arith.constant 0 : index
    %get3A_0 = arith.constant 0 : index
    %get3A_1 = vector.load %arg0[%get3A, %get3A_0] : memref<10000x128xf32, #tpu.memory_space<vmem>>, vector<10000x128xf32>
    %get3A_2 = arith.constant 0 : index
    %get3A_3 = arith.constant 0 : index
    %get3A_4 = vector.load %arg1[%get3A_2, %get3A_3] : memref<128x128xf32, #tpu.memory_space<vmem>>, vector<128x128xf32>
    %dot_general3A = arith.constant dense<0.000000e+00> : vector<10000x128xf32>
    %dot_general3A_5 = tpu.matmul %get3A_1, %get3A_4, %dot_general3A {dimension_numbers = #tpu.dot_dimension_numbers<[1], [1], [0], [0], [0, 0, 1, 0], [], []>, transpose_lhs_hint = false} : vector<10000x128xf32>, vector<128x128xf32>, vector<10000x128xf32> -> vector<10000x128xf32>
    %swap3A = arith.constant 0 : index
    %swap3A_6 = arith.constant 0 : index
    %swap3A_7 = vector.load %arg2[%swap3A, %swap3A_6] : memref<10000x128xf32, #tpu.memory_space<vmem>>, vector<10000x128xf32>
    tpu.vector_store %arg2[%swap3A, %swap3A_6], %dot_general3A_5 {strides = array<i32>} : memref<10000x128xf32, #tpu.memory_space<vmem>>, vector<10000x128xf32>,
    return
  }
}

module attributes {stable_mosaic.version = 14 : i64} {
  func.func @_k3_body(%arg0: i32, %arg1: memref<16x3200xf32, #tpu.memory_space<vmem>>, %arg2: memref<3200x128xf32, #tpu.memory_space<vmem>>, %arg3: memref<128x16xf32, #tpu.memory_space<vmem>>, %arg4: memref<1x128xf32, #tpu.memory_space<vmem>>, %arg5: memref<128x128xf32, #tpu.memory_space<vmem>>, %arg6: memref<1x128xf32, #tpu.memory_space<vmem>>, %arg7: memref<1x128xf32, #tpu.memory_space<vmem>>, %arg8: memref<1x25x128xf32, #tpu.memory_space<vmem>>, %arg9: memref<3200x128xf32, #tpu.memory_space<vmem>>) attributes {dimension_semantics = [#tpu.dimension_semantics<arbitrary>], iteration_bounds = array<i64: 50>, scalar_prefetch = 0 : i64, scratch_operands = 0 : i64, tpu.core_type = #tpu.core_type<tc>, window_params = [{transform_indices = @transform_0, window_bounds = array<i64: 16, 3200>}, {transform_indices = @transform_1, window_bounds = array<i64: 3200, 128>}, {pipeline_mode = #tpu.pipeline_mode<synchronous>, transform_indices = @transform_2, window_bounds = array<i64: 128, 16>}, {pipeline_mode = #tpu.pipeline_mode<synchronous>, transform_indices = @transform_3, window_bounds = array<i64: 1, 128>}, {pipeline_mode = #tpu.pipeline_mode<synchronous>, transform_indices = @transform_4, window_bounds = array<i64: 128, 128>}, {pipeline_mode = #tpu.pipeline_mode<synchronous>, transform_indices = @transform_5, window_bounds = array<i64: 1, 128>}, {pipeline_mode = #tpu.pipeline_mode<synchronous>, transform_indices = @transform_6, window_bounds = array<i64: 1, 128>}, {transform_indices = @transform_7, window_bounds = array<i64: 1, 25, 128>}, {transform_indices = @transform_8, window_bounds = array<i64: 3200, 128>}]} {
    %get3A = arith.constant 0 : index
    %get3A_0 = arith.constant 0 : index
    %get3A_1 = vector.load %arg1[%get3A, %get3A_0] : memref<16x3200xf32, #tpu.memory_space<vmem>>, vector<16x3200xf32>
    %mul3A = arith.mulf %get3A_1, %get3A_1 : vector<16x3200xf32>
    %reduce_sum3A = arith.constant dense<0.000000e+00> : vector<3200xf32>
    %reduce_sum3A_2 = vector.multi_reduction <add>, %mul3A, %reduce_sum3A [0] : vector<16x3200xf32> to vector<3200xf32>
    %broadcast_in_dim3A = vector.shape_cast %reduce_sum3A_2 : vector<3200xf32> to vector<1x3200xf32>
    %sqrt3A = math.sqrt %broadcast_in_dim3A : vector<1x3200xf32>
    %add3A = arith.constant 9.99999993E-9 : f32
    %add3A_3 = vector.broadcast %add3A : f32 to vector<1x3200xf32>
    %add3A_4 = arith.addf %sqrt3A, %add3A_3 : vector<1x3200xf32>
    %div3A = vector.broadcast %add3A_4 : vector<1x3200xf32> to vector<16x3200xf32>
    %div3A_5 = arith.divf %get3A_1, %div3A : vector<16x3200xf32>
    %get3A_6 = arith.constant 0 : index
    %get3A_7 = arith.constant 0 : index
    %get3A_8 = vector.load %arg3[%get3A_6, %get3A_7] : memref<128x16xf32, #tpu.memory_space<vmem>>, vector<128x16xf32>
    %dot_general3A = arith.constant dense<0.000000e+00> : vector<3200x128xf32>
    %dot_general3A_9 = tpu.matmul %div3A_5, %get3A_8, %dot_general3A {dimension_numbers = #tpu.dot_dimension_numbers<[0], [1], [1], [0], [0, 1, 1, 0], [], []>, transpose_lhs_hint = false} : vector<16x3200xf32>, vector<128x16xf32>, vector<3200x128xf32> -> vector<3200x128xf32>
    %get3A_10 = arith.constant 0 : index
    %get3A_11 = arith.constant 0 : index
    %get3A_12 = vector.load %arg4[%get3A_10, %get3A_11] : memref<1x128xf32, #tpu.memory_space<vmem>>, vector<1x128xf32>
    %add3A_13 = vector.broadcast %get3A_12 : vector<1x128xf32> to vector<3200x128xf32>
    %add3A_14 = arith.addf %dot_general3A_9, %add3A_13 : vector<3200x128xf32>
    %tanh3A = math.tanh %add3A_14 : vector<3200x128xf32>
    %get3A_15 = arith.constant 0 : index
    %get3A_16 = arith.constant 0 : index
    %get3A_17 = vector.load %arg5[%get3A_15, %get3A_16] : memref<128x128xf32, #tpu.memory_space<vmem>>, vector<128x128xf32>
    %dot_general3A_18 = arith.constant dense<0.000000e+00> : vector<3200x128xf32>
    %dot_general3A_19 = tpu.matmul %tanh3A, %get3A_17, %dot_general3A_18 {dimension_numbers = #tpu.dot_dimension_numbers<[1], [1], [0], [0], [0, 0, 1, 0], [], []>, transpose_lhs_hint = false} : vector<3200x128xf32>, vector<128x128xf32>, vector<3200x128xf32> -> vector<3200x128xf32>
    %get3A_20 = arith.constant 0 : index
    %get3A_21 = arith.constant 0 : index
    %get3A_22 = vector.load %arg6[%get3A_20, %get3A_21] : memref<1x128xf32, #tpu.memory_space<vmem>>, vector<1x128xf32>
    %add3A_23 = vector.broadcast %get3A_22 : vector<1x128xf32> to vector<3200x128xf32>
    %add3A_24 = arith.addf %dot_general3A_19, %add3A_23 : vector<3200x128xf32>
    %get3A_25 = arith.constant 0 : index
    %get3A_26 = arith.constant 0 : index
    %get3A_27 = vector.load %arg2[%get3A_25, %get3A_26] : memref<3200x128xf32, #tpu.memory_space<vmem>>, vector<3200x128xf32>
    %mul3A_28 = arith.mulf %get3A_27, %add3A_24 : vector<3200x128xf32>
    %get3A_29 = arith.constant 0 : index
    %get3A_30 = arith.constant 0 : index
    %get3A_31 = vector.load %arg7[%get3A_29, %get3A_30] : memref<1x128xf32, #tpu.memory_space<vmem>>, vector<1x128xf32>
    %mul3A_32 = vector.broadcast %get3A_31 : vector<1x128xf32> to vector<3200x128xf32>
    %mul3A_33 = arith.mulf %mul3A_28, %mul3A_32 : vector<3200x128xf32>
    %reduce_sum3A_34 = arith.constant dense<0.000000e+00> : vector<3200xf32>
    %reduce_sum3A_35 = vector.multi_reduction <add>, %mul3A_33, %reduce_sum3A_34 [1] : vector<3200x128xf32> to vector<3200xf32>
    %broadcast_in_dim3A_36 = vector.shape_cast %reduce_sum3A_35 : vector<3200xf32> to vector<3200x1xf32>
    %exp3A = math.exp %broadcast_in_dim3A_36 : vector<3200x1xf32>
    %mul3A_37 = vector.broadcast %exp3A : vector<3200x1xf32> to vector<3200x128xf32>
    %mul3A_38 = arith.mulf %mul3A_28, %mul3A_37 : vector<3200x128xf32>
    %swap3A = arith.constant 0 : index
    %swap3A_39 = arith.constant 0 : index
    %swap3A_40 = vector.load %arg9[%swap3A, %swap3A_39] : memref<3200x128xf32, #tpu.memory_space<vmem>>, vector<3200x128xf32>
    tpu.vector_store %arg9[%swap3A, %swap3A_39], %mul3A_38 {strides = array<i32>} : memref<3200x128xf32, #tpu.memory_space<vmem>>, vector<3200x128xf32>,
    %reshape3A = vector.shape_cast %mul3A_28 : vector<3200x128xf32> to vector<25x128x128xf32>
    %reshape3A_41 = vector.shape_cast %get3A_31 : vector<1x128xf32> to vector<1x1x128xf32>
    %mul3A_42 = vector.broadcast %reshape3A_41 : vector<1x1x128xf32> to vector<25x128x128xf32>
    %mul3A_43 = arith.mulf %reshape3A, %mul3A_42 : vector<25x128x128xf32>
    %reduce_sum3A_44 = arith.constant dense<0.000000e+00> : vector<25x128xf32>
    %reduce_sum3A_45 = vector.multi_reduction <add>, %mul3A_43, %reduce_sum3A_44 [2] : vector<25x128x128xf32> to vector<25x128xf32>
    %reshape3A_46 = vector.shape_cast %reduce_sum3A_45 : vector<25x128xf32> to vector<1x25x128xf32>
    %swap3A_47 = arith.constant 0 : index
    %swap3A_48 = arith.constant 0 : index
    %swap3A_49 = arith.constant 0 : index
    %swap3A_50 = vector.load %arg8[%swap3A_47, %swap3A_48, %swap3A_49] : memref<1x25x128xf32, #tpu.memory_space<vmem>>, vector<1x25x128xf32>
    tpu.vector_store %arg8[%swap3A_47, %swap3A_48, %swap3A_49], %reshape3A_46 {strides = array<i32>} : memref<1x25x128xf32, #tpu.memory_space<vmem>>, vector<1x25x128xf32>,
    return
  }
  func.func @transform_0(%arg0: i32) -> (i32, i32) {
    %add3A = arith.constant 50 : i32
    %add3A_0 = arith.addi %arg0, %add3A : i32
    %c0_i32 = arith.constant 0 : i32
    %c0_i32_1 = arith.constant 0 : i32
    return %c0_i32, %add3A_0 : i32, i32
  }
  func.func @transform_1(%arg0: i32) -> (i32, i32) {
    %c0_i32 = arith.constant 0 : i32
    %c0_i32_0 = arith.constant 0 : i32
    return %arg0, %c0_i32 : i32, i32
  }
  func.func @transform_2(%arg0: i32) -> (i32, i32) {
    %c0_i32 = arith.constant 0 : i32
    %c0_i32_0 = arith.constant 0 : i32
    %c0_i32_1 = arith.constant 0 : i32
    return %c0_i32, %c0_i32_0 : i32, i32
  }
  func.func @transform_3(%arg0: i32) -> (i32, i32) {
    %c0_i32 = arith.constant 0 : i32
    %c0_i32_0 = arith.constant 0 : i32
    %c0_i32_1 = arith.constant 0 : i32
    return %c0_i32, %c0_i32_0 : i32, i32
  }
  func.func @transform_4(%arg0: i32) -> (i32, i32) {
    %c0_i32 = arith.constant 0 : i32
    %c0_i32_0 = arith.constant 0 : i32
    %c0_i32_1 = arith.constant 0 : i32
    return %c0_i32, %c0_i32_0 : i32, i32
  }
  func.func @transform_5(%arg0: i32) -> (i32, i32) {
    %c0_i32 = arith.constant 0 : i32
    %c0_i32_0 = arith.constant 0 : i32
    %c0_i32_1 = arith.constant 0 : i32
    return %c0_i32, %c0_i32_0 : i32, i32
  }
  func.func @transform_6(%arg0: i32) -> (i32, i32) {
    %c0_i32 = arith.constant 0 : i32
    %c0_i32_0 = arith.constant 0 : i32
    %c0_i32_1 = arith.constant 0 : i32
    return %c0_i32, %c0_i32_0 : i32, i32
  }
  func.func @transform_7(%arg0: i32) -> (i32, i32, i32) {
    %c0_i32 = arith.constant 0 : i32
    %c0_i32_0 = arith.constant 0 : i32
    %c0_i32_1 = arith.constant 0 : i32
    return %arg0, %c0_i32, %c0_i32_0 : i32, i32, i32
  }
  func.func @transform_8(%arg0: i32) -> (i32, i32) {
    %c0_i32 = arith.constant 0 : i32
    %c0_i32_0 = arith.constant 0 : i32
    return %arg0, %c0_i32 : i32, i32
  }
}

module attributes {stable_mosaic.version = 14 : i64} {
  func.func @_k5_body(%arg0: memref<2x10000x128xf32, #tpu.memory_space<vmem>>, %arg1: memref<2x10000x128xf32, #tpu.memory_space<vmem>>, %arg2: memref<32x10000xf32, #tpu.memory_space<vmem>>, %arg3: memref<32x10000xf32, #tpu.memory_space<vmem>>, %arg4: memref<128x128xf32, #tpu.memory_space<vmem>>, %arg5: memref<1x128xf32, #tpu.memory_space<vmem>>, %arg6: memref<1x128xf32, #tpu.memory_space<vmem>>, %arg7: memref<1x128xf32, #tpu.memory_space<vmem>>, %arg8: memref<128x128xf32, #tpu.memory_space<vmem>>, %arg9: memref<1x128xf32, #tpu.memory_space<vmem>>, %arg10: memref<10000x128xf32, #tpu.memory_space<vmem>>) attributes {dimension_semantics = [], scalar_prefetch = 0 : i64, scratch_operands = 0 : i64, tpu.core_type = #tpu.core_type<tc>} {
    %get3A = arith.constant 0 : index
    %get3A_0 = arith.constant 0 : index
    %get3A_1 = arith.constant 0 : index
    %get3A_2 = vector.load %arg0[%get3A, %get3A_0, %get3A_1] : memref<2x10000x128xf32, #tpu.memory_space<vmem>>, vector<1x10000x128xf32>
    %get3A_3 = vector.shape_cast %get3A_2 : vector<1x10000x128xf32> to vector<10000x128xf32>
    %get3A_4 = arith.constant 1 : index
    %get3A_5 = arith.constant 0 : index
    %get3A_6 = arith.constant 0 : index
    %get3A_7 = vector.load %arg0[%get3A_4, %get3A_5, %get3A_6] : memref<2x10000x128xf32, #tpu.memory_space<vmem>>, vector<1x10000x128xf32>
    %get3A_8 = vector.shape_cast %get3A_7 : vector<1x10000x128xf32> to vector<10000x128xf32>
    %add3A = arith.addf %get3A_3, %get3A_8 : vector<10000x128xf32>
    %get3A_9 = arith.constant 0 : index
    %get3A_10 = arith.constant 0 : index
    %get3A_11 = arith.constant 0 : index
    %get3A_12 = vector.load %arg1[%get3A_9, %get3A_10, %get3A_11] : memref<2x10000x128xf32, #tpu.memory_space<vmem>>, vector<1x10000x128xf32>
    %get3A_13 = vector.shape_cast %get3A_12 : vector<1x10000x128xf32> to vector<10000x128xf32>
    %get3A_14 = arith.constant 1 : index
    %get3A_15 = arith.constant 0 : index
    %get3A_16 = arith.constant 0 : index
    %get3A_17 = vector.load %arg1[%get3A_14, %get3A_15, %get3A_16] : memref<2x10000x128xf32, #tpu.memory_space<vmem>>, vector<1x10000x128xf32>
    %get3A_18 = vector.shape_cast %get3A_17 : vector<1x10000x128xf32> to vector<10000x128xf32>
    %add3A_19 = arith.addf %get3A_13, %get3A_18 : vector<10000x128xf32>
    %add3A_20 = arith.addf %add3A, %add3A_19 : vector<10000x128xf32>
    %broadcast_in_dim3A = arith.constant 1.000000e+00 : f32
    %broadcast_in_dim3A_21 = vector.broadcast %broadcast_in_dim3A : f32 to vector<32x1xf32>
    %get3A_22 = arith.constant 0 : index
    %get3A_23 = arith.constant 0 : index
    %get3A_24 = vector.load %arg2[%get3A_22, %get3A_23] : memref<32x10000xf32, #tpu.memory_space<vmem>>, vector<32x10000xf32>
    %dot_general3A = arith.constant dense<0.000000e+00> : vector<10000x1xf32>
    %dot_general3A_25 = tpu.matmul %get3A_24, %broadcast_in_dim3A_21, %dot_general3A {dimension_numbers = #tpu.dot_dimension_numbers<[0], [0], [1], [1], [0, 1, 1, 1], [], []>, transpose_lhs_hint = false} : vector<32x10000xf32>, vector<32x1xf32>, vector<10000x1xf32> -> vector<10000x1xf32>
    %get3A_26 = arith.constant 0 : index
    %get3A_27 = arith.constant 0 : index
    %get3A_28 = vector.load %arg3[%get3A_26, %get3A_27] : memref<32x10000xf32, #tpu.memory_space<vmem>>, vector<32x10000xf32>
    %dot_general3A_29 = arith.constant dense<0.000000e+00> : vector<10000x1xf32>
    %dot_general3A_30 = tpu.matmul %get3A_28, %broadcast_in_dim3A_21, %dot_general3A_29 {dimension_numbers = #tpu.dot_dimension_numbers<[0], [0], [1], [1], [0, 1, 1, 1], [], []>, transpose_lhs_hint = false} : vector<32x10000xf32>, vector<32x1xf32>, vector<10000x1xf32> -> vector<10000x1xf32>
    %add3A_31 = arith.addf %dot_general3A_25, %dot_general3A_30 : vector<10000x1xf32>
    %add3A_32 = arith.constant 1.000000e-16 : f32
    %add3A_33 = vector.broadcast %add3A_32 : f32 to vector<10000x1xf32>
    %add3A_34 = arith.addf %add3A_31, %add3A_33 : vector<10000x1xf32>
    %div3A = vector.broadcast %add3A_34 : vector<10000x1xf32> to vector<10000x128xf32>
    %div3A_35 = arith.divf %add3A_20, %div3A : vector<10000x128xf32>
    %get3A_36 = arith.constant 0 : index
    %get3A_37 = arith.constant 0 : index
    %get3A_38 = vector.load %arg4[%get3A_36, %get3A_37] : memref<128x128xf32, #tpu.memory_space<vmem>>, vector<128x128xf32>
    %dot_general3A_39 = arith.constant dense<0.000000e+00> : vector<10000x128xf32>
    %dot_general3A_40 = tpu.matmul %div3A_35, %get3A_38, %dot_general3A_39 {dimension_numbers = #tpu.dot_dimension_numbers<[1], [1], [0], [0], [0, 0, 1, 0], [], []>, transpose_lhs_hint = false} : vector<10000x128xf32>, vector<128x128xf32>, vector<10000x128xf32> -> vector<10000x128xf32>
    %get3A_41 = arith.constant 0 : index
    %get3A_42 = arith.constant 0 : index
    %get3A_43 = vector.load %arg5[%get3A_41, %get3A_42] : memref<1x128xf32, #tpu.memory_space<vmem>>, vector<1x128xf32>
    %add3A_44 = vector.broadcast %get3A_43 : vector<1x128xf32> to vector<10000x128xf32>
    %add3A_45 = arith.addf %dot_general3A_40, %add3A_44 : vector<10000x128xf32>
    %reduce_sum3A = arith.constant dense<0.000000e+00> : vector<128xf32>
    %reduce_sum3A_46 = vector.multi_reduction <add>, %add3A_45, %reduce_sum3A [0] : vector<10000x128xf32> to vector<128xf32>
    %broadcast_in_dim3A_47 = vector.shape_cast %reduce_sum3A_46 : vector<128xf32> to vector<1x128xf32>
    %div3A_48 = arith.constant 1.000000e+04 : f32
    %div3A_49 = vector.broadcast %div3A_48 : f32 to vector<1x128xf32>
    %div3A_50 = arith.divf %broadcast_in_dim3A_47, %div3A_49 : vector<1x128xf32>
    %sub3A = vector.broadcast %div3A_50 : vector<1x128xf32> to vector<10000x128xf32>
    %sub3A_51 = arith.subf %add3A_45, %sub3A : vector<10000x128xf32>
    %integer_pow3A = arith.mulf %sub3A_51, %sub3A_51 : vector<10000x128xf32>
    %reduce_sum3A_52 = arith.constant dense<0.000000e+00> : vector<128xf32>
    %reduce_sum3A_53 = vector.multi_reduction <add>, %integer_pow3A, %reduce_sum3A_52 [0] : vector<10000x128xf32> to vector<128xf32>
    %broadcast_in_dim3A_54 = vector.shape_cast %reduce_sum3A_53 : vector<128xf32> to vector<1x128xf32>
    %div3A_55 = arith.constant 1.000000e+04 : f32
    %div3A_56 = vector.broadcast %div3A_55 : f32 to vector<1x128xf32>
    %div3A_57 = arith.divf %broadcast_in_dim3A_54, %div3A_56 : vector<1x128xf32>
    %sub3A_58 = vector.broadcast %div3A_50 : vector<1x128xf32> to vector<10000x128xf32>
    %sub3A_59 = arith.subf %add3A_45, %sub3A_58 : vector<10000x128xf32>
    %add3A_60 = arith.constant 9.99999974E-6 : f32
    %add3A_61 = vector.broadcast %add3A_60 : f32 to vector<1x128xf32>
    %add3A_62 = arith.addf %div3A_57, %add3A_61 : vector<1x128xf32>
    %sqrt3A = math.sqrt %add3A_62 : vector<1x128xf32>
    %div3A_63 = vector.broadcast %sqrt3A : vector<1x128xf32> to vector<10000x128xf32>
    %div3A_64 = arith.divf %sub3A_59, %div3A_63 : vector<10000x128xf32>
    %get3A_65 = arith.constant 0 : index
    %get3A_66 = arith.constant 0 : index
    %get3A_67 = vector.load %arg6[%get3A_65, %get3A_66] : memref<1x128xf32, #tpu.memory_space<vmem>>, vector<1x128xf32>
    %mul3A = vector.broadcast %get3A_67 : vector<1x128xf32> to vector<10000x128xf32>
    %mul3A_68 = arith.mulf %div3A_64, %mul3A : vector<10000x128xf32>
    %get3A_69 = arith.constant 0 : index
    %get3A_70 = arith.constant 0 : index
    %get3A_71 = vector.load %arg7[%get3A_69, %get3A_70] : memref<1x128xf32, #tpu.memory_space<vmem>>, vector<1x128xf32>
    %add3A_72 = vector.broadcast %get3A_71 : vector<1x128xf32> to vector<10000x128xf32>
    %add3A_73 = arith.addf %mul3A_68, %add3A_72 : vector<10000x128xf32>
    %tanh3A = math.tanh %add3A_73 : vector<10000x128xf32>
    %get3A_74 = arith.constant 0 : index
    %get3A_75 = arith.constant 0 : index
    %get3A_76 = vector.load %arg8[%get3A_74, %get3A_75] : memref<128x128xf32, #tpu.memory_space<vmem>>, vector<128x128xf32>
    %dot_general3A_77 = arith.constant dense<0.000000e+00> : vector<10000x128xf32>
    %dot_general3A_78 = tpu.matmul %tanh3A, %get3A_76, %dot_general3A_77 {dimension_numbers = #tpu.dot_dimension_numbers<[1], [1], [0], [0], [0, 0, 1, 0], [], []>, transpose_lhs_hint = false} : vector<10000x128xf32>, vector<128x128xf32>, vector<10000x128xf32> -> vector<10000x128xf32>
    %get3A_79 = arith.constant 0 : index
    %get3A_80 = arith.constant 0 : index
    %get3A_81 = vector.load %arg9[%get3A_79, %get3A_80] : memref<1x128xf32, #tpu.memory_space<vmem>>, vector<1x128xf32>
    %add3A_82 = vector.broadcast %get3A_81 : vector<1x128xf32> to vector<10000x128xf32>
    %add3A_83 = arith.addf %dot_general3A_78, %add3A_82 : vector<10000x128xf32>
    %swap3A = arith.constant 0 : index
    %swap3A_84 = arith.constant 0 : index
    %swap3A_85 = vector.load %arg10[%swap3A, %swap3A_84] : memref<10000x128xf32, #tpu.memory_space<vmem>>, vector<10000x128xf32>
    tpu.vector_store %arg10[%swap3A, %swap3A_84], %add3A_83 {strides = array<i32>} : memref<10000x128xf32, #tpu.memory_space<vmem>>, vector<10000x128xf32>,
    return
  }
}

</mosaic_0001>

<sc_bundles>
// kernel: kernel.10.cloned.1.call-start
scs
__scs_entry_jumppad:
0x0: {  	(pc) =	sbr.rel $0x88, $3  }
0x1: {  	(tag) =	ssettag $0x0;
	lr =	simm.s32 $0x1  }
0x2: {  	[smem:$0x3F92] =	sst lr;
	_ =	strace $0xD0000000  }
0x3: {  	_ = 	snop  }
0x4: {  	_ = 	snop  }
0x5: {  	_ = 	snop  }
0x6: {  	_ = 	snop  }
0x7: {  	_ = 	snop  }
__scs_overlays_trampoline_lowered:
0x8: {  	[smem:$0x3FA1] =	sst s0  }
0x9: {  	[smem:$0x3FA2] =	sst s1  }
0xa: {  	[smem:$0x3FA3] =	sst s2  }
0xb: {  	[smem:$0x3FA4] =	sst s3  }
0xc: {  	[smem:$0x3FA5] =	sst s4  }
0xd: {  	[smem:$0x3FA6] =	sst s5  }
0xe: {  	[smem:$0x3FA7] =	sst s6  }
0xf: {  	[smem:$0x3FA8] =	sst s7  }
0x10: {  	[smem:$0x3FA9] =	sst s8  }
0x11: {  	[smem:$0x3FAA] =	sst s9;
	s0 =	simm.s32 @!p0 $0x0  }
0x12: {  	s1 =	sld [smem:$0x3F90];
	s0 =	simm.s32 @p0 $0x1  }
0x13: {  	[smem:$0x3FAB] =	sst s0;
	s0 =	simm.s32 @!p1 $0x0  }
0x14: {  	s2 =	sld [smem:$0x3F8F];
	s0 =	simm.s32 @p1 $0x1  }
0x15: {  	[smem:$0x3FAC] =	sst s0;
	s0 =	simm.s32 @!p2 $0x0  }
0x16: {  	s3 =	sld [smem:$0x3FDB];
	s0 =	simm.s32 @p2 $0x1  }
0x17: {  	s4 =	simm.s32 $0x1BF5;
	[smem:$0x3FAE] =	sst s0  }
0x18: {  	s0 =	sld [smem:$0x3F91];
	_ =	swait.ge [sflag:s4], $0x0  }
0x19: {  	s7 =	sld [smem:$0x3F92]  }
0x1a: {  	s8 =	sadd.s32 $0xFFFFE003, lr  }
0x1b: {  	s9 =	sadd.s32 $0xFFFFFEF7, lr;
	s5 =	simm.s32 $0xFFFFFFFF;
	p2 =	slt.u32 s8, $0xFFFFF086  }
0x1c: {  	p1 =	slt.u32 s9, $0xF7A;
	s5 =	simm.s32 @!p2 $0x0  }
0x1d: {  	s5 =	simm.s32 @p1 $0x1;
	p0 =	seq.s32 s7, s2  }
0x1e: {  	s7 =	smul.u32 @!p0 $0xF7A, s2;
	p2 =	seq.s32 @!p0 s5, $0x0  }
0x1f: {  	s9 =	smul.u32 $0xF7A, s1;
	s8 =	simm.s32 @!p0 $0x1BF5;
	p2 =	por !p2, p0  }
0x20: {  	[sflag:s8] =	ssyncset.s32 @!p0 $0xFFFFF086;
	s6 =	sadd.s32 @!p0 s3, s7;
	s7 =	simm.s32 @!p0 $0x108  }
0x21: {  	s3 =	sadd.s32 s3, s9;
	s6 =	sadd.s32 @!p0 $0x88, s6;
	s7 =	simm.s32 @p2 $0x1082  }
0x22: {  	[simem:s7], [sflag:s8] =	dma.local @!p0 [hbm:s6], $0xF7A  }
0x23: {  	s9 =	sor.u32 $0xD0000000, s2;
	s6 =	simm.s32 $0x108;
	_ =	swait.ge @!p0 [sflag:s8], $0x0  }
0x24: {  	s3 =	sadd.s32 $0x88, s3;
	s6 =	simm.s32 @!p1 $0x1082;
	[sflag:s4] =	ssyncset.s32 $0xFFFFF086  }
0x25: {  	[simem:s6], [sflag:s4] =	dma.local [hbm:s3], $0xF7A  }
0x26: {  	[smem:$0x3F92] =	sst s1;
	(tag) =	ssettag s2;
	_ =	strace s9  }
0x27: {  	s1 =	sld [smem:$0x3FA2]  }
0x28: {  	s2 =	sld [smem:$0x3FA3]  }
0x29: {  	s4 =	sld [smem:$0x3FA5]  }
0x2a: {  	p0 =	seq.s32 s5, $0x0;
	s5 =	sld [smem:$0x3FA6]  }
0x2b: {  	s6 =	sld [smem:$0x3FA7]  }
0x2c: {  	s7 =	sld [smem:$0x3FA8]  }
0x2d: {  	s3 =	simm.s32 $0x108;
	s8 =	sld [smem:$0x3FA9]  }
0x2e: {  	s3 =	simm.s32 @!p0 $0x1082;
	s9 =	sld [smem:$0x3FAA]  }
0x2f: {  	lr =	sadd.s32 s0, s3;
	s0 =	sld [smem:$0x3FA1]  }
0x30: {  	s3 =	sld [smem:$0x3FA4]  }
0x31: {  	[smem:$0x3FAD] =	sst s10  }
0x32: {  	s10 =	sld [smem:$0x3FAB];
	_ =	sdelay $0x3  }
0x33: {  	p0 =	seq.s32 s10, $0x1;
	s10 =	sld [smem:$0x3FAD];
	_ =	sdelay $0x3  }
0x34: {  	[smem:$0x3FAD] =	sst s10  }
0x35: {  	s10 =	sld [smem:$0x3FAC];
	_ =	sdelay $0x3  }
0x36: {  	p1 =	seq.s32 s10, $0x1;
	s10 =	sld [smem:$0x3FAD];
	_ =	sdelay $0x3  }
0x37: {  	[smem:$0x3FAD] =	sst s10  }
0x38: {  	s10 =	sld [smem:$0x3FAE]  }
0x39: {  	_ = 	snop;
	(pc) =	sbr.ind lr, $3  }
0x3a: {  	_ = 	snop  }
0x3b: {  	_ = 	snop  }
0x3c: {  	p2 =	seq.s32 s10, $0x1;
	s10 =	sld [smem:$0x3FAD]  }
0x3d: {  	_ =	shalt  }
0x3e: {  	_ =	shalt  }
0x3f: {  	_ =	shalt  }
0x40: {  	_ =	shalt  }
0x41: {  	_ =	shalt  }
0x42: {  	_ =	shalt  }
0x43: {  	_ =	shalt  }
0x44: {  	_ =	shalt  }
0x45: {  	_ =	shalt  }
0x46: {  	_ =	shalt  }
0x47: {  	_ =	shalt  }
0x48: {  	_ =	shalt  }
0x49: {  	_ =	shalt  }
0x4a: {  	_ =	shalt  }
0x4b: {  	_ =	shalt  }
0x4c: {  	_ =	shalt  }
0x4d: {  	_ =	shalt  }
0x4e: {  	_ =	shalt  }
0x4f: {  	_ =	shalt  }
0x50: {  	_ =	shalt  }
0x51: {  	_ =	shalt  }
0x52: {  	_ =	shalt  }
0x53: {  	_ =	shalt  }
0x54: {  	_ =	shalt  }
0x55: {  	_ =	shalt  }
0x56: {  	_ =	shalt  }
0x57: {  	_ =	shalt  }
0x58: {  	_ =	shalt  }
0x59: {  	_ =	shalt  }
0x5a: {  	_ =	shalt  }
0x5b: {  	_ =	shalt  }
0x5c: {  	_ =	shalt  }
0x5d: {  	_ =	shalt  }
0x5e: {  	_ =	shalt  }
0x5f: {  	_ =	shalt  }
0x60: {  	_ =	shalt  }
0x61: {  	_ =	shalt  }
0x62: {  	_ =	shalt  }
0x63: {  	_ =	shalt  }
0x64: {  	_ =	shalt  }
0x65: {  	_ =	shalt  }
0x66: {  	_ =	shalt  }
0x67: {  	_ =	shalt  }
0x68: {  	_ =	shalt  }
0x69: {  	_ =	shalt  }
0x6a: {  	_ =	shalt  }
0x6b: {  	_ =	shalt  }
0x6c: {  	_ =	shalt  }
0x6d: {  	_ =	shalt  }
0x6e: {  	_ =	shalt  }
0x6f: {  	_ =	shalt  }
0x70: {  	_ =	shalt  }
0x71: {  	_ =	shalt  }
0x72: {  	_ =	shalt  }
0x73: {  	_ =	shalt  }
0x74: {  	_ =	shalt  }
0x75: {  	_ =	shalt  }
0x76: {  	_ =	shalt  }
0x77: {  	_ =	shalt  }
0x78: {  	_ =	shalt  }
0x79: {  	_ =	shalt  }
0x7a: {  	_ =	shalt  }
0x7b: {  	_ =	shalt  }
0x7c: {  	_ =	shalt  }
0x7d: {  	_ =	shalt  }
0x7e: {  	_ =	shalt  }
0x7f: {  	_ =	shalt  }
0x80: {  	_ =	shalt  }
0x81: {  	_ =	shalt  }
0x82: {  	_ =	shalt  }
0x83: {  	_ =	shalt  }
0x84: {  	_ =	shalt  }
0x85: {  	_ =	shalt  }
0x86: {  	_ =	shalt  }
0x87: {  	_ =	shalt  }
.Lfunc_end0:
.L_simem_size_0:
called_computation_lowered:
.L_overlay_start_0:
0x88: {  	s2 =	sld [smem:$0x3FD9]  }
0x89: {  	s3 =	sld [smem:$0x3FFE];
	_ =	sdelay $0x1  }
0x8a: {  	s1 =	srdreg.scid  }
0x8b: {  	s0 =	sand.u32 $0x1, s1  }
0x8c: {  	s14 =	sshll.u32 s0, $0xA;
	s2 =	sadd.s32 s3, s2  }
0x8d: {  	s2 =	sadd.s32 s2, s14  }
0x8e: {  	[smem:$0x3FB9] =	sst s2  }
0x8f: {  	_ = 	snop  }
0x90: {  	s2 =	sld [smem:$0x3FD0];
	_ =	sdelay $0x2  }
0x91: {  	s15 =	simm.s32 $0xB;
	s4 =	simm.s32 $0x10  }
0x92: {  	[smem:s4], [sflag:s15] =	dma.local [hbm:s2], $0x1  }
0x93: {  	_ =	swait.eq [sflag:s15], $0x1  }
0x94: {  	[sflag:s15] =	ssyncset.done $0x0  }
0x95: {  	s16 =	sld [smem:$0x10];
	[sflag:s15] =	ssyncadd.s32 $0xFFFFFFFF  }
0x96: {  	s17 =	sld [smem:$0x11];
	(tm) =	ssettm $0x1  }
0x97: {  	s18 =	sld [smem:$0x3FFB];
	_ =	sdelay $0x3  }
0x98: {  	_ =	strace s18  }
0x99: {  	s4 =	sld [smem:$0x3FFC];
	_ =	sdelay $0x3  }
0x9a: {  	_ =	strace s4  }
0x9b: {  	s4 =	sld [smem:$0x3FFD];
	_ =	sdelay $0x3  }
0x9c: {  	_ =	strace s4  }
0x9d: {  	_ =	strace $0x8FFFFFFF  }
0x9e: {  	s19 =	sld [smem:$0x3FDB];
	_ =	sdelay $0x1  }
0x9f: {  	s5 =	simm.s32 $_scs_section_size  }
0xa0: {  	s6 =	simm.s32 $_size__tile_overlayer_lowered;
	s7 =	simm.s32 $_tile_overlayer_lowered  }
0xa1: {  	s22 =	simm.s32 $0x1BFF;
	s21 =	sshll.u32 s7, $0x1;
	s4 =	sadd.s32 s5, s19  }
0xa2: {  	s8 =	simm.s32 $0x0;
	s20 =	sshll.u32 s6, $0x1;
	s6 =	sadd.s32 s21, s4  }
0xa3: {  	[timem:s8], [sflag:s22] =	dma.local [hbm:s6], s20  }
0xa4: {  	_ =	swait.ge [sflag:s22], s20  }
0xa5: {  	s5 =	ssub.s32 $0x0, s20;
	[sflag:s22] =	ssyncset.done $0x0  }
0xa6: {  	[sflag:s22] =	ssyncadd.s32 s5;
	_ =	sdelay $0x1  }
0xa7: {  	s23 =	simm.s32 $0x1B8B  }
0xa8: {  	_ =	swait.ge [sflag:s23], $0x1  }
0xa9: {  	[sflag:s23] =	ssyncset.done $0x0  }
0xaa: {  	s25 =	simm.s32 $0x1B8E;
	s24 =	sld [smem:$0x3FFE];
	[sflag:s23] =	ssyncadd.s32 $0xFFFFFFFF  }
0xab: {  	s26 =	simm.s32 $execute0_lowered;
	[smem:$0x3FD2] =	sst s25  }
0xac: {  	s6 =	sshll.u32 s26, $0x1;
	_ =	strace $0x80000046;
	[dreg:$0x1] =	wrdreg $0xFFFFFFFF  }
0xad: {  	s28 =	simm.s32 $_size_execute0_lowered;
	s4 =	sadd.s32 s4, s6;
	[dreg:$0x0] =	wrdreg $0x0  }
0xae: {  	s6 =	sshll.u32 s28, $0x1;
	[dreg:$0x2] =	wrdreg s4  }
0xaf: {  	[dreg:$0x3] =	wrdreg s6  }
0xb0: {  	[dreg:$0x4] =	wrdreg $0xC0  }
0xb1: {  	_ =	task [dreg:s8], $0x5FFFF  }
0xb2: {  	[dreg:$0x1] =	wrdreg $0xFFFFFFFF  }
0xb3: {  	[dreg:$0x0] =	wrdreg $0x60  }
0xb4: {  	[dreg:$0x2] =	wrdreg s16  }
0xb5: {  	[dreg:$0x3] =	wrdreg s17  }
0xb6: {  	[dreg:$0x4] =	wrdreg s24  }
0xb7: {  	[dreg:$0x5] =	wrdreg $0xA  }
0xb8: {  	_ =	task.clear_ibuf [dreg:s8], $0x6FFFF;
	_ =	strace $0x90000046  }
0xb9: {  	s29 =	simm.s32 $0xA;
	_ =	strace $0x80000048  }
0xba: {  	_ =	swait.ge [sflag:s29], $0x1  }
0xbb: {  	[sflag:s29] =	ssyncadd.s32 $0xFFFFFFFF  }
0xbc: {  	_ =	strace $0x90000048  }
0xbd: {  	_ =	sfence  }
0xbe: {  	s30 =	sld [smem:$0x0];
	_ =	sdelay $0x2  }
0xbf: {  	s31 =	sshll.u32 s1, $0xD;
	s1 =	sshrl.u32 s1, $0x2  }
0xc0: {  	s3 =	sand.u32 $0x4000, s31;
	s1 =	sadd.s32 s1, s30  }
0xc1: {  	s0 =	sor.u32 s3, s0;
	s1 =	sshll.u32 s1, $0x11  }
0xc2: {  	s0 =	sor.u32 s1, s0  }
0xc3: {  	s0 =	sadd.s32 $0x8F2B, s0  }
0xc4: {  	[sflag:s0] =	ssyncadd.remote.s32 $0x1  }
0xc5: {  	_ =	sfence.sel $0xFFFF  }
0xc6: {  	[dreg:$0x0] =	wrdreg $0xFFFFFFFF;
	(pc) =	sbr.abs _section_cstart, $3  }
0xc7: {  	[dreg:$0x1] =	wrdreg $0xFFFFFFFF  }
0xc8: {  	_ =	task.clear_ibuf [dreg:s8], $0x2FFFF;
	_ =	strace $0x9FFFFFFF  }
0xc9: {  	(tm) =	ssettm $0x7FFFFFFF  }
tec
execute0_lowered:
.L_overlay_start_1:
0x0: {  	(tag) =	ssettag $0x1  }
0x1: {  	s1 =	rddreg [dreg:$0x0]  }
0x2: {  	s4 =	rddreg [dreg:$0x1]  }
0x3: {  	s3 =	rddreg [dreg:$0x2]  }
0x4: {  	s2 =	srdreg.scid;
	s19 =	stileid.u32  }
0x5: {  	s0 =	rddreg [dreg:$0x3];
	s11 =	simm.s32 $0x5380;
	s12 =	simm.s32 $0x9380  }
0x6: {  	s13 =	simm.s32 $0x1;
	s14 =	simm.s32 $0x2;
	s15 =	simm.s32 $0x3  }
0x7: {  	s16 =	simm.s32 $0x4;
	s17 =	simm.s32 $0x5;
	s18 =	simm.s32 $0x6  }
0x8: {  	s5 =	sand.u32 $0x1, s2;
	s6 =	sshll.u32 s19, $0x1;
	s2 =	simm.s32 $0x0  }
0x9: {  	s9 =	sadd.s32 $0xE800, s3;
	s30 =	smul.u32 $0x27000, s19;
	p0 =	sne.s32 s19, $0x0  }
0xa: {  	s19 =	simm.s32 $0x0;
	s7 =	ssub.s32 $0x2, s5;
	s6 =	sor.u32 s5, s6  }
0xb: {  	[smem:$0x7FF] =	sst s2;
	s29 =	sshll.u32 s5, $0x7;
	s6 =	smul.u32 $0x1380, s6  }
0xc: {  	s10 =	smul.u32 $0x13800, s5;
	s8 =	sshrl.u32 s7, $0x1;
	_ =	strace $0x80000047  }
0xd: {  	s7 =	ssub.s32 s7, s8;
	s8 =	sadd.s32 s30, s9;
	s28 =	sshrl.u32 s6, $0x3  }
0xe: {  	s6 =	sor.u32 $0x27000, s29;
	s8 =	sadd.s32 s10, s8;
	s10 =	simm.s32 $0x1380  }
0xf: {  	s3 =	sadd.s32 s4, s28;
	s31 =	sshrl.u32 s6, $0x3;
	s6 =	sshll.u32 s6, $0x4  }
0x10: {  	s4 =	sadd.s32 s4, s31;
	s5 =	sadd.s32 s9, s6;
	s6 =	smax.u32 s7, $0x1  }
0x11: {  	s7 =	sadd.s32 $0x1000, s8;
	s8 =	simm.s32 $0x7;
	s9 =	simm.s32 $0x80  }
.LBB2_1:
0x12: {  	[tilespmem:s2], [sflag:$0x7] =	stream.linear.gather [hbm4b:s3+s2], $0x1380, $0x38;
	[tilespmem:$0xD380] =	vst v63  }
0x13: {  	_ =	swait.ge [sflag:s8], $0x1380  }
0x14: {  	[sflag:s8] =	ssyncset.done $0x0  }
0x15: {  	s20 =	simm.s32 $0x0;
	[sflag:s8] =	ssyncadd.s32 $0xFFFFEC80  }
0x16: {  	[tilespmem:s10], [sflag:$0x1] =	stream.indirect.gather [hbm4b:s1+s9], $0x80, s20, s9, $0xb8;
	[tilespmem:$0xD380] =	vst v63  }
0x17: {  	s28 =	simm.s32 $0x80  }
0x18: {  	[tilespmem:s11], [sflag:$0x2] =	stream.indirect.gather [hbm4b:s1+s9], $0x80, s28, s9, $0xb8;
	[tilespmem:$0xD380] =	vst v63  }
0x19: {  	s29 =	simm.s32 $0x100  }
0x1a: {  	[tilespmem:s12], [sflag:$0x3] =	stream.indirect.gather [hbm4b:s1+s9], $0x80, s29, s9, $0xb8;
	[tilespmem:$0xD380] =	vst v63  }
0x1b: {  	_ =	swait.ge [sflag:s13], $0x4000  }
0x1c: {  	[sflag:s13] =	ssyncset.done $0x0  }
0x1d: {  	s30 =	sadd.s32 $0xFFFFF000, s7;
	[sflag:s13] =	ssyncadd.s32 $0xFFFFC000  }
0x1e: {  	[hbm4b:s30+s2] =	stream.linear.scatter [tilespmem:s10], [sflag:$0x4], $0x4000, $0x38;
	[tilespmem:$0xD380] =	vst v63  }
0x1f: {  	_ =	swait.ge [sflag:s14], $0x4000  }
0x20: {  	[sflag:s14] =	ssyncset.done $0x0  }
0x21: {  	s31 =	sadd.s32 $0xFFFFF800, s7;
	[sflag:s14] =	ssyncadd.s32 $0xFFFFC000  }
0x22: {  	[hbm4b:s31+s2] =	stream.linear.scatter [tilespmem:s11], [sflag:$0x5], $0x4000, $0x38;
	[tilespmem:$0xD380] =	vst v63  }
0x23: {  	_ =	swait.ge [sflag:s15], $0x4000  }
0x24: {  	[sflag:s15] =	ssyncset.done $0x0  }
0x25: {  	[sflag:s15] =	ssyncadd.s32 $0xFFFFC000  }
0x26: {  	[hbm4b:s7+s2] =	stream.linear.scatter [tilespmem:s12], [sflag:$0x6], $0x4000, $0x38;
	[tilespmem:$0xD380] =	vst v63  }
0x27: {  	_ =	swait.ge [sflag:s16], $0x4000  }
0x28: {  	[sflag:s16] =	ssyncset.done $0x0  }
0x29: {  	[sflag:s16] =	ssyncadd.s32 $0xFFFFC000  }
0x2a: {  	_ =	swait.ge [sflag:s17], $0x4000  }
0x2b: {  	[sflag:s17] =	ssyncset.done $0x0  }
0x2c: {  	[sflag:s17] =	ssyncadd.s32 $0xFFFFC000  }
0x2d: {  	s21 =	simm.s32 $0x600;
	_ =	swait.ge [sflag:s18], $0x4000  }
0x2e: {  	s22 =	simm.s32 $0xC00;
	s20 =	sadd.s32 $0x1800, s7;
	[sflag:s18] =	ssyncset.done $0x0  }
.LBB2_2:
0x2f: {  	s23 =	sshra.s32 s21, $0x2  }
0x30: {  	[sflag:s18] =	ssyncadd.s32 $0xFFFFC000;
	s21 =	smov.u32 s22;
	s24 =	sadd.s32 $0x600, s22  }
0x31: {  	[tilespmem:s10], [sflag:$0x1] =	stream.indirect.gather [hbm4b:s1+s9], $0x80, s23, s9, $0xb8;
	[tilespmem:$0xD380] =	vst v63  }
0x32: {  	p1 =	sne.s32 s22, $0x4800;
	s22 =	sadd.s32 $0x80, s23  }
0x33: {  	[tilespmem:s11], [sflag:$0x2] =	stream.indirect.gather [hbm4b:s1+s9], $0x80, s22, s9, $0xb8;
	[tilespmem:$0xD380] =	vst v63  }
0x34: {  	s22 =	sadd.s32 $0x100, s23  }
0x35: {  	[tilespmem:s12], [sflag:$0x3] =	stream.indirect.gather [hbm4b:s1+s9], $0x80, s22, s9, $0xb8;
	[tilespmem:$0xD380] =	vst v63  }
0x36: {  	_ =	swait.ge [sflag:s13], $0x4000  }
0x37: {  	[sflag:s13] =	ssyncset.done $0x0  }
0x38: {  	s22 =	sadd.s32 $0xFFFFF000, s20;
	[sflag:s13] =	ssyncadd.s32 $0xFFFFC000  }
0x39: {  	[hbm4b:s22+s2] =	stream.linear.scatter [tilespmem:s10], [sflag:$0x4], $0x4000, $0x38;
	[tilespmem:$0xD380] =	vst v63  }
0x3a: {  	_ =	swait.ge [sflag:s14], $0x4000  }
0x3b: {  	[sflag:s14] =	ssyncset.done $0x0  }
0x3c: {  	s22 =	sadd.s32 $0xFFFFF800, s20;
	[sflag:s14] =	ssyncadd.s32 $0xFFFFC000  }
0x3d: {  	[hbm4b:s22+s2] =	stream.linear.scatter [tilespmem:s11], [sflag:$0x5], $0x4000, $0x38;
	[tilespmem:$0xD380] =	vst v63  }
0x3e: {  	_ =	swait.ge [sflag:s15], $0x4000  }
0x3f: {  	[sflag:s15] =	ssyncset.done $0x0  }
0x40: {  	[sflag:s15] =	ssyncadd.s32 $0xFFFFC000  }
0x41: {  	[hbm4b:s20+s2] =	stream.linear.scatter [tilespmem:s12], [sflag:$0x6], $0x4000, $0x38;
	[tilespmem:$0xD380] =	vst v63  }
0x42: {  	_ =	swait.ge [sflag:s16], $0x4000  }
0x43: {  	[sflag:s16] =	ssyncset.done $0x0  }
0x44: {  	[sflag:s16] =	ssyncadd.s32 $0xFFFFC000  }
.Ltmp0:
0x45: {  	_ =	swait.ge [sflag:s17], $0x4000;
	(pc) =	sbr.rel @p1 .LBB2_2-.Ltmp0, $4  }
0x46: {  	[sflag:s17] =	ssyncset.done $0x0  }
0x47: {  	[sflag:s17] =	ssyncadd.s32 $0xFFFFC000  }
0x48: {  	_ =	swait.ge [sflag:s18], $0x4000  }
0x49: {  	s22 =	smov.u32 s24;
	s20 =	sadd.s32 $0x1800, s20;
	[sflag:s18] =	ssyncset.done $0x0  }
0x4a: {  	s21 =	sshra.s32 s21, $0x2;
	[sflag:s18] =	ssyncadd.s32 $0xFFFFC000  }
0x4b: {  	[tilespmem:s10], [sflag:$0x1] =	stream.indirect.gather [hbm4b:s1+s9], $0x80, s21, s9, $0xb8;
	[tilespmem:$0xD380] =	vst v63  }
0x4c: {  	s22 =	sadd.s32 $0x80, s21  }
0x4d: {  	[tilespmem:s11], [sflag:$0x2] =	stream.indirect.gather [hbm4b:s1+s9], $0x80, s22, s9, $0xb8;
	[tilespmem:$0xD380] =	vst v63  }
0x4e: {  	s21 =	sadd.s32 $0x100, s21  }
0x4f: {  	[tilespmem:s12], [sflag:$0x3] =	stream.indirect.gather [hbm4b:s1+s9], $0x80, s21, s9, $0xb8;
	[tilespmem:$0xD380] =	vst v63  }
0x50: {  	_ =	swait.ge [sflag:s13], $0x4000  }
0x51: {  	[sflag:s13] =	ssyncset.done $0x0  }
0x52: {  	s30 =	sadd.s32 $0xFFFFF000, s20;
	[sflag:s13] =	ssyncadd.s32 $0xFFFFC000  }
0x53: {  	[hbm4b:s30+s2] =	stream.linear.scatter [tilespmem:s10], [sflag:$0x4], $0x4000, $0x38;
	[tilespmem:$0xD380] =	vst v63  }
0x54: {  	_ =	swait.ge [sflag:s14], $0x4000  }
0x55: {  	[sflag:s14] =	ssyncset.done $0x0  }
0x56: {  	s31 =	sadd.s32 $0xFFFFF800, s20;
	[sflag:s14] =	ssyncadd.s32 $0xFFFFC000  }
0x57: {  	[hbm4b:s31+s2] =	stream.linear.scatter [tilespmem:s11], [sflag:$0x5], $0x4000, $0x38;
	[tilespmem:$0xD380] =	vst v63  }
0x58: {  	_ =	swait.ge [sflag:s15], $0x4000  }
0x59: {  	[sflag:s15] =	ssyncset.done $0x0  }
0x5a: {  	[sflag:s15] =	ssyncadd.s32 $0xFFFFC000  }
0x5b: {  	[hbm4b:s20+s2] =	stream.linear.scatter [tilespmem:s12], [sflag:$0x6], $0x4000, $0x38;
	[tilespmem:$0xD380] =	vst v63  }
0x5c: {  	_ =	swait.ge [sflag:s16], $0x4000  }
0x5d: {  	[sflag:s16] =	ssyncset.done $0x0  }
0x5e: {  	[sflag:s16] =	ssyncadd.s32 $0xFFFFC000  }
0x5f: {  	_ =	swait.ge [sflag:s17], $0x4000  }
0x60: {  	[sflag:s17] =	ssyncset.done $0x0  }
0x61: {  	[sflag:s17] =	ssyncadd.s32 $0xFFFFC000  }
0x62: {  	_ =	swait.ge [sflag:s18], $0x4000  }
0x63: {  	[sflag:s18] =	ssyncset.done $0x0  }
0x64: {  	s21 =	simm.s32 @!p0 $0x7;
	s20 =	simm.s32 @!p0 $0x0;
	[sflag:s18] =	ssyncadd.s32 $0xFFFFC000  }
0x65: {  	[tilespmem:s20], [sflag:$0x7] =	stream.linear.gather @!p0 [hbm4b:s4+s20], $0x80, $0x38;
	[tilespmem:$0xD380] =	vst v63  }
0x66: {  	_ =	swait.ge @!p0 [sflag:s21], $0x80  }
0x67: {  	[sflag:s21] =	ssyncset.done @!p0 $0x0  }
0x68: {  	s23 =	simm.s32 @!p0 $0x1380;
	s22 =	simm.s32 @!p0 $0x80;
	[sflag:s21] =	ssyncadd.s32 @!p0 $0xFFFFFF80  }
0x69: {  	[tilespmem:s23], [sflag:$0x1] =	stream.indirect.gather @!p0 [hbm4b:s1+s22], $0x80, s20, s22, $0xb8;
	[tilespmem:$0xD380] =	vst v63  }
0x6a: {  	s22 =	simm.s32 @!p0 $0x1  }
0x6b: {  	s19 =	sadd.s32 $0x1, s19;
	_ =	swait.ge @!p0 [sflag:s22], $0x4000  }
0x6c: {  	p1 =	sne.s32 s19, s6;
	[sflag:s22] =	ssyncset.done @!p0 $0x0  }
.Ltmp1:
0x6d: {  	[sflag:s22] =	ssyncadd.s32 @!p0 $0xFFFFC000;
	(pc) =	sbr.rel @p1 .LBB2_1-.Ltmp1, $4  }
0x6e: {  	[hbm4b:s5+s20] =	stream.linear.scatter @!p0 [tilespmem:s23], [sflag:$0x7], $0x4000, $0x38;
	[tilespmem:$0xD380] =	vst v63  }
0x6f: {  	_ =	swait.ge @!p0 [sflag:s21], $0x4000  }
0x70: {  	[sflag:s21] =	ssyncset.done @!p0 $0x0  }
0x71: {  	[sflag:s21] =	ssyncadd.s32 @!p0 $0xFFFFC000  }
0x72: {  	_ =	sfence.sel $0x180000  }
0x73: {  	[bflag:$0x0] =	sbarrier.arrive $0xFFFF  }
0x74: {  	_ =	strace $0x90000047  }
0x75: {  	s0 =	sadd.s32 @!p0 $0x100000, s0;
	[bflag:$0x2] =	sbarrier.arrive $0xFFFF  }
0x76: {  	[sflag:s0] =	ssyncadd.tile.s32 @!p0 $0x1;
	_ =	shalt  }
.Lfunc_end2:
_tile_overlayer_lowered:
.L_overlay_start_2:
0x77: {  	(tag) =	ssettag $0x2  }
0x78: {  	s0 =	rddreg [dreg:$0x0];
	s2 =	stileid.u32  }
0x79: {  	s1 =	rddreg [dreg:$0x1];
	p0 =	sne.s32 s2, $0x0  }
0x7a: {  	s3 =	rddreg [dreg:$0x2];
	[bflag:$0x3] =	sbarrier.arrive $0xFFFF;
	s2 =	simm.s32 @!p0 $0x1C07  }
0x7b: {  	[timem:s3], [sflag:s2] =	dma.local @!p0 [hbm:s0], s1  }
0x7c: {  	s0 =	simm.s32 @!p0 $0x7  }
0x7d: {  	_ =	swait.ge @!p0 [sflag:s0], s1  }
0x7e: {  	s1 =	ssub.s32 @!p0 $0x0, s1;
	[sflag:s0] =	ssyncset.done @!p0 $0x0  }
0x7f: {  	[sflag:s0] =	ssyncadd.s32 @!p0 s1  }
0x80: {  	[bflag:$0x3] =	sbarrier.arrive $0xFFFF  }
0x81: {  	_ =	shalt  }

// kernel: kernel.13.cloned.1.call-start
scs
__scs_entry_jumppad:
0x0: {  	(pc) =	sbr.rel $0x88, $3  }
0x1: {  	(tag) =	ssettag $0x0;
	lr =	simm.s32 $0x1  }
0x2: {  	[smem:$0x3F92] =	sst lr;
	_ =	strace $0xD0000000  }
0x3: {  	_ = 	snop  }
0x4: {  	_ = 	snop  }
0x5: {  	_ = 	snop  }
0x6: {  	_ = 	snop  }
0x7: {  	_ = 	snop  }
__scs_overlays_trampoline_lowered:
0x8: {  	[smem:$0x3FA1] =	sst s0  }
0x9: {  	[smem:$0x3FA2] =	sst s1  }
0xa: {  	[smem:$0x3FA3] =	sst s2  }
0xb: {  	[smem:$0x3FA4] =	sst s3  }
0xc: {  	[smem:$0x3FA5] =	sst s4  }
0xd: {  	[smem:$0x3FA6] =	sst s5  }
0xe: {  	[smem:$0x3FA7] =	sst s6  }
0xf: {  	[smem:$0x3FA8] =	sst s7  }
0x10: {  	[smem:$0x3FA9] =	sst s8  }
0x11: {  	[smem:$0x3FAA] =	sst s9;
	s0 =	simm.s32 @!p0 $0x0  }
0x12: {  	s1 =	sld [smem:$0x3F90];
	s0 =	simm.s32 @p0 $0x1  }
0x13: {  	[smem:$0x3FAB] =	sst s0;
	s0 =	simm.s32 @!p1 $0x0  }
0x14: {  	s2 =	sld [smem:$0x3F8F];
	s0 =	simm.s32 @p1 $0x1  }
0x15: {  	[smem:$0x3FAC] =	sst s0;
	s0 =	simm.s32 @!p2 $0x0  }
0x16: {  	s3 =	sld [smem:$0x3FDB];
	s0 =	simm.s32 @p2 $0x1  }
0x17: {  	s4 =	simm.s32 $0x1BF5;
	[smem:$0x3FAE] =	sst s0  }
0x18: {  	s0 =	sld [smem:$0x3F91];
	_ =	swait.ge [sflag:s4], $0x0  }
0x19: {  	s7 =	sld [smem:$0x3F92]  }
0x1a: {  	s8 =	sadd.s32 $0xFFFFE003, lr  }
0x1b: {  	s9 =	sadd.s32 $0xFFFFFEF7, lr;
	s5 =	simm.s32 $0xFFFFFFFF;
	p2 =	slt.u32 s8, $0xFFFFF086  }
0x1c: {  	p1 =	slt.u32 s9, $0xF7A;
	s5 =	simm.s32 @!p2 $0x0  }
0x1d: {  	s5 =	simm.s32 @p1 $0x1;
	p0 =	seq.s32 s7, s2  }
0x1e: {  	s7 =	smul.u32 @!p0 $0xF7A, s2;
	p2 =	seq.s32 @!p0 s5, $0x0  }
0x1f: {  	s9 =	smul.u32 $0xF7A, s1;
	s8 =	simm.s32 @!p0 $0x1BF5;
	p2 =	por !p2, p0  }
0x20: {  	[sflag:s8] =	ssyncset.s32 @!p0 $0xFFFFF086;
	s6 =	sadd.s32 @!p0 s3, s7;
	s7 =	simm.s32 @!p0 $0x108  }
0x21: {  	s3 =	sadd.s32 s3, s9;
	s6 =	sadd.s32 @!p0 $0x88, s6;
	s7 =	simm.s32 @p2 $0x1082  }
0x22: {  	[simem:s7], [sflag:s8] =	dma.local @!p0 [hbm:s6], $0xF7A  }
0x23: {  	s9 =	sor.u32 $0xD0000000, s2;
	s6 =	simm.s32 $0x108;
	_ =	swait.ge @!p0 [sflag:s8], $0x0  }
0x24: {  	s3 =	sadd.s32 $0x88, s3;
	s6 =	simm.s32 @!p1 $0x1082;
	[sflag:s4] =	ssyncset.s32 $0xFFFFF086  }
0x25: {  	[simem:s6], [sflag:s4] =	dma.local [hbm:s3], $0xF7A  }
0x26: {  	[smem:$0x3F92] =	sst s1;
	(tag) =	ssettag s2;
	_ =	strace s9  }
0x27: {  	s1 =	sld [smem:$0x3FA2]  }
0x28: {  	s2 =	sld [smem:$0x3FA3]  }
0x29: {  	s4 =	sld [smem:$0x3FA5]  }
0x2a: {  	p0 =	seq.s32 s5, $0x0;
	s5 =	sld [smem:$0x3FA6]  }
0x2b: {  	s6 =	sld [smem:$0x3FA7]  }
0x2c: {  	s7 =	sld [smem:$0x3FA8]  }
0x2d: {  	s3 =	simm.s32 $0x108;
	s8 =	sld [smem:$0x3FA9]  }
0x2e: {  	s3 =	simm.s32 @!p0 $0x1082;
	s9 =	sld [smem:$0x3FAA]  }
0x2f: {  	lr =	sadd.s32 s0, s3;
	s0 =	sld [smem:$0x3FA1]  }
0x30: {  	s3 =	sld [smem:$0x3FA4]  }
0x31: {  	[smem:$0x3FAD] =	sst s10  }
0x32: {  	s10 =	sld [smem:$0x3FAB];
	_ =	sdelay $0x3  }
0x33: {  	p0 =	seq.s32 s10, $0x1;
	s10 =	sld [smem:$0x3FAD];
	_ =	sdelay $0x3  }
0x34: {  	[smem:$0x3FAD] =	sst s10  }
0x35: {  	s10 =	sld [smem:$0x3FAC];
	_ =	sdelay $0x3  }
0x36: {  	p1 =	seq.s32 s10, $0x1;
	s10 =	sld [smem:$0x3FAD];
	_ =	sdelay $0x3  }
0x37: {  	[smem:$0x3FAD] =	sst s10  }
0x38: {  	s10 =	sld [smem:$0x3FAE]  }
0x39: {  	_ = 	snop;
	(pc) =	sbr.ind lr, $3  }
0x3a: {  	_ = 	snop  }
0x3b: {  	_ = 	snop  }
0x3c: {  	p2 =	seq.s32 s10, $0x1;
	s10 =	sld [smem:$0x3FAD]  }
0x3d: {  	_ =	shalt  }
0x3e: {  	_ =	shalt  }
0x3f: {  	_ =	shalt  }
0x40: {  	_ =	shalt  }
0x41: {  	_ =	shalt  }
0x42: {  	_ =	shalt  }
0x43: {  	_ =	shalt  }
0x44: {  	_ =	shalt  }
0x45: {  	_ =	shalt  }
0x46: {  	_ =	shalt  }
0x47: {  	_ =	shalt  }
0x48: {  	_ =	shalt  }
0x49: {  	_ =	shalt  }
0x4a: {  	_ =	shalt  }
0x4b: {  	_ =	shalt  }
0x4c: {  	_ =	shalt  }
0x4d: {  	_ =	shalt  }
0x4e: {  	_ =	shalt  }
0x4f: {  	_ =	shalt  }
0x50: {  	_ =	shalt  }
0x51: {  	_ =	shalt  }
0x52: {  	_ =	shalt  }
0x53: {  	_ =	shalt  }
0x54: {  	_ =	shalt  }
0x55: {  	_ =	shalt  }
0x56: {  	_ =	shalt  }
0x57: {  	_ =	shalt  }
0x58: {  	_ =	shalt  }
0x59: {  	_ =	shalt  }
0x5a: {  	_ =	shalt  }
0x5b: {  	_ =	shalt  }
0x5c: {  	_ =	shalt  }
0x5d: {  	_ =	shalt  }
0x5e: {  	_ =	shalt  }
0x5f: {  	_ =	shalt  }
0x60: {  	_ =	shalt  }
0x61: {  	_ =	shalt  }
0x62: {  	_ =	shalt  }
0x63: {  	_ =	shalt  }
0x64: {  	_ =	shalt  }
0x65: {  	_ =	shalt  }
0x66: {  	_ =	shalt  }
0x67: {  	_ =	shalt  }
0x68: {  	_ =	shalt  }
0x69: {  	_ =	shalt  }
0x6a: {  	_ =	shalt  }
0x6b: {  	_ =	shalt  }
0x6c: {  	_ =	shalt  }
0x6d: {  	_ =	shalt  }
0x6e: {  	_ =	shalt  }
0x6f: {  	_ =	shalt  }
0x70: {  	_ =	shalt  }
0x71: {  	_ =	shalt  }
0x72: {  	_ =	shalt  }
0x73: {  	_ =	shalt  }
0x74: {  	_ =	shalt  }
0x75: {  	_ =	shalt  }
0x76: {  	_ =	shalt  }
0x77: {  	_ =	shalt  }
0x78: {  	_ =	shalt  }
0x79: {  	_ =	shalt  }
0x7a: {  	_ =	shalt  }
0x7b: {  	_ =	shalt  }
0x7c: {  	_ =	shalt  }
0x7d: {  	_ =	shalt  }
0x7e: {  	_ =	shalt  }
0x7f: {  	_ =	shalt  }
0x80: {  	_ =	shalt  }
0x81: {  	_ =	shalt  }
0x82: {  	_ =	shalt  }
0x83: {  	_ =	shalt  }
0x84: {  	_ =	shalt  }
0x85: {  	_ =	shalt  }
0x86: {  	_ =	shalt  }
0x87: {  	_ =	shalt  }
.Lfunc_end0:
.L_simem_size_0:
called_computation.1_lowered:
.L_overlay_start_0:
0x88: {  	s2 =	sld [smem:$0x3FD9]  }
0x89: {  	s3 =	sld [smem:$0x3FFE];
	_ =	sdelay $0x1  }
0x8a: {  	s1 =	srdreg.scid  }
0x8b: {  	s0 =	sand.u32 $0x1, s1  }
0x8c: {  	s15 =	sshll.u32 s0, $0xA;
	s2 =	sadd.s32 s3, s2  }
0x8d: {  	s2 =	sadd.s32 s2, s15  }
0x8e: {  	[smem:$0x3FB9] =	sst s2  }
0x8f: {  	_ = 	snop  }
0x90: {  	s2 =	sld [smem:$0x3FD0];
	_ =	sdelay $0x2  }
0x91: {  	s4 =	simm.s32 $0xB;
	s16 =	simm.s32 $0x10  }
0x92: {  	[smem:s16], [sflag:s4] =	dma.local [hbm:s2], $0x1  }
0x93: {  	_ =	swait.eq [sflag:s4], $0x1  }
0x94: {  	[sflag:s4] =	ssyncset.done $0x0  }
0x95: {  	s17 =	sld [smem:$0x10];
	[sflag:s4] =	ssyncadd.s32 $0xFFFFFFFF  }
0x96: {  	s18 =	sld [smem:$0x11];
	(tm) =	ssettm $0x1  }
0x97: {  	s19 =	sld [smem:$0x3FFB];
	_ =	sdelay $0x3  }
0x98: {  	_ =	strace s19  }
0x99: {  	s2 =	sld [smem:$0x3FFC];
	_ =	sdelay $0x3  }
0x9a: {  	_ =	strace s2  }
0x9b: {  	s2 =	sld [smem:$0x3FFD];
	_ =	sdelay $0x3  }
0x9c: {  	_ =	strace s2  }
0x9d: {  	_ =	strace $0x8FFFFFFF  }
0x9e: {  	s20 =	sld [smem:$0x3FDB];
	_ =	sdelay $0x1  }
0x9f: {  	s5 =	simm.s32 $_scs_section_size  }
0xa0: {  	s6 =	simm.s32 $_size__tile_overlayer_lowered;
	s7 =	simm.s32 $_tile_overlayer_lowered  }
0xa1: {  	s8 =	simm.s32 $0x1BFF;
	s21 =	sshll.u32 s7, $0x1;
	s5 =	sadd.s32 s5, s20  }
0xa2: {  	s22 =	simm.s32 $0x0;
	s6 =	sshll.u32 s6, $0x1;
	s7 =	sadd.s32 s21, s5  }
0xa3: {  	[timem:s22], [sflag:s8] =	dma.local [hbm:s7], s6  }
0xa4: {  	_ =	swait.ge [sflag:s8], s6  }
0xa5: {  	s6 =	ssub.s32 $0x0, s6;
	[sflag:s8] =	ssyncset.done $0x0  }
0xa6: {  	[sflag:s8] =	ssyncadd.s32 s6;
	_ =	sdelay $0x1  }
0xa7: {  	s23 =	simm.s32 $0x1B8B  }
0xa8: {  	_ =	swait.ge [sflag:s23], $0x1  }
0xa9: {  	[sflag:s23] =	ssyncset.done $0x0  }
0xaa: {  	[sflag:s23] =	ssyncadd.s32 $0xFFFFFFFF  }
0xab: {  	s6 =	sld [smem:$0x0]  }
0xac: {  	s7 =	sand.u32 $0xFFFFFFFE, s1  }
0xad: {  	p0 =	sne.s32 s1, s7  }
0xae: {  	s7 =	sshll.u32 @p0 s7, $0xE  }
0xaf: {  	s7 =	sadd.s32 @p0 $0x11B8D, s7;
	s8 =	sshll.u32 @p0 s6, $0x11  }
0xb0: {  	s7 =	sor.u32 @p0 s8, s7  }
0xb1: {  	[sflag:s7] =	ssyncadd.remote.s32 @p0 $0x1;
	_ =	sdelay $0x1  }
0xb2: {  	s7 =	simm.s32 @p0 $0x1B8D  }
0xb3: {  	_ =	swait.eq @p0 [sflag:s7], $0x1  }
0xb4: {  	[sflag:s7] =	ssyncadd.s32 @p0 $0xFFFFFFFF  }
0xb5: {  	s8 =	sshll.u32 @!p0 s1, $0xE  }
0xb6: {  	s8 =	sor.u32 @!p0 $0x4000, s8;
	s7 =	simm.s32 @!p0 $0x1B8D  }
0xb7: {  	s6 =	sshll.u32 @!p0 s6, $0x11;
	s8 =	sadd.s32 @!p0 $0x11B8D, s8;
	_ =	swait.eq @!p0 [sflag:s7], $0x1  }
0xb8: {  	s6 =	sor.u32 @!p0 s6, s8;
	[sflag:s7] =	ssyncadd.s32 @!p0 $0xFFFFFFFF  }
0xb9: {  	s25 =	simm.s32 $0x1B8E;
	s24 =	sld [smem:$0x3FFE];
	[sflag:s6] =	ssyncadd.remote.s32 @!p0 $0x1  }
0xba: {  	s26 =	simm.s32 $execute0_lowered;
	[smem:$0x3FD2] =	sst s25  }
0xbb: {  	s7 =	sshll.u32 s26, $0x1;
	_ =	strace $0x80000049;
	[dreg:$0x1] =	wrdreg $0xFFFFFFFF  }
0xbc: {  	s28 =	simm.s32 $_size_execute0_lowered;
	s5 =	sadd.s32 s5, s7;
	[dreg:$0x0] =	wrdreg $0x0  }
0xbd: {  	s7 =	sshll.u32 s28, $0x1;
	[dreg:$0x2] =	wrdreg s5  }
0xbe: {  	[dreg:$0x3] =	wrdreg s7  }
0xbf: {  	[dreg:$0x4] =	wrdreg $0xC0  }
0xc0: {  	_ =	task [dreg:s22], $0x5FFFF  }
0xc1: {  	[dreg:$0x1] =	wrdreg $0xFFFFFFFF  }
0xc2: {  	[dreg:$0x0] =	wrdreg $0x60  }
0xc3: {  	[dreg:$0x2] =	wrdreg s17  }
0xc4: {  	[dreg:$0x3] =	wrdreg s18  }
0xc5: {  	[dreg:$0x4] =	wrdreg s24  }
0xc6: {  	[dreg:$0x5] =	wrdreg $0x9  }
0xc7: {  	_ =	task.clear_ibuf [dreg:s22], $0x6FFFF;
	_ =	strace $0x90000049  }
0xc8: {  	s29 =	simm.s32 $0x9;
	_ =	strace $0x8000004B  }
0xc9: {  	_ =	swait.ge [sflag:s29], $0x1  }
0xca: {  	[sflag:s29] =	ssyncadd.s32 $0xFFFFFFFF  }
0xcb: {  	_ =	strace $0x9000004B  }
0xcc: {  	_ =	sfence  }
0xcd: {  	s30 =	sld [smem:$0x0];
	_ =	sdelay $0x2  }
0xce: {  	s31 =	sshll.u32 s1, $0xD;
	s1 =	sshrl.u32 s1, $0x2  }
0xcf: {  	s4 =	sand.u32 $0x4000, s31;
	s1 =	sadd.s32 s1, s30  }
0xd0: {  	s0 =	sor.u32 s4, s0;
	s1 =	sshll.u32 s1, $0x11  }
0xd1: {  	s0 =	sor.u32 s1, s0  }
0xd2: {  	s0 =	sadd.s32 $0x8F2B, s0  }
0xd3: {  	[sflag:s0] =	ssyncadd.remote.s32 $0x1  }
0xd4: {  	_ =	sfence.sel $0xFFFF  }
0xd5: {  	[dreg:$0x0] =	wrdreg $0xFFFFFFFF;
	(pc) =	sbr.abs _section_cstart, $3  }
0xd6: {  	[dreg:$0x1] =	wrdreg $0xFFFFFFFF  }
0xd7: {  	_ =	task.clear_ibuf [dreg:s22], $0x2FFFF;
	_ =	strace $0x9FFFFFFF  }
0xd8: {  	(tm) =	ssettm $0x7FFFFFFF  }
0xd9: {  	_ =	shalt  }
tec
execute0_lowered:
.L_overlay_start_1:
0x0: {  	(tag) =	ssettag $0x1  }
0x1: {  	s0 =	rddreg [dreg:$0x0]  }
0x2: {  	s1 =	srdreg.scid;
	s4 =	rddreg [dreg:$0x1]  }
0x3: {  	s19 =	stileid.u32;
	s3 =	rddreg [dreg:$0x2];
	s2 =	simm.s32 $0x0  }
0x4: {  	s12 =	simm.s32 $0x9380;
	s13 =	simm.s32 $0x1;
	s14 =	simm.s32 $0x2  }
0x5: {  	s15 =	simm.s32 $0x3;
	s16 =	simm.s32 $0x4;
	s17 =	simm.s32 $0x5  }
0x6: {  	s18 =	simm.s32 $0x6;
	s5 =	sand.u32 $0x1, s1;
	s1 =	rddreg [dreg:$0x3]  }
0x7: {  	s28 =	sshll.u32 s19, $0x1;
	[smem:$0x7FF] =	sst s2;
	s8 =	sadd.s32 $0x27F800, s3  }
0x8: {  	s30 =	smul.u32 $0x27000, s19;
	p0 =	sne.s32 s19, $0x0;
	s19 =	simm.s32 $0x0  }
0x9: {  	s6 =	sor.u32 s5, s28;
	_ =	strace $0x8000004A;
	s7 =	ssub.s32 $0x2, s5  }
0xa: {  	s9 =	sshll.u32 s5, $0x4;
	s10 =	sshll.u32 s5, $0xB;
	s6 =	smul.u32 $0x1380, s6  }
0xb: {  	s11 =	smul.u32 $0x13800, s5;
	s29 =	sshrl.u32 s7, $0x1;
	s31 =	sadd.s32 s10, s8  }
0xc: {  	s10 =	simm.s32 $0x1380;
	s7 =	ssub.s32 s7, s29;
	s6 =	sshrl.u32 s6, $0x3  }
0xd: {  	s5 =	sadd.s32 $0x270000, s31;
	s6 =	sadd.s32 s4, s6;
	s4 =	sadd.s32 s9, s4  }
0xe: {  	s9 =	simm.s32 $0x80;
	s3 =	sadd.s32 $0x4E20, s6;
	s6 =	sadd.s32 s30, s8  }
0xf: {  	s4 =	sadd.s32 $0x9C20, s4;
	s8 =	sadd.s32 s11, s6;
	s6 =	smax.u32 s7, $0x1  }
0x10: {  	s11 =	simm.s32 $0x5380;
	s7 =	sadd.s32 $0x1000, s8;
	s8 =	simm.s32 $0x7  }
.LBB2_1:
0x11: {  	[tilespmem:s2], [sflag:$0x7] =	stream.linear.gather [hbm4b:s3+s2], $0x1380, $0x38;
	[tilespmem:$0xD380] =	vst v63  }
0x12: {  	_ =	swait.ge [sflag:s8], $0x1380  }
0x13: {  	[sflag:s8] =	ssyncset.done $0x0  }
0x14: {  	s20 =	simm.s32 $0x0;
	[sflag:s8] =	ssyncadd.s32 $0xFFFFEC80  }
0x15: {  	[tilespmem:s10], [sflag:$0x1] =	stream.indirect.gather [hbm4b:s0+s9], $0x80, s20, s9, $0xb8;
	[tilespmem:$0xD380] =	vst v63  }
0x16: {  	s28 =	simm.s32 $0x80  }
0x17: {  	[tilespmem:s11], [sflag:$0x2] =	stream.indirect.gather [hbm4b:s0+s9], $0x80, s28, s9, $0xb8;
	[tilespmem:$0xD380] =	vst v63  }
0x18: {  	s29 =	simm.s32 $0x100  }
0x19: {  	[tilespmem:s12], [sflag:$0x3] =	stream.indirect.gather [hbm4b:s0+s9], $0x80, s29, s9, $0xb8;
	[tilespmem:$0xD380] =	vst v63  }
0x1a: {  	_ =	swait.ge [sflag:s13], $0x4000  }
0x1b: {  	[sflag:s13] =	ssyncset.done $0x0  }
0x1c: {  	s30 =	sadd.s32 $0xFFFFF000, s7;
	[sflag:s13] =	ssyncadd.s32 $0xFFFFC000  }
0x1d: {  	[hbm4b:s30+s2] =	stream.linear.scatter [tilespmem:s10], [sflag:$0x4], $0x4000, $0x38;
	[tilespmem:$0xD380] =	vst v63  }
0x1e: {  	_ =	swait.ge [sflag:s14], $0x4000  }
0x1f: {  	[sflag:s14] =	ssyncset.done $0x0  }
0x20: {  	s31 =	sadd.s32 $0xFFFFF800, s7;
	[sflag:s14] =	ssyncadd.s32 $0xFFFFC000  }
0x21: {  	[hbm4b:s31+s2] =	stream.linear.scatter [tilespmem:s11], [sflag:$0x5], $0x4000, $0x38;
	[tilespmem:$0xD380] =	vst v63  }
0x22: {  	_ =	swait.ge [sflag:s15], $0x4000  }
0x23: {  	[sflag:s15] =	ssyncset.done $0x0  }
0x24: {  	[sflag:s15] =	ssyncadd.s32 $0xFFFFC000  }
0x25: {  	[hbm4b:s7+s2] =	stream.linear.scatter [tilespmem:s12], [sflag:$0x6], $0x4000, $0x38;
	[tilespmem:$0xD380] =	vst v63  }
0x26: {  	_ =	swait.ge [sflag:s16], $0x4000  }
0x27: {  	[sflag:s16] =	ssyncset.done $0x0  }
0x28: {  	[sflag:s16] =	ssyncadd.s32 $0xFFFFC000  }
0x29: {  	_ =	swait.ge [sflag:s17], $0x4000  }
0x2a: {  	[sflag:s17] =	ssyncset.done $0x0  }
0x2b: {  	[sflag:s17] =	ssyncadd.s32 $0xFFFFC000  }
0x2c: {  	s21 =	simm.s32 $0x600;
	_ =	swait.ge [sflag:s18], $0x4000  }
0x2d: {  	s22 =	simm.s32 $0xC00;
	s20 =	sadd.s32 $0x1800, s7;
	[sflag:s18] =	ssyncset.done $0x0  }
.LBB2_2:
0x2e: {  	s23 =	sshra.s32 s21, $0x2  }
0x2f: {  	[sflag:s18] =	ssyncadd.s32 $0xFFFFC000;
	s21 =	smov.u32 s22;
	s24 =	sadd.s32 $0x600, s22  }
0x30: {  	[tilespmem:s10], [sflag:$0x1] =	stream.indirect.gather [hbm4b:s0+s9], $0x80, s23, s9, $0xb8;
	[tilespmem:$0xD380] =	vst v63  }
0x31: {  	p1 =	sne.s32 s22, $0x4800;
	s22 =	sadd.s32 $0x80, s23  }
0x32: {  	[tilespmem:s11], [sflag:$0x2] =	stream.indirect.gather [hbm4b:s0+s9], $0x80, s22, s9, $0xb8;
	[tilespmem:$0xD380] =	vst v63  }
0x33: {  	s22 =	sadd.s32 $0x100, s23  }
0x34: {  	[tilespmem:s12], [sflag:$0x3] =	stream.indirect.gather [hbm4b:s0+s9], $0x80, s22, s9, $0xb8;
	[tilespmem:$0xD380] =	vst v63  }
0x35: {  	_ =	swait.ge [sflag:s13], $0x4000  }
0x36: {  	[sflag:s13] =	ssyncset.done $0x0  }
0x37: {  	s22 =	sadd.s32 $0xFFFFF000, s20;
	[sflag:s13] =	ssyncadd.s32 $0xFFFFC000  }
0x38: {  	[hbm4b:s22+s2] =	stream.linear.scatter [tilespmem:s10], [sflag:$0x4], $0x4000, $0x38;
	[tilespmem:$0xD380] =	vst v63  }
0x39: {  	_ =	swait.ge [sflag:s14], $0x4000  }
0x3a: {  	[sflag:s14] =	ssyncset.done $0x0  }
0x3b: {  	s22 =	sadd.s32 $0xFFFFF800, s20;
	[sflag:s14] =	ssyncadd.s32 $0xFFFFC000  }
0x3c: {  	[hbm4b:s22+s2] =	stream.linear.scatter [tilespmem:s11], [sflag:$0x5], $0x4000, $0x38;
	[tilespmem:$0xD380] =	vst v63  }
0x3d: {  	_ =	swait.ge [sflag:s15], $0x4000  }
0x3e: {  	[sflag:s15] =	ssyncset.done $0x0  }
0x3f: {  	[sflag:s15] =	ssyncadd.s32 $0xFFFFC000  }
0x40: {  	[hbm4b:s20+s2] =	stream.linear.scatter [tilespmem:s12], [sflag:$0x6], $0x4000, $0x38;
	[tilespmem:$0xD380] =	vst v63  }
0x41: {  	_ =	swait.ge [sflag:s16], $0x4000  }
0x42: {  	[sflag:s16] =	ssyncset.done $0x0  }
0x43: {  	[sflag:s16] =	ssyncadd.s32 $0xFFFFC000  }
.Ltmp0:
0x44: {  	_ =	swait.ge [sflag:s17], $0x4000;
	(pc) =	sbr.rel @p1 .LBB2_2-.Ltmp0, $4  }
0x45: {  	[sflag:s17] =	ssyncset.done $0x0  }
0x46: {  	[sflag:s17] =	ssyncadd.s32 $0xFFFFC000  }
0x47: {  	_ =	swait.ge [sflag:s18], $0x4000  }
0x48: {  	s22 =	smov.u32 s24;
	s20 =	sadd.s32 $0x1800, s20;
	[sflag:s18] =	ssyncset.done $0x0  }
0x49: {  	s21 =	sshra.s32 s21, $0x2;
	[sflag:s18] =	ssyncadd.s32 $0xFFFFC000  }
0x4a: {  	[tilespmem:s10], [sflag:$0x1] =	stream.indirect.gather [hbm4b:s0+s9], $0x80, s21, s9, $0xb8;
	[tilespmem:$0xD380] =	vst v63  }
0x4b: {  	s22 =	sadd.s32 $0x80, s21  }
0x4c: {  	[tilespmem:s11], [sflag:$0x2] =	stream.indirect.gather [hbm4b:s0+s9], $0x80, s22, s9, $0xb8;
	[tilespmem:$0xD380] =	vst v63  }
0x4d: {  	s21 =	sadd.s32 $0x100, s21  }
0x4e: {  	[tilespmem:s12], [sflag:$0x3] =	stream.indirect.gather [hbm4b:s0+s9], $0x80, s21, s9, $0xb8;
	[tilespmem:$0xD380] =	vst v63  }
0x4f: {  	_ =	swait.ge [sflag:s13], $0x4000  }
0x50: {  	[sflag:s13] =	ssyncset.done $0x0  }
0x51: {  	s30 =	sadd.s32 $0xFFFFF000, s20;
	[sflag:s13] =	ssyncadd.s32 $0xFFFFC000  }
0x52: {  	[hbm4b:s30+s2] =	stream.linear.scatter [tilespmem:s10], [sflag:$0x4], $0x4000, $0x38;
	[tilespmem:$0xD380] =	vst v63  }
0x53: {  	_ =	swait.ge [sflag:s14], $0x4000  }
0x54: {  	[sflag:s14] =	ssyncset.done $0x0  }
0x55: {  	s31 =	sadd.s32 $0xFFFFF800, s20;
	[sflag:s14] =	ssyncadd.s32 $0xFFFFC000  }
0x56: {  	[hbm4b:s31+s2] =	stream.linear.scatter [tilespmem:s11], [sflag:$0x5], $0x4000, $0x38;
	[tilespmem:$0xD380] =	vst v63  }
0x57: {  	_ =	swait.ge [sflag:s15], $0x4000  }
0x58: {  	[sflag:s15] =	ssyncset.done $0x0  }
0x59: {  	[sflag:s15] =	ssyncadd.s32 $0xFFFFC000  }
0x5a: {  	[hbm4b:s20+s2] =	stream.linear.scatter [tilespmem:s12], [sflag:$0x6], $0x4000, $0x38;
	[tilespmem:$0xD380] =	vst v63  }
0x5b: {  	_ =	swait.ge [sflag:s16], $0x4000  }
0x5c: {  	[sflag:s16] =	ssyncset.done $0x0  }
0x5d: {  	[sflag:s16] =	ssyncadd.s32 $0xFFFFC000  }
0x5e: {  	_ =	swait.ge [sflag:s17], $0x4000  }
0x5f: {  	[sflag:s17] =	ssyncset.done $0x0  }
0x60: {  	[sflag:s17] =	ssyncadd.s32 $0xFFFFC000  }
0x61: {  	_ =	swait.ge [sflag:s18], $0x4000  }
0x62: {  	[sflag:s18] =	ssyncset.done $0x0  }
0x63: {  	s21 =	simm.s32 @!p0 $0x7;
	s20 =	simm.s32 @!p0 $0x0;
	[sflag:s18] =	ssyncadd.s32 $0xFFFFC000  }
0x64: {  	[tilespmem:s20], [sflag:$0x7] =	stream.linear.gather @!p0 [hbm4b:s4+s20], $0x80, $0x38;
	[tilespmem:$0xD380] =	vst v63  }
0x65: {  	_ =	swait.ge @!p0 [sflag:s21], $0x80  }
0x66: {  	[sflag:s21] =	ssyncset.done @!p0 $0x0  }
0x67: {  	s23 =	simm.s32 @!p0 $0x1380;
	s22 =	simm.s32 @!p0 $0x80;
	[sflag:s21] =	ssyncadd.s32 @!p0 $0xFFFFFF80  }
0x68: {  	[tilespmem:s23], [sflag:$0x1] =	stream.indirect.gather @!p0 [hbm4b:s0+s22], $0x80, s20, s22, $0xb8;
	[tilespmem:$0xD380] =	vst v63  }
0x69: {  	s22 =	simm.s32 @!p0 $0x1  }
0x6a: {  	s19 =	sadd.s32 $0x1, s19;
	_ =	swait.ge @!p0 [sflag:s22], $0x4000  }
0x6b: {  	p1 =	sne.s32 s19, s6;
	[sflag:s22] =	ssyncset.done @!p0 $0x0  }
.Ltmp1:
0x6c: {  	[sflag:s22] =	ssyncadd.s32 @!p0 $0xFFFFC000;
	(pc) =	sbr.rel @p1 .LBB2_1-.Ltmp1, $4  }
0x6d: {  	[hbm4b:s5+s20] =	stream.linear.scatter @!p0 [tilespmem:s23], [sflag:$0x7], $0x4000, $0x38;
	[tilespmem:$0xD380] =	vst v63  }
0x6e: {  	_ =	swait.ge @!p0 [sflag:s21], $0x4000  }
0x6f: {  	[sflag:s21] =	ssyncset.done @!p0 $0x0  }
0x70: {  	[sflag:s21] =	ssyncadd.s32 @!p0 $0xFFFFC000  }
0x71: {  	_ =	sfence.sel $0x180000  }
0x72: {  	[bflag:$0x0] =	sbarrier.arrive $0xFFFF  }
0x73: {  	_ =	strace $0x9000004A  }
0x74: {  	s0 =	sadd.s32 @!p0 $0x100000, s1;
	[bflag:$0x2] =	sbarrier.arrive $0xFFFF  }
0x75: {  	[sflag:s0] =	ssyncadd.tile.s32 @!p0 $0x1;
	_ =	shalt  }
.Lfunc_end2:
_tile_overlayer_lowered:
.L_overlay_start_2:
0x76: {  	(tag) =	ssettag $0x2  }
0x77: {  	s0 =	rddreg [dreg:$0x0];
	s2 =	stileid.u32  }
0x78: {  	s1 =	rddreg [dreg:$0x1];
	p0 =	sne.s32 s2, $0x0  }
0x79: {  	s3 =	rddreg [dreg:$0x2];
	[bflag:$0x3] =	sbarrier.arrive $0xFFFF;
	s2 =	simm.s32 @!p0 $0x1C07  }
0x7a: {  	[timem:s3], [sflag:s2] =	dma.local @!p0 [hbm:s0], s1  }
0x7b: {  	s0 =	simm.s32 @!p0 $0x7  }
0x7c: {  	_ =	swait.ge @!p0 [sflag:s0], s1  }
0x7d: {  	s1 =	ssub.s32 @!p0 $0x0, s1;
	[sflag:s0] =	ssyncset.done @!p0 $0x0  }
0x7e: {  	[sflag:s0] =	ssyncadd.s32 @!p0 s1  }
0x7f: {  	[bflag:$0x3] =	sbarrier.arrive $0xFFFF  }
0x80: {  	_ =	shalt  }

// kernel: kernel.16.cloned.1.call-start
scs
__scs_entry_jumppad:
0x0: {  	(pc) =	sbr.rel $0x88, $3  }
0x1: {  	(tag) =	ssettag $0x0;
	lr =	simm.s32 $0x1  }
0x2: {  	[smem:$0x3F92] =	sst lr;
	_ =	strace $0xD0000000  }
0x3: {  	_ = 	snop  }
0x4: {  	_ = 	snop  }
0x5: {  	_ = 	snop  }
0x6: {  	_ = 	snop  }
0x7: {  	_ = 	snop  }
__scs_overlays_trampoline_lowered:
0x8: {  	[smem:$0x3FA1] =	sst s0  }
0x9: {  	[smem:$0x3FA2] =	sst s1  }
0xa: {  	[smem:$0x3FA3] =	sst s2  }
0xb: {  	[smem:$0x3FA4] =	sst s3  }
0xc: {  	[smem:$0x3FA5] =	sst s4  }
0xd: {  	[smem:$0x3FA6] =	sst s5  }
0xe: {  	[smem:$0x3FA7] =	sst s6  }
0xf: {  	[smem:$0x3FA8] =	sst s7  }
0x10: {  	[smem:$0x3FA9] =	sst s8  }
0x11: {  	[smem:$0x3FAA] =	sst s9;
	s0 =	simm.s32 @!p0 $0x0  }
0x12: {  	s1 =	sld [smem:$0x3F90];
	s0 =	simm.s32 @p0 $0x1  }
0x13: {  	[smem:$0x3FAB] =	sst s0;
	s0 =	simm.s32 @!p1 $0x0  }
0x14: {  	s2 =	sld [smem:$0x3F8F];
	s0 =	simm.s32 @p1 $0x1  }
0x15: {  	[smem:$0x3FAC] =	sst s0;
	s0 =	simm.s32 @!p2 $0x0  }
0x16: {  	s3 =	sld [smem:$0x3FDB];
	s0 =	simm.s32 @p2 $0x1  }
0x17: {  	s4 =	simm.s32 $0x1BF5;
	[smem:$0x3FAE] =	sst s0  }
0x18: {  	s0 =	sld [smem:$0x3F91];
	_ =	swait.ge [sflag:s4], $0x0  }
0x19: {  	s7 =	sld [smem:$0x3F92]  }
0x1a: {  	s8 =	sadd.s32 $0xFFFFE003, lr  }
0x1b: {  	s9 =	sadd.s32 $0xFFFFFEF7, lr;
	s5 =	simm.s32 $0xFFFFFFFF;
	p2 =	slt.u32 s8, $0xFFFFF086  }
0x1c: {  	p1 =	slt.u32 s9, $0xF7A;
	s5 =	simm.s32 @!p2 $0x0  }
0x1d: {  	s5 =	simm.s32 @p1 $0x1;
	p0 =	seq.s32 s7, s2  }
0x1e: {  	s7 =	smul.u32 @!p0 $0xF7A, s2;
	p2 =	seq.s32 @!p0 s5, $0x0  }
0x1f: {  	s9 =	smul.u32 $0xF7A, s1;
	s8 =	simm.s32 @!p0 $0x1BF5;
	p2 =	por !p2, p0  }
0x20: {  	[sflag:s8] =	ssyncset.s32 @!p0 $0xFFFFF086;
	s6 =	sadd.s32 @!p0 s3, s7;
	s7 =	simm.s32 @!p0 $0x108  }
0x21: {  	s3 =	sadd.s32 s3, s9;
	s6 =	sadd.s32 @!p0 $0x88, s6;
	s7 =	simm.s32 @p2 $0x1082  }
0x22: {  	[simem:s7], [sflag:s8] =	dma.local @!p0 [hbm:s6], $0xF7A  }
0x23: {  	s9 =	sor.u32 $0xD0000000, s2;
	s6 =	simm.s32 $0x108;
	_ =	swait.ge @!p0 [sflag:s8], $0x0  }
0x24: {  	s3 =	sadd.s32 $0x88, s3;
	s6 =	simm.s32 @!p1 $0x1082;
	[sflag:s4] =	ssyncset.s32 $0xFFFFF086  }
0x25: {  	[simem:s6], [sflag:s4] =	dma.local [hbm:s3], $0xF7A  }
0x26: {  	[smem:$0x3F92] =	sst s1;
	(tag) =	ssettag s2;
	_ =	strace s9  }
0x27: {  	s1 =	sld [smem:$0x3FA2]  }
0x28: {  	s2 =	sld [smem:$0x3FA3]  }
0x29: {  	s4 =	sld [smem:$0x3FA5]  }
0x2a: {  	p0 =	seq.s32 s5, $0x0;
	s5 =	sld [smem:$0x3FA6]  }
0x2b: {  	s6 =	sld [smem:$0x3FA7]  }
0x2c: {  	s7 =	sld [smem:$0x3FA8]  }
0x2d: {  	s3 =	simm.s32 $0x108;
	s8 =	sld [smem:$0x3FA9]  }
0x2e: {  	s3 =	simm.s32 @!p0 $0x1082;
	s9 =	sld [smem:$0x3FAA]  }
0x2f: {  	lr =	sadd.s32 s0, s3;
	s0 =	sld [smem:$0x3FA1]  }
0x30: {  	s3 =	sld [smem:$0x3FA4]  }
0x31: {  	[smem:$0x3FAD] =	sst s10  }
0x32: {  	s10 =	sld [smem:$0x3FAB];
	_ =	sdelay $0x3  }
0x33: {  	p0 =	seq.s32 s10, $0x1;
	s10 =	sld [smem:$0x3FAD];
	_ =	sdelay $0x3  }
0x34: {  	[smem:$0x3FAD] =	sst s10  }
0x35: {  	s10 =	sld [smem:$0x3FAC];
	_ =	sdelay $0x3  }
0x36: {  	p1 =	seq.s32 s10, $0x1;
	s10 =	sld [smem:$0x3FAD];
	_ =	sdelay $0x3  }
0x37: {  	[smem:$0x3FAD] =	sst s10  }
0x38: {  	s10 =	sld [smem:$0x3FAE]  }
0x39: {  	_ = 	snop;
	(pc) =	sbr.ind lr, $3  }
0x3a: {  	_ = 	snop  }
0x3b: {  	_ = 	snop  }
0x3c: {  	p2 =	seq.s32 s10, $0x1;
	s10 =	sld [smem:$0x3FAD]  }
0x3d: {  	_ =	shalt  }
0x3e: {  	_ =	shalt  }
0x3f: {  	_ =	shalt  }
0x40: {  	_ =	shalt  }
0x41: {  	_ =	shalt  }
0x42: {  	_ =	shalt  }
0x43: {  	_ =	shalt  }
0x44: {  	_ =	shalt  }
0x45: {  	_ =	shalt  }
0x46: {  	_ =	shalt  }
0x47: {  	_ =	shalt  }
0x48: {  	_ =	shalt  }
0x49: {  	_ =	shalt  }
0x4a: {  	_ =	shalt  }
0x4b: {  	_ =	shalt  }
0x4c: {  	_ =	shalt  }
0x4d: {  	_ =	shalt  }
0x4e: {  	_ =	shalt  }
0x4f: {  	_ =	shalt  }
0x50: {  	_ =	shalt  }
0x51: {  	_ =	shalt  }
0x52: {  	_ =	shalt  }
0x53: {  	_ =	shalt  }
0x54: {  	_ =	shalt  }
0x55: {  	_ =	shalt  }
0x56: {  	_ =	shalt  }
0x57: {  	_ =	shalt  }
0x58: {  	_ =	shalt  }
0x59: {  	_ =	shalt  }
0x5a: {  	_ =	shalt  }
0x5b: {  	_ =	shalt  }
0x5c: {  	_ =	shalt  }
0x5d: {  	_ =	shalt  }
0x5e: {  	_ =	shalt  }
0x5f: {  	_ =	shalt  }
0x60: {  	_ =	shalt  }
0x61: {  	_ =	shalt  }
0x62: {  	_ =	shalt  }
0x63: {  	_ =	shalt  }
0x64: {  	_ =	shalt  }
0x65: {  	_ =	shalt  }
0x66: {  	_ =	shalt  }
0x67: {  	_ =	shalt  }
0x68: {  	_ =	shalt  }
0x69: {  	_ =	shalt  }
0x6a: {  	_ =	shalt  }
0x6b: {  	_ =	shalt  }
0x6c: {  	_ =	shalt  }
0x6d: {  	_ =	shalt  }
0x6e: {  	_ =	shalt  }
0x6f: {  	_ =	shalt  }
0x70: {  	_ =	shalt  }
0x71: {  	_ =	shalt  }
0x72: {  	_ =	shalt  }
0x73: {  	_ =	shalt  }
0x74: {  	_ =	shalt  }
0x75: {  	_ =	shalt  }
0x76: {  	_ =	shalt  }
0x77: {  	_ =	shalt  }
0x78: {  	_ =	shalt  }
0x79: {  	_ =	shalt  }
0x7a: {  	_ =	shalt  }
0x7b: {  	_ =	shalt  }
0x7c: {  	_ =	shalt  }
0x7d: {  	_ =	shalt  }
0x7e: {  	_ =	shalt  }
0x7f: {  	_ =	shalt  }
0x80: {  	_ =	shalt  }
0x81: {  	_ =	shalt  }
0x82: {  	_ =	shalt  }
0x83: {  	_ =	shalt  }
0x84: {  	_ =	shalt  }
0x85: {  	_ =	shalt  }
0x86: {  	_ =	shalt  }
0x87: {  	_ =	shalt  }
.Lfunc_end0:
.L_simem_size_0:
called_computation.2_lowered:
.L_overlay_start_0:
0x88: {  	s2 =	sld [smem:$0x3FD9]  }
0x89: {  	s3 =	sld [smem:$0x3FFE];
	_ =	sdelay $0x1  }
0x8a: {  	s1 =	srdreg.scid  }
0x8b: {  	s0 =	sand.u32 $0x1, s1  }
0x8c: {  	s17 =	sshll.u32 s0, $0xA;
	s2 =	sadd.s32 s3, s2  }
0x8d: {  	s2 =	sadd.s32 s2, s17  }
0x8e: {  	[smem:$0x3FB9] =	sst s2  }
0x8f: {  	_ = 	snop  }
0x90: {  	(tm) =	ssettm $0x1  }
0x91: {  	s18 =	sld [smem:$0x3FFB];
	_ =	sdelay $0x3  }
0x92: {  	_ =	strace s18  }
0x93: {  	s2 =	sld [smem:$0x3FFC];
	_ =	sdelay $0x3  }
0x94: {  	_ =	strace s2  }
0x95: {  	s2 =	sld [smem:$0x3FFD];
	_ =	sdelay $0x3  }
0x96: {  	_ =	strace s2  }
0x97: {  	_ =	strace $0x8FFFFFFF  }
0x98: {  	s19 =	sld [smem:$0x3FDB];
	_ =	sdelay $0x1  }
0x99: {  	s20 =	simm.s32 $_scs_section_size  }
0x9a: {  	s4 =	simm.s32 $_size__tile_overlayer_lowered;
	s5 =	simm.s32 $_tile_overlayer_lowered  }
0x9b: {  	s6 =	simm.s32 $0x1BFF;
	s21 =	sshll.u32 s5, $0x1;
	s3 =	sadd.s32 s20, s19  }
0x9c: {  	s22 =	simm.s32 $0x0;
	s4 =	sshll.u32 s4, $0x1;
	s5 =	sadd.s32 s21, s3  }
0x9d: {  	[timem:s22], [sflag:s6] =	dma.local [hbm:s5], s4  }
0x9e: {  	_ =	swait.ge [sflag:s6], s4  }
0x9f: {  	s4 =	ssub.s32 $0x0, s4;
	[sflag:s6] =	ssyncset.done $0x0  }
0xa0: {  	[sflag:s6] =	ssyncadd.s32 s4;
	_ =	sdelay $0x1  }
0xa1: {  	s23 =	simm.s32 $0x1B8B  }
0xa2: {  	_ =	swait.ge [sflag:s23], $0x1  }
0xa3: {  	[sflag:s23] =	ssyncset.done $0x0  }
0xa4: {  	[sflag:s23] =	ssyncadd.s32 $0xFFFFFFFF  }
0xa5: {  	s4 =	sld [smem:$0x0]  }
0xa6: {  	s5 =	sand.u32 $0xFFFFFFFE, s1  }
0xa7: {  	p0 =	sne.s32 s1, s5  }
0xa8: {  	s5 =	sshll.u32 @p0 s5, $0xE  }
0xa9: {  	s5 =	sadd.s32 @p0 $0x11B8D, s5;
	s6 =	sshll.u32 @p0 s4, $0x11  }
0xaa: {  	s5 =	sor.u32 @p0 s6, s5  }
0xab: {  	[sflag:s5] =	ssyncadd.remote.s32 @p0 $0x1;
	_ =	sdelay $0x1  }
0xac: {  	s5 =	simm.s32 @p0 $0x1B8D  }
0xad: {  	_ =	swait.eq @p0 [sflag:s5], $0x1  }
0xae: {  	[sflag:s5] =	ssyncadd.s32 @p0 $0xFFFFFFFF  }
0xaf: {  	s6 =	sshll.u32 @!p0 s1, $0xE  }
0xb0: {  	s6 =	sor.u32 @!p0 $0x4000, s6;
	s5 =	simm.s32 @!p0 $0x1B8D  }
0xb1: {  	s4 =	sshll.u32 @!p0 s4, $0x11;
	s6 =	sadd.s32 @!p0 $0x11B8D, s6;
	_ =	swait.eq @!p0 [sflag:s5], $0x1  }
0xb2: {  	s4 =	sor.u32 @!p0 s4, s6;
	[sflag:s5] =	ssyncadd.s32 @!p0 $0xFFFFFFFF  }
0xb3: {  	s25 =	simm.s32 $0x1B8E;
	s24 =	sld [smem:$0x3FFE];
	[sflag:s4] =	ssyncadd.remote.s32 @!p0 $0x1  }
0xb4: {  	s26 =	simm.s32 $execute0_lowered;
	[smem:$0x3FD2] =	sst s25  }
0xb5: {  	s5 =	sshll.u32 s26, $0x1;
	_ =	strace $0x8000004C;
	[dreg:$0x1] =	wrdreg $0xFFFFFFFF  }
0xb6: {  	s28 =	simm.s32 $_size_execute0_lowered;
	s3 =	sadd.s32 s3, s5;
	[dreg:$0x0] =	wrdreg $0x0  }
0xb7: {  	s5 =	sshll.u32 s28, $0x1;
	[dreg:$0x2] =	wrdreg s3  }
0xb8: {  	[dreg:$0x3] =	wrdreg s5  }
0xb9: {  	[dreg:$0x4] =	wrdreg $0xC0  }
0xba: {  	_ =	task [dreg:s22], $0x5FFFF  }
0xbb: {  	[dreg:$0x1] =	wrdreg $0xFFFFFFFF  }
0xbc: {  	[dreg:$0x0] =	wrdreg $0x60  }
0xbd: {  	[dreg:$0x2] =	wrdreg s24  }
0xbe: {  	[dreg:$0x3] =	wrdreg $0xA9800  }
0xbf: {  	[dreg:$0x4] =	wrdreg $0xA  }
0xc0: {  	_ =	task.clear_ibuf [dreg:s22], $0x5FFFF;
	_ =	strace $0x9000004C  }
0xc1: {  	s29 =	simm.s32 $0xA;
	_ =	strace $0x8000004E  }
0xc2: {  	_ =	swait.ge [sflag:s29], $0x1  }
0xc3: {  	[sflag:s29] =	ssyncadd.s32 $0xFFFFFFFF  }
0xc4: {  	_ =	strace $0x9000004E  }
0xc5: {  	_ =	sfence  }
0xc6: {  	s30 =	sld [smem:$0x0];
	_ =	sdelay $0x2  }
0xc7: {  	s31 =	sshll.u32 s1, $0xD;
	s1 =	sshrl.u32 s1, $0x2  }
0xc8: {  	s4 =	sand.u32 $0x4000, s31;
	s1 =	sadd.s32 s1, s30  }
0xc9: {  	s0 =	sor.u32 s4, s0;
	s1 =	sshll.u32 s1, $0x11  }
0xca: {  	s0 =	sor.u32 s1, s0  }
0xcb: {  	s0 =	sadd.s32 $0x8F2B, s0  }
0xcc: {  	[sflag:s0] =	ssyncadd.remote.s32 $0x1  }
0xcd: {  	_ =	sfence.sel $0xFFFF  }
0xce: {  	[dreg:$0x0] =	wrdreg $0xFFFFFFFF;
	(pc) =	sbr.abs _section_cstart, $3  }
0xcf: {  	[dreg:$0x1] =	wrdreg $0xFFFFFFFF  }
0xd0: {  	_ =	task.clear_ibuf [dreg:s22], $0x2FFFF;
	_ =	strace $0x9FFFFFFF  }
0xd1: {  	(tm) =	ssettm $0x7FFFFFFF  }
tec
execute0_lowered:
.L_overlay_start_1:
0x0: {  	(tag) =	ssettag $0x1  }
0x1: {  	s0 =	rddreg [dreg:$0x0]  }
0x2: {  	s1 =	rddreg [dreg:$0x1]  }
0x3: {  	s26 =	stileid.u32;
	s2 =	srdreg.scid  }
0x4: {  	s3 =	simm.s32 $0x0;
	s28 =	simm.s32 $0x8180;
	s29 =	simm.s32 $0x1  }
0x5: {  	s30 =	simm.s32 $0x8200;
	s31 =	simm.s32 $0x2;
	s5 =	smul.u32 $0x2700, s26  }
0x6: {  	s2 =	sand.u32 $0x1, s2;
	s4 =	sshll.u32 s26, $0x1;
	s6 =	smul.u32 $0x4E000, s26  }
0x7: {  	[smem:$0x7FF] =	sst s3;
	s7 =	sadd.s32 $0x4F0800, s0;
	s8 =	smul.u32 $0x27, s26  }
0x8: {  	s11 =	sadd.s32 $0xE800, s0;
	s12 =	sadd.s32 $0x4A00, s0;
	s10 =	smul.u32 $0x271, s2  }
0x9: {  	s13 =	sadd.s32 $0x44800, s0;
	p1 =	seq.s32 s26, $0xF;
	s19 =	smul.u32 $0x138800, s2  }
0xa: {  	p0 =	sne.s32 s26, $0x0;
	s4 =	sor.u32 s2, s4;
	s21 =	smul.u32 $0x13880, s2  }
0xb: {  	_ =	strace $0x8000004D;
	s9 =	ssub.s32 $0x2, s2;
	s4 =	smul.u32 $0x4E2, s4  }
0xc: {  	s5 =	sadd.s32 s5, s0;
	s14 =	sshrl.u32 s9, $0x1;
	s6 =	sshrl.u32 s6, $0x2  }
0xd: {  	s8 =	sadd.s32 s8, s10;
	s17 =	ssub.s32 s9, s14;
	s6 =	sadd.s32 s6, s1  }
0xe: {  	s5 =	sadd.s32 $0x13800, s5;
	s16 =	sadd.s32 $0x270, s10;
	s23 =	sshrl.u32 s19, $0x3  }
0xf: {  	s4 =	sadd.s32 s4, s0;
	[dreg:$0x3] =	wrdreg s6;
	s25 =	sshll.u32 s8, $0x7  }
0x10: {  	[dreg:$0x4] =	wrdreg s5;
	s8 =	sadd.s32 $0x124800, s1;
	s0 =	sadd.s32 $0x38100, s0  }
0x11: {  	s18 =	sshll.u32 s16, $0x4;
	s17 =	smax.u32 s17, $0x1;
	[dreg:$0x5] =	wrdreg s8  }
0x12: {  	s9 =	sadd.s32 $0x1300, s25;
	[dreg:$0x6] =	wrdreg s0;
	s20 =	sadd.s32 s12, s18  }
0x13: {  	s0 =	sadd.s32 s11, s18;
	s18 =	smul.u32 $0x1380, s26;
	s25 =	sshrl.u32 s25, $0x3  }
0x14: {  	s14 =	sshrl.u32 s9, $0x3;
	s5 =	sshll.u32 s9, $0x4;
	[dreg:$0x8] =	wrdreg s20  }
0x15: {  	[dreg:$0xa] =	wrdreg s0;
	s15 =	sadd.s32 s12, s14;
	s9 =	sadd.s32 s7, s5  }
0x16: {  	s10 =	sadd.s32 s11, s14;
	s5 =	sshll.u32 s16, $0xB;
	s14 =	sadd.s32 $0x3AA00, s4  }
0x17: {  	s0 =	sadd.s32 s18, s21;
	s21 =	sadd.s32 s25, s11;
	[dreg:$0x7] =	wrdreg s15  }
0x18: {  	s15 =	smul.u32 $0x13800, s26;
	s5 =	sadd.s32 s7, s5;
	s0 =	sadd.s32 $0x80, s0  }
0x19: {  	s26 =	simm.s32 $0x4100;
	[dreg:$0x9] =	wrdreg s5;
	s5 =	sadd.s32 s13, s23  }
0x1a: {  	s0 =	sshrl.u32 s0, $0x3;
	s23 =	simm.s32 $0x100;
	s22 =	sadd.s32 s15, s19  }
.Ltmp0:
0x1b: {  	s16 =	sadd.s32 $0x24900, s5;
	s19 =	sadd.s32 s0, s11;
	(pc) =	sbr.rel .LBB2_1-.Ltmp0, $4  }
0x1c: {  	s20 =	sadd.s32 s0, s12;
	s0 =	simm.s32 $0x3;
	s11 =	simm.s32 $0x4  }
0x1d: {  	s24 =	sshrl.u32 s22, $0x3;
	s2 =	sadd.s32 s7, s22;
	s22 =	sadd.s32 s25, s12  }
0x1e: {  	s25 =	simm.s32 $0x80;
	s12 =	simm.s32 $0x5;
	s15 =	sadd.s32 s13, s24  }
0x1f: {  	v0 =	vimm.f32 $0.0e+00;
	s7 =	sadd.s32 $0x800, s2;
	s24 =	simm.s32 $0x8100;
	s13 =	simm.s32 $0x0  }
.LBB2_7:
0x20: {  	[bflag:$0x0] =	sbarrier.arrive $0xFFFF  }
0x21: {  	[hbm4b:s14+s3] =	stream.linear.scatter [tilespmem:s30], [sflag:$0x5], $0x2710, $0x38;
	[tilespmem:$0x1E200] =	vst v63  }
0x22: {  	_ =	swait.ge [sflag:s12], $0x2710  }
0x23: {  	[sflag:s12] =	ssyncset.done $0x0  }
0x24: {  	s6 =	simm.s32 @p1 $0x1FC5;
	[sflag:s12] =	ssyncadd.s32 $0xFFFFD8F0  }
0x25: {  	[hbm:s16], [sflag:s6] =	dma.local @p1 [spmem:s2], $0x2800  }
0x26: {  	s2 =	simm.s32 @p1 $0x5  }
0x27: {  	s13 =	sadd.s32 $0x1, s13;
	_ =	swait.ge @p1 [sflag:s2], $0x2800  }
0x28: {  	p2 =	sne.s32 s13, s17;
	[sflag:s2] =	ssyncset.done @p1 $0x0  }
.Ltmp1:
0x29: {  	[sflag:s2] =	ssyncadd.s32 @p1 $0xFFFFD800;
	s2 =	simm.s32 @!p1 $0x5;
	(pc) =	sbr.rel @!p2 .LBB2_8-.Ltmp1, $4  }
0x2a: {  	[hbm:s15], [sflag:s4] =	dma.local @!p1 [spmem:s5], $0x2700  }
0x2b: {  	_ =	swait.ge @!p1 [sflag:s2], $0x2700  }
0x2c: {  	[sflag:s2] =	ssyncset.done @!p1 $0x0  }
0x2d: {  	[sflag:s2] =	ssyncadd.s32 @!p1 $0xFFFFD900  }
.LBB2_1:
0x2e: {  	s2 =	simm.s32 $0x40;
	s4 =	simm.s32 $0x0  }
.LBB2_2:
0x2f: {  	p2 =	sne.s32 s2, $0x9C00;
	[tilespmem:s4+$0x8200] =	vst v0;
	s4 =	smov.u32 s2;
	s2 =	sadd.s32 $0x40, s2  }
.Ltmp2:
0x30: {  	(pc) =	sbr.rel @p2 .LBB2_2-.Ltmp2, $2  }
0x31: {  	_ =	sdelay $0x2  }
0x32: {  	s4 =	sshra.s32 s4, $0x2  }
0x33: {  	s2 =	rddreg [dreg:$0x5]  }
0x34: {  	[tilespmem:s4+$0x8200] =	vst v0;
	s4 =	simm.s32 @p1 $0x1FC5;
	s5 =	rddreg [dreg:$0x6];
	s2 =	sshrl.u32 @p1 s2, $0x3  }
0x35: {  	[spmem:s2], [sflag:s4] =	dma.local @p1 [hbm:s5], $0x2800  }
0x36: {  	s4 =	simm.s32 @p1 $0x5  }
0x37: {  	s5 =	stileid.u32;
	_ =	swait.ge @p1 [sflag:s4], $0x2800  }
0x38: {  	s5 =	sshll.u32 @!p1 s5, $0x6;
	[sflag:s4] =	ssyncset.done @p1 $0x0  }
0x39: {  	[sflag:s4] =	ssyncadd.s32 @p1 $0xFFFFD800;
	s4 =	sor.u32 @!p1 $0x1C05, s5;
	s5 =	rddreg [dreg:$0x3]  }
0x3a: {  	s6 =	rddreg [dreg:$0x4];
	s5 =	sshrl.u32 @!p1 s5, $0x3  }
0x3b: {  	[spmem:s5], [sflag:s4] =	dma.local @!p1 [hbm:s6], $0x2700  }
0x3c: {  	s6 =	simm.s32 @!p1 $0x5  }
0x3d: {  	_ =	swait.ge @!p1 [sflag:s6], $0x2700  }
0x3e: {  	[sflag:s6] =	ssyncset.done @!p1 $0x0  }
0x3f: {  	[sflag:s6] =	ssyncadd.s32 @!p1 $0xFFFFD900  }
0x40: {  	s18 =	smov.u32 s7;
	s6 =	simm.s32 $0x0;
	[bflag:$0x0] =	sbarrier.arrive $0xFFFF  }
.LBB2_4:
0x41: {  	s8 =	sadd.s32 s6, s22  }
0x42: {  	[tilespmem:s3], [sflag:$0x1] =	stream.linear.gather [hbm4b:s8+s3], $0x80, $0x38;
	[tilespmem:$0x1E200] =	vst v63  }
0x43: {  	s8 =	sadd.s32 $0xFFFFF800, s18  }
0x44: {  	[tilespmem:s23], [sflag:$0x1] =	stream.linear.gather [hbm4b:s8+s3], $0x4000, $0x38;
	[tilespmem:$0x1E200] =	vst v63  }
0x45: {  	s8 =	sadd.s32 s6, s21  }
0x46: {  	[tilespmem:s24], [sflag:$0x1] =	stream.linear.gather [hbm4b:s8+s3], $0x80, $0x38;
	[tilespmem:$0x1E200] =	vst v63  }
0x47: {  	s8 =	sadd.s32 s6, s20  }
0x48: {  	[tilespmem:s25], [sflag:$0x2] =	stream.linear.gather [hbm4b:s8+s3], $0x80, $0x38;
	[tilespmem:$0x1E200] =	vst v63  }
0x49: {  	_ = 	snop  }
0x4a: {  	[tilespmem:s26], [sflag:$0x2] =	stream.linear.gather [hbm4b:s18+s3], $0x4000, $0x38;
	[tilespmem:$0x1E200] =	vst v63  }
0x4b: {  	s8 =	sadd.s32 s6, s19  }
0x4c: {  	[tilespmem:s28], [sflag:$0x2] =	stream.linear.gather [hbm4b:s8+s3], $0x80, $0x38;
	[tilespmem:$0x1E200] =	vst v63  }
0x4d: {  	_ =	swait.ge [sflag:s29], $0x80  }
0x4e: {  	[sflag:s29] =	ssyncset.done $0x0  }
0x4f: {  	[sflag:s29] =	ssyncadd.s32 $0xFFFFFF80  }
0x50: {  	_ =	swait.ge [sflag:s29], $0x4000  }
0x51: {  	[sflag:s29] =	ssyncset.done $0x0  }
0x52: {  	[sflag:s29] =	ssyncadd.s32 $0xFFFFC000  }
0x53: {  	_ =	swait.ge [sflag:s29], $0x80  }
0x54: {  	[sflag:s29] =	ssyncset.done $0x0  }
0x55: {  	[sflag:s29] =	ssyncadd.s32 $0xFFFFFF80  }
0x56: {  	[spmem:s1] =	stream.indirect.scatter.add.f32 [tilespmem:s23], [sflag:$0x3], $0x80, s3, s25, $0xb8;
	[tilespmem:$0x1E200] =	vst v63  }
0x57: {  	v1 =	vld [tilespmem:$0x8100];
	_ =	sdelay $0x4  }
0x58: {  	v1 =	vmul.f32 $1.442695020e+00, v1;
	_ =	sdelay $0x1  }
0x59: {  	(erf) = vpow2.f32 v1;
	_ =	sdelay $0x1  }
0x5a: {  	v1 =	vld [tilespmem:$0x0];
	_ =	sdelay $0x6  }
0x5b: {  	v2 =	vpop (erf)  }
0x5c: {  	[tilespmem:v1+s30+$0x0] =	vst.idx.add.f32.msk $0xffff, v2  }
0x5d: {  	v1 =	vld [tilespmem:$0x8110];
	_ =	sdelay $0x4  }
0x5e: {  	v1 =	vmul.f32 $1.442695020e+00, v1;
	_ =	sdelay $0x1  }
0x5f: {  	(erf) = vpow2.f32 v1;
	_ =	sdelay $0x1  }
0x60: {  	v1 =	vld [tilespmem:$0x10];
	_ =	sdelay $0x6  }
0x61: {  	v2 =	vpop (erf)  }
0x62: {  	[tilespmem:v1+s30+$0x0] =	vst.idx.add.f32.msk $0xffff, v2  }
0x63: {  	v1 =	vld [tilespmem:$0x8120];
	_ =	sdelay $0x4  }
0x64: {  	v1 =	vmul.f32 $1.442695020e+00, v1;
	_ =	sdelay $0x1  }
0x65: {  	(erf) = vpow2.f32 v1;
	_ =	sdelay $0x1  }
0x66: {  	v1 =	vld [tilespmem:$0x20];
	_ =	sdelay $0x6  }
0x67: {  	v2 =	vpop (erf)  }
0x68: {  	[tilespmem:v1+s30+$0x0] =	vst.idx.add.f32.msk $0xffff, v2  }
0x69: {  	v1 =	vld [tilespmem:$0x8130];
	_ =	sdelay $0x4  }
0x6a: {  	v1 =	vmul.f32 $1.442695020e+00, v1;
	_ =	sdelay $0x1  }
0x6b: {  	(erf) = vpow2.f32 v1;
	_ =	sdelay $0x1  }
0x6c: {  	v1 =	vld [tilespmem:$0x30];
	_ =	sdelay $0x6  }
0x6d: {  	v2 =	vpop (erf)  }
0x6e: {  	[tilespmem:v1+s30+$0x0] =	vst.idx.add.f32.msk $0xffff, v2  }
0x6f: {  	v1 =	vld [tilespmem:$0x8140];
	_ =	sdelay $0x4  }
0x70: {  	v1 =	vmul.f32 $1.442695020e+00, v1;
	_ =	sdelay $0x1  }
0x71: {  	(erf) = vpow2.f32 v1;
	_ =	sdelay $0x1  }
0x72: {  	v1 =	vld [tilespmem:$0x40];
	_ =	sdelay $0x6  }
0x73: {  	v2 =	vpop (erf)  }
0x74: {  	[tilespmem:v1+s30+$0x0] =	vst.idx.add.f32.msk $0xffff, v2  }
0x75: {  	v1 =	vld [tilespmem:$0x8150];
	_ =	sdelay $0x4  }
0x76: {  	v1 =	vmul.f32 $1.442695020e+00, v1;
	_ =	sdelay $0x1  }
0x77: {  	(erf) = vpow2.f32 v1;
	_ =	sdelay $0x1  }
0x78: {  	v1 =	vld [tilespmem:$0x50];
	_ =	sdelay $0x6  }
0x79: {  	v2 =	vpop (erf)  }
0x7a: {  	[tilespmem:v1+s30+$0x0] =	vst.idx.add.f32.msk $0xffff, v2  }
0x7b: {  	v1 =	vld [tilespmem:$0x8160];
	_ =	sdelay $0x4  }
0x7c: {  	v1 =	vmul.f32 $1.442695020e+00, v1;
	_ =	sdelay $0x1  }
0x7d: {  	(erf) = vpow2.f32 v1;
	_ =	sdelay $0x1  }
0x7e: {  	v1 =	vld [tilespmem:$0x60];
	_ =	sdelay $0x6  }
0x7f: {  	v2 =	vpop (erf)  }
0x80: {  	[tilespmem:v1+s30+$0x0] =	vst.idx.add.f32.msk $0xffff, v2  }
0x81: {  	v1 =	vld [tilespmem:$0x8170];
	_ =	sdelay $0x4  }
0x82: {  	v1 =	vmul.f32 $1.442695020e+00, v1;
	_ =	sdelay $0x1  }
0x83: {  	(erf) = vpow2.f32 v1;
	_ =	sdelay $0x1  }
0x84: {  	v1 =	vld [tilespmem:$0x70];
	_ =	sdelay $0x6  }
0x85: {  	v2 =	vpop (erf)  }
0x86: {  	[tilespmem:v1+s30+$0x0] =	vst.idx.add.f32.msk $0xffff, v2  }
0x87: {  	_ =	swait.ge [sflag:s31], $0x80  }
0x88: {  	[sflag:s31] =	ssyncset.done $0x0  }
0x89: {  	[sflag:s31] =	ssyncadd.s32 $0xFFFFFF80  }
0x8a: {  	_ =	swait.ge [sflag:s31], $0x4000  }
0x8b: {  	[sflag:s31] =	ssyncset.done $0x0  }
0x8c: {  	[sflag:s31] =	ssyncadd.s32 $0xFFFFC000  }
0x8d: {  	_ =	swait.ge [sflag:s31], $0x80  }
0x8e: {  	[sflag:s31] =	ssyncset.done $0x0  }
0x8f: {  	[sflag:s31] =	ssyncadd.s32 $0xFFFFFF80  }
0x90: {  	[spmem:s1] =	stream.indirect.scatter.add.f32 [tilespmem:s26], [sflag:$0x4], $0x80, s25, s25, $0xb8;
	[tilespmem:$0x1E200] =	vst v63  }
0x91: {  	v1 =	vld [tilespmem:$0x8180];
	_ =	sdelay $0x4  }
0x92: {  	v1 =	vmul.f32 $1.442695020e+00, v1;
	_ =	sdelay $0x1  }
0x93: {  	(erf) = vpow2.f32 v1;
	_ =	sdelay $0x1  }
0x94: {  	v1 =	vld [tilespmem:$0x80];
	_ =	sdelay $0x6  }
0x95: {  	v2 =	vpop (erf)  }
0x96: {  	[tilespmem:v1+s30+$0x0] =	vst.idx.add.f32.msk $0xffff, v2  }
0x97: {  	v1 =	vld [tilespmem:$0x8190];
	_ =	sdelay $0x4  }
0x98: {  	v1 =	vmul.f32 $1.442695020e+00, v1;
	_ =	sdelay $0x1  }
0x99: {  	(erf) = vpow2.f32 v1;
	_ =	sdelay $0x1  }
0x9a: {  	v1 =	vld [tilespmem:$0x90];
	_ =	sdelay $0x6  }
0x9b: {  	v2 =	vpop (erf)  }
0x9c: {  	[tilespmem:v1+s30+$0x0] =	vst.idx.add.f32.msk $0xffff, v2  }
0x9d: {  	v1 =	vld [tilespmem:$0x81A0];
	_ =	sdelay $0x4  }
0x9e: {  	v1 =	vmul.f32 $1.442695020e+00, v1;
	_ =	sdelay $0x1  }
0x9f: {  	(erf) = vpow2.f32 v1;
	_ =	sdelay $0x1  }
0xa0: {  	v1 =	vld [tilespmem:$0xA0];
	_ =	sdelay $0x6  }
0xa1: {  	v2 =	vpop (erf)  }
0xa2: {  	[tilespmem:v1+s30+$0x0] =	vst.idx.add.f32.msk $0xffff, v2  }
0xa3: {  	v1 =	vld [tilespmem:$0x81B0];
	_ =	sdelay $0x4  }
0xa4: {  	v1 =	vmul.f32 $1.442695020e+00, v1;
	_ =	sdelay $0x1  }
0xa5: {  	(erf) = vpow2.f32 v1;
	_ =	sdelay $0x1  }
0xa6: {  	v1 =	vld [tilespmem:$0xB0];
	_ =	sdelay $0x6  }
0xa7: {  	v2 =	vpop (erf)  }
0xa8: {  	[tilespmem:v1+s30+$0x0] =	vst.idx.add.f32.msk $0xffff, v2  }
0xa9: {  	v1 =	vld [tilespmem:$0x81C0];
	_ =	sdelay $0x4  }
0xaa: {  	v1 =	vmul.f32 $1.442695020e+00, v1;
	_ =	sdelay $0x1  }
0xab: {  	(erf) = vpow2.f32 v1;
	_ =	sdelay $0x1  }
0xac: {  	v1 =	vld [tilespmem:$0xC0];
	_ =	sdelay $0x6  }
0xad: {  	v2 =	vpop (erf)  }
0xae: {  	[tilespmem:v1+s30+$0x0] =	vst.idx.add.f32.msk $0xffff, v2  }
0xaf: {  	v1 =	vld [tilespmem:$0x81D0];
	_ =	sdelay $0x4  }
0xb0: {  	v1 =	vmul.f32 $1.442695020e+00, v1;
	_ =	sdelay $0x1  }
0xb1: {  	(erf) = vpow2.f32 v1;
	_ =	sdelay $0x1  }
0xb2: {  	v1 =	vld [tilespmem:$0xD0];
	_ =	sdelay $0x6  }
0xb3: {  	v2 =	vpop (erf)  }
0xb4: {  	[tilespmem:v1+s30+$0x0] =	vst.idx.add.f32.msk $0xffff, v2  }
0xb5: {  	v1 =	vld [tilespmem:$0x81E0];
	_ =	sdelay $0x4  }
0xb6: {  	v1 =	vmul.f32 $1.442695020e+00, v1;
	_ =	sdelay $0x1  }
0xb7: {  	(erf) = vpow2.f32 v1;
	_ =	sdelay $0x1  }
0xb8: {  	v1 =	vld [tilespmem:$0xE0];
	_ =	sdelay $0x6  }
0xb9: {  	v2 =	vpop (erf)  }
0xba: {  	[tilespmem:v1+s30+$0x0] =	vst.idx.add.f32.msk $0xffff, v2  }
0xbb: {  	v1 =	vld [tilespmem:$0x81F0];
	_ =	sdelay $0x4  }
0xbc: {  	v1 =	vmul.f32 $1.442695020e+00, v1;
	_ =	sdelay $0x1  }
0xbd: {  	(erf) = vpow2.f32 v1;
	_ =	sdelay $0x1  }
0xbe: {  	v1 =	vld [tilespmem:$0xF0];
	_ =	sdelay $0x6  }
0xbf: {  	v2 =	vpop (erf)  }
0xc0: {  	[tilespmem:v1+s30+$0x0] =	vst.idx.add.f32.msk $0xffff, v2  }
0xc1: {  	p2 =	sne.s32 s6, $0x240;
	_ =	swait.ge [sflag:s0], $0x4000  }
.Ltmp3:
0xc2: {  	[sflag:s0] =	ssyncset.done $0x0;
	(pc) =	sbr.rel @p2 .LBB2_4-.Ltmp3, $4  }
0xc3: {  	[sflag:s0] =	ssyncadd.s32 $0xFFFFC000  }
0xc4: {  	_ =	swait.ge [sflag:s11], $0x4000  }
0xc5: {  	[sflag:s11] =	ssyncset.done $0x0  }
0xc6: {  	s6 =	sadd.s32 $0x20, s6;
	s18 =	sadd.s32 $0x1000, s18;
	[sflag:s11] =	ssyncadd.s32 $0xFFFFC000  }
0xc7: {  	s6 =	rddreg [dreg:$0x7]  }
0xc8: {  	[tilespmem:s3], [sflag:$0x5] =	stream.linear.gather [hbm4b:s6+s3], $0x80, $0x38;
	[tilespmem:$0x1E200] =	vst v63  }
0xc9: {  	_ =	swait.ge [sflag:s12], $0x80  }
0xca: {  	[sflag:s12] =	ssyncset.done $0x0  }
0xcb: {  	[sflag:s12] =	ssyncadd.s32 $0xFFFFFF80  }
0xcc: {  	[tilespmem:s23], [sflag:$0x5] =	stream.linear.gather [hbm4b:s9+s3], $0x4000, $0x38;
	[tilespmem:$0x1E200] =	vst v63  }
0xcd: {  	_ =	swait.ge [sflag:s12], $0x4000  }
0xce: {  	[sflag:s12] =	ssyncset.done $0x0  }
0xcf: {  	[sflag:s12] =	ssyncadd.s32 $0xFFFFC000  }
0xd0: {  	[tilespmem:s24], [sflag:$0x5] =	stream.linear.gather [hbm4b:s10+s3], $0x80, $0x38;
	[tilespmem:$0x1E200] =	vst v63  }
0xd1: {  	_ =	swait.ge [sflag:s12], $0x80  }
0xd2: {  	[sflag:s12] =	ssyncset.done $0x0  }
0xd3: {  	[sflag:s12] =	ssyncadd.s32 $0xFFFFFF80  }
0xd4: {  	[spmem:s1] =	stream.indirect.scatter.add.f32 [tilespmem:s23], [sflag:$0x5], $0x80, s3, s25, $0xb8;
	[tilespmem:$0x1E200] =	vst v63  }
0xd5: {  	_ =	swait.ge [sflag:s12], $0x4000  }
0xd6: {  	[sflag:s12] =	ssyncset.done $0x0  }
0xd7: {  	[sflag:s12] =	ssyncadd.s32 $0xFFFFC000  }
0xd8: {  	v1 =	vld [tilespmem:$0x8100];
	_ =	sdelay $0x4  }
0xd9: {  	v1 =	vmul.f32 $1.442695020e+00, v1;
	_ =	sdelay $0x1  }
0xda: {  	(erf) = vpow2.f32 v1;
	_ =	sdelay $0x1  }
0xdb: {  	v1 =	vld [tilespmem:$0x0];
	_ =	sdelay $0x6  }
0xdc: {  	v2 =	vpop (erf)  }
0xdd: {  	[tilespmem:v1+s30+$0x0] =	vst.idx.add.f32.msk $0xffff, v2  }
0xde: {  	v1 =	vld [tilespmem:$0x8110];
	_ =	sdelay $0x4  }
0xdf: {  	v1 =	vmul.f32 $1.442695020e+00, v1;
	_ =	sdelay $0x1  }
0xe0: {  	(erf) = vpow2.f32 v1;
	_ =	sdelay $0x1  }
0xe1: {  	v1 =	vld [tilespmem:$0x10];
	_ =	sdelay $0x6  }
0xe2: {  	v2 =	vpop (erf)  }
0xe3: {  	[tilespmem:v1+s30+$0x0] =	vst.idx.add.f32.msk $0xffff, v2  }
0xe4: {  	v1 =	vld [tilespmem:$0x8120];
	_ =	sdelay $0x4  }
0xe5: {  	v1 =	vmul.f32 $1.442695020e+00, v1;
	_ =	sdelay $0x1  }
0xe6: {  	(erf) = vpow2.f32 v1;
	_ =	sdelay $0x1  }
0xe7: {  	v1 =	vld [tilespmem:$0x20];
	_ =	sdelay $0x6  }
0xe8: {  	v2 =	vpop (erf)  }
0xe9: {  	[tilespmem:v1+s30+$0x0] =	vst.idx.add.f32.msk $0xffff, v2  }
0xea: {  	v1 =	vld [tilespmem:$0x8130];
	_ =	sdelay $0x4  }
0xeb: {  	v1 =	vmul.f32 $1.442695020e+00, v1;
	_ =	sdelay $0x1  }
0xec: {  	(erf) = vpow2.f32 v1;
	_ =	sdelay $0x1  }
0xed: {  	v1 =	vld [tilespmem:$0x30];
	_ =	sdelay $0x6  }
0xee: {  	v2 =	vpop (erf)  }
0xef: {  	[tilespmem:v1+s30+$0x0] =	vst.idx.add.f32.msk $0xffff, v2  }
0xf0: {  	v1 =	vld [tilespmem:$0x8140];
	_ =	sdelay $0x4  }
0xf1: {  	v1 =	vmul.f32 $1.442695020e+00, v1;
	_ =	sdelay $0x1  }
0xf2: {  	(erf) = vpow2.f32 v1;
	_ =	sdelay $0x1  }
0xf3: {  	v1 =	vld [tilespmem:$0x40];
	_ =	sdelay $0x6  }
0xf4: {  	v2 =	vpop (erf)  }
0xf5: {  	[tilespmem:v1+s30+$0x0] =	vst.idx.add.f32.msk $0xffff, v2  }
0xf6: {  	v1 =	vld [tilespmem:$0x8150];
	_ =	sdelay $0x4  }
0xf7: {  	v1 =	vmul.f32 $1.442695020e+00, v1;
	_ =	sdelay $0x1  }
0xf8: {  	(erf) = vpow2.f32 v1;
	_ =	sdelay $0x1  }
0xf9: {  	v1 =	vld [tilespmem:$0x50];
	_ =	sdelay $0x6  }
0xfa: {  	v2 =	vpop (erf)  }
0xfb: {  	[tilespmem:v1+s30+$0x0] =	vst.idx.add.f32.msk $0xffff, v2  }
0xfc: {  	v1 =	vld [tilespmem:$0x8160];
	_ =	sdelay $0x4  }
0xfd: {  	v1 =	vmul.f32 $1.442695020e+00, v1;
	_ =	sdelay $0x1  }
0xfe: {  	(erf) = vpow2.f32 v1;
	_ =	sdelay $0x1  }
0xff: {  	v1 =	vld [tilespmem:$0x60];
	_ =	sdelay $0x6  }
0x100: {  	v2 =	vpop (erf)  }
0x101: {  	[tilespmem:v1+s30+$0x0] =	vst.idx.add.f32.msk $0xffff, v2  }
0x102: {  	v1 =	vld [tilespmem:$0x8170];
	_ =	sdelay $0x4  }
0x103: {  	v1 =	vmul.f32 $1.442695020e+00, v1;
	_ =	sdelay $0x1  }
0x104: {  	(erf) = vpow2.f32 v1;
	_ =	sdelay $0x1  }
0x105: {  	v1 =	vld [tilespmem:$0x70];
	_ =	sdelay $0x3  }
.Ltmp4:
0x106: {  	_ = 	snop;
	(pc) =	sbr.rel @p0 .LBB2_7-.Ltmp4, $3  }
0x107: {  	_ =	sdelay $0x1  }
0x108: {  	v2 =	vpop (erf)  }
0x109: {  	[tilespmem:v1+s30+$0x0] =	vst.idx.add.f32.msk $0xffff, v2  }
0x10a: {  	s6 =	rddreg [dreg:$0x8]  }
0x10b: {  	[tilespmem:s3], [sflag:$0x5] =	stream.linear.gather [hbm4b:s6+s3], $0x80, $0x38;
	[tilespmem:$0x1E200] =	vst v63  }
0x10c: {  	_ =	swait.ge [sflag:s12], $0x80  }
0x10d: {  	[sflag:s12] =	ssyncset.done $0x0  }
0x10e: {  	s8 =	rddreg [dreg:$0x9];
	[sflag:s12] =	ssyncadd.s32 $0xFFFFFF80  }
0x10f: {  	[tilespmem:s23], [sflag:$0x5] =	stream.linear.gather [hbm4b:s8+s3], $0x4000, $0x38;
	[tilespmem:$0x1E200] =	vst v63  }
0x110: {  	_ =	swait.ge [sflag:s12], $0x4000  }
0x111: {  	[sflag:s12] =	ssyncset.done $0x0  }
0x112: {  	s18 =	rddreg [dreg:$0xa];
	[sflag:s12] =	ssyncadd.s32 $0xFFFFC000  }
0x113: {  	[tilespmem:s24], [sflag:$0x5] =	stream.linear.gather [hbm4b:s18+s3], $0x80, $0x38;
	[tilespmem:$0x1E200] =	vst v63  }
0x114: {  	_ =	swait.ge [sflag:s12], $0x80  }
0x115: {  	[sflag:s12] =	ssyncset.done $0x0  }
0x116: {  	[sflag:s12] =	ssyncadd.s32 $0xFFFFFF80  }
0x117: {  	[spmem:s1] =	stream.indirect.scatter.add.f32 [tilespmem:s23], [sflag:$0x5], $0x80, s3, s25, $0xb8;
	[tilespmem:$0x1E200] =	vst v63  }
0x118: {  	_ =	swait.ge [sflag:s12], $0x4000  }
0x119: {  	[sflag:s12] =	ssyncset.done $0x0  }
0x11a: {  	[sflag:s12] =	ssyncadd.s32 $0xFFFFC000  }
0x11b: {  	v1 =	vld [tilespmem:$0x8100];
	_ =	sdelay $0x4  }
0x11c: {  	v1 =	vmul.f32 $1.442695020e+00, v1;
	_ =	sdelay $0x1  }
0x11d: {  	(erf) = vpow2.f32 v1;
	_ =	sdelay $0x1  }
0x11e: {  	v1 =	vld [tilespmem:$0x0];
	_ =	sdelay $0x6  }
0x11f: {  	v2 =	vpop (erf)  }
0x120: {  	[tilespmem:v1+s30+$0x0] =	vst.idx.add.f32.msk $0xffff, v2  }
0x121: {  	v1 =	vld [tilespmem:$0x8110];
	_ =	sdelay $0x4  }
0x122: {  	v1 =	vmul.f32 $1.442695020e+00, v1;
	_ =	sdelay $0x1  }
0x123: {  	(erf) = vpow2.f32 v1;
	_ =	sdelay $0x1  }
0x124: {  	v1 =	vld [tilespmem:$0x10];
	_ =	sdelay $0x6  }
0x125: {  	v2 =	vpop (erf)  }
0x126: {  	[tilespmem:v1+s30+$0x0] =	vst.idx.add.f32.msk $0xffff, v2  }
0x127: {  	v1 =	vld [tilespmem:$0x8120];
	_ =	sdelay $0x4  }
0x128: {  	v1 =	vmul.f32 $1.442695020e+00, v1;
	_ =	sdelay $0x1  }
0x129: {  	(erf) = vpow2.f32 v1;
	_ =	sdelay $0x1  }
0x12a: {  	v1 =	vld [tilespmem:$0x20];
	_ =	sdelay $0x6  }
0x12b: {  	v2 =	vpop (erf)  }
0x12c: {  	[tilespmem:v1+s30+$0x0] =	vst.idx.add.f32.msk $0xffff, v2  }
0x12d: {  	v1 =	vld [tilespmem:$0x8130];
	_ =	sdelay $0x4  }
0x12e: {  	v1 =	vmul.f32 $1.442695020e+00, v1;
	_ =	sdelay $0x1  }
0x12f: {  	(erf) = vpow2.f32 v1;
	_ =	sdelay $0x1  }
0x130: {  	v1 =	vld [tilespmem:$0x30];
	_ =	sdelay $0x6  }
0x131: {  	v2 =	vpop (erf)  }
0x132: {  	[tilespmem:v1+s30+$0x0] =	vst.idx.add.f32.msk $0xffff, v2  }
0x133: {  	v1 =	vld [tilespmem:$0x8140];
	_ =	sdelay $0x4  }
0x134: {  	v1 =	vmul.f32 $1.442695020e+00, v1;
	_ =	sdelay $0x1  }
0x135: {  	(erf) = vpow2.f32 v1;
	_ =	sdelay $0x1  }
0x136: {  	v1 =	vld [tilespmem:$0x40];
	_ =	sdelay $0x6  }
0x137: {  	v2 =	vpop (erf)  }
0x138: {  	[tilespmem:v1+s30+$0x0] =	vst.idx.add.f32.msk $0xffff, v2  }
0x139: {  	v1 =	vld [tilespmem:$0x8150];
	_ =	sdelay $0x4  }
0x13a: {  	v1 =	vmul.f32 $1.442695020e+00, v1;
	_ =	sdelay $0x1  }
0x13b: {  	(erf) = vpow2.f32 v1;
	_ =	sdelay $0x1  }
0x13c: {  	v1 =	vld [tilespmem:$0x50];
	_ =	sdelay $0x6  }
0x13d: {  	v2 =	vpop (erf)  }
0x13e: {  	[tilespmem:v1+s30+$0x0] =	vst.idx.add.f32.msk $0xffff, v2  }
0x13f: {  	v1 =	vld [tilespmem:$0x8160];
	_ =	sdelay $0x4  }
0x140: {  	v1 =	vmul.f32 $1.442695020e+00, v1;
	_ =	sdelay $0x1  }
0x141: {  	(erf) = vpow2.f32 v1;
	_ =	sdelay $0x1  }
0x142: {  	v1 =	vld [tilespmem:$0x60];
	_ =	sdelay $0x6  }
0x143: {  	v2 =	vpop (erf)  }
0x144: {  	[tilespmem:v1+s30+$0x0] =	vst.idx.add.f32.msk $0xffff, v2  }
0x145: {  	v1 =	vld [tilespmem:$0x8170];
	_ =	sdelay $0x4  }
0x146: {  	v1 =	vmul.f32 $1.442695020e+00, v1;
	_ =	sdelay $0x1  }
0x147: {  	(erf) = vpow2.f32 v1;
	_ =	sdelay $0x1  }
0x148: {  	v1 =	vld [tilespmem:$0x70];
	_ =	sdelay $0x3  }
.Ltmp5:
0x149: {  	_ = 	snop;
	(pc) =	sbr.rel .LBB2_7-.Ltmp5, $3  }
0x14a: {  	_ =	sdelay $0x1  }
0x14b: {  	v2 =	vpop (erf)  }
0x14c: {  	[tilespmem:v1+s30+$0x0] =	vst.idx.add.f32.msk $0xffff, v2  }
.LBB2_8:
0x14d: {  	_ =	sfence.sel $0x180000  }
0x14e: {  	[bflag:$0x0] =	sbarrier.arrive $0xFFFF  }
0x14f: {  	_ =	strace $0x9000004D  }
0x150: {  	[bflag:$0x2] =	sbarrier.arrive $0xFFFF  }
0x151: {  	s0 =	rddreg [dreg:$0x2]  }
0x152: {  	s0 =	sadd.s32 @!p0 $0x100000, s0  }
0x153: {  	[sflag:s0] =	ssyncadd.tile.s32 @!p0 $0x1;
	_ =	shalt  }
.Lfunc_end2:
_tile_overlayer_lowered:
.L_overlay_start_2:
0x154: {  	(tag) =	ssettag $0x2  }
0x155: {  	s0 =	rddreg [dreg:$0x0];
	s2 =	stileid.u32  }
0x156: {  	s1 =	rddreg [dreg:$0x1];
	p0 =	sne.s32 s2, $0x0  }
0x157: {  	s3 =	rddreg [dreg:$0x2];
	[bflag:$0x3] =	sbarrier.arrive $0xFFFF;
	s2 =	simm.s32 @!p0 $0x1C05  }
0x158: {  	[timem:s3], [sflag:s2] =	dma.local @!p0 [hbm:s0], s1  }
0x159: {  	s0 =	simm.s32 @!p0 $0x5  }
0x15a: {  	_ =	swait.ge @!p0 [sflag:s0], s1  }
0x15b: {  	s1 =	ssub.s32 @!p0 $0x0, s1;
	[sflag:s0] =	ssyncset.done @!p0 $0x0  }
0x15c: {  	[sflag:s0] =	ssyncadd.s32 @!p0 s1  }
0x15d: {  	[bflag:$0x3] =	sbarrier.arrive $0xFFFF  }
0x15e: {  	_ =	shalt  }

// kernel: kernel.19.cloned.1.call-start
scs
__scs_entry_jumppad:
0x0: {  	(pc) =	sbr.rel $0x88, $3  }
0x1: {  	(tag) =	ssettag $0x0;
	lr =	simm.s32 $0x1  }
0x2: {  	[smem:$0x3F92] =	sst lr;
	_ =	strace $0xD0000000  }
0x3: {  	_ = 	snop  }
0x4: {  	_ = 	snop  }
0x5: {  	_ = 	snop  }
0x6: {  	_ = 	snop  }
0x7: {  	_ = 	snop  }
__scs_overlays_trampoline_lowered:
0x8: {  	[smem:$0x3FA1] =	sst s0  }
0x9: {  	[smem:$0x3FA2] =	sst s1  }
0xa: {  	[smem:$0x3FA3] =	sst s2  }
0xb: {  	[smem:$0x3FA4] =	sst s3  }
0xc: {  	[smem:$0x3FA5] =	sst s4  }
0xd: {  	[smem:$0x3FA6] =	sst s5  }
0xe: {  	[smem:$0x3FA7] =	sst s6  }
0xf: {  	[smem:$0x3FA8] =	sst s7  }
0x10: {  	[smem:$0x3FA9] =	sst s8  }
0x11: {  	[smem:$0x3FAA] =	sst s9;
	s0 =	simm.s32 @!p0 $0x0  }
0x12: {  	s1 =	sld [smem:$0x3F90];
	s0 =	simm.s32 @p0 $0x1  }
0x13: {  	[smem:$0x3FAB] =	sst s0;
	s0 =	simm.s32 @!p1 $0x0  }
0x14: {  	s2 =	sld [smem:$0x3F8F];
	s0 =	simm.s32 @p1 $0x1  }
0x15: {  	[smem:$0x3FAC] =	sst s0;
	s0 =	simm.s32 @!p2 $0x0  }
0x16: {  	s3 =	sld [smem:$0x3FDB];
	s0 =	simm.s32 @p2 $0x1  }
0x17: {  	s4 =	simm.s32 $0x1BF5;
	[smem:$0x3FAE] =	sst s0  }
0x18: {  	s0 =	sld [smem:$0x3F91];
	_ =	swait.ge [sflag:s4], $0x0  }
0x19: {  	s7 =	sld [smem:$0x3F92]  }
0x1a: {  	s8 =	sadd.s32 $0xFFFFE003, lr  }
0x1b: {  	s9 =	sadd.s32 $0xFFFFFEF7, lr;
	s5 =	simm.s32 $0xFFFFFFFF;
	p2 =	slt.u32 s8, $0xFFFFF086  }
0x1c: {  	p1 =	slt.u32 s9, $0xF7A;
	s5 =	simm.s32 @!p2 $0x0  }
0x1d: {  	s5 =	simm.s32 @p1 $0x1;
	p0 =	seq.s32 s7, s2  }
0x1e: {  	s7 =	smul.u32 @!p0 $0xF7A, s2;
	p2 =	seq.s32 @!p0 s5, $0x0  }
0x1f: {  	s9 =	smul.u32 $0xF7A, s1;
	s8 =	simm.s32 @!p0 $0x1BF5;
	p2 =	por !p2, p0  }
0x20: {  	[sflag:s8] =	ssyncset.s32 @!p0 $0xFFFFF086;
	s6 =	sadd.s32 @!p0 s3, s7;
	s7 =	simm.s32 @!p0 $0x108  }
0x21: {  	s3 =	sadd.s32 s3, s9;
	s6 =	sadd.s32 @!p0 $0x88, s6;
	s7 =	simm.s32 @p2 $0x1082  }
0x22: {  	[simem:s7], [sflag:s8] =	dma.local @!p0 [hbm:s6], $0xF7A  }
0x23: {  	s9 =	sor.u32 $0xD0000000, s2;
	s6 =	simm.s32 $0x108;
	_ =	swait.ge @!p0 [sflag:s8], $0x0  }
0x24: {  	s3 =	sadd.s32 $0x88, s3;
	s6 =	simm.s32 @!p1 $0x1082;
	[sflag:s4] =	ssyncset.s32 $0xFFFFF086  }
0x25: {  	[simem:s6], [sflag:s4] =	dma.local [hbm:s3], $0xF7A  }
0x26: {  	[smem:$0x3F92] =	sst s1;
	(tag) =	ssettag s2;
	_ =	strace s9  }
0x27: {  	s1 =	sld [smem:$0x3FA2]  }
0x28: {  	s2 =	sld [smem:$0x3FA3]  }
0x29: {  	s4 =	sld [smem:$0x3FA5]  }
0x2a: {  	p0 =	seq.s32 s5, $0x0;
	s5 =	sld [smem:$0x3FA6]  }
0x2b: {  	s6 =	sld [smem:$0x3FA7]  }
0x2c: {  	s7 =	sld [smem:$0x3FA8]  }
0x2d: {  	s3 =	simm.s32 $0x108;
	s8 =	sld [smem:$0x3FA9]  }
0x2e: {  	s3 =	simm.s32 @!p0 $0x1082;
	s9 =	sld [smem:$0x3FAA]  }
0x2f: {  	lr =	sadd.s32 s0, s3;
	s0 =	sld [smem:$0x3FA1]  }
0x30: {  	s3 =	sld [smem:$0x3FA4]  }
0x31: {  	[smem:$0x3FAD] =	sst s10  }
0x32: {  	s10 =	sld [smem:$0x3FAB];
	_ =	sdelay $0x3  }
0x33: {  	p0 =	seq.s32 s10, $0x1;
	s10 =	sld [smem:$0x3FAD];
	_ =	sdelay $0x3  }
0x34: {  	[smem:$0x3FAD] =	sst s10  }
0x35: {  	s10 =	sld [smem:$0x3FAC];
	_ =	sdelay $0x3  }
0x36: {  	p1 =	seq.s32 s10, $0x1;
	s10 =	sld [smem:$0x3FAD];
	_ =	sdelay $0x3  }
0x37: {  	[smem:$0x3FAD] =	sst s10  }
0x38: {  	s10 =	sld [smem:$0x3FAE]  }
0x39: {  	_ = 	snop;
	(pc) =	sbr.ind lr, $3  }
0x3a: {  	_ = 	snop  }
0x3b: {  	_ = 	snop  }
0x3c: {  	p2 =	seq.s32 s10, $0x1;
	s10 =	sld [smem:$0x3FAD]  }
0x3d: {  	_ =	shalt  }
0x3e: {  	_ =	shalt  }
0x3f: {  	_ =	shalt  }
0x40: {  	_ =	shalt  }
0x41: {  	_ =	shalt  }
0x42: {  	_ =	shalt  }
0x43: {  	_ =	shalt  }
0x44: {  	_ =	shalt  }
0x45: {  	_ =	shalt  }
0x46: {  	_ =	shalt  }
0x47: {  	_ =	shalt  }
0x48: {  	_ =	shalt  }
0x49: {  	_ =	shalt  }
0x4a: {  	_ =	shalt  }
0x4b: {  	_ =	shalt  }
0x4c: {  	_ =	shalt  }
0x4d: {  	_ =	shalt  }
0x4e: {  	_ =	shalt  }
0x4f: {  	_ =	shalt  }
0x50: {  	_ =	shalt  }
0x51: {  	_ =	shalt  }
0x52: {  	_ =	shalt  }
0x53: {  	_ =	shalt  }
0x54: {  	_ =	shalt  }
0x55: {  	_ =	shalt  }
0x56: {  	_ =	shalt  }
0x57: {  	_ =	shalt  }
0x58: {  	_ =	shalt  }
0x59: {  	_ =	shalt  }
0x5a: {  	_ =	shalt  }
0x5b: {  	_ =	shalt  }
0x5c: {  	_ =	shalt  }
0x5d: {  	_ =	shalt  }
0x5e: {  	_ =	shalt  }
0x5f: {  	_ =	shalt  }
0x60: {  	_ =	shalt  }
0x61: {  	_ =	shalt  }
0x62: {  	_ =	shalt  }
0x63: {  	_ =	shalt  }
0x64: {  	_ =	shalt  }
0x65: {  	_ =	shalt  }
0x66: {  	_ =	shalt  }
0x67: {  	_ =	shalt  }
0x68: {  	_ =	shalt  }
0x69: {  	_ =	shalt  }
0x6a: {  	_ =	shalt  }
0x6b: {  	_ =	shalt  }
0x6c: {  	_ =	shalt  }
0x6d: {  	_ =	shalt  }
0x6e: {  	_ =	shalt  }
0x6f: {  	_ =	shalt  }
0x70: {  	_ =	shalt  }
0x71: {  	_ =	shalt  }
0x72: {  	_ =	shalt  }
0x73: {  	_ =	shalt  }
0x74: {  	_ =	shalt  }
0x75: {  	_ =	shalt  }
0x76: {  	_ =	shalt  }
0x77: {  	_ =	shalt  }
0x78: {  	_ =	shalt  }
0x79: {  	_ =	shalt  }
0x7a: {  	_ =	shalt  }
0x7b: {  	_ =	shalt  }
0x7c: {  	_ =	shalt  }
0x7d: {  	_ =	shalt  }
0x7e: {  	_ =	shalt  }
0x7f: {  	_ =	shalt  }
0x80: {  	_ =	shalt  }
0x81: {  	_ =	shalt  }
0x82: {  	_ =	shalt  }
0x83: {  	_ =	shalt  }
0x84: {  	_ =	shalt  }
0x85: {  	_ =	shalt  }
0x86: {  	_ =	shalt  }
0x87: {  	_ =	shalt  }
.Lfunc_end0:
.L_simem_size_0:
called_computation.3_lowered:
.L_overlay_start_0:
0x88: {  	s2 =	sld [smem:$0x3FD9]  }
0x89: {  	s3 =	sld [smem:$0x3FFE];
	_ =	sdelay $0x1  }
0x8a: {  	s1 =	srdreg.scid  }
0x8b: {  	s0 =	sand.u32 $0x1, s1  }
0x8c: {  	s15 =	sshll.u32 s0, $0xA;
	s2 =	sadd.s32 s3, s2  }
0x8d: {  	s2 =	sadd.s32 s2, s15  }
0x8e: {  	[smem:$0x3FB9] =	sst s2  }
0x8f: {  	_ = 	snop  }
0x90: {  	s2 =	sld [smem:$0x3FD0];
	_ =	sdelay $0x2  }
0x91: {  	s16 =	simm.s32 $0xB;
	s4 =	simm.s32 $0x10  }
0x92: {  	[smem:s4], [sflag:s16] =	dma.local [hbm:s2], $0x1  }
0x93: {  	_ =	swait.eq [sflag:s16], $0x1  }
0x94: {  	[sflag:s16] =	ssyncset.done $0x0  }
0x95: {  	[sflag:s16] =	ssyncadd.s32 $0xFFFFFFFF  }
0x96: {  	s17 =	sld [smem:$0x10];
	(tm) =	ssettm $0x1  }
0x97: {  	s18 =	sld [smem:$0x3FFB];
	_ =	sdelay $0x3  }
0x98: {  	_ =	strace s18  }
0x99: {  	s2 =	sld [smem:$0x3FFC];
	_ =	sdelay $0x3  }
0x9a: {  	_ =	strace s2  }
0x9b: {  	s2 =	sld [smem:$0x3FFD];
	_ =	sdelay $0x3  }
0x9c: {  	_ =	strace s2  }
0x9d: {  	_ =	strace $0x8FFFFFFF  }
0x9e: {  	s19 =	sld [smem:$0x3FDB];
	_ =	sdelay $0x1  }
0x9f: {  	s20 =	simm.s32 $_scs_section_size  }
0xa0: {  	s5 =	simm.s32 $_size__tile_overlayer_lowered;
	s6 =	simm.s32 $_tile_overlayer_lowered  }
0xa1: {  	s7 =	simm.s32 $0x1BFF;
	s21 =	sshll.u32 s6, $0x1;
	s4 =	sadd.s32 s20, s19  }
0xa2: {  	s22 =	simm.s32 $0x0;
	s5 =	sshll.u32 s5, $0x1;
	s6 =	sadd.s32 s21, s4  }
0xa3: {  	[timem:s22], [sflag:s7] =	dma.local [hbm:s6], s5  }
0xa4: {  	_ =	swait.ge [sflag:s7], s5  }
0xa5: {  	s5 =	ssub.s32 $0x0, s5;
	[sflag:s7] =	ssyncset.done $0x0  }
0xa6: {  	[sflag:s7] =	ssyncadd.s32 s5;
	_ =	sdelay $0x1  }
0xa7: {  	s23 =	simm.s32 $0x1B8B  }
0xa8: {  	_ =	swait.ge [sflag:s23], $0x1  }
0xa9: {  	[sflag:s23] =	ssyncset.done $0x0  }
0xaa: {  	[sflag:s23] =	ssyncadd.s32 $0xFFFFFFFF  }
0xab: {  	s5 =	sld [smem:$0x0]  }
0xac: {  	s6 =	sand.u32 $0xFFFFFFFE, s1  }
0xad: {  	p0 =	sne.s32 s1, s6  }
0xae: {  	s6 =	sshll.u32 @p0 s6, $0xE  }
0xaf: {  	s6 =	sadd.s32 @p0 $0x11B8D, s6;
	s7 =	sshll.u32 @p0 s5, $0x11  }
0xb0: {  	s6 =	sor.u32 @p0 s7, s6  }
0xb1: {  	[sflag:s6] =	ssyncadd.remote.s32 @p0 $0x1;
	_ =	sdelay $0x1  }
0xb2: {  	s6 =	simm.s32 @p0 $0x1B8D  }
0xb3: {  	_ =	swait.eq @p0 [sflag:s6], $0x1  }
0xb4: {  	[sflag:s6] =	ssyncadd.s32 @p0 $0xFFFFFFFF  }
0xb5: {  	s7 =	sshll.u32 @!p0 s1, $0xE  }
0xb6: {  	s7 =	sor.u32 @!p0 $0x4000, s7;
	s6 =	simm.s32 @!p0 $0x1B8D  }
0xb7: {  	s5 =	sshll.u32 @!p0 s5, $0x11;
	s7 =	sadd.s32 @!p0 $0x11B8D, s7;
	_ =	swait.eq @!p0 [sflag:s6], $0x1  }
0xb8: {  	s5 =	sor.u32 @!p0 s5, s7;
	[sflag:s6] =	ssyncadd.s32 @!p0 $0xFFFFFFFF  }
0xb9: {  	s25 =	simm.s32 $0x1B8E;
	s24 =	sld [smem:$0x3FFE];
	[sflag:s5] =	ssyncadd.remote.s32 @!p0 $0x1  }
0xba: {  	s26 =	simm.s32 $execute0_lowered;
	[smem:$0x3FD2] =	sst s25  }
0xbb: {  	s6 =	sshll.u32 s26, $0x1;
	_ =	strace $0x8000004F;
	[dreg:$0x1] =	wrdreg $0xFFFFFFFF  }
0xbc: {  	s28 =	simm.s32 $_size_execute0_lowered;
	s4 =	sadd.s32 s4, s6;
	[dreg:$0x0] =	wrdreg $0x0  }
0xbd: {  	s6 =	sshll.u32 s28, $0x1;
	[dreg:$0x2] =	wrdreg s4  }
0xbe: {  	[dreg:$0x3] =	wrdreg s6  }
0xbf: {  	[dreg:$0x4] =	wrdreg $0xC0  }
0xc0: {  	_ =	task [dreg:s22], $0x5FFFF  }
0xc1: {  	[dreg:$0x1] =	wrdreg $0xFFFFFFFF  }
0xc2: {  	[dreg:$0x0] =	wrdreg $0x60  }
0xc3: {  	[dreg:$0x2] =	wrdreg s24  }
0xc4: {  	[dreg:$0x3] =	wrdreg s17  }
0xc5: {  	[dreg:$0x4] =	wrdreg $0xA9800  }
0xc6: {  	[dreg:$0x5] =	wrdreg $0x9  }
0xc7: {  	_ =	task.clear_ibuf [dreg:s22], $0x6FFFF;
	_ =	strace $0x9000004F  }
0xc8: {  	s29 =	simm.s32 $0x9;
	_ =	strace $0x80000051  }
0xc9: {  	_ =	swait.ge [sflag:s29], $0x1  }
0xca: {  	[sflag:s29] =	ssyncadd.s32 $0xFFFFFFFF  }
0xcb: {  	_ =	strace $0x90000051  }
0xcc: {  	_ =	sfence  }
0xcd: {  	s30 =	sld [smem:$0x0];
	_ =	sdelay $0x2  }
0xce: {  	s31 =	sshll.u32 s1, $0xD;
	s1 =	sshrl.u32 s1, $0x2  }
0xcf: {  	s4 =	sand.u32 $0x4000, s31;
	s1 =	sadd.s32 s1, s30  }
0xd0: {  	s0 =	sor.u32 s4, s0;
	s1 =	sshll.u32 s1, $0x11  }
0xd1: {  	s0 =	sor.u32 s1, s0  }
0xd2: {  	s0 =	sadd.s32 $0x8F2B, s0  }
0xd3: {  	[sflag:s0] =	ssyncadd.remote.s32 $0x1  }
0xd4: {  	_ =	sfence.sel $0xFFFF  }
0xd5: {  	[dreg:$0x0] =	wrdreg $0xFFFFFFFF;
	(pc) =	sbr.abs _section_cstart, $3  }
0xd6: {  	[dreg:$0x1] =	wrdreg $0xFFFFFFFF  }
0xd7: {  	_ =	task.clear_ibuf [dreg:s22], $0x2FFFF;
	_ =	strace $0x9FFFFFFF  }
0xd8: {  	(tm) =	ssettm $0x7FFFFFFF  }
0xd9: {  	_ =	shalt  }
tec
execute0_lowered:
.L_overlay_start_1:
0x0: {  	(tag) =	ssettag $0x1  }
0x1: {  	s0 =	rddreg [dreg:$0x0]  }
0x2: {  	s3 =	rddreg [dreg:$0x1]  }
0x3: {  	s1 =	rddreg [dreg:$0x2];
	s2 =	simm.s32 $0x0  }
0x4: {  	s18 =	stileid.u32;
	s6 =	srdreg.scid;
	s28 =	simm.s32 $0x8180  }
0x5: {  	s29 =	simm.s32 $0x1;
	s30 =	simm.s32 $0x8200;
	s31 =	simm.s32 $0x2  }
0x6: {  	[smem:$0x7FF] =	sst s2;
	s4 =	sadd.s32 $0x761800, s0;
	s5 =	smul.u32 $0x2700, s18  }
0x7: {  	s11 =	sadd.s32 $0x92A00, s0;
	s6 =	sand.u32 $0x1, s6;
	s7 =	smul.u32 $0x4E000, s18  }
0x8: {  	s12 =	sadd.s32 $0x4A00, s0;
	s13 =	smul.u32 $0x27, s18;
	s15 =	sadd.s32 $0x97A00, s0  }
0x9: {  	s26 =	sshll.u32 s18, $0x1;
	s16 =	sadd.s32 $0x124800, s1;
	s25 =	smul.u32 $0x13800, s18  }
0xa: {  	p1 =	seq.s32 s18, $0xF;
	p0 =	sne.s32 s18, $0x0;
	s10 =	smul.u32 $0x271, s6  }
0xb: {  	_ =	strace $0x80000050;
	[dreg:$0x6] =	wrdreg s16;
	s16 =	smul.u32 $0x138800, s6  }
0xc: {  	s8 =	ssub.s32 $0x2, s6;
	s14 =	sor.u32 s6, s26;
	s6 =	smul.u32 $0x13880, s6  }
0xd: {  	s5 =	sadd.s32 s5, s0;
	s9 =	sshrl.u32 s8, $0x1;
	s7 =	sshrl.u32 s7, $0x2  }
0xe: {  	s0 =	sadd.s32 $0x38100, s0;
	s14 =	smul.u32 $0x4E2, s14;
	s17 =	ssub.s32 s8, s9  }
0xf: {  	s9 =	sadd.s32 s13, s10;
	s7 =	sadd.s32 s7, s1;
	[dreg:$0x7] =	wrdreg s0  }
0x10: {  	s5 =	sadd.s32 $0x13800, s5;
	s22 =	sadd.s32 $0x270, s10;
	[dreg:$0x4] =	wrdreg s7  }
0x11: {  	s8 =	sadd.s32 s25, s16;
	[dreg:$0x5] =	wrdreg s5;
	s13 =	sshll.u32 s9, $0x7  }
0x12: {  	s23 =	sshll.u32 s22, $0x4;
	s14 =	sadd.s32 s3, s14;
	s17 =	smax.u32 s17, $0x1  }
0x13: {  	s19 =	sadd.s32 $0x1300, s13;
	s5 =	sshrl.u32 s13, $0x3;
	s24 =	sadd.s32 s23, s12  }
0x14: {  	s26 =	sadd.s32 s11, s23;
	s13 =	simm.s32 $0x0;
	s20 =	sadd.s32 s12, s5  }
0x15: {  	s21 =	sshll.u32 s19, $0x4;
	s7 =	sshrl.u32 s19, $0x3;
	[dreg:$0xb] =	wrdreg s26  }
0x16: {  	s19 =	sshrl.u32 s16, $0x3;
	s0 =	sadd.s32 $0x5080, s20;
	s9 =	sadd.s32 s4, s21  }
0x17: {  	s10 =	sadd.s32 s11, s7;
	s7 =	sadd.s32 $0x4E20, s24;
	[dreg:$0x8] =	wrdreg s0  }
0x18: {  	s20 =	smul.u32 $0x1380, s18;
	s21 =	sshrl.u32 s8, $0x3;
	[dreg:$0x9] =	wrdreg s7  }
0x19: {  	s0 =	sshll.u32 s22, $0xB;
	s7 =	sadd.s32 s15, s19;
	s15 =	sadd.s32 s15, s21  }
0x1a: {  	s22 =	sadd.s32 s4, s8;
	s21 =	sadd.s32 s5, s11;
	s0 =	sadd.s32 s4, s0  }
0x1b: {  	s16 =	sadd.s32 $0x24900, s7;
	[dreg:$0xa] =	wrdreg s0;
	s0 =	sadd.s32 s20, s6  }
0x1c: {  	s7 =	sadd.s32 $0x800, s22;
	s23 =	sadd.s32 $0x80, s0;
	s25 =	sadd.s32 $0x27180, s0  }
.Ltmp0:
0x1d: {  	s0 =	sadd.s32 $0x27100, s0;
	s24 =	sshrl.u32 s23, $0x3;
	(pc) =	sbr.rel .LBB2_1-.Ltmp0, $4  }
0x1e: {  	s26 =	sshrl.u32 s25, $0x3;
	s0 =	sshrl.u32 s0, $0x3;
	s23 =	simm.s32 $0x100  }
0x1f: {  	s25 =	simm.s32 $0x80;
	s19 =	sadd.s32 s24, s11;
	s20 =	sadd.s32 s26, s12  }
0x20: {  	s22 =	sadd.s32 s0, s12;
	s24 =	simm.s32 $0x8100;
	s26 =	simm.s32 $0x4100  }
0x21: {  	v0 =	vimm.f32 $0.0e+00;
	s0 =	simm.s32 $0x3;
	s11 =	simm.s32 $0x4;
	s12 =	simm.s32 $0x5  }
.LBB2_7:
0x22: {  	[bflag:$0x0] =	sbarrier.arrive $0xFFFF  }
0x23: {  	[hbm4b:s14+s2] =	stream.linear.scatter [tilespmem:s30], [sflag:$0x5], $0x2710, $0x38;
	[tilespmem:$0x1E200] =	vst v63  }
0x24: {  	_ =	swait.ge [sflag:s12], $0x2710  }
0x25: {  	[sflag:s12] =	ssyncset.done $0x0  }
0x26: {  	s6 =	simm.s32 @p1 $0x1FC5;
	[sflag:s12] =	ssyncadd.s32 $0xFFFFD8F0  }
0x27: {  	[hbm:s16], [sflag:s6] =	dma.local @p1 [spmem:s3], $0x2800  }
0x28: {  	s3 =	simm.s32 @p1 $0x5  }
0x29: {  	s13 =	sadd.s32 $0x1, s13;
	_ =	swait.ge @p1 [sflag:s3], $0x2800  }
0x2a: {  	p2 =	sne.s32 s13, s17;
	[sflag:s3] =	ssyncset.done @p1 $0x0  }
.Ltmp1:
0x2b: {  	[sflag:s3] =	ssyncadd.s32 @p1 $0xFFFFD800;
	s3 =	simm.s32 @!p1 $0x5;
	(pc) =	sbr.rel @!p2 .LBB2_8-.Ltmp1, $4  }
0x2c: {  	[hbm:s15], [sflag:s4] =	dma.local @!p1 [spmem:s5], $0x2700  }
0x2d: {  	_ =	swait.ge @!p1 [sflag:s3], $0x2700  }
0x2e: {  	[sflag:s3] =	ssyncset.done @!p1 $0x0  }
0x2f: {  	[sflag:s3] =	ssyncadd.s32 @!p1 $0xFFFFD900  }
.LBB2_1:
0x30: {  	s3 =	simm.s32 $0x40;
	s4 =	simm.s32 $0x0  }
.LBB2_2:
0x31: {  	p2 =	sne.s32 s3, $0x9C00;
	[tilespmem:s4+$0x8200] =	vst v0;
	s4 =	smov.u32 s3;
	s3 =	sadd.s32 $0x40, s3  }
.Ltmp2:
0x32: {  	(pc) =	sbr.rel @p2 .LBB2_2-.Ltmp2, $2  }
0x33: {  	_ =	sdelay $0x2  }
0x34: {  	s4 =	sshra.s32 s4, $0x2  }
0x35: {  	s3 =	rddreg [dreg:$0x6]  }
0x36: {  	[tilespmem:s4+$0x8200] =	vst v0;
	s4 =	simm.s32 @p1 $0x1FC5;
	s5 =	rddreg [dreg:$0x7];
	s3 =	sshrl.u32 @p1 s3, $0x3  }
0x37: {  	[spmem:s3], [sflag:s4] =	dma.local @p1 [hbm:s5], $0x2800  }
0x38: {  	s4 =	simm.s32 @p1 $0x5  }
0x39: {  	s5 =	stileid.u32;
	_ =	swait.ge @p1 [sflag:s4], $0x2800  }
0x3a: {  	s5 =	sshll.u32 @!p1 s5, $0x6;
	[sflag:s4] =	ssyncset.done @p1 $0x0  }
0x3b: {  	[sflag:s4] =	ssyncadd.s32 @p1 $0xFFFFD800;
	s4 =	sor.u32 @!p1 $0x1C05, s5;
	s5 =	rddreg [dreg:$0x4]  }
0x3c: {  	s6 =	rddreg [dreg:$0x5];
	s5 =	sshrl.u32 @!p1 s5, $0x3  }
0x3d: {  	[spmem:s5], [sflag:s4] =	dma.local @!p1 [hbm:s6], $0x2700  }
0x3e: {  	s6 =	simm.s32 @!p1 $0x5  }
0x3f: {  	_ =	swait.ge @!p1 [sflag:s6], $0x2700  }
0x40: {  	[sflag:s6] =	ssyncset.done @!p1 $0x0  }
0x41: {  	[sflag:s6] =	ssyncadd.s32 @!p1 $0xFFFFD900  }
0x42: {  	s18 =	smov.u32 s7;
	s6 =	simm.s32 $0x0;
	[bflag:$0x0] =	sbarrier.arrive $0xFFFF  }
.LBB2_4:
0x43: {  	s8 =	sadd.s32 s6, s22  }
0x44: {  	[tilespmem:s2], [sflag:$0x1] =	stream.linear.gather [hbm4b:s8+s2], $0x80, $0x38;
	[tilespmem:$0x1E200] =	vst v63  }
0x45: {  	s8 =	sadd.s32 $0xFFFFF800, s18  }
0x46: {  	[tilespmem:s23], [sflag:$0x1] =	stream.linear.gather [hbm4b:s8+s2], $0x4000, $0x38;
	[tilespmem:$0x1E200] =	vst v63  }
0x47: {  	s8 =	sadd.s32 s6, s21  }
0x48: {  	[tilespmem:s24], [sflag:$0x1] =	stream.linear.gather [hbm4b:s8+s2], $0x80, $0x38;
	[tilespmem:$0x1E200] =	vst v63  }
0x49: {  	s8 =	sadd.s32 s6, s20  }
0x4a: {  	[tilespmem:s25], [sflag:$0x2] =	stream.linear.gather [hbm4b:s8+s2], $0x80, $0x38;
	[tilespmem:$0x1E200] =	vst v63  }
0x4b: {  	_ = 	snop  }
0x4c: {  	[tilespmem:s26], [sflag:$0x2] =	stream.linear.gather [hbm4b:s18+s2], $0x4000, $0x38;
	[tilespmem:$0x1E200] =	vst v63  }
0x4d: {  	s8 =	sadd.s32 s6, s19  }
0x4e: {  	[tilespmem:s28], [sflag:$0x2] =	stream.linear.gather [hbm4b:s8+s2], $0x80, $0x38;
	[tilespmem:$0x1E200] =	vst v63  }
0x4f: {  	_ =	swait.ge [sflag:s29], $0x80  }
0x50: {  	[sflag:s29] =	ssyncset.done $0x0  }
0x51: {  	[sflag:s29] =	ssyncadd.s32 $0xFFFFFF80  }
0x52: {  	_ =	swait.ge [sflag:s29], $0x4000  }
0x53: {  	[sflag:s29] =	ssyncset.done $0x0  }
0x54: {  	[sflag:s29] =	ssyncadd.s32 $0xFFFFC000  }
0x55: {  	_ =	swait.ge [sflag:s29], $0x80  }
0x56: {  	[sflag:s29] =	ssyncset.done $0x0  }
0x57: {  	[sflag:s29] =	ssyncadd.s32 $0xFFFFFF80  }
0x58: {  	[spmem:s1] =	stream.indirect.scatter.add.f32 [tilespmem:s23], [sflag:$0x3], $0x80, s2, s25, $0xb8;
	[tilespmem:$0x1E200] =	vst v63  }
0x59: {  	v1 =	vld [tilespmem:$0x8100];
	_ =	sdelay $0x4  }
0x5a: {  	v1 =	vmul.f32 $1.442695020e+00, v1;
	_ =	sdelay $0x1  }
0x5b: {  	(erf) = vpow2.f32 v1;
	_ =	sdelay $0x1  }
0x5c: {  	v1 =	vld [tilespmem:$0x0];
	_ =	sdelay $0x6  }
0x5d: {  	v2 =	vpop (erf)  }
0x5e: {  	[tilespmem:v1+s30+$0x0] =	vst.idx.add.f32.msk $0xffff, v2  }
0x5f: {  	v1 =	vld [tilespmem:$0x8110];
	_ =	sdelay $0x4  }
0x60: {  	v1 =	vmul.f32 $1.442695020e+00, v1;
	_ =	sdelay $0x1  }
0x61: {  	(erf) = vpow2.f32 v1;
	_ =	sdelay $0x1  }
0x62: {  	v1 =	vld [tilespmem:$0x10];
	_ =	sdelay $0x6  }
0x63: {  	v2 =	vpop (erf)  }
0x64: {  	[tilespmem:v1+s30+$0x0] =	vst.idx.add.f32.msk $0xffff, v2  }
0x65: {  	v1 =	vld [tilespmem:$0x8120];
	_ =	sdelay $0x4  }
0x66: {  	v1 =	vmul.f32 $1.442695020e+00, v1;
	_ =	sdelay $0x1  }
0x67: {  	(erf) = vpow2.f32 v1;
	_ =	sdelay $0x1  }
0x68: {  	v1 =	vld [tilespmem:$0x20];
	_ =	sdelay $0x6  }
0x69: {  	v2 =	vpop (erf)  }
0x6a: {  	[tilespmem:v1+s30+$0x0] =	vst.idx.add.f32.msk $0xffff, v2  }
0x6b: {  	v1 =	vld [tilespmem:$0x8130];
	_ =	sdelay $0x4  }
0x6c: {  	v1 =	vmul.f32 $1.442695020e+00, v1;
	_ =	sdelay $0x1  }
0x6d: {  	(erf) = vpow2.f32 v1;
	_ =	sdelay $0x1  }
0x6e: {  	v1 =	vld [tilespmem:$0x30];
	_ =	sdelay $0x6  }
0x6f: {  	v2 =	vpop (erf)  }
0x70: {  	[tilespmem:v1+s30+$0x0] =	vst.idx.add.f32.msk $0xffff, v2  }
0x71: {  	v1 =	vld [tilespmem:$0x8140];
	_ =	sdelay $0x4  }
0x72: {  	v1 =	vmul.f32 $1.442695020e+00, v1;
	_ =	sdelay $0x1  }
0x73: {  	(erf) = vpow2.f32 v1;
	_ =	sdelay $0x1  }
0x74: {  	v1 =	vld [tilespmem:$0x40];
	_ =	sdelay $0x6  }
0x75: {  	v2 =	vpop (erf)  }
0x76: {  	[tilespmem:v1+s30+$0x0] =	vst.idx.add.f32.msk $0xffff, v2  }
0x77: {  	v1 =	vld [tilespmem:$0x8150];
	_ =	sdelay $0x4  }
0x78: {  	v1 =	vmul.f32 $1.442695020e+00, v1;
	_ =	sdelay $0x1  }
0x79: {  	(erf) = vpow2.f32 v1;
	_ =	sdelay $0x1  }
0x7a: {  	v1 =	vld [tilespmem:$0x50];
	_ =	sdelay $0x6  }
0x7b: {  	v2 =	vpop (erf)  }
0x7c: {  	[tilespmem:v1+s30+$0x0] =	vst.idx.add.f32.msk $0xffff, v2  }
0x7d: {  	v1 =	vld [tilespmem:$0x8160];
	_ =	sdelay $0x4  }
0x7e: {  	v1 =	vmul.f32 $1.442695020e+00, v1;
	_ =	sdelay $0x1  }
0x7f: {  	(erf) = vpow2.f32 v1;
	_ =	sdelay $0x1  }
0x80: {  	v1 =	vld [tilespmem:$0x60];
	_ =	sdelay $0x6  }
0x81: {  	v2 =	vpop (erf)  }
0x82: {  	[tilespmem:v1+s30+$0x0] =	vst.idx.add.f32.msk $0xffff, v2  }
0x83: {  	v1 =	vld [tilespmem:$0x8170];
	_ =	sdelay $0x4  }
0x84: {  	v1 =	vmul.f32 $1.442695020e+00, v1;
	_ =	sdelay $0x1  }
0x85: {  	(erf) = vpow2.f32 v1;
	_ =	sdelay $0x1  }
0x86: {  	v1 =	vld [tilespmem:$0x70];
	_ =	sdelay $0x6  }
0x87: {  	v2 =	vpop (erf)  }
0x88: {  	[tilespmem:v1+s30+$0x0] =	vst.idx.add.f32.msk $0xffff, v2  }
0x89: {  	_ =	swait.ge [sflag:s31], $0x80  }
0x8a: {  	[sflag:s31] =	ssyncset.done $0x0  }
0x8b: {  	[sflag:s31] =	ssyncadd.s32 $0xFFFFFF80  }
0x8c: {  	_ =	swait.ge [sflag:s31], $0x4000  }
0x8d: {  	[sflag:s31] =	ssyncset.done $0x0  }
0x8e: {  	[sflag:s31] =	ssyncadd.s32 $0xFFFFC000  }
0x8f: {  	_ =	swait.ge [sflag:s31], $0x80  }
0x90: {  	[sflag:s31] =	ssyncset.done $0x0  }
0x91: {  	[sflag:s31] =	ssyncadd.s32 $0xFFFFFF80  }
0x92: {  	[spmem:s1] =	stream.indirect.scatter.add.f32 [tilespmem:s26], [sflag:$0x4], $0x80, s25, s25, $0xb8;
	[tilespmem:$0x1E200] =	vst v63  }
0x93: {  	v1 =	vld [tilespmem:$0x8180];
	_ =	sdelay $0x4  }
0x94: {  	v1 =	vmul.f32 $1.442695020e+00, v1;
	_ =	sdelay $0x1  }
0x95: {  	(erf) = vpow2.f32 v1;
	_ =	sdelay $0x1  }
0x96: {  	v1 =	vld [tilespmem:$0x80];
	_ =	sdelay $0x6  }
0x97: {  	v2 =	vpop (erf)  }
0x98: {  	[tilespmem:v1+s30+$0x0] =	vst.idx.add.f32.msk $0xffff, v2  }
0x99: {  	v1 =	vld [tilespmem:$0x8190];
	_ =	sdelay $0x4  }
0x9a: {  	v1 =	vmul.f32 $1.442695020e+00, v1;
	_ =	sdelay $0x1  }
0x9b: {  	(erf) = vpow2.f32 v1;
	_ =	sdelay $0x1  }
0x9c: {  	v1 =	vld [tilespmem:$0x90];
	_ =	sdelay $0x6  }
0x9d: {  	v2 =	vpop (erf)  }
0x9e: {  	[tilespmem:v1+s30+$0x0] =	vst.idx.add.f32.msk $0xffff, v2  }
0x9f: {  	v1 =	vld [tilespmem:$0x81A0];
	_ =	sdelay $0x4  }
0xa0: {  	v1 =	vmul.f32 $1.442695020e+00, v1;
	_ =	sdelay $0x1  }
0xa1: {  	(erf) = vpow2.f32 v1;
	_ =	sdelay $0x1  }
0xa2: {  	v1 =	vld [tilespmem:$0xA0];
	_ =	sdelay $0x6  }
0xa3: {  	v2 =	vpop (erf)  }
0xa4: {  	[tilespmem:v1+s30+$0x0] =	vst.idx.add.f32.msk $0xffff, v2  }
0xa5: {  	v1 =	vld [tilespmem:$0x81B0];
	_ =	sdelay $0x4  }
0xa6: {  	v1 =	vmul.f32 $1.442695020e+00, v1;
	_ =	sdelay $0x1  }
0xa7: {  	(erf) = vpow2.f32 v1;
	_ =	sdelay $0x1  }
0xa8: {  	v1 =	vld [tilespmem:$0xB0];
	_ =	sdelay $0x6  }
0xa9: {  	v2 =	vpop (erf)  }
0xaa: {  	[tilespmem:v1+s30+$0x0] =	vst.idx.add.f32.msk $0xffff, v2  }
0xab: {  	v1 =	vld [tilespmem:$0x81C0];
	_ =	sdelay $0x4  }
0xac: {  	v1 =	vmul.f32 $1.442695020e+00, v1;
	_ =	sdelay $0x1  }
0xad: {  	(erf) = vpow2.f32 v1;
	_ =	sdelay $0x1  }
0xae: {  	v1 =	vld [tilespmem:$0xC0];
	_ =	sdelay $0x6  }
0xaf: {  	v2 =	vpop (erf)  }
0xb0: {  	[tilespmem:v1+s30+$0x0] =	vst.idx.add.f32.msk $0xffff, v2  }
0xb1: {  	v1 =	vld [tilespmem:$0x81D0];
	_ =	sdelay $0x4  }
0xb2: {  	v1 =	vmul.f32 $1.442695020e+00, v1;
	_ =	sdelay $0x1  }
0xb3: {  	(erf) = vpow2.f32 v1;
	_ =	sdelay $0x1  }
0xb4: {  	v1 =	vld [tilespmem:$0xD0];
	_ =	sdelay $0x6  }
0xb5: {  	v2 =	vpop (erf)  }
0xb6: {  	[tilespmem:v1+s30+$0x0] =	vst.idx.add.f32.msk $0xffff, v2  }
0xb7: {  	v1 =	vld [tilespmem:$0x81E0];
	_ =	sdelay $0x4  }
0xb8: {  	v1 =	vmul.f32 $1.442695020e+00, v1;
	_ =	sdelay $0x1  }
0xb9: {  	(erf) = vpow2.f32 v1;
	_ =	sdelay $0x1  }
0xba: {  	v1 =	vld [tilespmem:$0xE0];
	_ =	sdelay $0x6  }
0xbb: {  	v2 =	vpop (erf)  }
0xbc: {  	[tilespmem:v1+s30+$0x0] =	vst.idx.add.f32.msk $0xffff, v2  }
0xbd: {  	v1 =	vld [tilespmem:$0x81F0];
	_ =	sdelay $0x4  }
0xbe: {  	v1 =	vmul.f32 $1.442695020e+00, v1;
	_ =	sdelay $0x1  }
0xbf: {  	(erf) = vpow2.f32 v1;
	_ =	sdelay $0x1  }
0xc0: {  	v1 =	vld [tilespmem:$0xF0];
	_ =	sdelay $0x6  }
0xc1: {  	v2 =	vpop (erf)  }
0xc2: {  	[tilespmem:v1+s30+$0x0] =	vst.idx.add.f32.msk $0xffff, v2  }
0xc3: {  	p2 =	sne.s32 s6, $0x240;
	_ =	swait.ge [sflag:s0], $0x4000  }
.Ltmp3:
0xc4: {  	[sflag:s0] =	ssyncset.done $0x0;
	(pc) =	sbr.rel @p2 .LBB2_4-.Ltmp3, $4  }
0xc5: {  	[sflag:s0] =	ssyncadd.s32 $0xFFFFC000  }
0xc6: {  	_ =	swait.ge [sflag:s11], $0x4000  }
0xc7: {  	[sflag:s11] =	ssyncset.done $0x0  }
0xc8: {  	s6 =	sadd.s32 $0x20, s6;
	s18 =	sadd.s32 $0x1000, s18;
	[sflag:s11] =	ssyncadd.s32 $0xFFFFC000  }
0xc9: {  	s6 =	rddreg [dreg:$0x8]  }
0xca: {  	[tilespmem:s2], [sflag:$0x5] =	stream.linear.gather [hbm4b:s6+s2], $0x80, $0x38;
	[tilespmem:$0x1E200] =	vst v63  }
0xcb: {  	_ =	swait.ge [sflag:s12], $0x80  }
0xcc: {  	[sflag:s12] =	ssyncset.done $0x0  }
0xcd: {  	[sflag:s12] =	ssyncadd.s32 $0xFFFFFF80  }
0xce: {  	[tilespmem:s23], [sflag:$0x5] =	stream.linear.gather [hbm4b:s9+s2], $0x4000, $0x38;
	[tilespmem:$0x1E200] =	vst v63  }
0xcf: {  	_ =	swait.ge [sflag:s12], $0x4000  }
0xd0: {  	[sflag:s12] =	ssyncset.done $0x0  }
0xd1: {  	[sflag:s12] =	ssyncadd.s32 $0xFFFFC000  }
0xd2: {  	[tilespmem:s24], [sflag:$0x5] =	stream.linear.gather [hbm4b:s10+s2], $0x80, $0x38;
	[tilespmem:$0x1E200] =	vst v63  }
0xd3: {  	_ =	swait.ge [sflag:s12], $0x80  }
0xd4: {  	[sflag:s12] =	ssyncset.done $0x0  }
0xd5: {  	[sflag:s12] =	ssyncadd.s32 $0xFFFFFF80  }
0xd6: {  	[spmem:s1] =	stream.indirect.scatter.add.f32 [tilespmem:s23], [sflag:$0x5], $0x80, s2, s25, $0xb8;
	[tilespmem:$0x1E200] =	vst v63  }
0xd7: {  	_ =	swait.ge [sflag:s12], $0x4000  }
0xd8: {  	[sflag:s12] =	ssyncset.done $0x0  }
0xd9: {  	[sflag:s12] =	ssyncadd.s32 $0xFFFFC000  }
0xda: {  	v1 =	vld [tilespmem:$0x8100];
	_ =	sdelay $0x4  }
0xdb: {  	v1 =	vmul.f32 $1.442695020e+00, v1;
	_ =	sdelay $0x1  }
0xdc: {  	(erf) = vpow2.f32 v1;
	_ =	sdelay $0x1  }
0xdd: {  	v1 =	vld [tilespmem:$0x0];
	_ =	sdelay $0x6  }
0xde: {  	v2 =	vpop (erf)  }
0xdf: {  	[tilespmem:v1+s30+$0x0] =	vst.idx.add.f32.msk $0xffff, v2  }
0xe0: {  	v1 =	vld [tilespmem:$0x8110];
	_ =	sdelay $0x4  }
0xe1: {  	v1 =	vmul.f32 $1.442695020e+00, v1;
	_ =	sdelay $0x1  }
0xe2: {  	(erf) = vpow2.f32 v1;
	_ =	sdelay $0x1  }
0xe3: {  	v1 =	vld [tilespmem:$0x10];
	_ =	sdelay $0x6  }
0xe4: {  	v2 =	vpop (erf)  }
0xe5: {  	[tilespmem:v1+s30+$0x0] =	vst.idx.add.f32.msk $0xffff, v2  }
0xe6: {  	v1 =	vld [tilespmem:$0x8120];
	_ =	sdelay $0x4  }
0xe7: {  	v1 =	vmul.f32 $1.442695020e+00, v1;
	_ =	sdelay $0x1  }
0xe8: {  	(erf) = vpow2.f32 v1;
	_ =	sdelay $0x1  }
0xe9: {  	v1 =	vld [tilespmem:$0x20];
	_ =	sdelay $0x6  }
0xea: {  	v2 =	vpop (erf)  }
0xeb: {  	[tilespmem:v1+s30+$0x0] =	vst.idx.add.f32.msk $0xffff, v2  }
0xec: {  	v1 =	vld [tilespmem:$0x8130];
	_ =	sdelay $0x4  }
0xed: {  	v1 =	vmul.f32 $1.442695020e+00, v1;
	_ =	sdelay $0x1  }
0xee: {  	(erf) = vpow2.f32 v1;
	_ =	sdelay $0x1  }
0xef: {  	v1 =	vld [tilespmem:$0x30];
	_ =	sdelay $0x6  }
0xf0: {  	v2 =	vpop (erf)  }
0xf1: {  	[tilespmem:v1+s30+$0x0] =	vst.idx.add.f32.msk $0xffff, v2  }
0xf2: {  	v1 =	vld [tilespmem:$0x8140];
	_ =	sdelay $0x4  }
0xf3: {  	v1 =	vmul.f32 $1.442695020e+00, v1;
	_ =	sdelay $0x1  }
0xf4: {  	(erf) = vpow2.f32 v1;
	_ =	sdelay $0x1  }
0xf5: {  	v1 =	vld [tilespmem:$0x40];
	_ =	sdelay $0x6  }
0xf6: {  	v2 =	vpop (erf)  }
0xf7: {  	[tilespmem:v1+s30+$0x0] =	vst.idx.add.f32.msk $0xffff, v2  }
0xf8: {  	v1 =	vld [tilespmem:$0x8150];
	_ =	sdelay $0x4  }
0xf9: {  	v1 =	vmul.f32 $1.442695020e+00, v1;
	_ =	sdelay $0x1  }
0xfa: {  	(erf) = vpow2.f32 v1;
	_ =	sdelay $0x1  }
0xfb: {  	v1 =	vld [tilespmem:$0x50];
	_ =	sdelay $0x6  }
0xfc: {  	v2 =	vpop (erf)  }
0xfd: {  	[tilespmem:v1+s30+$0x0] =	vst.idx.add.f32.msk $0xffff, v2  }
0xfe: {  	v1 =	vld [tilespmem:$0x8160];
	_ =	sdelay $0x4  }
0xff: {  	v1 =	vmul.f32 $1.442695020e+00, v1;
	_ =	sdelay $0x1  }
0x100: {  	(erf) = vpow2.f32 v1;
	_ =	sdelay $0x1  }
0x101: {  	v1 =	vld [tilespmem:$0x60];
	_ =	sdelay $0x6  }
0x102: {  	v2 =	vpop (erf)  }
0x103: {  	[tilespmem:v1+s30+$0x0] =	vst.idx.add.f32.msk $0xffff, v2  }
0x104: {  	v1 =	vld [tilespmem:$0x8170];
	_ =	sdelay $0x4  }
0x105: {  	v1 =	vmul.f32 $1.442695020e+00, v1;
	_ =	sdelay $0x1  }
0x106: {  	(erf) = vpow2.f32 v1;
	_ =	sdelay $0x1  }
0x107: {  	v1 =	vld [tilespmem:$0x70];
	_ =	sdelay $0x3  }
.Ltmp4:
0x108: {  	_ = 	snop;
	(pc) =	sbr.rel @p0 .LBB2_7-.Ltmp4, $3  }
0x109: {  	_ =	sdelay $0x1  }
0x10a: {  	v2 =	vpop (erf)  }
0x10b: {  	[tilespmem:v1+s30+$0x0] =	vst.idx.add.f32.msk $0xffff, v2  }
0x10c: {  	s6 =	rddreg [dreg:$0x9]  }
0x10d: {  	[tilespmem:s2], [sflag:$0x5] =	stream.linear.gather [hbm4b:s6+s2], $0x80, $0x38;
	[tilespmem:$0x1E200] =	vst v63  }
0x10e: {  	_ =	swait.ge [sflag:s12], $0x80  }
0x10f: {  	[sflag:s12] =	ssyncset.done $0x0  }
0x110: {  	s8 =	rddreg [dreg:$0xa];
	[sflag:s12] =	ssyncadd.s32 $0xFFFFFF80  }
0x111: {  	[tilespmem:s23], [sflag:$0x5] =	stream.linear.gather [hbm4b:s8+s2], $0x4000, $0x38;
	[tilespmem:$0x1E200] =	vst v63  }
0x112: {  	_ =	swait.ge [sflag:s12], $0x4000  }
0x113: {  	[sflag:s12] =	ssyncset.done $0x0  }
0x114: {  	s18 =	rddreg [dreg:$0xb];
	[sflag:s12] =	ssyncadd.s32 $0xFFFFC000  }
0x115: {  	[tilespmem:s24], [sflag:$0x5] =	stream.linear.gather [hbm4b:s18+s2], $0x80, $0x38;
	[tilespmem:$0x1E200] =	vst v63  }
0x116: {  	_ =	swait.ge [sflag:s12], $0x80  }
0x117: {  	[sflag:s12] =	ssyncset.done $0x0  }
0x118: {  	[sflag:s12] =	ssyncadd.s32 $0xFFFFFF80  }
0x119: {  	[spmem:s1] =	stream.indirect.scatter.add.f32 [tilespmem:s23], [sflag:$0x5], $0x80, s2, s25, $0xb8;
	[tilespmem:$0x1E200] =	vst v63  }
0x11a: {  	_ =	swait.ge [sflag:s12], $0x4000  }
0x11b: {  	[sflag:s12] =	ssyncset.done $0x0  }
0x11c: {  	[sflag:s12] =	ssyncadd.s32 $0xFFFFC000  }
0x11d: {  	v1 =	vld [tilespmem:$0x8100];
	_ =	sdelay $0x4  }
0x11e: {  	v1 =	vmul.f32 $1.442695020e+00, v1;
	_ =	sdelay $0x1  }
0x11f: {  	(erf) = vpow2.f32 v1;
	_ =	sdelay $0x1  }
0x120: {  	v1 =	vld [tilespmem:$0x0];
	_ =	sdelay $0x6  }
0x121: {  	v2 =	vpop (erf)  }
0x122: {  	[tilespmem:v1+s30+$0x0] =	vst.idx.add.f32.msk $0xffff, v2  }
0x123: {  	v1 =	vld [tilespmem:$0x8110];
	_ =	sdelay $0x4  }
0x124: {  	v1 =	vmul.f32 $1.442695020e+00, v1;
	_ =	sdelay $0x1  }
0x125: {  	(erf) = vpow2.f32 v1;
	_ =	sdelay $0x1  }
0x126: {  	v1 =	vld [tilespmem:$0x10];
	_ =	sdelay $0x6  }
0x127: {  	v2 =	vpop (erf)  }
0x128: {  	[tilespmem:v1+s30+$0x0] =	vst.idx.add.f32.msk $0xffff, v2  }
0x129: {  	v1 =	vld [tilespmem:$0x8120];
	_ =	sdelay $0x4  }
0x12a: {  	v1 =	vmul.f32 $1.442695020e+00, v1;
	_ =	sdelay $0x1  }
0x12b: {  	(erf) = vpow2.f32 v1;
	_ =	sdelay $0x1  }
0x12c: {  	v1 =	vld [tilespmem:$0x20];
	_ =	sdelay $0x6  }
0x12d: {  	v2 =	vpop (erf)  }
0x12e: {  	[tilespmem:v1+s30+$0x0] =	vst.idx.add.f32.msk $0xffff, v2  }
0x12f: {  	v1 =	vld [tilespmem:$0x8130];
	_ =	sdelay $0x4  }
0x130: {  	v1 =	vmul.f32 $1.442695020e+00, v1;
	_ =	sdelay $0x1  }
0x131: {  	(erf) = vpow2.f32 v1;
	_ =	sdelay $0x1  }
0x132: {  	v1 =	vld [tilespmem:$0x30];
	_ =	sdelay $0x6  }
0x133: {  	v2 =	vpop (erf)  }
0x134: {  	[tilespmem:v1+s30+$0x0] =	vst.idx.add.f32.msk $0xffff, v2  }
0x135: {  	v1 =	vld [tilespmem:$0x8140];
	_ =	sdelay $0x4  }
0x136: {  	v1 =	vmul.f32 $1.442695020e+00, v1;
	_ =	sdelay $0x1  }
0x137: {  	(erf) = vpow2.f32 v1;
	_ =	sdelay $0x1  }
0x138: {  	v1 =	vld [tilespmem:$0x40];
	_ =	sdelay $0x6  }
0x139: {  	v2 =	vpop (erf)  }
0x13a: {  	[tilespmem:v1+s30+$0x0] =	vst.idx.add.f32.msk $0xffff, v2  }
0x13b: {  	v1 =	vld [tilespmem:$0x8150];
	_ =	sdelay $0x4  }
0x13c: {  	v1 =	vmul.f32 $1.442695020e+00, v1;
	_ =	sdelay $0x1  }
0x13d: {  	(erf) = vpow2.f32 v1;
	_ =	sdelay $0x1  }
0x13e: {  	v1 =	vld [tilespmem:$0x50];
	_ =	sdelay $0x6  }
0x13f: {  	v2 =	vpop (erf)  }
0x140: {  	[tilespmem:v1+s30+$0x0] =	vst.idx.add.f32.msk $0xffff, v2  }
0x141: {  	v1 =	vld [tilespmem:$0x8160];
	_ =	sdelay $0x4  }
0x142: {  	v1 =	vmul.f32 $1.442695020e+00, v1;
	_ =	sdelay $0x1  }
0x143: {  	(erf) = vpow2.f32 v1;
	_ =	sdelay $0x1  }
0x144: {  	v1 =	vld [tilespmem:$0x60];
	_ =	sdelay $0x6  }
0x145: {  	v2 =	vpop (erf)  }
0x146: {  	[tilespmem:v1+s30+$0x0] =	vst.idx.add.f32.msk $0xffff, v2  }
0x147: {  	v1 =	vld [tilespmem:$0x8170];
	_ =	sdelay $0x4  }
0x148: {  	v1 =	vmul.f32 $1.442695020e+00, v1;
	_ =	sdelay $0x1  }
0x149: {  	(erf) = vpow2.f32 v1;
	_ =	sdelay $0x1  }
0x14a: {  	v1 =	vld [tilespmem:$0x70];
	_ =	sdelay $0x3  }
.Ltmp5:
0x14b: {  	_ = 	snop;
	(pc) =	sbr.rel .LBB2_7-.Ltmp5, $3  }
0x14c: {  	_ =	sdelay $0x1  }
0x14d: {  	v2 =	vpop (erf)  }
0x14e: {  	[tilespmem:v1+s30+$0x0] =	vst.idx.add.f32.msk $0xffff, v2  }
.LBB2_8:
0x14f: {  	_ =	sfence.sel $0x180000  }
0x150: {  	[bflag:$0x0] =	sbarrier.arrive $0xFFFF  }
0x151: {  	_ =	strace $0x90000050  }
0x152: {  	[bflag:$0x2] =	sbarrier.arrive $0xFFFF  }
0x153: {  	s0 =	rddreg [dreg:$0x3]  }
0x154: {  	s0 =	sadd.s32 @!p0 $0x100000, s0  }
0x155: {  	[sflag:s0] =	ssyncadd.tile.s32 @!p0 $0x1;
	_ =	shalt  }
.Lfunc_end2:
_tile_overlayer_lowered:
.L_overlay_start_2:
0x156: {  	(tag) =	ssettag $0x2  }
0x157: {  	s0 =	rddreg [dreg:$0x0];
	s2 =	stileid.u32  }
0x158: {  	s1 =	rddreg [dreg:$0x1];
	p0 =	sne.s32 s2, $0x0  }
0x159: {  	s3 =	rddreg [dreg:$0x2];
	[bflag:$0x3] =	sbarrier.arrive $0xFFFF;
	s2 =	simm.s32 @!p0 $0x1C05  }
0x15a: {  	[timem:s3], [sflag:s2] =	dma.local @!p0 [hbm:s0], s1  }
0x15b: {  	s0 =	simm.s32 @!p0 $0x5  }
0x15c: {  	_ =	swait.ge @!p0 [sflag:s0], s1  }
0x15d: {  	s1 =	ssub.s32 @!p0 $0x0, s1;
	[sflag:s0] =	ssyncset.done @!p0 $0x0  }
0x15e: {  	[sflag:s0] =	ssyncadd.s32 @!p0 s1  }
0x15f: {  	[bflag:$0x3] =	sbarrier.arrive $0xFFFF  }
0x160: {  	_ =	shalt  }

</sc_bundles>
